<compile_context>
chip_gen: v7x
topology: tpu7x:2x2x1
jax: 0.10.2.dev20260603
libtpu: 0.0.44.dev20260713+nightly
codegen_flags: <defaults>
</compile_context>

<pallas_src>
import functools

import jax
import jax.numpy as jnp
from jax import lax
from jax.experimental import pallas as pl
from jax.experimental.pallas import tpu as pltpu
from jax.experimental.pallas import tpu_sc as plsc

_B = 4096
_F = 26
_D = 64
_FD = _F * _D
_V = 1040000
_TW = 32768
_TBLK = (_V + _TW - 1) // _TW
_QROWS = _TBLK * (_TW // 4)

_NC = 2
_NS = 16
_NW = _NC * _NS
_BPW = _B // _NW
_CHUNK = 128


def _pairs_table(embT, fcT):

    def pack2(hi, lo):
        uh = lax.bitcast_convert_type(hi.astype(jnp.bfloat16), jnp.uint16)
        ul = lax.bitcast_convert_type(lo.astype(jnp.bfloat16), jnp.uint16)
        u = jnp.left_shift(uh.astype(jnp.uint32), jnp.uint32(16)) | ul.astype(jnp.uint32)
        return lax.bitcast_convert_type(u, jnp.float32)

    def body(a_ref, fc_ref, o_ref, o2_ref):
        blk = a_ref[...]
        parts = []
        for t in range(_TW // 512):
            a = blk[:, 512 * t:512 * t + 128]
            b = blk[:, 512 * t + 128:512 * t + 256]
            c = blk[:, 512 * t + 256:512 * t + 384]
            d = blk[:, 512 * t + 384:512 * t + 512]
            parts.append(jnp.concatenate(
                [pack2(a.T, b.T), pack2(c.T, d.T)], axis=1))
        o_ref[...] = jnp.concatenate(parts, axis=0)
        o2_ref[...] = fc_ref[...][0]

    return pl.pallas_call(
        body,
        grid=(_TBLK,),
        compiler_params=pltpu.CompilerParams(
            vmem_limit_bytes=100 * 1024 * 1024),
        in_specs=[pl.BlockSpec((_D, _TW), lambda i: (0, i)),
                  pl.BlockSpec((1, _TW), lambda i: (0, i))],
        out_specs=[pl.BlockSpec((_TW // 4, 128), lambda i: (i, 0)),
                   pl.BlockSpec((_TW,), lambda i: (i,))],
        out_shape=[jax.ShapeDtypeStruct((_QROWS, 128), jnp.float32),
                   jax.ShapeDtypeStruct((_V,), jnp.float32)],
    )(embT, fcT)


def _sc_gather(xt3, pairs, fc_flat):
    nb = xt3.shape[1] * xt3.shape[2]
    bpw = nb // _NW
    mesh = plsc.VectorSubcoreMesh(core_axis_name="c", subcore_axis_name="s")

    @functools.partial(
        pl.kernel,
        mesh=mesh,
        out_type=[jax.ShapeDtypeStruct((_F, nb, 128), jnp.float32),
                  jax.ShapeDtypeStruct((nb,), jnp.float32)],
        scratch_types=[
            pltpu.VMEM((_F, bpw), jnp.int32),
            pltpu.VMEM((_F, bpw), jnp.int32),
            pltpu.VMEM((2, bpw, 128), jnp.float32),
            pltpu.VMEM((_F, bpw), jnp.float32),
            pltpu.VMEM((bpw,), jnp.float32),
            pltpu.SemaphoreType.DMA,
            pltpu.SemaphoreType.DMA,
        ],
    )
    def body(xt_hbm, tab_hbm, fc_hbm, rows_out, fc_out,
             idx_v, idxp_v, pairbuf, fcbuf, accv, gsem, fsem):
        wid = lax.axis_index("s") * _NC + lax.axis_index("c")
        pltpu.sync_copy(xt_hbm.at[:, wid], idx_v)
        b0 = wid * bpw

        def prep_step(j, carry):
            pltpu.async_copy(fc_hbm.at[idx_v.at[j]], fcbuf.at[j], fsem)
            for g in range(bpw // 16):
                v = idx_v[j, pl.ds(g * 16, 16)]
                p = lax.bitwise_or(
                    lax.shift_left(lax.shift_right_logical(v, 9), 7),
                    lax.bitwise_and(v, 127))
                idxp_v[j, pl.ds(g * 16, 16)] = p
            return carry

        lax.fori_loop(0, _F, prep_step, 0)

        pltpu.async_copy(tab_hbm.at[idxp_v.at[0]], pairbuf.at[0], gsem)

        def chunk_step(j, carry):
            slot = lax.rem(j, 2)

            @pl.when(j + 1 < _F)
            def _prefetch():
                pltpu.async_copy(tab_hbm.at[idxp_v.at[j + 1]],
                                 pairbuf.at[lax.rem(j + 1, 2)], gsem)

            pltpu.make_async_copy(tab_hbm.at[idxp_v.at[j]],
                                  pairbuf.at[slot], gsem).wait()
            pltpu.sync_copy(pairbuf.at[slot],
                            rows_out.at[j, pl.ds(b0, bpw)])
            return carry

        lax.fori_loop(0, _F, chunk_step, 0)

        def fc_drain(j, carry):
            pltpu.make_async_copy(fc_hbm.at[idx_v.at[j]], fcbuf.at[j],
                                  fsem).wait()
            return carry

        lax.fori_loop(0, _F, fc_drain, 0)

        for g in range(bpw // 16):
            acc = jnp.zeros((16,), jnp.float32)
            for f in range(_F):
                acc = acc + fcbuf[f, pl.ds(g * 16, 16)]
            accv[pl.ds(g * 16, 16)] = acc
        pltpu.sync_copy(accv, fc_out.at[pl.ds(wid * bpw, bpw)])

    return body(xt3, pairs, fc_flat)


def _tc_fused(rows3, xpad, fcsum, bias, W0, b0, W1, b1, W2, b2, W3, b3):
    nb = rows3.shape[1]
    bb = 512
    grid = (nb // bb,)

    def body(p_ref, xp_ref, fcsum_ref, bias_ref, b3s_ref,
             w0_ref, b0_ref, w1_ref, b1_ref, w2_ref, b2_ref, w3_ref, o_ref):
        xp = xp_ref[...]
        s = jnp.zeros((bb, _D), jnp.float32)
        sq = jnp.zeros((bb, _D), jnp.float32)
        h0 = jnp.zeros((bb, 1024), jnp.float32)
        prev = None
        for f in range(_F):
            xv = xp[:, f:f + 1]
            h2 = (lax.shift_right_logical(xv, 8) & 1) == 1
            sub = (lax.shift_right_logical(xv, 7) & 1) == 1
            pf = p_ref[f]
            pfh = jnp.where(h2, pf[:, _D:], pf[:, :_D])
            u = lax.bitcast_convert_type(pfh, jnp.uint32)
            su = jnp.where(sub, jnp.left_shift(u, jnp.uint32(16)),
                           u & jnp.uint32(0xFFFF0000))
            ef = lax.bitcast_convert_type(su, jnp.float32)
            s = s + ef
            sq = sq + ef * ef
            if prev is None:
                prev = ef
            else:
                k = f // 2
                e2 = jnp.concatenate([prev, ef], axis=1).astype(jnp.bfloat16)
                w0k = w0_ref[:, pl.ds(k * 128, 128)]
                h0 = h0 + lax.dot_general(
                    e2, w0k, (((1,), (1,)), ((), ())),
                    preferred_element_type=jnp.float32)
                prev = None
        fm2 = 0.5 * (jnp.sum(s * s, axis=1) - jnp.sum(sq, axis=1))

        h = jnp.maximum(h0 + b0_ref[...][None, :], 0.0).astype(jnp.bfloat16)
        for w_ref, b_ref in ((w1_ref, b1_ref), (w2_ref, b2_ref)):
            h = lax.dot_general(h, w_ref[...], (((1,), (1,)), ((), ())),
                                preferred_element_type=jnp.float32)
            h = jnp.maximum(h + b_ref[...][None, :], 0.0).astype(jnp.bfloat16)
        mlp = jnp.sum(h.astype(jnp.float32) * w3_ref[...], axis=1)

        z = fcsum_ref[...] + bias_ref[0] + b3s_ref[0] + fm2 + mlp
        o_ref[...] = 1.0 / (1.0 + jnp.exp(-z))

    return pl.pallas_call(
        body,
        grid=grid,
        in_specs=[
            pl.BlockSpec((_F, bb, 128), lambda i: (0, i, 0)),
            pl.BlockSpec((bb, 32), lambda i: (i, 0)),
            pl.BlockSpec((bb,), lambda i: (i,)),
            pl.BlockSpec(memory_space=pltpu.SMEM),
            pl.BlockSpec(memory_space=pltpu.SMEM),
            pl.BlockSpec((1024, _FD), lambda i: (0, 0)),
            pl.BlockSpec((1024,), lambda i: (0,)),
            pl.BlockSpec((512, 1024), lambda i: (0, 0)),
            pl.BlockSpec((512,), lambda i: (0,)),
            pl.BlockSpec((256, 512), lambda i: (0, 0)),
            pl.BlockSpec((256,), lambda i: (0,)),
            pl.BlockSpec((1, 256), lambda i: (0, 0)),
        ],
        out_specs=pl.BlockSpec((bb,), lambda i: (i,)),
        out_shape=jax.ShapeDtypeStruct((nb,), jnp.float32),
    )(rows3, xpad, fcsum, bias, b3, W0, b0, W1, b1, W2, b2, W3)


def kernel(x, bias, fc_w, emb_w, W0, b0, W1, b1, W2, b2, W3, b3):
    xi = x.astype(jnp.int32)
    hb = _B // 2
    xt4 = xi.reshape(2, _NW, hb // _NW, _F).transpose(0, 3, 1, 2)
    xpad = jnp.pad(xi, ((0, 0), (0, 32 - _F)))
    embT = emb_w.T
    fcT = fc_w.T
    w0b = W0.astype(jnp.bfloat16)
    w1b = W1.astype(jnp.bfloat16)
    w2b = W2.astype(jnp.bfloat16)
    pairs, fc_flat = _pairs_table(embT, fcT)
    outs = []
    for h in range(2):
        rows3, fcsum = _sc_gather(xt4[h], pairs, fc_flat)
        outs.append(_tc_fused(rows3, xpad[h * hb:(h + 1) * hb], fcsum, bias,
                              w0b, b0, w1b, b1, w2b, b2, W3, b3))
    return jnp.concatenate(outs)

# --- scband reference (transcript-rebuilt; emitter-appended) ---
"""Pipeline reference for scband-deep-fm-71536975282994 (READ-ONLY COPY).

The authoritative reference and input builder live on the scoring server;
editing this copy changes nothing except your own understanding.
"""

import jax, jax.numpy as jnp
import numpy as np

B = 4096
F = 26
D = 64
V = 1040000
MLP = [1024, 512, 256]


def setup_inputs(seed: int = 0) -> dict:
    key = jax.random.key(seed)
    ks = jax.random.split(key, 12)
    x = jax.random.randint(ks[0], (B, F), 0, V, dtype=jnp.int64 if jax.config.jax_enable_x64 else jnp.int32)
    emb_w = jax.random.normal(ks[1], (V, D), jnp.float32) * 0.01
    fc_w = jax.random.normal(ks[2], (V, 1), jnp.float32) * 0.01
    bias = jnp.zeros((1,), jnp.float32)
    dims = [F * D] + MLP
    params = {}
    for i in range(3):
        params[f"W{i}"] = jax.random.normal(ks[3 + 2 * i], (dims[i + 1], dims[i]), jnp.float32) * (1.0 / np.sqrt(dims[i]))
        params[f"b{i}"] = jnp.zeros((dims[i + 1],), jnp.float32)
    params["W3"] = jax.random.normal(ks[9], (1, MLP[-1]), jnp.float32) * (1.0 / np.sqrt(MLP[-1]))
    params["b3"] = jnp.zeros((1,), jnp.float32)
    out = {"x": x, "bias": bias, "fc_w": fc_w, "emb_w": emb_w}
    out.update(params)
    return out


def reference(x, bias, fc_w, emb_w, W0, b0, W1, b1, W2, b2, W3, b3):
    # embedding lookup (SparseCore gather)
    embed_x = jnp.take(emb_w, x, axis=0)  # [B, F, D]
    # FM first-order term
    fm_y = bias + jnp.sum(jnp.take(fc_w, x, axis=0), axis=1)  # [B, 1]
    # FM second-order term
    square_of_sum = jnp.sum(embed_x, axis=1) ** 2  # [B, D]
    sum_of_square = jnp.sum(embed_x ** 2, axis=1)  # [B, D]
    fm_y = fm_y + 0.5 * jnp.sum(square_of_sum - sum_of_square, axis=1, keepdims=True)
    fm_y = fm_y[:, 0]
    # deep MLP (dropout is identity in eval mode)
    h = embed_x.reshape(-1, F * D)
    for W, b in ((W0, b0), (W1, b1), (W2, b2)):
        h = jax.nn.relu(h @ W.T + b)
    mlp_y = (h @ W3.T + b3)[:, 0]
    return jax.nn.sigmoid(fm_y + mlp_y)

if __name__ == "__main__":
    import jax
    _d = setup_inputs()
    print(jax.jit(kernel)(*tuple(_d.values())))

</pallas_src>

<mosaic_0001>
#map = affine_map<(d0, d1) -> (0, 0, 0)>
#map1 = affine_map<(d0, d1) -> (0, 0)>
#map2 = affine_map<(d0, d1) -> (0)>
module attributes {stable_mosaic.version = 14 : i64} {
  func.func @body(%arg0: i32, %arg1: i32, %arg2: memref<26x32x64xi32, #tpu.memory_space<hbm>>, %arg3: memref<262144x128xf32, #tpu.memory_space<hbm>>, %arg4: memref<1040000xf32, #tpu.memory_space<hbm>>, %arg5: memref<26x2048x128xf32, #tpu.memory_space<hbm>>, %arg6: memref<2048xf32, #tpu.memory_space<hbm>>, %arg7: memref<26x64xi32, #tpu.memory_space<vmem>>, %arg8: memref<26x64xi32, #tpu.memory_space<vmem>>, %arg9: memref<2x64x128xf32, #tpu.memory_space<vmem>>, %arg10: memref<26x64xf32, #tpu.memory_space<vmem>>, %arg11: memref<64xf32, #tpu.memory_space<vmem>>, %arg12: memref<!tpu.dma_semaphore, #tpu.memory_space<semaphore_mem>>, %arg13: memref<!tpu.dma_semaphore, #tpu.memory_space<semaphore_mem>>) attributes {dimension_semantics = [#tpu.dimension_semantics<core_parallel>, #tpu.dimension_semantics<subcore_parallel>], iteration_bounds = array<i64: 2, 16>, scalar_prefetch = 0 : i64, scratch_operands = 7 : i64, tpu.core_type = #tpu.core_type<sc_vector_subcore>, window_params = [{transform_indices = #map}, {transform_indices = #map1}, {transform_indices = #map2}, {transform_indices = #map}, {transform_indices = #map2}]} {
    %mul3A = arith.constant 2 : i32
    %mul3A_0 = arith.muli %arg1, %mul3A : i32
    %add3A = arith.addi %mul3A_0, %arg0 : i32
    "tpu.region"() ({
      %run_scoped3A = tpu.sem_alloc : memref<!tpu.dma_semaphore, #tpu.memory_space<semaphore_mem>>
      %dma_start3A_678 = arith.constant 0 : i32
      %dma_start3A_679 = arith.constant 0 : i32
      %dma_start3A_680 = tpu.memref_slice %arg2[%dma_start3A_678, %add3A, %dma_start3A_679] : memref<26x32x64xi32, #tpu.memory_space<hbm>> -> memref<26x1x64xi32, #tpu.memory_space<hbm>>
      %dma_start3A_681 = tpu.memref_squeeze %dma_start3A_680 : memref<26x1x64xi32, #tpu.memory_space<hbm>> -> memref<26x64xi32, #tpu.memory_space<hbm>>
      %dma_start3A_682 = arith.constant 0 : i32
      %dma_start3A_683 = arith.constant 0 : i32
      %dma_start3A_684 = tpu.memref_slice %arg2[%dma_start3A_682, %add3A, %dma_start3A_683] : memref<26x32x64xi32, #tpu.memory_space<hbm>> -> memref<26x1x64xi32, #tpu.memory_space<hbm>>
      %dma_start3A_685 = tpu.memref_squeeze %dma_start3A_684 : memref<26x1x64xi32, #tpu.memory_space<hbm>> -> memref<26x64xi32, #tpu.memory_space<hbm>>
      tpu.enqueue_dma source(%dma_start3A_685 : memref<26x64xi32, #tpu.memory_space<hbm>>) target(%arg7 : memref<26x64xi32, #tpu.memory_space<vmem>>) target_semaphore(%run_scoped3A : memref<!tpu.dma_semaphore, #tpu.memory_space<semaphore_mem>>)
      %dma_wait3A = arith.constant 0 : i32
      %dma_wait3A_686 = arith.constant 0 : i32
      %dma_wait3A_687 = tpu.memref_slice %arg2[%dma_wait3A, %add3A, %dma_wait3A_686] : memref<26x32x64xi32, #tpu.memory_space<hbm>> -> memref<26x1x64xi32, #tpu.memory_space<hbm>>
      %dma_wait3A_688 = tpu.memref_squeeze %dma_wait3A_687 : memref<26x1x64xi32, #tpu.memory_space<hbm>> -> memref<26x64xi32, #tpu.memory_space<hbm>>
      %dma_wait3A_689 = arith.constant 0 : i32
      %dma_wait3A_690 = arith.constant 0 : i32
      %dma_wait3A_691 = tpu.memref_slice %arg2[%dma_wait3A_689, %add3A, %dma_wait3A_690] : memref<26x32x64xi32, #tpu.memory_space<hbm>> -> memref<26x1x64xi32, #tpu.memory_space<hbm>>
      %dma_wait3A_692 = tpu.memref_squeeze %dma_wait3A_691 : memref<26x1x64xi32, #tpu.memory_space<hbm>> -> memref<26x64xi32, #tpu.memory_space<hbm>>
      tpu.wait_dma2 semaphore(%run_scoped3A : memref<!tpu.dma_semaphore, #tpu.memory_space<semaphore_mem>>) src(%dma_wait3A_692 : memref<26x64xi32, #tpu.memory_space<hbm>>) dst(%arg7 : memref<26x64xi32, #tpu.memory_space<vmem>>)
      tpu.yield
    }) : () -> ()
    %mul3A_1 = arith.constant 64 : i32
    %mul3A_2 = arith.muli %add3A, %mul3A_1 : i32
    %scan3A = arith.constant 0 : i32
    %scan3A_3 = arith.constant 0 : i32
    %scan3A_4 = arith.constant 26 : i32
    %scan3A_5 = arith.addi %scan3A_3, %scan3A_4 : i32
    %scan3A_6 = arith.constant 1 : i32
    scf.for %scan3A_678 = %scan3A_3 to %scan3A_5 step %scan3A_6  : i32 {
      %dma_start3A_679 = arith.constant 0 : i32
      %dma_start3A_680 = tpu.memref_slice %arg10[%scan3A_678, %dma_start3A_679] : memref<26x64xf32, #tpu.memory_space<vmem>> -> memref<1x64xf32, #tpu.memory_space<vmem>>
      %dma_start3A_681 = tpu.memref_squeeze %dma_start3A_680 : memref<1x64xf32, #tpu.memory_space<vmem>> -> memref<64xf32, #tpu.memory_space<vmem>>
      %dma_start3A_682 = arith.constant 0 : i32
      %dma_start3A_683 = tpu.memref_slice %arg7[%scan3A_678, %dma_start3A_682] : memref<26x64xi32, #tpu.memory_space<vmem>> -> memref<1x64xi32, #tpu.memory_space<vmem>>
      %dma_start3A_684 = tpu.memref_squeeze %dma_start3A_683 : memref<1x64xi32, #tpu.memory_space<vmem>> -> memref<64xi32, #tpu.memory_space<vmem>>
      %dma_start3A_685 = arith.constant 0 : i32
      %dma_start3A_686 = tpu.memref_slice %arg4[%dma_start3A_685] : memref<1040000xf32, #tpu.memory_space<hbm>> -> memref<1040000xf32, #tpu.memory_space<hbm>>
      tpu.enqueue_indirect_dma source(%dma_start3A_686 : memref<1040000xf32, #tpu.memory_space<hbm>>) target(%dma_start3A_681 : memref<64xf32, #tpu.memory_space<vmem>>) offsets(%dma_start3A_684 : memref<64xi32, #tpu.memory_space<vmem>>) semaphore(%arg13 : memref<!tpu.dma_semaphore, #tpu.memory_space<semaphore_mem>>)
      %get3A_687 = arith.index_cast %scan3A_678 : i32 to index
      %get3A_688 = arith.constant 0 : index
      %get3A_689 = tpu.vector_load %arg7[%get3A_687, %get3A_688] {strides = array<i32>} : memref<26x64xi32, #tpu.memory_space<vmem>>, vector<1x16xi32>,
      %get3A_690 = vector.shape_cast %get3A_689 : vector<1x16xi32> to vector<16xi32>
      %shift_right_logical3A = arith.constant 9 : i32
      %shift_right_logical3A_691 = vector.broadcast %shift_right_logical3A : i32 to vector<16xi32>
      %shift_right_logical3A_692 = arith.shrui %get3A_690, %shift_right_logical3A_691 : vector<16xi32>
      %shift_left3A = arith.constant 7 : i32
      %shift_left3A_693 = vector.broadcast %shift_left3A : i32 to vector<16xi32>
      %shift_left3A_694 = arith.shli %shift_right_logical3A_692, %shift_left3A_693 : vector<16xi32>
      %and3A = arith.constant 127 : i32
      %and3A_695 = vector.broadcast %and3A : i32 to vector<16xi32>
      %and3A_696 = arith.andi %get3A_690, %and3A_695 : vector<16xi32>
      %or3A = arith.ori %shift_left3A_694, %and3A_696 : vector<16xi32>
      %swap3A_697 = arith.index_cast %scan3A_678 : i32 to index
      %swap3A_698 = arith.constant 0 : index
      %swap3A_699 = tpu.vector_load %arg8[%swap3A_697, %swap3A_698] {strides = array<i32>} : memref<26x64xi32, #tpu.memory_space<vmem>>, vector<1x16xi32>,
      %swap3A_700 = vector.shape_cast %swap3A_699 : vector<1x16xi32> to vector<16xi32>
      %swap3A_701 = vector.shape_cast %or3A : vector<16xi32> to vector<1x16xi32>
      tpu.vector_store %arg8[%swap3A_697, %swap3A_698], %swap3A_701 {strides = array<i32>} : memref<26x64xi32, #tpu.memory_space<vmem>>, vector<1x16xi32>,
      %get3A_702 = arith.index_cast %scan3A_678 : i32 to index
      %get3A_703 = arith.constant 16 : index
      %get3A_704 = tpu.vector_load %arg7[%get3A_702, %get3A_703] {strides = array<i32>} : memref<26x64xi32, #tpu.memory_space<vmem>>, vector<1x16xi32>,
      %get3A_705 = vector.shape_cast %get3A_704 : vector<1x16xi32> to vector<16xi32>
      %shift_right_logical3A_706 = arith.constant 9 : i32
      %shift_right_logical3A_707 = vector.broadcast %shift_right_logical3A_706 : i32 to vector<16xi32>
      %shift_right_logical3A_708 = arith.shrui %get3A_705, %shift_right_logical3A_707 : vector<16xi32>
      %shift_left3A_709 = arith.constant 7 : i32
      %shift_left3A_710 = vector.broadcast %shift_left3A_709 : i32 to vector<16xi32>
      %shift_left3A_711 = arith.shli %shift_right_logical3A_708, %shift_left3A_710 : vector<16xi32>
      %and3A_712 = arith.constant 127 : i32
      %and3A_713 = vector.broadcast %and3A_712 : i32 to vector<16xi32>
      %and3A_714 = arith.andi %get3A_705, %and3A_713 : vector<16xi32>
      %or3A_715 = arith.ori %shift_left3A_711, %and3A_714 : vector<16xi32>
      %swap3A_716 = arith.index_cast %scan3A_678 : i32 to index
      %swap3A_717 = arith.constant 16 : index
      %swap3A_718 = tpu.vector_load %arg8[%swap3A_716, %swap3A_717] {strides = array<i32>} : memref<26x64xi32, #tpu.memory_space<vmem>>, vector<1x16xi32>,
      %swap3A_719 = vector.shape_cast %swap3A_718 : vector<1x16xi32> to vector<16xi32>
      %swap3A_720 = vector.shape_cast %or3A_715 : vector<16xi32> to vector<1x16xi32>
      tpu.vector_store %arg8[%swap3A_716, %swap3A_717], %swap3A_720 {strides = array<i32>} : memref<26x64xi32, #tpu.memory_space<vmem>>, vector<1x16xi32>,
      %get3A_721 = arith.index_cast %scan3A_678 : i32 to index
      %get3A_722 = arith.constant 32 : index
      %get3A_723 = tpu.vector_load %arg7[%get3A_721, %get3A_722] {strides = array<i32>} : memref<26x64xi32, #tpu.memory_space<vmem>>, vector<1x16xi32>,
      %get3A_724 = vector.shape_cast %get3A_723 : vector<1x16xi32> to vector<16xi32>
      %shift_right_logical3A_725 = arith.constant 9 : i32
      %shift_right_logical3A_726 = vector.broadcast %shift_right_logical3A_725 : i32 to vector<16xi32>
      %shift_right_logical3A_727 = arith.shrui %get3A_724, %shift_right_logical3A_726 : vector<16xi32>
      %shift_left3A_728 = arith.constant 7 : i32
      %shift_left3A_729 = vector.broadcast %shift_left3A_728 : i32 to vector<16xi32>
      %shift_left3A_730 = arith.shli %shift_right_logical3A_727, %shift_left3A_729 : vector<16xi32>
      %and3A_731 = arith.constant 127 : i32
      %and3A_732 = vector.broadcast %and3A_731 : i32 to vector<16xi32>
      %and3A_733 = arith.andi %get3A_724, %and3A_732 : vector<16xi32>
      %or3A_734 = arith.ori %shift_left3A_730, %and3A_733 : vector<16xi32>
      %swap3A_735 = arith.index_cast %scan3A_678 : i32 to index
      %swap3A_736 = arith.constant 32 : index
      %swap3A_737 = tpu.vector_load %arg8[%swap3A_735, %swap3A_736] {strides = array<i32>} : memref<26x64xi32, #tpu.memory_space<vmem>>, vector<1x16xi32>,
      %swap3A_738 = vector.shape_cast %swap3A_737 : vector<1x16xi32> to vector<16xi32>
      %swap3A_739 = vector.shape_cast %or3A_734 : vector<16xi32> to vector<1x16xi32>
      tpu.vector_store %arg8[%swap3A_735, %swap3A_736], %swap3A_739 {strides = array<i32>} : memref<26x64xi32, #tpu.memory_space<vmem>>, vector<1x16xi32>,
      %get3A_740 = arith.index_cast %scan3A_678 : i32 to index
      %get3A_741 = arith.constant 48 : index
      %get3A_742 = tpu.vector_load %arg7[%get3A_740, %get3A_741] {strides = array<i32>} : memref<26x64xi32, #tpu.memory_space<vmem>>, vector<1x16xi32>,
      %get3A_743 = vector.shape_cast %get3A_742 : vector<1x16xi32> to vector<16xi32>
      %shift_right_logical3A_744 = arith.constant 9 : i32
      %shift_right_logical3A_745 = vector.broadcast %shift_right_logical3A_744 : i32 to vector<16xi32>
      %shift_right_logical3A_746 = arith.shrui %get3A_743, %shift_right_logical3A_745 : vector<16xi32>
      %shift_left3A_747 = arith.constant 7 : i32
      %shift_left3A_748 = vector.broadcast %shift_left3A_747 : i32 to vector<16xi32>
      %shift_left3A_749 = arith.shli %shift_right_logical3A_746, %shift_left3A_748 : vector<16xi32>
      %and3A_750 = arith.constant 127 : i32
      %and3A_751 = vector.broadcast %and3A_750 : i32 to vector<16xi32>
      %and3A_752 = arith.andi %get3A_743, %and3A_751 : vector<16xi32>
      %or3A_753 = arith.ori %shift_left3A_749, %and3A_752 : vector<16xi32>
      %swap3A_754 = arith.index_cast %scan3A_678 : i32 to index
      %swap3A_755 = arith.constant 48 : index
      %swap3A_756 = tpu.vector_load %arg8[%swap3A_754, %swap3A_755] {strides = array<i32>} : memref<26x64xi32, #tpu.memory_space<vmem>>, vector<1x16xi32>,
      %swap3A_757 = vector.shape_cast %swap3A_756 : vector<1x16xi32> to vector<16xi32>
      %swap3A_758 = vector.shape_cast %or3A_753 : vector<16xi32> to vector<1x16xi32>
      tpu.vector_store %arg8[%swap3A_754, %swap3A_755], %swap3A_758 {strides = array<i32>} : memref<26x64xi32, #tpu.memory_space<vmem>>, vector<1x16xi32>,
    }
    %scan3A_7 = arith.constant 26 : i32
    %dma_start3A = arith.constant 0 : i32
    %dma_start3A_8 = arith.constant 0 : i32
    %dma_start3A_9 = arith.constant 0 : i32
    %dma_start3A_10 = arith.constant 0 : i32
    %dma_start3A_11 = tpu.memref_slice %arg9[%dma_start3A_8, %dma_start3A_9, %dma_start3A_10] : memref<2x64x128xf32, #tpu.memory_space<vmem>> -> memref<1x64x128xf32, #tpu.memory_space<vmem>>
    %dma_start3A_12 = tpu.memref_squeeze %dma_start3A_11 : memref<1x64x128xf32, #tpu.memory_space<vmem>> -> memref<64x128xf32, #tpu.memory_space<vmem>>
    %dma_start3A_13 = arith.constant 0 : i32
    %dma_start3A_14 = tpu.memref_slice %arg8[%dma_start3A, %dma_start3A_13] : memref<26x64xi32, #tpu.memory_space<vmem>> -> memref<1x64xi32, #tpu.memory_space<vmem>>
    %dma_start3A_15 = tpu.memref_squeeze %dma_start3A_14 : memref<1x64xi32, #tpu.memory_space<vmem>> -> memref<64xi32, #tpu.memory_space<vmem>>
    %dma_start3A_16 = arith.constant 0 : i32
    %dma_start3A_17 = arith.constant 0 : i32
    %dma_start3A_18 = tpu.memref_slice %arg3[%dma_start3A_16, %dma_start3A_17] : memref<262144x128xf32, #tpu.memory_space<hbm>> -> memref<262144x128xf32, #tpu.memory_space<hbm>>
    tpu.enqueue_indirect_dma source(%dma_start3A_18 : memref<262144x128xf32, #tpu.memory_space<hbm>>) target(%dma_start3A_12 : memref<64x128xf32, #tpu.memory_space<vmem>>) offsets(%dma_start3A_15 : memref<64xi32, #tpu.memory_space<vmem>>) semaphore(%arg12 : memref<!tpu.dma_semaphore, #tpu.memory_space<semaphore_mem>>)
    %scan3A_19 = arith.constant 0 : i32
    %scan3A_20 = arith.constant 0 : i32
    %scan3A_21 = arith.constant 26 : i32
    %scan3A_22 = arith.addi %scan3A_20, %scan3A_21 : i32
    %scan3A_23 = arith.constant 1 : i32
    scf.for %scan3A_678 = %scan3A_20 to %scan3A_22 step %scan3A_23  : i32 {
      %rem3A = arith.constant 2 : i32
      %rem3A_679 = arith.remsi %scan3A_678, %rem3A : i32
      %add3A_680 = arith.constant 1 : i32
      %add3A_681 = arith.addi %scan3A_678, %add3A_680 : i32
      %lt3A = arith.constant 26 : i32
      %lt3A_682 = arith.cmpi slt, %add3A_681, %lt3A : i32
      %convert_element_type3A = arith.extui %lt3A_682 : i1 to i32
      %cond3A = arith.constant 0 : i32
      %cond3A_683 = arith.cmpi ne, %convert_element_type3A, %cond3A : i32
      scf.if %cond3A_683 {
        %add3A_693 = arith.constant 1 : i32
        %add3A_694 = arith.addi %scan3A_678, %add3A_693 : i32
        %add3A_695 = arith.constant 1 : i32
        %add3A_696 = arith.addi %scan3A_678, %add3A_695 : i32
        %rem3A_697 = arith.constant 2 : i32
        %rem3A_698 = arith.remsi %add3A_696, %rem3A_697 : i32
        %dma_start3A_699 = arith.constant 0 : i32
        %dma_start3A_700 = arith.constant 0 : i32
        %dma_start3A_701 = tpu.memref_slice %arg9[%rem3A_698, %dma_start3A_699, %dma_start3A_700] : memref<2x64x128xf32, #tpu.memory_space<vmem>> -> memref<1x64x128xf32, #tpu.memory_space<vmem>>
        %dma_start3A_702 = tpu.memref_squeeze %dma_start3A_701 : memref<1x64x128xf32, #tpu.memory_space<vmem>> -> memref<64x128xf32, #tpu.memory_space<vmem>>
        %dma_start3A_703 = arith.constant 0 : i32
        %dma_start3A_704 = tpu.memref_slice %arg8[%add3A_694, %dma_start3A_703] : memref<26x64xi32, #tpu.memory_space<vmem>> -> memref<1x64xi32, #tpu.memory_space<vmem>>
        %dma_start3A_705 = tpu.memref_squeeze %dma_start3A_704 : memref<1x64xi32, #tpu.memory_space<vmem>> -> memref<64xi32, #tpu.memory_space<vmem>>
        %dma_start3A_706 = arith.constant 0 : i32
        %dma_start3A_707 = arith.constant 0 : i32
        %dma_start3A_708 = tpu.memref_slice %arg3[%dma_start3A_706, %dma_start3A_707] : memref<262144x128xf32, #tpu.memory_space<hbm>> -> memref<262144x128xf32, #tpu.memory_space<hbm>>
        tpu.enqueue_indirect_dma source(%dma_start3A_708 : memref<262144x128xf32, #tpu.memory_space<hbm>>) target(%dma_start3A_702 : memref<64x128xf32, #tpu.memory_space<vmem>>) offsets(%dma_start3A_705 : memref<64xi32, #tpu.memory_space<vmem>>) semaphore(%arg12 : memref<!tpu.dma_semaphore, #tpu.memory_space<semaphore_mem>>)
      } else {
      }
      %dma_wait3A = arith.constant 0 : i32
      %dma_wait3A_684 = arith.constant 0 : i32
      %dma_wait3A_685 = tpu.memref_slice %arg9[%rem3A_679, %dma_wait3A, %dma_wait3A_684] : memref<2x64x128xf32, #tpu.memory_space<vmem>> -> memref<1x64x128xf32, #tpu.memory_space<vmem>>
      %dma_wait3A_686 = tpu.memref_squeeze %dma_wait3A_685 : memref<1x64x128xf32, #tpu.memory_space<vmem>> -> memref<64x128xf32, #tpu.memory_space<vmem>>
      %dma_wait3A_687 = arith.constant 0 : i32
      %dma_wait3A_688 = tpu.memref_slice %arg8[%scan3A_678, %dma_wait3A_687] : memref<26x64xi32, #tpu.memory_space<vmem>> -> memref<1x64xi32, #tpu.memory_space<vmem>>
      %dma_wait3A_689 = tpu.memref_squeeze %dma_wait3A_688 : memref<1x64xi32, #tpu.memory_space<vmem>> -> memref<64xi32, #tpu.memory_space<vmem>>
      %dma_wait3A_690 = arith.constant 0 : i32
      %dma_wait3A_691 = arith.constant 0 : i32
      %dma_wait3A_692 = tpu.memref_slice %arg3[%dma_wait3A_690, %dma_wait3A_691] : memref<262144x128xf32, #tpu.memory_space<hbm>> -> memref<262144x128xf32, #tpu.memory_space<hbm>>
      tpu.wait_indirect_dma semaphore(%arg12 : memref<!tpu.dma_semaphore, #tpu.memory_space<semaphore_mem>>) src(%dma_wait3A_692 : memref<262144x128xf32, #tpu.memory_space<hbm>>) dst(%dma_wait3A_686 : memref<64x128xf32, #tpu.memory_space<vmem>>)
      "tpu.region"() ({
        %run_scoped3A = tpu.sem_alloc : memref<!tpu.dma_semaphore, #tpu.memory_space<semaphore_mem>>
        %dma_start3A_693 = arith.constant 0 : i32
        %dma_start3A_694 = arith.constant 0 : i32
        %dma_start3A_695 = tpu.memref_slice %arg9[%rem3A_679, %dma_start3A_693, %dma_start3A_694] : memref<2x64x128xf32, #tpu.memory_space<vmem>> -> memref<1x64x128xf32, #tpu.memory_space<vmem>>
        %dma_start3A_696 = tpu.memref_squeeze %dma_start3A_695 : memref<1x64x128xf32, #tpu.memory_space<vmem>> -> memref<64x128xf32, #tpu.memory_space<vmem>>
        %dma_start3A_697 = arith.constant 0 : i32
        %dma_start3A_698 = tpu.memref_slice %arg5[%scan3A_678, %mul3A_2, %dma_start3A_697] : memref<26x2048x128xf32, #tpu.memory_space<hbm>> -> memref<1x64x128xf32, #tpu.memory_space<hbm>>
        %dma_start3A_699 = tpu.memref_squeeze %dma_start3A_698 : memref<1x64x128xf32, #tpu.memory_space<hbm>> -> memref<64x128xf32, #tpu.memory_space<hbm>>
        %dma_start3A_700 = arith.constant 0 : i32
        %dma_start3A_701 = tpu.memref_slice %arg5[%scan3A_678, %mul3A_2, %dma_start3A_700] : memref<26x2048x128xf32, #tpu.memory_space<hbm>> -> memref<1x64x128xf32, #tpu.memory_space<hbm>>
        %dma_start3A_702 = tpu.memref_squeeze %dma_start3A_701 : memref<1x64x128xf32, #tpu.memory_space<hbm>> -> memref<64x128xf32, #tpu.memory_space<hbm>>
        %dma_start3A_703 = arith.constant 0 : i32
        %dma_start3A_704 = arith.constant 0 : i32
        %dma_start3A_705 = tpu.memref_slice %arg9[%rem3A_679, %dma_start3A_703, %dma_start3A_704] : memref<2x64x128xf32, #tpu.memory_space<vmem>> -> memref<1x64x128xf32, #tpu.memory_space<vmem>>
        %dma_start3A_706 = tpu.memref_squeeze %dma_start3A_705 : memref<1x64x128xf32, #tpu.memory_space<vmem>> -> memref<64x128xf32, #tpu.memory_space<vmem>>
        tpu.enqueue_dma source(%dma_start3A_706 : memref<64x128xf32, #tpu.memory_space<vmem>>) target(%dma_start3A_702 : memref<64x128xf32, #tpu.memory_space<hbm>>) target_semaphore(%run_scoped3A : memref<!tpu.dma_semaphore, #tpu.memory_space<semaphore_mem>>)
        %dma_wait3A_707 = arith.constant 0 : i32
        %dma_wait3A_708 = arith.constant 0 : i32
        %dma_wait3A_709 = tpu.memref_slice %arg9[%rem3A_679, %dma_wait3A_707, %dma_wait3A_708] : memref<2x64x128xf32, #tpu.memory_space<vmem>> -> memref<1x64x128xf32, #tpu.memory_space<vmem>>
        %dma_wait3A_710 = tpu.memref_squeeze %dma_wait3A_709 : memref<1x64x128xf32, #tpu.memory_space<vmem>> -> memref<64x128xf32, #tpu.memory_space<vmem>>
        %dma_wait3A_711 = arith.constant 0 : i32
        %dma_wait3A_712 = tpu.memref_slice %arg5[%scan3A_678, %mul3A_2, %dma_wait3A_711] : memref<26x2048x128xf32, #tpu.memory_space<hbm>> -> memref<1x64x128xf32, #tpu.memory_space<hbm>>
        %dma_wait3A_713 = tpu.memref_squeeze %dma_wait3A_712 : memref<1x64x128xf32, #tpu.memory_space<hbm>> -> memref<64x128xf32, #tpu.memory_space<hbm>>
        %dma_wait3A_714 = arith.constant 0 : i32
        %dma_wait3A_715 = tpu.memref_slice %arg5[%scan3A_678, %mul3A_2, %dma_wait3A_714] : memref<26x2048x128xf32, #tpu.memory_space<hbm>> -> memref<1x64x128xf32, #tpu.memory_space<hbm>>
        %dma_wait3A_716 = tpu.memref_squeeze %dma_wait3A_715 : memref<1x64x128xf32, #tpu.memory_space<hbm>> -> memref<64x128xf32, #tpu.memory_space<hbm>>
        %dma_wait3A_717 = arith.constant 0 : i32
        %dma_wait3A_718 = arith.constant 0 : i32
        %dma_wait3A_719 = tpu.memref_slice %arg9[%rem3A_679, %dma_wait3A_717, %dma_wait3A_718] : memref<2x64x128xf32, #tpu.memory_space<vmem>> -> memref<1x64x128xf32, #tpu.memory_space<vmem>>
        %dma_wait3A_720 = tpu.memref_squeeze %dma_wait3A_719 : memref<1x64x128xf32, #tpu.memory_space<vmem>> -> memref<64x128xf32, #tpu.memory_space<vmem>>
        tpu.wait_dma2 semaphore(%run_scoped3A : memref<!tpu.dma_semaphore, #tpu.memory_space<semaphore_mem>>) src(%dma_wait3A_720 : memref<64x128xf32, #tpu.memory_space<vmem>>) dst(%dma_wait3A_716 : memref<64x128xf32, #tpu.memory_space<hbm>>)
        tpu.yield
      }) : () -> ()
    }
    %scan3A_24 = arith.constant 26 : i32
    %scan3A_25 = arith.constant 0 : i32
    %scan3A_26 = arith.constant 0 : i32
    %scan3A_27 = arith.constant 26 : i32
    %scan3A_28 = arith.addi %scan3A_26, %scan3A_27 : i32
    %scan3A_29 = arith.constant 1 : i32
    scf.for %scan3A_678 = %scan3A_26 to %scan3A_28 step %scan3A_29  : i32 {
      %dma_wait3A = arith.constant 0 : i32
      %dma_wait3A_679 = tpu.memref_slice %arg10[%scan3A_678, %dma_wait3A] : memref<26x64xf32, #tpu.memory_space<vmem>> -> memref<1x64xf32, #tpu.memory_space<vmem>>
      %dma_wait3A_680 = tpu.memref_squeeze %dma_wait3A_679 : memref<1x64xf32, #tpu.memory_space<vmem>> -> memref<64xf32, #tpu.memory_space<vmem>>
      %dma_wait3A_681 = arith.constant 0 : i32
      %dma_wait3A_682 = tpu.memref_slice %arg7[%scan3A_678, %dma_wait3A_681] : memref<26x64xi32, #tpu.memory_space<vmem>> -> memref<1x64xi32, #tpu.memory_space<vmem>>
      %dma_wait3A_683 = tpu.memref_squeeze %dma_wait3A_682 : memref<1x64xi32, #tpu.memory_space<vmem>> -> memref<64xi32, #tpu.memory_space<vmem>>
      %dma_wait3A_684 = arith.constant 0 : i32
      %dma_wait3A_685 = tpu.memref_slice %arg4[%dma_wait3A_684] : memref<1040000xf32, #tpu.memory_space<hbm>> -> memref<1040000xf32, #tpu.memory_space<hbm>>
      tpu.wait_indirect_dma semaphore(%arg13 : memref<!tpu.dma_semaphore, #tpu.memory_space<semaphore_mem>>) src(%dma_wait3A_685 : memref<1040000xf32, #tpu.memory_space<hbm>>) dst(%dma_wait3A_680 : memref<64xf32, #tpu.memory_space<vmem>>)
    }
    %scan3A_30 = arith.constant 26 : i32
    %broadcast_in_dim3A = arith.constant 0.000000e+00 : f32
    %broadcast_in_dim3A_31 = vector.broadcast %broadcast_in_dim3A : f32 to vector<16xf32>
    %get3A = arith.constant 0 : i32
    %get3A_32 = arith.index_cast %get3A : i32 to index
    %get3A_33 = arith.constant 0 : index
    %get3A_34 = tpu.vector_load %arg10[%get3A_32, %get3A_33] {strides = array<i32>} : memref<26x64xf32, #tpu.memory_space<vmem>>, vector<1x16xf32>,
    %get3A_35 = vector.shape_cast %get3A_34 : vector<1x16xf32> to vector<16xf32>
    %add3A_36 = arith.addf %broadcast_in_dim3A_31, %get3A_35 : vector<16xf32>
    %get3A_37 = arith.constant 1 : i32
    %get3A_38 = arith.index_cast %get3A_37 : i32 to index
    %get3A_39 = arith.constant 0 : index
    %get3A_40 = tpu.vector_load %arg10[%get3A_38, %get3A_39] {strides = array<i32>} : memref<26x64xf32, #tpu.memory_space<vmem>>, vector<1x16xf32>,
    %get3A_41 = vector.shape_cast %get3A_40 : vector<1x16xf32> to vector<16xf32>
    %add3A_42 = arith.addf %add3A_36, %get3A_41 : vector<16xf32>
    %get3A_43 = arith.constant 2 : i32
    %get3A_44 = arith.index_cast %get3A_43 : i32 to index
    %get3A_45 = arith.constant 0 : index
    %get3A_46 = tpu.vector_load %arg10[%get3A_44, %get3A_45] {strides = array<i32>} : memref<26x64xf32, #tpu.memory_space<vmem>>, vector<1x16xf32>,
    %get3A_47 = vector.shape_cast %get3A_46 : vector<1x16xf32> to vector<16xf32>
    %add3A_48 = arith.addf %add3A_42, %get3A_47 : vector<16xf32>
    %get3A_49 = arith.constant 3 : i32
    %get3A_50 = arith.index_cast %get3A_49 : i32 to index
    %get3A_51 = arith.constant 0 : index
    %get3A_52 = tpu.vector_load %arg10[%get3A_50, %get3A_51] {strides = array<i32>} : memref<26x64xf32, #tpu.memory_space<vmem>>, vector<1x16xf32>,
    %get3A_53 = vector.shape_cast %get3A_52 : vector<1x16xf32> to vector<16xf32>
    %add3A_54 = arith.addf %add3A_48, %get3A_53 : vector<16xf32>
    %get3A_55 = arith.constant 4 : i32
    %get3A_56 = arith.index_cast %get3A_55 : i32 to index
    %get3A_57 = arith.constant 0 : index
    %get3A_58 = tpu.vector_load %arg10[%get3A_56, %get3A_57] {strides = array<i32>} : memref<26x64xf32, #tpu.memory_space<vmem>>, vector<1x16xf32>,
    %get3A_59 = vector.shape_cast %get3A_58 : vector<1x16xf32> to vector<16xf32>
    %add3A_60 = arith.addf %add3A_54, %get3A_59 : vector<16xf32>
    %get3A_61 = arith.constant 5 : i32
    %get3A_62 = arith.index_cast %get3A_61 : i32 to index
    %get3A_63 = arith.constant 0 : index
    %get3A_64 = tpu.vector_load %arg10[%get3A_62, %get3A_63] {strides = array<i32>} : memref<26x64xf32, #tpu.memory_space<vmem>>, vector<1x16xf32>,
    %get3A_65 = vector.shape_cast %get3A_64 : vector<1x16xf32> to vector<16xf32>
    %add3A_66 = arith.addf %add3A_60, %get3A_65 : vector<16xf32>
    %get3A_67 = arith.constant 6 : i32
    %get3A_68 = arith.index_cast %get3A_67 : i32 to index
    %get3A_69 = arith.constant 0 : index
    %get3A_70 = tpu.vector_load %arg10[%get3A_68, %get3A_69] {strides = array<i32>} : memref<26x64xf32, #tpu.memory_space<vmem>>, vector<1x16xf32>,
    %get3A_71 = vector.shape_cast %get3A_70 : vector<1x16xf32> to vector<16xf32>
    %add3A_72 = arith.addf %add3A_66, %get3A_71 : vector<16xf32>
    %get3A_73 = arith.constant 7 : i32
    %get3A_74 = arith.index_cast %get3A_73 : i32 to index
    %get3A_75 = arith.constant 0 : index
    %get3A_76 = tpu.vector_load %arg10[%get3A_74, %get3A_75] {strides = array<i32>} : memref<26x64xf32, #tpu.memory_space<vmem>>, vector<1x16xf32>,
    %get3A_77 = vector.shape_cast %get3A_76 : vector<1x16xf32> to vector<16xf32>
    %add3A_78 = arith.addf %add3A_72, %get3A_77 : vector<16xf32>
    %get3A_79 = arith.constant 8 : i32
    %get3A_80 = arith.index_cast %get3A_79 : i32 to index
    %get3A_81 = arith.constant 0 : index
    %get3A_82 = tpu.vector_load %arg10[%get3A_80, %get3A_81] {strides = array<i32>} : memref<26x64xf32, #tpu.memory_space<vmem>>, vector<1x16xf32>,
    %get3A_83 = vector.shape_cast %get3A_82 : vector<1x16xf32> to vector<16xf32>
    %add3A_84 = arith.addf %add3A_78, %get3A_83 : vector<16xf32>
    %get3A_85 = arith.constant 9 : i32
    %get3A_86 = arith.index_cast %get3A_85 : i32 to index
    %get3A_87 = arith.constant 0 : index
    %get3A_88 = tpu.vector_load %arg10[%get3A_86, %get3A_87] {strides = array<i32>} : memref<26x64xf32, #tpu.memory_space<vmem>>, vector<1x16xf32>,
    %get3A_89 = vector.shape_cast %get3A_88 : vector<1x16xf32> to vector<16xf32>
    %add3A_90 = arith.addf %add3A_84, %get3A_89 : vector<16xf32>
    %get3A_91 = arith.constant 10 : i32
    %get3A_92 = arith.index_cast %get3A_91 : i32 to index
    %get3A_93 = arith.constant 0 : index
    %get3A_94 = tpu.vector_load %arg10[%get3A_92, %get3A_93] {strides = array<i32>} : memref<26x64xf32, #tpu.memory_space<vmem>>, vector<1x16xf32>,
    %get3A_95 = vector.shape_cast %get3A_94 : vector<1x16xf32> to vector<16xf32>
    %add3A_96 = arith.addf %add3A_90, %get3A_95 : vector<16xf32>
    %get3A_97 = arith.constant 11 : i32
    %get3A_98 = arith.index_cast %get3A_97 : i32 to index
    %get3A_99 = arith.constant 0 : index
    %get3A_100 = tpu.vector_load %arg10[%get3A_98, %get3A_99] {strides = array<i32>} : memref<26x64xf32, #tpu.memory_space<vmem>>, vector<1x16xf32>,
    %get3A_101 = vector.shape_cast %get3A_100 : vector<1x16xf32> to vector<16xf32>
    %add3A_102 = arith.addf %add3A_96, %get3A_101 : vector<16xf32>
    %get3A_103 = arith.constant 12 : i32
    %get3A_104 = arith.index_cast %get3A_103 : i32 to index
    %get3A_105 = arith.constant 0 : index
    %get3A_106 = tpu.vector_load %arg10[%get3A_104, %get3A_105] {strides = array<i32>} : memref<26x64xf32, #tpu.memory_space<vmem>>, vector<1x16xf32>,
    %get3A_107 = vector.shape_cast %get3A_106 : vector<1x16xf32> to vector<16xf32>
    %add3A_108 = arith.addf %add3A_102, %get3A_107 : vector<16xf32>
    %get3A_109 = arith.constant 13 : i32
    %get3A_110 = arith.index_cast %get3A_109 : i32 to index
    %get3A_111 = arith.constant 0 : index
    %get3A_112 = tpu.vector_load %arg10[%get3A_110, %get3A_111] {strides = array<i32>} : memref<26x64xf32, #tpu.memory_space<vmem>>, vector<1x16xf32>,
    %get3A_113 = vector.shape_cast %get3A_112 : vector<1x16xf32> to vector<16xf32>
    %add3A_114 = arith.addf %add3A_108, %get3A_113 : vector<16xf32>
    %get3A_115 = arith.constant 14 : i32
    %get3A_116 = arith.index_cast %get3A_115 : i32 to index
    %get3A_117 = arith.constant 0 : index
    %get3A_118 = tpu.vector_load %arg10[%get3A_116, %get3A_117] {strides = array<i32>} : memref<26x64xf32, #tpu.memory_space<vmem>>, vector<1x16xf32>,
    %get3A_119 = vector.shape_cast %get3A_118 : vector<1x16xf32> to vector<16xf32>
    %add3A_120 = arith.addf %add3A_114, %get3A_119 : vector<16xf32>
    %get3A_121 = arith.constant 15 : i32
    %get3A_122 = arith.index_cast %get3A_121 : i32 to index
    %get3A_123 = arith.constant 0 : index
    %get3A_124 = tpu.vector_load %arg10[%get3A_122, %get3A_123] {strides = array<i32>} : memref<26x64xf32, #tpu.memory_space<vmem>>, vector<1x16xf32>,
    %get3A_125 = vector.shape_cast %get3A_124 : vector<1x16xf32> to vector<16xf32>
    %add3A_126 = arith.addf %add3A_120, %get3A_125 : vector<16xf32>
    %get3A_127 = arith.constant 16 : i32
    %get3A_128 = arith.index_cast %get3A_127 : i32 to index
    %get3A_129 = arith.constant 0 : index
    %get3A_130 = tpu.vector_load %arg10[%get3A_128, %get3A_129] {strides = array<i32>} : memref<26x64xf32, #tpu.memory_space<vmem>>, vector<1x16xf32>,
    %get3A_131 = vector.shape_cast %get3A_130 : vector<1x16xf32> to vector<16xf32>
    %add3A_132 = arith.addf %add3A_126, %get3A_131 : vector<16xf32>
    %get3A_133 = arith.constant 17 : i32
    %get3A_134 = arith.index_cast %get3A_133 : i32 to index
    %get3A_135 = arith.constant 0 : index
    %get3A_136 = tpu.vector_load %arg10[%get3A_134, %get3A_135] {strides = array<i32>} : memref<26x64xf32, #tpu.memory_space<vmem>>, vector<1x16xf32>,
    %get3A_137 = vector.shape_cast %get3A_136 : vector<1x16xf32> to vector<16xf32>
    %add3A_138 = arith.addf %add3A_132, %get3A_137 : vector<16xf32>
    %get3A_139 = arith.constant 18 : i32
    %get3A_140 = arith.index_cast %get3A_139 : i32 to index
    %get3A_141 = arith.constant 0 : index
    %get3A_142 = tpu.vector_load %arg10[%get3A_140, %get3A_141] {strides = array<i32>} : memref<26x64xf32, #tpu.memory_space<vmem>>, vector<1x16xf32>,
    %get3A_143 = vector.shape_cast %get3A_142 : vector<1x16xf32> to vector<16xf32>
    %add3A_144 = arith.addf %add3A_138, %get3A_143 : vector<16xf32>
    %get3A_145 = arith.constant 19 : i32
    %get3A_146 = arith.index_cast %get3A_145 : i32 to index
    %get3A_147 = arith.constant 0 : index
    %get3A_148 = tpu.vector_load %arg10[%get3A_146, %get3A_147] {strides = array<i32>} : memref<26x64xf32, #tpu.memory_space<vmem>>, vector<1x16xf32>,
    %get3A_149 = vector.shape_cast %get3A_148 : vector<1x16xf32> to vector<16xf32>
    %add3A_150 = arith.addf %add3A_144, %get3A_149 : vector<16xf32>
    %get3A_151 = arith.constant 20 : i32
    %get3A_152 = arith.index_cast %get3A_151 : i32 to index
    %get3A_153 = arith.constant 0 : index
    %get3A_154 = tpu.vector_load %arg10[%get3A_152, %get3A_153] {strides = array<i32>} : memref<26x64xf32, #tpu.memory_space<vmem>>, vector<1x16xf32>,
    %get3A_155 = vector.shape_cast %get3A_154 : vector<1x16xf32> to vector<16xf32>
    %add3A_156 = arith.addf %add3A_150, %get3A_155 : vector<16xf32>
    %get3A_157 = arith.constant 21 : i32
    %get3A_158 = arith.index_cast %get3A_157 : i32 to index
    %get3A_159 = arith.constant 0 : index
    %get3A_160 = tpu.vector_load %arg10[%get3A_158, %get3A_159] {strides = array<i32>} : memref<26x64xf32, #tpu.memory_space<vmem>>, vector<1x16xf32>,
    %get3A_161 = vector.shape_cast %get3A_160 : vector<1x16xf32> to vector<16xf32>
    %add3A_162 = arith.addf %add3A_156, %get3A_161 : vector<16xf32>
    %get3A_163 = arith.constant 22 : i32
    %get3A_164 = arith.index_cast %get3A_163 : i32 to index
    %get3A_165 = arith.constant 0 : index
    %get3A_166 = tpu.vector_load %arg10[%get3A_164, %get3A_165] {strides = array<i32>} : memref<26x64xf32, #tpu.memory_space<vmem>>, vector<1x16xf32>,
    %get3A_167 = vector.shape_cast %get3A_166 : vector<1x16xf32> to vector<16xf32>
    %add3A_168 = arith.addf %add3A_162, %get3A_167 : vector<16xf32>
    %get3A_169 = arith.constant 23 : i32
    %get3A_170 = arith.index_cast %get3A_169 : i32 to index
    %get3A_171 = arith.constant 0 : index
    %get3A_172 = tpu.vector_load %arg10[%get3A_170, %get3A_171] {strides = array<i32>} : memref<26x64xf32, #tpu.memory_space<vmem>>, vector<1x16xf32>,
    %get3A_173 = vector.shape_cast %get3A_172 : vector<1x16xf32> to vector<16xf32>
    %add3A_174 = arith.addf %add3A_168, %get3A_173 : vector<16xf32>
    %get3A_175 = arith.constant 24 : i32
    %get3A_176 = arith.index_cast %get3A_175 : i32 to index
    %get3A_177 = arith.constant 0 : index
    %get3A_178 = tpu.vector_load %arg10[%get3A_176, %get3A_177] {strides = array<i32>} : memref<26x64xf32, #tpu.memory_space<vmem>>, vector<1x16xf32>,
    %get3A_179 = vector.shape_cast %get3A_178 : vector<1x16xf32> to vector<16xf32>
    %add3A_180 = arith.addf %add3A_174, %get3A_179 : vector<16xf32>
    %get3A_181 = arith.constant 25 : i32
    %get3A_182 = arith.index_cast %get3A_181 : i32 to index
    %get3A_183 = arith.constant 0 : index
    %get3A_184 = tpu.vector_load %arg10[%get3A_182, %get3A_183] {strides = array<i32>} : memref<26x64xf32, #tpu.memory_space<vmem>>, vector<1x16xf32>,
    %get3A_185 = vector.shape_cast %get3A_184 : vector<1x16xf32> to vector<16xf32>
    %add3A_186 = arith.addf %add3A_180, %get3A_185 : vector<16xf32>
    %swap3A = arith.constant 0 : index
    %swap3A_187 = tpu.vector_load %arg11[%swap3A] {strides = array<i32>} : memref<64xf32, #tpu.memory_space<vmem>>, vector<16xf32>,
    %swap3A_188 = vector.shape_cast %swap3A_187 : vector<16xf32> to vector<16xf32>
    %swap3A_189 = vector.shape_cast %add3A_186 : vector<16xf32> to vector<16xf32>
    tpu.vector_store %arg11[%swap3A], %swap3A_189 {strides = array<i32>} : memref<64xf32, #tpu.memory_space<vmem>>, vector<16xf32>,
    %broadcast_in_dim3A_190 = arith.constant 0.000000e+00 : f32
    %broadcast_in_dim3A_191 = vector.broadcast %broadcast_in_dim3A_190 : f32 to vector<16xf32>
    %get3A_192 = arith.constant 0 : i32
    %get3A_193 = arith.index_cast %get3A_192 : i32 to index
    %get3A_194 = arith.constant 16 : index
    %get3A_195 = tpu.vector_load %arg10[%get3A_193, %get3A_194] {strides = array<i32>} : memref<26x64xf32, #tpu.memory_space<vmem>>, vector<1x16xf32>,
    %get3A_196 = vector.shape_cast %get3A_195 : vector<1x16xf32> to vector<16xf32>
    %add3A_197 = arith.addf %broadcast_in_dim3A_191, %get3A_196 : vector<16xf32>
    %get3A_198 = arith.constant 1 : i32
    %get3A_199 = arith.index_cast %get3A_198 : i32 to index
    %get3A_200 = arith.constant 16 : index
    %get3A_201 = tpu.vector_load %arg10[%get3A_199, %get3A_200] {strides = array<i32>} : memref<26x64xf32, #tpu.memory_space<vmem>>, vector<1x16xf32>,
    %get3A_202 = vector.shape_cast %get3A_201 : vector<1x16xf32> to vector<16xf32>
    %add3A_203 = arith.addf %add3A_197, %get3A_202 : vector<16xf32>
    %get3A_204 = arith.constant 2 : i32
    %get3A_205 = arith.index_cast %get3A_204 : i32 to index
    %get3A_206 = arith.constant 16 : index
    %get3A_207 = tpu.vector_load %arg10[%get3A_205, %get3A_206] {strides = array<i32>} : memref<26x64xf32, #tpu.memory_space<vmem>>, vector<1x16xf32>,
    %get3A_208 = vector.shape_cast %get3A_207 : vector<1x16xf32> to vector<16xf32>
    %add3A_209 = arith.addf %add3A_203, %get3A_208 : vector<16xf32>
    %get3A_210 = arith.constant 3 : i32
    %get3A_211 = arith.index_cast %get3A_210 : i32 to index
    %get3A_212 = arith.constant 16 : index
    %get3A_213 = tpu.vector_load %arg10[%get3A_211, %get3A_212] {strides = array<i32>} : memref<26x64xf32, #tpu.memory_space<vmem>>, vector<1x16xf32>,
    %get3A_214 = vector.shape_cast %get3A_213 : vector<1x16xf32> to vector<16xf32>
    %add3A_215 = arith.addf %add3A_209, %get3A_214 : vector<16xf32>
    %get3A_216 = arith.constant 4 : i32
    %get3A_217 = arith.index_cast %get3A_216 : i32 to index
    %get3A_218 = arith.constant 16 : index
    %get3A_219 = tpu.vector_load %arg10[%get3A_217, %get3A_218] {strides = array<i32>} : memref<26x64xf32, #tpu.memory_space<vmem>>, vector<1x16xf32>,
    %get3A_220 = vector.shape_cast %get3A_219 : vector<1x16xf32> to vector<16xf32>
    %add3A_221 = arith.addf %add3A_215, %get3A_220 : vector<16xf32>
    %get3A_222 = arith.constant 5 : i32
    %get3A_223 = arith.index_cast %get3A_222 : i32 to index
    %get3A_224 = arith.constant 16 : index
    %get3A_225 = tpu.vector_load %arg10[%get3A_223, %get3A_224] {strides = array<i32>} : memref<26x64xf32, #tpu.memory_space<vmem>>, vector<1x16xf32>,
    %get3A_226 = vector.shape_cast %get3A_225 : vector<1x16xf32> to vector<16xf32>
    %add3A_227 = arith.addf %add3A_221, %get3A_226 : vector<16xf32>
    %get3A_228 = arith.constant 6 : i32
    %get3A_229 = arith.index_cast %get3A_228 : i32 to index
    %get3A_230 = arith.constant 16 : index
    %get3A_231 = tpu.vector_load %arg10[%get3A_229, %get3A_230] {strides = array<i32>} : memref<26x64xf32, #tpu.memory_space<vmem>>, vector<1x16xf32>,
    %get3A_232 = vector.shape_cast %get3A_231 : vector<1x16xf32> to vector<16xf32>
    %add3A_233 = arith.addf %add3A_227, %get3A_232 : vector<16xf32>
    %get3A_234 = arith.constant 7 : i32
    %get3A_235 = arith.index_cast %get3A_234 : i32 to index
    %get3A_236 = arith.constant 16 : index
    %get3A_237 = tpu.vector_load %arg10[%get3A_235, %get3A_236] {strides = array<i32>} : memref<26x64xf32, #tpu.memory_space<vmem>>, vector<1x16xf32>,
    %get3A_238 = vector.shape_cast %get3A_237 : vector<1x16xf32> to vector<16xf32>
    %add3A_239 = arith.addf %add3A_233, %get3A_238 : vector<16xf32>
    %get3A_240 = arith.constant 8 : i32
    %get3A_241 = arith.index_cast %get3A_240 : i32 to index
    %get3A_242 = arith.constant 16 : index
    %get3A_243 = tpu.vector_load %arg10[%get3A_241, %get3A_242] {strides = array<i32>} : memref<26x64xf32, #tpu.memory_space<vmem>>, vector<1x16xf32>,
    %get3A_244 = vector.shape_cast %get3A_243 : vector<1x16xf32> to vector<16xf32>
    %add3A_245 = arith.addf %add3A_239, %get3A_244 : vector<16xf32>
    %get3A_246 = arith.constant 9 : i32
    %get3A_247 = arith.index_cast %get3A_246 : i32 to index
    %get3A_248 = arith.constant 16 : index
    %get3A_249 = tpu.vector_load %arg10[%get3A_247, %get3A_248] {strides = array<i32>} : memref<26x64xf32, #tpu.memory_space<vmem>>, vector<1x16xf32>,
    %get3A_250 = vector.shape_cast %get3A_249 : vector<1x16xf32> to vector<16xf32>
    %add3A_251 = arith.addf %add3A_245, %get3A_250 : vector<16xf32>
    %get3A_252 = arith.constant 10 : i32
    %get3A_253 = arith.index_cast %get3A_252 : i32 to index
    %get3A_254 = arith.constant 16 : index
    %get3A_255 = tpu.vector_load %arg10[%get3A_253, %get3A_254] {strides = array<i32>} : memref<26x64xf32, #tpu.memory_space<vmem>>, vector<1x16xf32>,
    %get3A_256 = vector.shape_cast %get3A_255 : vector<1x16xf32> to vector<16xf32>
    %add3A_257 = arith.addf %add3A_251, %get3A_256 : vector<16xf32>
    %get3A_258 = arith.constant 11 : i32
    %get3A_259 = arith.index_cast %get3A_258 : i32 to index
    %get3A_260 = arith.constant 16 : index
    %get3A_261 = tpu.vector_load %arg10[%get3A_259, %get3A_260] {strides = array<i32>} : memref<26x64xf32, #tpu.memory_space<vmem>>, vector<1x16xf32>,
    %get3A_262 = vector.shape_cast %get3A_261 : vector<1x16xf32> to vector<16xf32>
    %add3A_263 = arith.addf %add3A_257, %get3A_262 : vector<16xf32>
    %get3A_264 = arith.constant 12 : i32
    %get3A_265 = arith.index_cast %get3A_264 : i32 to index
    %get3A_266 = arith.constant 16 : index
    %get3A_267 = tpu.vector_load %arg10[%get3A_265, %get3A_266] {strides = array<i32>} : memref<26x64xf32, #tpu.memory_space<vmem>>, vector<1x16xf32>,
    %get3A_268 = vector.shape_cast %get3A_267 : vector<1x16xf32> to vector<16xf32>
    %add3A_269 = arith.addf %add3A_263, %get3A_268 : vector<16xf32>
    %get3A_270 = arith.constant 13 : i32
    %get3A_271 = arith.index_cast %get3A_270 : i32 to index
    %get3A_272 = arith.constant 16 : index
    %get3A_273 = tpu.vector_load %arg10[%get3A_271, %get3A_272] {strides = array<i32>} : memref<26x64xf32, #tpu.memory_space<vmem>>, vector<1x16xf32>,
    %get3A_274 = vector.shape_cast %get3A_273 : vector<1x16xf32> to vector<16xf32>
    %add3A_275 = arith.addf %add3A_269, %get3A_274 : vector<16xf32>
    %get3A_276 = arith.constant 14 : i32
    %get3A_277 = arith.index_cast %get3A_276 : i32 to index
    %get3A_278 = arith.constant 16 : index
    %get3A_279 = tpu.vector_load %arg10[%get3A_277, %get3A_278] {strides = array<i32>} : memref<26x64xf32, #tpu.memory_space<vmem>>, vector<1x16xf32>,
    %get3A_280 = vector.shape_cast %get3A_279 : vector<1x16xf32> to vector<16xf32>
    %add3A_281 = arith.addf %add3A_275, %get3A_280 : vector<16xf32>
    %get3A_282 = arith.constant 15 : i32
    %get3A_283 = arith.index_cast %get3A_282 : i32 to index
    %get3A_284 = arith.constant 16 : index
    %get3A_285 = tpu.vector_load %arg10[%get3A_283, %get3A_284] {strides = array<i32>} : memref<26x64xf32, #tpu.memory_space<vmem>>, vector<1x16xf32>,
    %get3A_286 = vector.shape_cast %get3A_285 : vector<1x16xf32> to vector<16xf32>
    %add3A_287 = arith.addf %add3A_281, %get3A_286 : vector<16xf32>
    %get3A_288 = arith.constant 16 : i32
    %get3A_289 = arith.index_cast %get3A_288 : i32 to index
    %get3A_290 = arith.constant 16 : index
    %get3A_291 = tpu.vector_load %arg10[%get3A_289, %get3A_290] {strides = array<i32>} : memref<26x64xf32, #tpu.memory_space<vmem>>, vector<1x16xf32>,
    %get3A_292 = vector.shape_cast %get3A_291 : vector<1x16xf32> to vector<16xf32>
    %add3A_293 = arith.addf %add3A_287, %get3A_292 : vector<16xf32>
    %get3A_294 = arith.constant 17 : i32
    %get3A_295 = arith.index_cast %get3A_294 : i32 to index
    %get3A_296 = arith.constant 16 : index
    %get3A_297 = tpu.vector_load %arg10[%get3A_295, %get3A_296] {strides = array<i32>} : memref<26x64xf32, #tpu.memory_space<vmem>>, vector<1x16xf32>,
    %get3A_298 = vector.shape_cast %get3A_297 : vector<1x16xf32> to vector<16xf32>
    %add3A_299 = arith.addf %add3A_293, %get3A_298 : vector<16xf32>
    %get3A_300 = arith.constant 18 : i32
    %get3A_301 = arith.index_cast %get3A_300 : i32 to index
    %get3A_302 = arith.constant 16 : index
    %get3A_303 = tpu.vector_load %arg10[%get3A_301, %get3A_302] {strides = array<i32>} : memref<26x64xf32, #tpu.memory_space<vmem>>, vector<1x16xf32>,
    %get3A_304 = vector.shape_cast %get3A_303 : vector<1x16xf32> to vector<16xf32>
    %add3A_305 = arith.addf %add3A_299, %get3A_304 : vector<16xf32>
    %get3A_306 = arith.constant 19 : i32
    %get3A_307 = arith.index_cast %get3A_306 : i32 to index
    %get3A_308 = arith.constant 16 : index
    %get3A_309 = tpu.vector_load %arg10[%get3A_307, %get3A_308] {strides = array<i32>} : memref<26x64xf32, #tpu.memory_space<vmem>>, vector<1x16xf32>,
    %get3A_310 = vector.shape_cast %get3A_309 : vector<1x16xf32> to vector<16xf32>
    %add3A_311 = arith.addf %add3A_305, %get3A_310 : vector<16xf32>
    %get3A_312 = arith.constant 20 : i32
    %get3A_313 = arith.index_cast %get3A_312 : i32 to index
    %get3A_314 = arith.constant 16 : index
    %get3A_315 = tpu.vector_load %arg10[%get3A_313, %get3A_314] {strides = array<i32>} : memref<26x64xf32, #tpu.memory_space<vmem>>, vector<1x16xf32>,
    %get3A_316 = vector.shape_cast %get3A_315 : vector<1x16xf32> to vector<16xf32>
    %add3A_317 = arith.addf %add3A_311, %get3A_316 : vector<16xf32>
    %get3A_318 = arith.constant 21 : i32
    %get3A_319 = arith.index_cast %get3A_318 : i32 to index
    %get3A_320 = arith.constant 16 : index
    %get3A_321 = tpu.vector_load %arg10[%get3A_319, %get3A_320] {strides = array<i32>} : memref<26x64xf32, #tpu.memory_space<vmem>>, vector<1x16xf32>,
    %get3A_322 = vector.shape_cast %get3A_321 : vector<1x16xf32> to vector<16xf32>
    %add3A_323 = arith.addf %add3A_317, %get3A_322 : vector<16xf32>
    %get3A_324 = arith.constant 22 : i32
    %get3A_325 = arith.index_cast %get3A_324 : i32 to index
    %get3A_326 = arith.constant 16 : index
    %get3A_327 = tpu.vector_load %arg10[%get3A_325, %get3A_326] {strides = array<i32>} : memref<26x64xf32, #tpu.memory_space<vmem>>, vector<1x16xf32>,
    %get3A_328 = vector.shape_cast %get3A_327 : vector<1x16xf32> to vector<16xf32>
    %add3A_329 = arith.addf %add3A_323, %get3A_328 : vector<16xf32>
    %get3A_330 = arith.constant 23 : i32
    %get3A_331 = arith.index_cast %get3A_330 : i32 to index
    %get3A_332 = arith.constant 16 : index
    %get3A_333 = tpu.vector_load %arg10[%get3A_331, %get3A_332] {strides = array<i32>} : memref<26x64xf32, #tpu.memory_space<vmem>>, vector<1x16xf32>,
    %get3A_334 = vector.shape_cast %get3A_333 : vector<1x16xf32> to vector<16xf32>
    %add3A_335 = arith.addf %add3A_329, %get3A_334 : vector<16xf32>
    %get3A_336 = arith.constant 24 : i32
    %get3A_337 = arith.index_cast %get3A_336 : i32 to index
    %get3A_338 = arith.constant 16 : index
    %get3A_339 = tpu.vector_load %arg10[%get3A_337, %get3A_338] {strides = array<i32>} : memref<26x64xf32, #tpu.memory_space<vmem>>, vector<1x16xf32>,
    %get3A_340 = vector.shape_cast %get3A_339 : vector<1x16xf32> to vector<16xf32>
    %add3A_341 = arith.addf %add3A_335, %get3A_340 : vector<16xf32>
    %get3A_342 = arith.constant 25 : i32
    %get3A_343 = arith.index_cast %get3A_342 : i32 to index
    %get3A_344 = arith.constant 16 : index
    %get3A_345 = tpu.vector_load %arg10[%get3A_343, %get3A_344] {strides = array<i32>} : memref<26x64xf32, #tpu.memory_space<vmem>>, vector<1x16xf32>,
    %get3A_346 = vector.shape_cast %get3A_345 : vector<1x16xf32> to vector<16xf32>
    %add3A_347 = arith.addf %add3A_341, %get3A_346 : vector<16xf32>
    %swap3A_348 = arith.constant 16 : index
    %swap3A_349 = tpu.vector_load %arg11[%swap3A_348] {strides = array<i32>} : memref<64xf32, #tpu.memory_space<vmem>>, vector<16xf32>,
    %swap3A_350 = vector.shape_cast %swap3A_349 : vector<16xf32> to vector<16xf32>
    %swap3A_351 = vector.shape_cast %add3A_347 : vector<16xf32> to vector<16xf32>
    tpu.vector_store %arg11[%swap3A_348], %swap3A_351 {strides = array<i32>} : memref<64xf32, #tpu.memory_space<vmem>>, vector<16xf32>,
    %broadcast_in_dim3A_352 = arith.constant 0.000000e+00 : f32
    %broadcast_in_dim3A_353 = vector.broadcast %broadcast_in_dim3A_352 : f32 to vector<16xf32>
    %get3A_354 = arith.constant 0 : i32
    %get3A_355 = arith.index_cast %get3A_354 : i32 to index
    %get3A_356 = arith.constant 32 : index
    %get3A_357 = tpu.vector_load %arg10[%get3A_355, %get3A_356] {strides = array<i32>} : memref<26x64xf32, #tpu.memory_space<vmem>>, vector<1x16xf32>,
    %get3A_358 = vector.shape_cast %get3A_357 : vector<1x16xf32> to vector<16xf32>
    %add3A_359 = arith.addf %broadcast_in_dim3A_353, %get3A_358 : vector<16xf32>
    %get3A_360 = arith.constant 1 : i32
    %get3A_361 = arith.index_cast %get3A_360 : i32 to index
    %get3A_362 = arith.constant 32 : index
    %get3A_363 = tpu.vector_load %arg10[%get3A_361, %get3A_362] {strides = array<i32>} : memref<26x64xf32, #tpu.memory_space<vmem>>, vector<1x16xf32>,
    %get3A_364 = vector.shape_cast %get3A_363 : vector<1x16xf32> to vector<16xf32>
    %add3A_365 = arith.addf %add3A_359, %get3A_364 : vector<16xf32>
    %get3A_366 = arith.constant 2 : i32
    %get3A_367 = arith.index_cast %get3A_366 : i32 to index
    %get3A_368 = arith.constant 32 : index
    %get3A_369 = tpu.vector_load %arg10[%get3A_367, %get3A_368] {strides = array<i32>} : memref<26x64xf32, #tpu.memory_space<vmem>>, vector<1x16xf32>,
    %get3A_370 = vector.shape_cast %get3A_369 : vector<1x16xf32> to vector<16xf32>
    %add3A_371 = arith.addf %add3A_365, %get3A_370 : vector<16xf32>
    %get3A_372 = arith.constant 3 : i32
    %get3A_373 = arith.index_cast %get3A_372 : i32 to index
    %get3A_374 = arith.constant 32 : index
    %get3A_375 = tpu.vector_load %arg10[%get3A_373, %get3A_374] {strides = array<i32>} : memref<26x64xf32, #tpu.memory_space<vmem>>, vector<1x16xf32>,
    %get3A_376 = vector.shape_cast %get3A_375 : vector<1x16xf32> to vector<16xf32>
    %add3A_377 = arith.addf %add3A_371, %get3A_376 : vector<16xf32>
    %get3A_378 = arith.constant 4 : i32
    %get3A_379 = arith.index_cast %get3A_378 : i32 to index
    %get3A_380 = arith.constant 32 : index
    %get3A_381 = tpu.vector_load %arg10[%get3A_379, %get3A_380] {strides = array<i32>} : memref<26x64xf32, #tpu.memory_space<vmem>>, vector<1x16xf32>,
    %get3A_382 = vector.shape_cast %get3A_381 : vector<1x16xf32> to vector<16xf32>
    %add3A_383 = arith.addf %add3A_377, %get3A_382 : vector<16xf32>
    %get3A_384 = arith.constant 5 : i32
    %get3A_385 = arith.index_cast %get3A_384 : i32 to index
    %get3A_386 = arith.constant 32 : index
    %get3A_387 = tpu.vector_load %arg10[%get3A_385, %get3A_386] {strides = array<i32>} : memref<26x64xf32, #tpu.memory_space<vmem>>, vector<1x16xf32>,
    %get3A_388 = vector.shape_cast %get3A_387 : vector<1x16xf32> to vector<16xf32>
    %add3A_389 = arith.addf %add3A_383, %get3A_388 : vector<16xf32>
    %get3A_390 = arith.constant 6 : i32
    %get3A_391 = arith.index_cast %get3A_390 : i32 to index
    %get3A_392 = arith.constant 32 : index
    %get3A_393 = tpu.vector_load %arg10[%get3A_391, %get3A_392] {strides = array<i32>} : memref<26x64xf32, #tpu.memory_space<vmem>>, vector<1x16xf32>,
    %get3A_394 = vector.shape_cast %get3A_393 : vector<1x16xf32> to vector<16xf32>
    %add3A_395 = arith.addf %add3A_389, %get3A_394 : vector<16xf32>
    %get3A_396 = arith.constant 7 : i32
    %get3A_397 = arith.index_cast %get3A_396 : i32 to index
    %get3A_398 = arith.constant 32 : index
    %get3A_399 = tpu.vector_load %arg10[%get3A_397, %get3A_398] {strides = array<i32>} : memref<26x64xf32, #tpu.memory_space<vmem>>, vector<1x16xf32>,
    %get3A_400 = vector.shape_cast %get3A_399 : vector<1x16xf32> to vector<16xf32>
    %add3A_401 = arith.addf %add3A_395, %get3A_400 : vector<16xf32>
    %get3A_402 = arith.constant 8 : i32
    %get3A_403 = arith.index_cast %get3A_402 : i32 to index
    %get3A_404 = arith.constant 32 : index
    %get3A_405 = tpu.vector_load %arg10[%get3A_403, %get3A_404] {strides = array<i32>} : memref<26x64xf32, #tpu.memory_space<vmem>>, vector<1x16xf32>,
    %get3A_406 = vector.shape_cast %get3A_405 : vector<1x16xf32> to vector<16xf32>
    %add3A_407 = arith.addf %add3A_401, %get3A_406 : vector<16xf32>
    %get3A_408 = arith.constant 9 : i32
    %get3A_409 = arith.index_cast %get3A_408 : i32 to index
    %get3A_410 = arith.constant 32 : index
    %get3A_411 = tpu.vector_load %arg10[%get3A_409, %get3A_410] {strides = array<i32>} : memref<26x64xf32, #tpu.memory_space<vmem>>, vector<1x16xf32>,
    %get3A_412 = vector.shape_cast %get3A_411 : vector<1x16xf32> to vector<16xf32>
    %add3A_413 = arith.addf %add3A_407, %get3A_412 : vector<16xf32>
    %get3A_414 = arith.constant 10 : i32
    %get3A_415 = arith.index_cast %get3A_414 : i32 to index
    %get3A_416 = arith.constant 32 : index
    %get3A_417 = tpu.vector_load %arg10[%get3A_415, %get3A_416] {strides = array<i32>} : memref<26x64xf32, #tpu.memory_space<vmem>>, vector<1x16xf32>,
    %get3A_418 = vector.shape_cast %get3A_417 : vector<1x16xf32> to vector<16xf32>
    %add3A_419 = arith.addf %add3A_413, %get3A_418 : vector<16xf32>
    %get3A_420 = arith.constant 11 : i32
    %get3A_421 = arith.index_cast %get3A_420 : i32 to index
    %get3A_422 = arith.constant 32 : index
    %get3A_423 = tpu.vector_load %arg10[%get3A_421, %get3A_422] {strides = array<i32>} : memref<26x64xf32, #tpu.memory_space<vmem>>, vector<1x16xf32>,
    %get3A_424 = vector.shape_cast %get3A_423 : vector<1x16xf32> to vector<16xf32>
    %add3A_425 = arith.addf %add3A_419, %get3A_424 : vector<16xf32>
    %get3A_426 = arith.constant 12 : i32
    %get3A_427 = arith.index_cast %get3A_426 : i32 to index
    %get3A_428 = arith.constant 32 : index
    %get3A_429 = tpu.vector_load %arg10[%get3A_427, %get3A_428] {strides = array<i32>} : memref<26x64xf32, #tpu.memory_space<vmem>>, vector<1x16xf32>,
    %get3A_430 = vector.shape_cast %get3A_429 : vector<1x16xf32> to vector<16xf32>
    %add3A_431 = arith.addf %add3A_425, %get3A_430 : vector<16xf32>
    %get3A_432 = arith.constant 13 : i32
    %get3A_433 = arith.index_cast %get3A_432 : i32 to index
    %get3A_434 = arith.constant 32 : index
    %get3A_435 = tpu.vector_load %arg10[%get3A_433, %get3A_434] {strides = array<i32>} : memref<26x64xf32, #tpu.memory_space<vmem>>, vector<1x16xf32>,
    %get3A_436 = vector.shape_cast %get3A_435 : vector<1x16xf32> to vector<16xf32>
    %add3A_437 = arith.addf %add3A_431, %get3A_436 : vector<16xf32>
    %get3A_438 = arith.constant 14 : i32
    %get3A_439 = arith.index_cast %get3A_438 : i32 to index
    %get3A_440 = arith.constant 32 : index
    %get3A_441 = tpu.vector_load %arg10[%get3A_439, %get3A_440] {strides = array<i32>} : memref<26x64xf32, #tpu.memory_space<vmem>>, vector<1x16xf32>,
    %get3A_442 = vector.shape_cast %get3A_441 : vector<1x16xf32> to vector<16xf32>
    %add3A_443 = arith.addf %add3A_437, %get3A_442 : vector<16xf32>
    %get3A_444 = arith.constant 15 : i32
    %get3A_445 = arith.index_cast %get3A_444 : i32 to index
    %get3A_446 = arith.constant 32 : index
    %get3A_447 = tpu.vector_load %arg10[%get3A_445, %get3A_446] {strides = array<i32>} : memref<26x64xf32, #tpu.memory_space<vmem>>, vector<1x16xf32>,
    %get3A_448 = vector.shape_cast %get3A_447 : vector<1x16xf32> to vector<16xf32>
    %add3A_449 = arith.addf %add3A_443, %get3A_448 : vector<16xf32>
    %get3A_450 = arith.constant 16 : i32
    %get3A_451 = arith.index_cast %get3A_450 : i32 to index
    %get3A_452 = arith.constant 32 : index
    %get3A_453 = tpu.vector_load %arg10[%get3A_451, %get3A_452] {strides = array<i32>} : memref<26x64xf32, #tpu.memory_space<vmem>>, vector<1x16xf32>,
    %get3A_454 = vector.shape_cast %get3A_453 : vector<1x16xf32> to vector<16xf32>
    %add3A_455 = arith.addf %add3A_449, %get3A_454 : vector<16xf32>
    %get3A_456 = arith.constant 17 : i32
    %get3A_457 = arith.index_cast %get3A_456 : i32 to index
    %get3A_458 = arith.constant 32 : index
    %get3A_459 = tpu.vector_load %arg10[%get3A_457, %get3A_458] {strides = array<i32>} : memref<26x64xf32, #tpu.memory_space<vmem>>, vector<1x16xf32>,
    %get3A_460 = vector.shape_cast %get3A_459 : vector<1x16xf32> to vector<16xf32>
    %add3A_461 = arith.addf %add3A_455, %get3A_460 : vector<16xf32>
    %get3A_462 = arith.constant 18 : i32
    %get3A_463 = arith.index_cast %get3A_462 : i32 to index
    %get3A_464 = arith.constant 32 : index
    %get3A_465 = tpu.vector_load %arg10[%get3A_463, %get3A_464] {strides = array<i32>} : memref<26x64xf32, #tpu.memory_space<vmem>>, vector<1x16xf32>,
    %get3A_466 = vector.shape_cast %get3A_465 : vector<1x16xf32> to vector<16xf32>
    %add3A_467 = arith.addf %add3A_461, %get3A_466 : vector<16xf32>
    %get3A_468 = arith.constant 19 : i32
    %get3A_469 = arith.index_cast %get3A_468 : i32 to index
    %get3A_470 = arith.constant 32 : index
    %get3A_471 = tpu.vector_load %arg10[%get3A_469, %get3A_470] {strides = array<i32>} : memref<26x64xf32, #tpu.memory_space<vmem>>, vector<1x16xf32>,
    %get3A_472 = vector.shape_cast %get3A_471 : vector<1x16xf32> to vector<16xf32>
    %add3A_473 = arith.addf %add3A_467, %get3A_472 : vector<16xf32>
    %get3A_474 = arith.constant 20 : i32
    %get3A_475 = arith.index_cast %get3A_474 : i32 to index
    %get3A_476 = arith.constant 32 : index
    %get3A_477 = tpu.vector_load %arg10[%get3A_475, %get3A_476] {strides = array<i32>} : memref<26x64xf32, #tpu.memory_space<vmem>>, vector<1x16xf32>,
    %get3A_478 = vector.shape_cast %get3A_477 : vector<1x16xf32> to vector<16xf32>
    %add3A_479 = arith.addf %add3A_473, %get3A_478 : vector<16xf32>
    %get3A_480 = arith.constant 21 : i32
    %get3A_481 = arith.index_cast %get3A_480 : i32 to index
    %get3A_482 = arith.constant 32 : index
    %get3A_483 = tpu.vector_load %arg10[%get3A_481, %get3A_482] {strides = array<i32>} : memref<26x64xf32, #tpu.memory_space<vmem>>, vector<1x16xf32>,
    %get3A_484 = vector.shape_cast %get3A_483 : vector<1x16xf32> to vector<16xf32>
    %add3A_485 = arith.addf %add3A_479, %get3A_484 : vector<16xf32>
    %get3A_486 = arith.constant 22 : i32
    %get3A_487 = arith.index_cast %get3A_486 : i32 to index
    %get3A_488 = arith.constant 32 : index
    %get3A_489 = tpu.vector_load %arg10[%get3A_487, %get3A_488] {strides = array<i32>} : memref<26x64xf32, #tpu.memory_space<vmem>>, vector<1x16xf32>,
    %get3A_490 = vector.shape_cast %get3A_489 : vector<1x16xf32> to vector<16xf32>
    %add3A_491 = arith.addf %add3A_485, %get3A_490 : vector<16xf32>
    %get3A_492 = arith.constant 23 : i32
    %get3A_493 = arith.index_cast %get3A_492 : i32 to index
    %get3A_494 = arith.constant 32 : index
    %get3A_495 = tpu.vector_load %arg10[%get3A_493, %get3A_494] {strides = array<i32>} : memref<26x64xf32, #tpu.memory_space<vmem>>, vector<1x16xf32>,
    %get3A_496 = vector.shape_cast %get3A_495 : vector<1x16xf32> to vector<16xf32>
    %add3A_497 = arith.addf %add3A_491, %get3A_496 : vector<16xf32>
    %get3A_498 = arith.constant 24 : i32
    %get3A_499 = arith.index_cast %get3A_498 : i32 to index
    %get3A_500 = arith.constant 32 : index
    %get3A_501 = tpu.vector_load %arg10[%get3A_499, %get3A_500] {strides = array<i32>} : memref<26x64xf32, #tpu.memory_space<vmem>>, vector<1x16xf32>,
    %get3A_502 = vector.shape_cast %get3A_501 : vector<1x16xf32> to vector<16xf32>
    %add3A_503 = arith.addf %add3A_497, %get3A_502 : vector<16xf32>
    %get3A_504 = arith.constant 25 : i32
    %get3A_505 = arith.index_cast %get3A_504 : i32 to index
    %get3A_506 = arith.constant 32 : index
    %get3A_507 = tpu.vector_load %arg10[%get3A_505, %get3A_506] {strides = array<i32>} : memref<26x64xf32, #tpu.memory_space<vmem>>, vector<1x16xf32>,
    %get3A_508 = vector.shape_cast %get3A_507 : vector<1x16xf32> to vector<16xf32>
    %add3A_509 = arith.addf %add3A_503, %get3A_508 : vector<16xf32>
    %swap3A_510 = arith.constant 32 : index
    %swap3A_511 = tpu.vector_load %arg11[%swap3A_510] {strides = array<i32>} : memref<64xf32, #tpu.memory_space<vmem>>, vector<16xf32>,
    %swap3A_512 = vector.shape_cast %swap3A_511 : vector<16xf32> to vector<16xf32>
    %swap3A_513 = vector.shape_cast %add3A_509 : vector<16xf32> to vector<16xf32>
    tpu.vector_store %arg11[%swap3A_510], %swap3A_513 {strides = array<i32>} : memref<64xf32, #tpu.memory_space<vmem>>, vector<16xf32>,
    %broadcast_in_dim3A_514 = arith.constant 0.000000e+00 : f32
    %broadcast_in_dim3A_515 = vector.broadcast %broadcast_in_dim3A_514 : f32 to vector<16xf32>
    %get3A_516 = arith.constant 0 : i32
    %get3A_517 = arith.index_cast %get3A_516 : i32 to index
    %get3A_518 = arith.constant 48 : index
    %get3A_519 = tpu.vector_load %arg10[%get3A_517, %get3A_518] {strides = array<i32>} : memref<26x64xf32, #tpu.memory_space<vmem>>, vector<1x16xf32>,
    %get3A_520 = vector.shape_cast %get3A_519 : vector<1x16xf32> to vector<16xf32>
    %add3A_521 = arith.addf %broadcast_in_dim3A_515, %get3A_520 : vector<16xf32>
    %get3A_522 = arith.constant 1 : i32
    %get3A_523 = arith.index_cast %get3A_522 : i32 to index
    %get3A_524 = arith.constant 48 : index
    %get3A_525 = tpu.vector_load %arg10[%get3A_523, %get3A_524] {strides = array<i32>} : memref<26x64xf32, #tpu.memory_space<vmem>>, vector<1x16xf32>,
    %get3A_526 = vector.shape_cast %get3A_525 : vector<1x16xf32> to vector<16xf32>
    %add3A_527 = arith.addf %add3A_521, %get3A_526 : vector<16xf32>
    %get3A_528 = arith.constant 2 : i32
    %get3A_529 = arith.index_cast %get3A_528 : i32 to index
    %get3A_530 = arith.constant 48 : index
    %get3A_531 = tpu.vector_load %arg10[%get3A_529, %get3A_530] {strides = array<i32>} : memref<26x64xf32, #tpu.memory_space<vmem>>, vector<1x16xf32>,
    %get3A_532 = vector.shape_cast %get3A_531 : vector<1x16xf32> to vector<16xf32>
    %add3A_533 = arith.addf %add3A_527, %get3A_532 : vector<16xf32>
    %get3A_534 = arith.constant 3 : i32
    %get3A_535 = arith.index_cast %get3A_534 : i32 to index
    %get3A_536 = arith.constant 48 : index
    %get3A_537 = tpu.vector_load %arg10[%get3A_535, %get3A_536] {strides = array<i32>} : memref<26x64xf32, #tpu.memory_space<vmem>>, vector<1x16xf32>,
    %get3A_538 = vector.shape_cast %get3A_537 : vector<1x16xf32> to vector<16xf32>
    %add3A_539 = arith.addf %add3A_533, %get3A_538 : vector<16xf32>
    %get3A_540 = arith.constant 4 : i32
    %get3A_541 = arith.index_cast %get3A_540 : i32 to index
    %get3A_542 = arith.constant 48 : index
    %get3A_543 = tpu.vector_load %arg10[%get3A_541, %get3A_542] {strides = array<i32>} : memref<26x64xf32, #tpu.memory_space<vmem>>, vector<1x16xf32>,
    %get3A_544 = vector.shape_cast %get3A_543 : vector<1x16xf32> to vector<16xf32>
    %add3A_545 = arith.addf %add3A_539, %get3A_544 : vector<16xf32>
    %get3A_546 = arith.constant 5 : i32
    %get3A_547 = arith.index_cast %get3A_546 : i32 to index
    %get3A_548 = arith.constant 48 : index
    %get3A_549 = tpu.vector_load %arg10[%get3A_547, %get3A_548] {strides = array<i32>} : memref<26x64xf32, #tpu.memory_space<vmem>>, vector<1x16xf32>,
    %get3A_550 = vector.shape_cast %get3A_549 : vector<1x16xf32> to vector<16xf32>
    %add3A_551 = arith.addf %add3A_545, %get3A_550 : vector<16xf32>
    %get3A_552 = arith.constant 6 : i32
    %get3A_553 = arith.index_cast %get3A_552 : i32 to index
    %get3A_554 = arith.constant 48 : index
    %get3A_555 = tpu.vector_load %arg10[%get3A_553, %get3A_554] {strides = array<i32>} : memref<26x64xf32, #tpu.memory_space<vmem>>, vector<1x16xf32>,
    %get3A_556 = vector.shape_cast %get3A_555 : vector<1x16xf32> to vector<16xf32>
    %add3A_557 = arith.addf %add3A_551, %get3A_556 : vector<16xf32>
    %get3A_558 = arith.constant 7 : i32
    %get3A_559 = arith.index_cast %get3A_558 : i32 to index
    %get3A_560 = arith.constant 48 : index
    %get3A_561 = tpu.vector_load %arg10[%get3A_559, %get3A_560] {strides = array<i32>} : memref<26x64xf32, #tpu.memory_space<vmem>>, vector<1x16xf32>,
    %get3A_562 = vector.shape_cast %get3A_561 : vector<1x16xf32> to vector<16xf32>
    %add3A_563 = arith.addf %add3A_557, %get3A_562 : vector<16xf32>
    %get3A_564 = arith.constant 8 : i32
    %get3A_565 = arith.index_cast %get3A_564 : i32 to index
    %get3A_566 = arith.constant 48 : index
    %get3A_567 = tpu.vector_load %arg10[%get3A_565, %get3A_566] {strides = array<i32>} : memref<26x64xf32, #tpu.memory_space<vmem>>, vector<1x16xf32>,
    %get3A_568 = vector.shape_cast %get3A_567 : vector<1x16xf32> to vector<16xf32>
    %add3A_569 = arith.addf %add3A_563, %get3A_568 : vector<16xf32>
    %get3A_570 = arith.constant 9 : i32
    %get3A_571 = arith.index_cast %get3A_570 : i32 to index
    %get3A_572 = arith.constant 48 : index
    %get3A_573 = tpu.vector_load %arg10[%get3A_571, %get3A_572] {strides = array<i32>} : memref<26x64xf32, #tpu.memory_space<vmem>>, vector<1x16xf32>,
    %get3A_574 = vector.shape_cast %get3A_573 : vector<1x16xf32> to vector<16xf32>
    %add3A_575 = arith.addf %add3A_569, %get3A_574 : vector<16xf32>
    %get3A_576 = arith.constant 10 : i32
    %get3A_577 = arith.index_cast %get3A_576 : i32 to index
    %get3A_578 = arith.constant 48 : index
    %get3A_579 = tpu.vector_load %arg10[%get3A_577, %get3A_578] {strides = array<i32>} : memref<26x64xf32, #tpu.memory_space<vmem>>, vector<1x16xf32>,
    %get3A_580 = vector.shape_cast %get3A_579 : vector<1x16xf32> to vector<16xf32>
    %add3A_581 = arith.addf %add3A_575, %get3A_580 : vector<16xf32>
    %get3A_582 = arith.constant 11 : i32
    %get3A_583 = arith.index_cast %get3A_582 : i32 to index
    %get3A_584 = arith.constant 48 : index
    %get3A_585 = tpu.vector_load %arg10[%get3A_583, %get3A_584] {strides = array<i32>} : memref<26x64xf32, #tpu.memory_space<vmem>>, vector<1x16xf32>,
    %get3A_586 = vector.shape_cast %get3A_585 : vector<1x16xf32> to vector<16xf32>
    %add3A_587 = arith.addf %add3A_581, %get3A_586 : vector<16xf32>
    %get3A_588 = arith.constant 12 : i32
    %get3A_589 = arith.index_cast %get3A_588 : i32 to index
    %get3A_590 = arith.constant 48 : index
    %get3A_591 = tpu.vector_load %arg10[%get3A_589, %get3A_590] {strides = array<i32>} : memref<26x64xf32, #tpu.memory_space<vmem>>, vector<1x16xf32>,
    %get3A_592 = vector.shape_cast %get3A_591 : vector<1x16xf32> to vector<16xf32>
    %add3A_593 = arith.addf %add3A_587, %get3A_592 : vector<16xf32>
    %get3A_594 = arith.constant 13 : i32
    %get3A_595 = arith.index_cast %get3A_594 : i32 to index
    %get3A_596 = arith.constant 48 : index
    %get3A_597 = tpu.vector_load %arg10[%get3A_595, %get3A_596] {strides = array<i32>} : memref<26x64xf32, #tpu.memory_space<vmem>>, vector<1x16xf32>,
    %get3A_598 = vector.shape_cast %get3A_597 : vector<1x16xf32> to vector<16xf32>
    %add3A_599 = arith.addf %add3A_593, %get3A_598 : vector<16xf32>
    %get3A_600 = arith.constant 14 : i32
    %get3A_601 = arith.index_cast %get3A_600 : i32 to index
    %get3A_602 = arith.constant 48 : index
    %get3A_603 = tpu.vector_load %arg10[%get3A_601, %get3A_602] {strides = array<i32>} : memref<26x64xf32, #tpu.memory_space<vmem>>, vector<1x16xf32>,
    %get3A_604 = vector.shape_cast %get3A_603 : vector<1x16xf32> to vector<16xf32>
    %add3A_605 = arith.addf %add3A_599, %get3A_604 : vector<16xf32>
    %get3A_606 = arith.constant 15 : i32
    %get3A_607 = arith.index_cast %get3A_606 : i32 to index
    %get3A_608 = arith.constant 48 : index
    %get3A_609 = tpu.vector_load %arg10[%get3A_607, %get3A_608] {strides = array<i32>} : memref<26x64xf32, #tpu.memory_space<vmem>>, vector<1x16xf32>,
    %get3A_610 = vector.shape_cast %get3A_609 : vector<1x16xf32> to vector<16xf32>
    %add3A_611 = arith.addf %add3A_605, %get3A_610 : vector<16xf32>
    %get3A_612 = arith.constant 16 : i32
    %get3A_613 = arith.index_cast %get3A_612 : i32 to index
    %get3A_614 = arith.constant 48 : index
    %get3A_615 = tpu.vector_load %arg10[%get3A_613, %get3A_614] {strides = array<i32>} : memref<26x64xf32, #tpu.memory_space<vmem>>, vector<1x16xf32>,
    %get3A_616 = vector.shape_cast %get3A_615 : vector<1x16xf32> to vector<16xf32>
    %add3A_617 = arith.addf %add3A_611, %get3A_616 : vector<16xf32>
    %get3A_618 = arith.constant 17 : i32
    %get3A_619 = arith.index_cast %get3A_618 : i32 to index
    %get3A_620 = arith.constant 48 : index
    %get3A_621 = tpu.vector_load %arg10[%get3A_619, %get3A_620] {strides = array<i32>} : memref<26x64xf32, #tpu.memory_space<vmem>>, vector<1x16xf32>,
    %get3A_622 = vector.shape_cast %get3A_621 : vector<1x16xf32> to vector<16xf32>
    %add3A_623 = arith.addf %add3A_617, %get3A_622 : vector<16xf32>
    %get3A_624 = arith.constant 18 : i32
    %get3A_625 = arith.index_cast %get3A_624 : i32 to index
    %get3A_626 = arith.constant 48 : index
    %get3A_627 = tpu.vector_load %arg10[%get3A_625, %get3A_626] {strides = array<i32>} : memref<26x64xf32, #tpu.memory_space<vmem>>, vector<1x16xf32>,
    %get3A_628 = vector.shape_cast %get3A_627 : vector<1x16xf32> to vector<16xf32>
    %add3A_629 = arith.addf %add3A_623, %get3A_628 : vector<16xf32>
    %get3A_630 = arith.constant 19 : i32
    %get3A_631 = arith.index_cast %get3A_630 : i32 to index
    %get3A_632 = arith.constant 48 : index
    %get3A_633 = tpu.vector_load %arg10[%get3A_631, %get3A_632] {strides = array<i32>} : memref<26x64xf32, #tpu.memory_space<vmem>>, vector<1x16xf32>,
    %get3A_634 = vector.shape_cast %get3A_633 : vector<1x16xf32> to vector<16xf32>
    %add3A_635 = arith.addf %add3A_629, %get3A_634 : vector<16xf32>
    %get3A_636 = arith.constant 20 : i32
    %get3A_637 = arith.index_cast %get3A_636 : i32 to index
    %get3A_638 = arith.constant 48 : index
    %get3A_639 = tpu.vector_load %arg10[%get3A_637, %get3A_638] {strides = array<i32>} : memref<26x64xf32, #tpu.memory_space<vmem>>, vector<1x16xf32>,
    %get3A_640 = vector.shape_cast %get3A_639 : vector<1x16xf32> to vector<16xf32>
    %add3A_641 = arith.addf %add3A_635, %get3A_640 : vector<16xf32>
    %get3A_642 = arith.constant 21 : i32
    %get3A_643 = arith.index_cast %get3A_642 : i32 to index
    %get3A_644 = arith.constant 48 : index
    %get3A_645 = tpu.vector_load %arg10[%get3A_643, %get3A_644] {strides = array<i32>} : memref<26x64xf32, #tpu.memory_space<vmem>>, vector<1x16xf32>,
    %get3A_646 = vector.shape_cast %get3A_645 : vector<1x16xf32> to vector<16xf32>
    %add3A_647 = arith.addf %add3A_641, %get3A_646 : vector<16xf32>
    %get3A_648 = arith.constant 22 : i32
    %get3A_649 = arith.index_cast %get3A_648 : i32 to index
    %get3A_650 = arith.constant 48 : index
    %get3A_651 = tpu.vector_load %arg10[%get3A_649, %get3A_650] {strides = array<i32>} : memref<26x64xf32, #tpu.memory_space<vmem>>, vector<1x16xf32>,
    %get3A_652 = vector.shape_cast %get3A_651 : vector<1x16xf32> to vector<16xf32>
    %add3A_653 = arith.addf %add3A_647, %get3A_652 : vector<16xf32>
    %get3A_654 = arith.constant 23 : i32
    %get3A_655 = arith.index_cast %get3A_654 : i32 to index
    %get3A_656 = arith.constant 48 : index
    %get3A_657 = tpu.vector_load %arg10[%get3A_655, %get3A_656] {strides = array<i32>} : memref<26x64xf32, #tpu.memory_space<vmem>>, vector<1x16xf32>,
    %get3A_658 = vector.shape_cast %get3A_657 : vector<1x16xf32> to vector<16xf32>
    %add3A_659 = arith.addf %add3A_653, %get3A_658 : vector<16xf32>
    %get3A_660 = arith.constant 24 : i32
    %get3A_661 = arith.index_cast %get3A_660 : i32 to index
    %get3A_662 = arith.constant 48 : index
    %get3A_663 = tpu.vector_load %arg10[%get3A_661, %get3A_662] {strides = array<i32>} : memref<26x64xf32, #tpu.memory_space<vmem>>, vector<1x16xf32>,
    %get3A_664 = vector.shape_cast %get3A_663 : vector<1x16xf32> to vector<16xf32>
    %add3A_665 = arith.addf %add3A_659, %get3A_664 : vector<16xf32>
    %get3A_666 = arith.constant 25 : i32
    %get3A_667 = arith.index_cast %get3A_666 : i32 to index
    %get3A_668 = arith.constant 48 : index
    %get3A_669 = tpu.vector_load %arg10[%get3A_667, %get3A_668] {strides = array<i32>} : memref<26x64xf32, #tpu.memory_space<vmem>>, vector<1x16xf32>,
    %get3A_670 = vector.shape_cast %get3A_669 : vector<1x16xf32> to vector<16xf32>
    %add3A_671 = arith.addf %add3A_665, %get3A_670 : vector<16xf32>
    %swap3A_672 = arith.constant 48 : index
    %swap3A_673 = tpu.vector_load %arg11[%swap3A_672] {strides = array<i32>} : memref<64xf32, #tpu.memory_space<vmem>>, vector<16xf32>,
    %swap3A_674 = vector.shape_cast %swap3A_673 : vector<16xf32> to vector<16xf32>
    %swap3A_675 = vector.shape_cast %add3A_671 : vector<16xf32> to vector<16xf32>
    tpu.vector_store %arg11[%swap3A_672], %swap3A_675 {strides = array<i32>} : memref<64xf32, #tpu.memory_space<vmem>>, vector<16xf32>,
    %mul3A_676 = arith.constant 64 : i32
    %mul3A_677 = arith.muli %add3A, %mul3A_676 : i32
    "tpu.region"() ({
      %run_scoped3A = tpu.sem_alloc : memref<!tpu.dma_semaphore, #tpu.memory_space<semaphore_mem>>
      %dma_start3A_678 = tpu.memref_slice %arg6[%mul3A_677] : memref<2048xf32, #tpu.memory_space<hbm>> -> memref<64xf32, #tpu.memory_space<hbm>>
      %dma_start3A_679 = tpu.memref_slice %arg6[%mul3A_677] : memref<2048xf32, #tpu.memory_space<hbm>> -> memref<64xf32, #tpu.memory_space<hbm>>
      tpu.enqueue_dma source(%arg11 : memref<64xf32, #tpu.memory_space<vmem>>) target(%dma_start3A_679 : memref<64xf32, #tpu.memory_space<hbm>>) target_semaphore(%run_scoped3A : memref<!tpu.dma_semaphore, #tpu.memory_space<semaphore_mem>>)
      %dma_wait3A = tpu.memref_slice %arg6[%mul3A_677] : memref<2048xf32, #tpu.memory_space<hbm>> -> memref<64xf32, #tpu.memory_space<hbm>>
      %dma_wait3A_680 = tpu.memref_slice %arg6[%mul3A_677] : memref<2048xf32, #tpu.memory_space<hbm>> -> memref<64xf32, #tpu.memory_space<hbm>>
      tpu.wait_dma2 semaphore(%run_scoped3A : memref<!tpu.dma_semaphore, #tpu.memory_space<semaphore_mem>>) src(%arg11 : memref<64xf32, #tpu.memory_space<vmem>>) dst(%dma_wait3A_680 : memref<64xf32, #tpu.memory_space<hbm>>)
      tpu.yield
    }) : () -> ()
    return
  }
}

#map = affine_map<(d0, d1) -> (0, 0, 0)>
#map1 = affine_map<(d0, d1) -> (0, 0)>
#map2 = affine_map<(d0, d1) -> (0)>
module attributes {stable_mosaic.version = 14 : i64} {
  func.func @body(%arg0: i32, %arg1: i32, %arg2: memref<26x32x64xi32, #tpu.memory_space<hbm>>, %arg3: memref<262144x128xf32, #tpu.memory_space<hbm>>, %arg4: memref<1040000xf32, #tpu.memory_space<hbm>>, %arg5: memref<26x2048x128xf32, #tpu.memory_space<hbm>>, %arg6: memref<2048xf32, #tpu.memory_space<hbm>>, %arg7: memref<26x64xi32, #tpu.memory_space<vmem>>, %arg8: memref<26x64xi32, #tpu.memory_space<vmem>>, %arg9: memref<2x64x128xf32, #tpu.memory_space<vmem>>, %arg10: memref<26x64xf32, #tpu.memory_space<vmem>>, %arg11: memref<64xf32, #tpu.memory_space<vmem>>, %arg12: memref<!tpu.dma_semaphore, #tpu.memory_space<semaphore_mem>>, %arg13: memref<!tpu.dma_semaphore, #tpu.memory_space<semaphore_mem>>) attributes {dimension_semantics = [#tpu.dimension_semantics<core_parallel>, #tpu.dimension_semantics<subcore_parallel>], iteration_bounds = array<i64: 2, 16>, scalar_prefetch = 0 : i64, scratch_operands = 7 : i64, tpu.core_type = #tpu.core_type<sc_vector_subcore>, window_params = [{transform_indices = #map}, {transform_indices = #map1}, {transform_indices = #map2}, {transform_indices = #map}, {transform_indices = #map2}]} {
    %mul3A = arith.constant 2 : i32
    %mul3A_0 = arith.muli %arg1, %mul3A : i32
    %add3A = arith.addi %mul3A_0, %arg0 : i32
    "tpu.region"() ({
      %run_scoped3A = tpu.sem_alloc : memref<!tpu.dma_semaphore, #tpu.memory_space<semaphore_mem>>
      %dma_start3A_678 = arith.constant 0 : i32
      %dma_start3A_679 = arith.constant 0 : i32
      %dma_start3A_680 = tpu.memref_slice %arg2[%dma_start3A_678, %add3A, %dma_start3A_679] : memref<26x32x64xi32, #tpu.memory_space<hbm>> -> memref<26x1x64xi32, #tpu.memory_space<hbm>>
      %dma_start3A_681 = tpu.memref_squeeze %dma_start3A_680 : memref<26x1x64xi32, #tpu.memory_space<hbm>> -> memref<26x64xi32, #tpu.memory_space<hbm>>
      %dma_start3A_682 = arith.constant 0 : i32
      %dma_start3A_683 = arith.constant 0 : i32
      %dma_start3A_684 = tpu.memref_slice %arg2[%dma_start3A_682, %add3A, %dma_start3A_683] : memref<26x32x64xi32, #tpu.memory_space<hbm>> -> memref<26x1x64xi32, #tpu.memory_space<hbm>>
      %dma_start3A_685 = tpu.memref_squeeze %dma_start3A_684 : memref<26x1x64xi32, #tpu.memory_space<hbm>> -> memref<26x64xi32, #tpu.memory_space<hbm>>
      tpu.enqueue_dma source(%dma_start3A_685 : memref<26x64xi32, #tpu.memory_space<hbm>>) target(%arg7 : memref<26x64xi32, #tpu.memory_space<vmem>>) target_semaphore(%run_scoped3A : memref<!tpu.dma_semaphore, #tpu.memory_space<semaphore_mem>>)
      %dma_wait3A = arith.constant 0 : i32
      %dma_wait3A_686 = arith.constant 0 : i32
      %dma_wait3A_687 = tpu.memref_slice %arg2[%dma_wait3A, %add3A, %dma_wait3A_686] : memref<26x32x64xi32, #tpu.memory_space<hbm>> -> memref<26x1x64xi32, #tpu.memory_space<hbm>>
      %dma_wait3A_688 = tpu.memref_squeeze %dma_wait3A_687 : memref<26x1x64xi32, #tpu.memory_space<hbm>> -> memref<26x64xi32, #tpu.memory_space<hbm>>
      %dma_wait3A_689 = arith.constant 0 : i32
      %dma_wait3A_690 = arith.constant 0 : i32
      %dma_wait3A_691 = tpu.memref_slice %arg2[%dma_wait3A_689, %add3A, %dma_wait3A_690] : memref<26x32x64xi32, #tpu.memory_space<hbm>> -> memref<26x1x64xi32, #tpu.memory_space<hbm>>
      %dma_wait3A_692 = tpu.memref_squeeze %dma_wait3A_691 : memref<26x1x64xi32, #tpu.memory_space<hbm>> -> memref<26x64xi32, #tpu.memory_space<hbm>>
      tpu.wait_dma2 semaphore(%run_scoped3A : memref<!tpu.dma_semaphore, #tpu.memory_space<semaphore_mem>>) src(%dma_wait3A_692 : memref<26x64xi32, #tpu.memory_space<hbm>>) dst(%arg7 : memref<26x64xi32, #tpu.memory_space<vmem>>)
      tpu.yield
    }) : () -> ()
    %mul3A_1 = arith.constant 64 : i32
    %mul3A_2 = arith.muli %add3A, %mul3A_1 : i32
    %scan3A = arith.constant 0 : i32
    %scan3A_3 = arith.constant 0 : i32
    %scan3A_4 = arith.constant 26 : i32
    %scan3A_5 = arith.addi %scan3A_3, %scan3A_4 : i32
    %scan3A_6 = arith.constant 1 : i32
    scf.for %scan3A_678 = %scan3A_3 to %scan3A_5 step %scan3A_6  : i32 {
      %dma_start3A_679 = arith.constant 0 : i32
      %dma_start3A_680 = tpu.memref_slice %arg10[%scan3A_678, %dma_start3A_679] : memref<26x64xf32, #tpu.memory_space<vmem>> -> memref<1x64xf32, #tpu.memory_space<vmem>>
      %dma_start3A_681 = tpu.memref_squeeze %dma_start3A_680 : memref<1x64xf32, #tpu.memory_space<vmem>> -> memref<64xf32, #tpu.memory_space<vmem>>
      %dma_start3A_682 = arith.constant 0 : i32
      %dma_start3A_683 = tpu.memref_slice %arg7[%scan3A_678, %dma_start3A_682] : memref<26x64xi32, #tpu.memory_space<vmem>> -> memref<1x64xi32, #tpu.memory_space<vmem>>
      %dma_start3A_684 = tpu.memref_squeeze %dma_start3A_683 : memref<1x64xi32, #tpu.memory_space<vmem>> -> memref<64xi32, #tpu.memory_space<vmem>>
      %dma_start3A_685 = arith.constant 0 : i32
      %dma_start3A_686 = tpu.memref_slice %arg4[%dma_start3A_685] : memref<1040000xf32, #tpu.memory_space<hbm>> -> memref<1040000xf32, #tpu.memory_space<hbm>>
      tpu.enqueue_indirect_dma source(%dma_start3A_686 : memref<1040000xf32, #tpu.memory_space<hbm>>) target(%dma_start3A_681 : memref<64xf32, #tpu.memory_space<vmem>>) offsets(%dma_start3A_684 : memref<64xi32, #tpu.memory_space<vmem>>) semaphore(%arg13 : memref<!tpu.dma_semaphore, #tpu.memory_space<semaphore_mem>>)
      %get3A_687 = arith.index_cast %scan3A_678 : i32 to index
      %get3A_688 = arith.constant 0 : index
      %get3A_689 = tpu.vector_load %arg7[%get3A_687, %get3A_688] {strides = array<i32>} : memref<26x64xi32, #tpu.memory_space<vmem>>, vector<1x16xi32>,
      %get3A_690 = vector.shape_cast %get3A_689 : vector<1x16xi32> to vector<16xi32>
      %shift_right_logical3A = arith.constant 9 : i32
      %shift_right_logical3A_691 = vector.broadcast %shift_right_logical3A : i32 to vector<16xi32>
      %shift_right_logical3A_692 = arith.shrui %get3A_690, %shift_right_logical3A_691 : vector<16xi32>
      %shift_left3A = arith.constant 7 : i32
      %shift_left3A_693 = vector.broadcast %shift_left3A : i32 to vector<16xi32>
      %shift_left3A_694 = arith.shli %shift_right_logical3A_692, %shift_left3A_693 : vector<16xi32>
      %and3A = arith.constant 127 : i32
      %and3A_695 = vector.broadcast %and3A : i32 to vector<16xi32>
      %and3A_696 = arith.andi %get3A_690, %and3A_695 : vector<16xi32>
      %or3A = arith.ori %shift_left3A_694, %and3A_696 : vector<16xi32>
      %swap3A_697 = arith.index_cast %scan3A_678 : i32 to index
      %swap3A_698 = arith.constant 0 : index
      %swap3A_699 = tpu.vector_load %arg8[%swap3A_697, %swap3A_698] {strides = array<i32>} : memref<26x64xi32, #tpu.memory_space<vmem>>, vector<1x16xi32>,
      %swap3A_700 = vector.shape_cast %swap3A_699 : vector<1x16xi32> to vector<16xi32>
      %swap3A_701 = vector.shape_cast %or3A : vector<16xi32> to vector<1x16xi32>
      tpu.vector_store %arg8[%swap3A_697, %swap3A_698], %swap3A_701 {strides = array<i32>} : memref<26x64xi32, #tpu.memory_space<vmem>>, vector<1x16xi32>,
      %get3A_702 = arith.index_cast %scan3A_678 : i32 to index
      %get3A_703 = arith.constant 16 : index
      %get3A_704 = tpu.vector_load %arg7[%get3A_702, %get3A_703] {strides = array<i32>} : memref<26x64xi32, #tpu.memory_space<vmem>>, vector<1x16xi32>,
      %get3A_705 = vector.shape_cast %get3A_704 : vector<1x16xi32> to vector<16xi32>
      %shift_right_logical3A_706 = arith.constant 9 : i32
      %shift_right_logical3A_707 = vector.broadcast %shift_right_logical3A_706 : i32 to vector<16xi32>
      %shift_right_logical3A_708 = arith.shrui %get3A_705, %shift_right_logical3A_707 : vector<16xi32>
      %shift_left3A_709 = arith.constant 7 : i32
      %shift_left3A_710 = vector.broadcast %shift_left3A_709 : i32 to vector<16xi32>
      %shift_left3A_711 = arith.shli %shift_right_logical3A_708, %shift_left3A_710 : vector<16xi32>
      %and3A_712 = arith.constant 127 : i32
      %and3A_713 = vector.broadcast %and3A_712 : i32 to vector<16xi32>
      %and3A_714 = arith.andi %get3A_705, %and3A_713 : vector<16xi32>
      %or3A_715 = arith.ori %shift_left3A_711, %and3A_714 : vector<16xi32>
      %swap3A_716 = arith.index_cast %scan3A_678 : i32 to index
      %swap3A_717 = arith.constant 16 : index
      %swap3A_718 = tpu.vector_load %arg8[%swap3A_716, %swap3A_717] {strides = array<i32>} : memref<26x64xi32, #tpu.memory_space<vmem>>, vector<1x16xi32>,
      %swap3A_719 = vector.shape_cast %swap3A_718 : vector<1x16xi32> to vector<16xi32>
      %swap3A_720 = vector.shape_cast %or3A_715 : vector<16xi32> to vector<1x16xi32>
      tpu.vector_store %arg8[%swap3A_716, %swap3A_717], %swap3A_720 {strides = array<i32>} : memref<26x64xi32, #tpu.memory_space<vmem>>, vector<1x16xi32>,
      %get3A_721 = arith.index_cast %scan3A_678 : i32 to index
      %get3A_722 = arith.constant 32 : index
      %get3A_723 = tpu.vector_load %arg7[%get3A_721, %get3A_722] {strides = array<i32>} : memref<26x64xi32, #tpu.memory_space<vmem>>, vector<1x16xi32>,
      %get3A_724 = vector.shape_cast %get3A_723 : vector<1x16xi32> to vector<16xi32>
      %shift_right_logical3A_725 = arith.constant 9 : i32
      %shift_right_logical3A_726 = vector.broadcast %shift_right_logical3A_725 : i32 to vector<16xi32>
      %shift_right_logical3A_727 = arith.shrui %get3A_724, %shift_right_logical3A_726 : vector<16xi32>
      %shift_left3A_728 = arith.constant 7 : i32
      %shift_left3A_729 = vector.broadcast %shift_left3A_728 : i32 to vector<16xi32>
      %shift_left3A_730 = arith.shli %shift_right_logical3A_727, %shift_left3A_729 : vector<16xi32>
      %and3A_731 = arith.constant 127 : i32
      %and3A_732 = vector.broadcast %and3A_731 : i32 to vector<16xi32>
      %and3A_733 = arith.andi %get3A_724, %and3A_732 : vector<16xi32>
      %or3A_734 = arith.ori %shift_left3A_730, %and3A_733 : vector<16xi32>
      %swap3A_735 = arith.index_cast %scan3A_678 : i32 to index
      %swap3A_736 = arith.constant 32 : index
      %swap3A_737 = tpu.vector_load %arg8[%swap3A_735, %swap3A_736] {strides = array<i32>} : memref<26x64xi32, #tpu.memory_space<vmem>>, vector<1x16xi32>,
      %swap3A_738 = vector.shape_cast %swap3A_737 : vector<1x16xi32> to vector<16xi32>
      %swap3A_739 = vector.shape_cast %or3A_734 : vector<16xi32> to vector<1x16xi32>
      tpu.vector_store %arg8[%swap3A_735, %swap3A_736], %swap3A_739 {strides = array<i32>} : memref<26x64xi32, #tpu.memory_space<vmem>>, vector<1x16xi32>,
      %get3A_740 = arith.index_cast %scan3A_678 : i32 to index
      %get3A_741 = arith.constant 48 : index
      %get3A_742 = tpu.vector_load %arg7[%get3A_740, %get3A_741] {strides = array<i32>} : memref<26x64xi32, #tpu.memory_space<vmem>>, vector<1x16xi32>,
      %get3A_743 = vector.shape_cast %get3A_742 : vector<1x16xi32> to vector<16xi32>
      %shift_right_logical3A_744 = arith.constant 9 : i32
      %shift_right_logical3A_745 = vector.broadcast %shift_right_logical3A_744 : i32 to vector<16xi32>
      %shift_right_logical3A_746 = arith.shrui %get3A_743, %shift_right_logical3A_745 : vector<16xi32>
      %shift_left3A_747 = arith.constant 7 : i32
      %shift_left3A_748 = vector.broadcast %shift_left3A_747 : i32 to vector<16xi32>
      %shift_left3A_749 = arith.shli %shift_right_logical3A_746, %shift_left3A_748 : vector<16xi32>
      %and3A_750 = arith.constant 127 : i32
      %and3A_751 = vector.broadcast %and3A_750 : i32 to vector<16xi32>
      %and3A_752 = arith.andi %get3A_743, %and3A_751 : vector<16xi32>
      %or3A_753 = arith.ori %shift_left3A_749, %and3A_752 : vector<16xi32>
      %swap3A_754 = arith.index_cast %scan3A_678 : i32 to index
      %swap3A_755 = arith.constant 48 : index
      %swap3A_756 = tpu.vector_load %arg8[%swap3A_754, %swap3A_755] {strides = array<i32>} : memref<26x64xi32, #tpu.memory_space<vmem>>, vector<1x16xi32>,
      %swap3A_757 = vector.shape_cast %swap3A_756 : vector<1x16xi32> to vector<16xi32>
      %swap3A_758 = vector.shape_cast %or3A_753 : vector<16xi32> to vector<1x16xi32>
      tpu.vector_store %arg8[%swap3A_754, %swap3A_755], %swap3A_758 {strides = array<i32>} : memref<26x64xi32, #tpu.memory_space<vmem>>, vector<1x16xi32>,
    }
    %scan3A_7 = arith.constant 26 : i32
    %dma_start3A = arith.constant 0 : i32
    %dma_start3A_8 = arith.constant 0 : i32
    %dma_start3A_9 = arith.constant 0 : i32
    %dma_start3A_10 = arith.constant 0 : i32
    %dma_start3A_11 = tpu.memref_slice %arg9[%dma_start3A_8, %dma_start3A_9, %dma_start3A_10] : memref<2x64x128xf32, #tpu.memory_space<vmem>> -> memref<1x64x128xf32, #tpu.memory_space<vmem>>
    %dma_start3A_12 = tpu.memref_squeeze %dma_start3A_11 : memref<1x64x128xf32, #tpu.memory_space<vmem>> -> memref<64x128xf32, #tpu.memory_space<vmem>>
    %dma_start3A_13 = arith.constant 0 : i32
    %dma_start3A_14 = tpu.memref_slice %arg8[%dma_start3A, %dma_start3A_13] : memref<26x64xi32, #tpu.memory_space<vmem>> -> memref<1x64xi32, #tpu.memory_space<vmem>>
    %dma_start3A_15 = tpu.memref_squeeze %dma_start3A_14 : memref<1x64xi32, #tpu.memory_space<vmem>> -> memref<64xi32, #tpu.memory_space<vmem>>
    %dma_start3A_16 = arith.constant 0 : i32
    %dma_start3A_17 = arith.constant 0 : i32
    %dma_start3A_18 = tpu.memref_slice %arg3[%dma_start3A_16, %dma_start3A_17] : memref<262144x128xf32, #tpu.memory_space<hbm>> -> memref<262144x128xf32, #tpu.memory_space<hbm>>
    tpu.enqueue_indirect_dma source(%dma_start3A_18 : memref<262144x128xf32, #tpu.memory_space<hbm>>) target(%dma_start3A_12 : memref<64x128xf32, #tpu.memory_space<vmem>>) offsets(%dma_start3A_15 : memref<64xi32, #tpu.memory_space<vmem>>) semaphore(%arg12 : memref<!tpu.dma_semaphore, #tpu.memory_space<semaphore_mem>>)
    %scan3A_19 = arith.constant 0 : i32
    %scan3A_20 = arith.constant 0 : i32
    %scan3A_21 = arith.constant 26 : i32
    %scan3A_22 = arith.addi %scan3A_20, %scan3A_21 : i32
    %scan3A_23 = arith.constant 1 : i32
    scf.for %scan3A_678 = %scan3A_20 to %scan3A_22 step %scan3A_23  : i32 {
      %rem3A = arith.constant 2 : i32
      %rem3A_679 = arith.remsi %scan3A_678, %rem3A : i32
      %add3A_680 = arith.constant 1 : i32
      %add3A_681 = arith.addi %scan3A_678, %add3A_680 : i32
      %lt3A = arith.constant 26 : i32
      %lt3A_682 = arith.cmpi slt, %add3A_681, %lt3A : i32
      %convert_element_type3A = arith.extui %lt3A_682 : i1 to i32
      %cond3A = arith.constant 0 : i32
      %cond3A_683 = arith.cmpi ne, %convert_element_type3A, %cond3A : i32
      scf.if %cond3A_683 {
        %add3A_693 = arith.constant 1 : i32
        %add3A_694 = arith.addi %scan3A_678, %add3A_693 : i32
        %add3A_695 = arith.constant 1 : i32
        %add3A_696 = arith.addi %scan3A_678, %add3A_695 : i32
        %rem3A_697 = arith.constant 2 : i32
        %rem3A_698 = arith.remsi %add3A_696, %rem3A_697 : i32
        %dma_start3A_699 = arith.constant 0 : i32
        %dma_start3A_700 = arith.constant 0 : i32
        %dma_start3A_701 = tpu.memref_slice %arg9[%rem3A_698, %dma_start3A_699, %dma_start3A_700] : memref<2x64x128xf32, #tpu.memory_space<vmem>> -> memref<1x64x128xf32, #tpu.memory_space<vmem>>
        %dma_start3A_702 = tpu.memref_squeeze %dma_start3A_701 : memref<1x64x128xf32, #tpu.memory_space<vmem>> -> memref<64x128xf32, #tpu.memory_space<vmem>>
        %dma_start3A_703 = arith.constant 0 : i32
        %dma_start3A_704 = tpu.memref_slice %arg8[%add3A_694, %dma_start3A_703] : memref<26x64xi32, #tpu.memory_space<vmem>> -> memref<1x64xi32, #tpu.memory_space<vmem>>
        %dma_start3A_705 = tpu.memref_squeeze %dma_start3A_704 : memref<1x64xi32, #tpu.memory_space<vmem>> -> memref<64xi32, #tpu.memory_space<vmem>>
        %dma_start3A_706 = arith.constant 0 : i32
        %dma_start3A_707 = arith.constant 0 : i32
        %dma_start3A_708 = tpu.memref_slice %arg3[%dma_start3A_706, %dma_start3A_707] : memref<262144x128xf32, #tpu.memory_space<hbm>> -> memref<262144x128xf32, #tpu.memory_space<hbm>>
        tpu.enqueue_indirect_dma source(%dma_start3A_708 : memref<262144x128xf32, #tpu.memory_space<hbm>>) target(%dma_start3A_702 : memref<64x128xf32, #tpu.memory_space<vmem>>) offsets(%dma_start3A_705 : memref<64xi32, #tpu.memory_space<vmem>>) semaphore(%arg12 : memref<!tpu.dma_semaphore, #tpu.memory_space<semaphore_mem>>)
      } else {
      }
      %dma_wait3A = arith.constant 0 : i32
      %dma_wait3A_684 = arith.constant 0 : i32
      %dma_wait3A_685 = tpu.memref_slice %arg9[%rem3A_679, %dma_wait3A, %dma_wait3A_684] : memref<2x64x128xf32, #tpu.memory_space<vmem>> -> memref<1x64x128xf32, #tpu.memory_space<vmem>>
      %dma_wait3A_686 = tpu.memref_squeeze %dma_wait3A_685 : memref<1x64x128xf32, #tpu.memory_space<vmem>> -> memref<64x128xf32, #tpu.memory_space<vmem>>
      %dma_wait3A_687 = arith.constant 0 : i32
      %dma_wait3A_688 = tpu.memref_slice %arg8[%scan3A_678, %dma_wait3A_687] : memref<26x64xi32, #tpu.memory_space<vmem>> -> memref<1x64xi32, #tpu.memory_space<vmem>>
      %dma_wait3A_689 = tpu.memref_squeeze %dma_wait3A_688 : memref<1x64xi32, #tpu.memory_space<vmem>> -> memref<64xi32, #tpu.memory_space<vmem>>
      %dma_wait3A_690 = arith.constant 0 : i32
      %dma_wait3A_691 = arith.constant 0 : i32
      %dma_wait3A_692 = tpu.memref_slice %arg3[%dma_wait3A_690, %dma_wait3A_691] : memref<262144x128xf32, #tpu.memory_space<hbm>> -> memref<262144x128xf32, #tpu.memory_space<hbm>>
      tpu.wait_indirect_dma semaphore(%arg12 : memref<!tpu.dma_semaphore, #tpu.memory_space<semaphore_mem>>) src(%dma_wait3A_692 : memref<262144x128xf32, #tpu.memory_space<hbm>>) dst(%dma_wait3A_686 : memref<64x128xf32, #tpu.memory_space<vmem>>)
      "tpu.region"() ({
        %run_scoped3A = tpu.sem_alloc : memref<!tpu.dma_semaphore, #tpu.memory_space<semaphore_mem>>
        %dma_start3A_693 = arith.constant 0 : i32
        %dma_start3A_694 = arith.constant 0 : i32
        %dma_start3A_695 = tpu.memref_slice %arg9[%rem3A_679, %dma_start3A_693, %dma_start3A_694] : memref<2x64x128xf32, #tpu.memory_space<vmem>> -> memref<1x64x128xf32, #tpu.memory_space<vmem>>
        %dma_start3A_696 = tpu.memref_squeeze %dma_start3A_695 : memref<1x64x128xf32, #tpu.memory_space<vmem>> -> memref<64x128xf32, #tpu.memory_space<vmem>>
        %dma_start3A_697 = arith.constant 0 : i32
        %dma_start3A_698 = tpu.memref_slice %arg5[%scan3A_678, %mul3A_2, %dma_start3A_697] : memref<26x2048x128xf32, #tpu.memory_space<hbm>> -> memref<1x64x128xf32, #tpu.memory_space<hbm>>
        %dma_start3A_699 = tpu.memref_squeeze %dma_start3A_698 : memref<1x64x128xf32, #tpu.memory_space<hbm>> -> memref<64x128xf32, #tpu.memory_space<hbm>>
        %dma_start3A_700 = arith.constant 0 : i32
        %dma_start3A_701 = tpu.memref_slice %arg5[%scan3A_678, %mul3A_2, %dma_start3A_700] : memref<26x2048x128xf32, #tpu.memory_space<hbm>> -> memref<1x64x128xf32, #tpu.memory_space<hbm>>
        %dma_start3A_702 = tpu.memref_squeeze %dma_start3A_701 : memref<1x64x128xf32, #tpu.memory_space<hbm>> -> memref<64x128xf32, #tpu.memory_space<hbm>>
        %dma_start3A_703 = arith.constant 0 : i32
        %dma_start3A_704 = arith.constant 0 : i32
        %dma_start3A_705 = tpu.memref_slice %arg9[%rem3A_679, %dma_start3A_703, %dma_start3A_704] : memref<2x64x128xf32, #tpu.memory_space<vmem>> -> memref<1x64x128xf32, #tpu.memory_space<vmem>>
        %dma_start3A_706 = tpu.memref_squeeze %dma_start3A_705 : memref<1x64x128xf32, #tpu.memory_space<vmem>> -> memref<64x128xf32, #tpu.memory_space<vmem>>
        tpu.enqueue_dma source(%dma_start3A_706 : memref<64x128xf32, #tpu.memory_space<vmem>>) target(%dma_start3A_702 : memref<64x128xf32, #tpu.memory_space<hbm>>) target_semaphore(%run_scoped3A : memref<!tpu.dma_semaphore, #tpu.memory_space<semaphore_mem>>)
        %dma_wait3A_707 = arith.constant 0 : i32
        %dma_wait3A_708 = arith.constant 0 : i32
        %dma_wait3A_709 = tpu.memref_slice %arg9[%rem3A_679, %dma_wait3A_707, %dma_wait3A_708] : memref<2x64x128xf32, #tpu.memory_space<vmem>> -> memref<1x64x128xf32, #tpu.memory_space<vmem>>
        %dma_wait3A_710 = tpu.memref_squeeze %dma_wait3A_709 : memref<1x64x128xf32, #tpu.memory_space<vmem>> -> memref<64x128xf32, #tpu.memory_space<vmem>>
        %dma_wait3A_711 = arith.constant 0 : i32
        %dma_wait3A_712 = tpu.memref_slice %arg5[%scan3A_678, %mul3A_2, %dma_wait3A_711] : memref<26x2048x128xf32, #tpu.memory_space<hbm>> -> memref<1x64x128xf32, #tpu.memory_space<hbm>>
        %dma_wait3A_713 = tpu.memref_squeeze %dma_wait3A_712 : memref<1x64x128xf32, #tpu.memory_space<hbm>> -> memref<64x128xf32, #tpu.memory_space<hbm>>
        %dma_wait3A_714 = arith.constant 0 : i32
        %dma_wait3A_715 = tpu.memref_slice %arg5[%scan3A_678, %mul3A_2, %dma_wait3A_714] : memref<26x2048x128xf32, #tpu.memory_space<hbm>> -> memref<1x64x128xf32, #tpu.memory_space<hbm>>
        %dma_wait3A_716 = tpu.memref_squeeze %dma_wait3A_715 : memref<1x64x128xf32, #tpu.memory_space<hbm>> -> memref<64x128xf32, #tpu.memory_space<hbm>>
        %dma_wait3A_717 = arith.constant 0 : i32
        %dma_wait3A_718 = arith.constant 0 : i32
        %dma_wait3A_719 = tpu.memref_slice %arg9[%rem3A_679, %dma_wait3A_717, %dma_wait3A_718] : memref<2x64x128xf32, #tpu.memory_space<vmem>> -> memref<1x64x128xf32, #tpu.memory_space<vmem>>
        %dma_wait3A_720 = tpu.memref_squeeze %dma_wait3A_719 : memref<1x64x128xf32, #tpu.memory_space<vmem>> -> memref<64x128xf32, #tpu.memory_space<vmem>>
        tpu.wait_dma2 semaphore(%run_scoped3A : memref<!tpu.dma_semaphore, #tpu.memory_space<semaphore_mem>>) src(%dma_wait3A_720 : memref<64x128xf32, #tpu.memory_space<vmem>>) dst(%dma_wait3A_716 : memref<64x128xf32, #tpu.memory_space<hbm>>)
        tpu.yield
      }) : () -> ()
    }
    %scan3A_24 = arith.constant 26 : i32
    %scan3A_25 = arith.constant 0 : i32
    %scan3A_26 = arith.constant 0 : i32
    %scan3A_27 = arith.constant 26 : i32
    %scan3A_28 = arith.addi %scan3A_26, %scan3A_27 : i32
    %scan3A_29 = arith.constant 1 : i32
    scf.for %scan3A_678 = %scan3A_26 to %scan3A_28 step %scan3A_29  : i32 {
      %dma_wait3A = arith.constant 0 : i32
      %dma_wait3A_679 = tpu.memref_slice %arg10[%scan3A_678, %dma_wait3A] : memref<26x64xf32, #tpu.memory_space<vmem>> -> memref<1x64xf32, #tpu.memory_space<vmem>>
      %dma_wait3A_680 = tpu.memref_squeeze %dma_wait3A_679 : memref<1x64xf32, #tpu.memory_space<vmem>> -> memref<64xf32, #tpu.memory_space<vmem>>
      %dma_wait3A_681 = arith.constant 0 : i32
      %dma_wait3A_682 = tpu.memref_slice %arg7[%scan3A_678, %dma_wait3A_681] : memref<26x64xi32, #tpu.memory_space<vmem>> -> memref<1x64xi32, #tpu.memory_space<vmem>>
      %dma_wait3A_683 = tpu.memref_squeeze %dma_wait3A_682 : memref<1x64xi32, #tpu.memory_space<vmem>> -> memref<64xi32, #tpu.memory_space<vmem>>
      %dma_wait3A_684 = arith.constant 0 : i32
      %dma_wait3A_685 = tpu.memref_slice %arg4[%dma_wait3A_684] : memref<1040000xf32, #tpu.memory_space<hbm>> -> memref<1040000xf32, #tpu.memory_space<hbm>>
      tpu.wait_indirect_dma semaphore(%arg13 : memref<!tpu.dma_semaphore, #tpu.memory_space<semaphore_mem>>) src(%dma_wait3A_685 : memref<1040000xf32, #tpu.memory_space<hbm>>) dst(%dma_wait3A_680 : memref<64xf32, #tpu.memory_space<vmem>>)
    }
    %scan3A_30 = arith.constant 26 : i32
    %broadcast_in_dim3A = arith.constant 0.000000e+00 : f32
    %broadcast_in_dim3A_31 = vector.broadcast %broadcast_in_dim3A : f32 to vector<16xf32>
    %get3A = arith.constant 0 : i32
    %get3A_32 = arith.index_cast %get3A : i32 to index
    %get3A_33 = arith.constant 0 : index
    %get3A_34 = tpu.vector_load %arg10[%get3A_32, %get3A_33] {strides = array<i32>} : memref<26x64xf32, #tpu.memory_space<vmem>>, vector<1x16xf32>,
    %get3A_35 = vector.shape_cast %get3A_34 : vector<1x16xf32> to vector<16xf32>
    %add3A_36 = arith.addf %broadcast_in_dim3A_31, %get3A_35 : vector<16xf32>
    %get3A_37 = arith.constant 1 : i32
    %get3A_38 = arith.index_cast %get3A_37 : i32 to index
    %get3A_39 = arith.constant 0 : index
    %get3A_40 = tpu.vector_load %arg10[%get3A_38, %get3A_39] {strides = array<i32>} : memref<26x64xf32, #tpu.memory_space<vmem>>, vector<1x16xf32>,
    %get3A_41 = vector.shape_cast %get3A_40 : vector<1x16xf32> to vector<16xf32>
    %add3A_42 = arith.addf %add3A_36, %get3A_41 : vector<16xf32>
    %get3A_43 = arith.constant 2 : i32
    %get3A_44 = arith.index_cast %get3A_43 : i32 to index
    %get3A_45 = arith.constant 0 : index
    %get3A_46 = tpu.vector_load %arg10[%get3A_44, %get3A_45] {strides = array<i32>} : memref<26x64xf32, #tpu.memory_space<vmem>>, vector<1x16xf32>,
    %get3A_47 = vector.shape_cast %get3A_46 : vector<1x16xf32> to vector<16xf32>
    %add3A_48 = arith.addf %add3A_42, %get3A_47 : vector<16xf32>
    %get3A_49 = arith.constant 3 : i32
    %get3A_50 = arith.index_cast %get3A_49 : i32 to index
    %get3A_51 = arith.constant 0 : index
    %get3A_52 = tpu.vector_load %arg10[%get3A_50, %get3A_51] {strides = array<i32>} : memref<26x64xf32, #tpu.memory_space<vmem>>, vector<1x16xf32>,
    %get3A_53 = vector.shape_cast %get3A_52 : vector<1x16xf32> to vector<16xf32>
    %add3A_54 = arith.addf %add3A_48, %get3A_53 : vector<16xf32>
    %get3A_55 = arith.constant 4 : i32
    %get3A_56 = arith.index_cast %get3A_55 : i32 to index
    %get3A_57 = arith.constant 0 : index
    %get3A_58 = tpu.vector_load %arg10[%get3A_56, %get3A_57] {strides = array<i32>} : memref<26x64xf32, #tpu.memory_space<vmem>>, vector<1x16xf32>,
    %get3A_59 = vector.shape_cast %get3A_58 : vector<1x16xf32> to vector<16xf32>
    %add3A_60 = arith.addf %add3A_54, %get3A_59 : vector<16xf32>
    %get3A_61 = arith.constant 5 : i32
    %get3A_62 = arith.index_cast %get3A_61 : i32 to index
    %get3A_63 = arith.constant 0 : index
    %get3A_64 = tpu.vector_load %arg10[%get3A_62, %get3A_63] {strides = array<i32>} : memref<26x64xf32, #tpu.memory_space<vmem>>, vector<1x16xf32>,
    %get3A_65 = vector.shape_cast %get3A_64 : vector<1x16xf32> to vector<16xf32>
    %add3A_66 = arith.addf %add3A_60, %get3A_65 : vector<16xf32>
    %get3A_67 = arith.constant 6 : i32
    %get3A_68 = arith.index_cast %get3A_67 : i32 to index
    %get3A_69 = arith.constant 0 : index
    %get3A_70 = tpu.vector_load %arg10[%get3A_68, %get3A_69] {strides = array<i32>} : memref<26x64xf32, #tpu.memory_space<vmem>>, vector<1x16xf32>,
    %get3A_71 = vector.shape_cast %get3A_70 : vector<1x16xf32> to vector<16xf32>
    %add3A_72 = arith.addf %add3A_66, %get3A_71 : vector<16xf32>
    %get3A_73 = arith.constant 7 : i32
    %get3A_74 = arith.index_cast %get3A_73 : i32 to index
    %get3A_75 = arith.constant 0 : index
    %get3A_76 = tpu.vector_load %arg10[%get3A_74, %get3A_75] {strides = array<i32>} : memref<26x64xf32, #tpu.memory_space<vmem>>, vector<1x16xf32>,
    %get3A_77 = vector.shape_cast %get3A_76 : vector<1x16xf32> to vector<16xf32>
    %add3A_78 = arith.addf %add3A_72, %get3A_77 : vector<16xf32>
    %get3A_79 = arith.constant 8 : i32
    %get3A_80 = arith.index_cast %get3A_79 : i32 to index
    %get3A_81 = arith.constant 0 : index
    %get3A_82 = tpu.vector_load %arg10[%get3A_80, %get3A_81] {strides = array<i32>} : memref<26x64xf32, #tpu.memory_space<vmem>>, vector<1x16xf32>,
    %get3A_83 = vector.shape_cast %get3A_82 : vector<1x16xf32> to vector<16xf32>
    %add3A_84 = arith.addf %add3A_78, %get3A_83 : vector<16xf32>
    %get3A_85 = arith.constant 9 : i32
    %get3A_86 = arith.index_cast %get3A_85 : i32 to index
    %get3A_87 = arith.constant 0 : index
    %get3A_88 = tpu.vector_load %arg10[%get3A_86, %get3A_87] {strides = array<i32>} : memref<26x64xf32, #tpu.memory_space<vmem>>, vector<1x16xf32>,
    %get3A_89 = vector.shape_cast %get3A_88 : vector<1x16xf32> to vector<16xf32>
    %add3A_90 = arith.addf %add3A_84, %get3A_89 : vector<16xf32>
    %get3A_91 = arith.constant 10 : i32
    %get3A_92 = arith.index_cast %get3A_91 : i32 to index
    %get3A_93 = arith.constant 0 : index
    %get3A_94 = tpu.vector_load %arg10[%get3A_92, %get3A_93] {strides = array<i32>} : memref<26x64xf32, #tpu.memory_space<vmem>>, vector<1x16xf32>,
    %get3A_95 = vector.shape_cast %get3A_94 : vector<1x16xf32> to vector<16xf32>
    %add3A_96 = arith.addf %add3A_90, %get3A_95 : vector<16xf32>
    %get3A_97 = arith.constant 11 : i32
    %get3A_98 = arith.index_cast %get3A_97 : i32 to index
    %get3A_99 = arith.constant 0 : index
    %get3A_100 = tpu.vector_load %arg10[%get3A_98, %get3A_99] {strides = array<i32>} : memref<26x64xf32, #tpu.memory_space<vmem>>, vector<1x16xf32>,
    %get3A_101 = vector.shape_cast %get3A_100 : vector<1x16xf32> to vector<16xf32>
    %add3A_102 = arith.addf %add3A_96, %get3A_101 : vector<16xf32>
    %get3A_103 = arith.constant 12 : i32
    %get3A_104 = arith.index_cast %get3A_103 : i32 to index
    %get3A_105 = arith.constant 0 : index
    %get3A_106 = tpu.vector_load %arg10[%get3A_104, %get3A_105] {strides = array<i32>} : memref<26x64xf32, #tpu.memory_space<vmem>>, vector<1x16xf32>,
    %get3A_107 = vector.shape_cast %get3A_106 : vector<1x16xf32> to vector<16xf32>
    %add3A_108 = arith.addf %add3A_102, %get3A_107 : vector<16xf32>
    %get3A_109 = arith.constant 13 : i32
    %get3A_110 = arith.index_cast %get3A_109 : i32 to index
    %get3A_111 = arith.constant 0 : index
    %get3A_112 = tpu.vector_load %arg10[%get3A_110, %get3A_111] {strides = array<i32>} : memref<26x64xf32, #tpu.memory_space<vmem>>, vector<1x16xf32>,
    %get3A_113 = vector.shape_cast %get3A_112 : vector<1x16xf32> to vector<16xf32>
    %add3A_114 = arith.addf %add3A_108, %get3A_113 : vector<16xf32>
    %get3A_115 = arith.constant 14 : i32
    %get3A_116 = arith.index_cast %get3A_115 : i32 to index
    %get3A_117 = arith.constant 0 : index
    %get3A_118 = tpu.vector_load %arg10[%get3A_116, %get3A_117] {strides = array<i32>} : memref<26x64xf32, #tpu.memory_space<vmem>>, vector<1x16xf32>,
    %get3A_119 = vector.shape_cast %get3A_118 : vector<1x16xf32> to vector<16xf32>
    %add3A_120 = arith.addf %add3A_114, %get3A_119 : vector<16xf32>
    %get3A_121 = arith.constant 15 : i32
    %get3A_122 = arith.index_cast %get3A_121 : i32 to index
    %get3A_123 = arith.constant 0 : index
    %get3A_124 = tpu.vector_load %arg10[%get3A_122, %get3A_123] {strides = array<i32>} : memref<26x64xf32, #tpu.memory_space<vmem>>, vector<1x16xf32>,
    %get3A_125 = vector.shape_cast %get3A_124 : vector<1x16xf32> to vector<16xf32>
    %add3A_126 = arith.addf %add3A_120, %get3A_125 : vector<16xf32>
    %get3A_127 = arith.constant 16 : i32
    %get3A_128 = arith.index_cast %get3A_127 : i32 to index
    %get3A_129 = arith.constant 0 : index
    %get3A_130 = tpu.vector_load %arg10[%get3A_128, %get3A_129] {strides = array<i32>} : memref<26x64xf32, #tpu.memory_space<vmem>>, vector<1x16xf32>,
    %get3A_131 = vector.shape_cast %get3A_130 : vector<1x16xf32> to vector<16xf32>
    %add3A_132 = arith.addf %add3A_126, %get3A_131 : vector<16xf32>
    %get3A_133 = arith.constant 17 : i32
    %get3A_134 = arith.index_cast %get3A_133 : i32 to index
    %get3A_135 = arith.constant 0 : index
    %get3A_136 = tpu.vector_load %arg10[%get3A_134, %get3A_135] {strides = array<i32>} : memref<26x64xf32, #tpu.memory_space<vmem>>, vector<1x16xf32>,
    %get3A_137 = vector.shape_cast %get3A_136 : vector<1x16xf32> to vector<16xf32>
    %add3A_138 = arith.addf %add3A_132, %get3A_137 : vector<16xf32>
    %get3A_139 = arith.constant 18 : i32
    %get3A_140 = arith.index_cast %get3A_139 : i32 to index
    %get3A_141 = arith.constant 0 : index
    %get3A_142 = tpu.vector_load %arg10[%get3A_140, %get3A_141] {strides = array<i32>} : memref<26x64xf32, #tpu.memory_space<vmem>>, vector<1x16xf32>,
    %get3A_143 = vector.shape_cast %get3A_142 : vector<1x16xf32> to vector<16xf32>
    %add3A_144 = arith.addf %add3A_138, %get3A_143 : vector<16xf32>
    %get3A_145 = arith.constant 19 : i32
    %get3A_146 = arith.index_cast %get3A_145 : i32 to index
    %get3A_147 = arith.constant 0 : index
    %get3A_148 = tpu.vector_load %arg10[%get3A_146, %get3A_147] {strides = array<i32>} : memref<26x64xf32, #tpu.memory_space<vmem>>, vector<1x16xf32>,
    %get3A_149 = vector.shape_cast %get3A_148 : vector<1x16xf32> to vector<16xf32>
    %add3A_150 = arith.addf %add3A_144, %get3A_149 : vector<16xf32>
    %get3A_151 = arith.constant 20 : i32
    %get3A_152 = arith.index_cast %get3A_151 : i32 to index
    %get3A_153 = arith.constant 0 : index
    %get3A_154 = tpu.vector_load %arg10[%get3A_152, %get3A_153] {strides = array<i32>} : memref<26x64xf32, #tpu.memory_space<vmem>>, vector<1x16xf32>,
    %get3A_155 = vector.shape_cast %get3A_154 : vector<1x16xf32> to vector<16xf32>
    %add3A_156 = arith.addf %add3A_150, %get3A_155 : vector<16xf32>
    %get3A_157 = arith.constant 21 : i32
    %get3A_158 = arith.index_cast %get3A_157 : i32 to index
    %get3A_159 = arith.constant 0 : index
    %get3A_160 = tpu.vector_load %arg10[%get3A_158, %get3A_159] {strides = array<i32>} : memref<26x64xf32, #tpu.memory_space<vmem>>, vector<1x16xf32>,
    %get3A_161 = vector.shape_cast %get3A_160 : vector<1x16xf32> to vector<16xf32>
    %add3A_162 = arith.addf %add3A_156, %get3A_161 : vector<16xf32>
    %get3A_163 = arith.constant 22 : i32
    %get3A_164 = arith.index_cast %get3A_163 : i32 to index
    %get3A_165 = arith.constant 0 : index
    %get3A_166 = tpu.vector_load %arg10[%get3A_164, %get3A_165] {strides = array<i32>} : memref<26x64xf32, #tpu.memory_space<vmem>>, vector<1x16xf32>,
    %get3A_167 = vector.shape_cast %get3A_166 : vector<1x16xf32> to vector<16xf32>
    %add3A_168 = arith.addf %add3A_162, %get3A_167 : vector<16xf32>
    %get3A_169 = arith.constant 23 : i32
    %get3A_170 = arith.index_cast %get3A_169 : i32 to index
    %get3A_171 = arith.constant 0 : index
    %get3A_172 = tpu.vector_load %arg10[%get3A_170, %get3A_171] {strides = array<i32>} : memref<26x64xf32, #tpu.memory_space<vmem>>, vector<1x16xf32>,
    %get3A_173 = vector.shape_cast %get3A_172 : vector<1x16xf32> to vector<16xf32>
    %add3A_174 = arith.addf %add3A_168, %get3A_173 : vector<16xf32>
    %get3A_175 = arith.constant 24 : i32
    %get3A_176 = arith.index_cast %get3A_175 : i32 to index
    %get3A_177 = arith.constant 0 : index
    %get3A_178 = tpu.vector_load %arg10[%get3A_176, %get3A_177] {strides = array<i32>} : memref<26x64xf32, #tpu.memory_space<vmem>>, vector<1x16xf32>,
    %get3A_179 = vector.shape_cast %get3A_178 : vector<1x16xf32> to vector<16xf32>
    %add3A_180 = arith.addf %add3A_174, %get3A_179 : vector<16xf32>
    %get3A_181 = arith.constant 25 : i32
    %get3A_182 = arith.index_cast %get3A_181 : i32 to index
    %get3A_183 = arith.constant 0 : index
    %get3A_184 = tpu.vector_load %arg10[%get3A_182, %get3A_183] {strides = array<i32>} : memref<26x64xf32, #tpu.memory_space<vmem>>, vector<1x16xf32>,
    %get3A_185 = vector.shape_cast %get3A_184 : vector<1x16xf32> to vector<16xf32>
    %add3A_186 = arith.addf %add3A_180, %get3A_185 : vector<16xf32>
    %swap3A = arith.constant 0 : index
    %swap3A_187 = tpu.vector_load %arg11[%swap3A] {strides = array<i32>} : memref<64xf32, #tpu.memory_space<vmem>>, vector<16xf32>,
    %swap3A_188 = vector.shape_cast %swap3A_187 : vector<16xf32> to vector<16xf32>
    %swap3A_189 = vector.shape_cast %add3A_186 : vector<16xf32> to vector<16xf32>
    tpu.vector_store %arg11[%swap3A], %swap3A_189 {strides = array<i32>} : memref<64xf32, #tpu.memory_space<vmem>>, vector<16xf32>,
    %broadcast_in_dim3A_190 = arith.constant 0.000000e+00 : f32
    %broadcast_in_dim3A_191 = vector.broadcast %broadcast_in_dim3A_190 : f32 to vector<16xf32>
    %get3A_192 = arith.constant 0 : i32
    %get3A_193 = arith.index_cast %get3A_192 : i32 to index
    %get3A_194 = arith.constant 16 : index
    %get3A_195 = tpu.vector_load %arg10[%get3A_193, %get3A_194] {strides = array<i32>} : memref<26x64xf32, #tpu.memory_space<vmem>>, vector<1x16xf32>,
    %get3A_196 = vector.shape_cast %get3A_195 : vector<1x16xf32> to vector<16xf32>
    %add3A_197 = arith.addf %broadcast_in_dim3A_191, %get3A_196 : vector<16xf32>
    %get3A_198 = arith.constant 1 : i32
    %get3A_199 = arith.index_cast %get3A_198 : i32 to index
    %get3A_200 = arith.constant 16 : index
    %get3A_201 = tpu.vector_load %arg10[%get3A_199, %get3A_200] {strides = array<i32>} : memref<26x64xf32, #tpu.memory_space<vmem>>, vector<1x16xf32>,
    %get3A_202 = vector.shape_cast %get3A_201 : vector<1x16xf32> to vector<16xf32>
    %add3A_203 = arith.addf %add3A_197, %get3A_202 : vector<16xf32>
    %get3A_204 = arith.constant 2 : i32
    %get3A_205 = arith.index_cast %get3A_204 : i32 to index
    %get3A_206 = arith.constant 16 : index
    %get3A_207 = tpu.vector_load %arg10[%get3A_205, %get3A_206] {strides = array<i32>} : memref<26x64xf32, #tpu.memory_space<vmem>>, vector<1x16xf32>,
    %get3A_208 = vector.shape_cast %get3A_207 : vector<1x16xf32> to vector<16xf32>
    %add3A_209 = arith.addf %add3A_203, %get3A_208 : vector<16xf32>
    %get3A_210 = arith.constant 3 : i32
    %get3A_211 = arith.index_cast %get3A_210 : i32 to index
    %get3A_212 = arith.constant 16 : index
    %get3A_213 = tpu.vector_load %arg10[%get3A_211, %get3A_212] {strides = array<i32>} : memref<26x64xf32, #tpu.memory_space<vmem>>, vector<1x16xf32>,
    %get3A_214 = vector.shape_cast %get3A_213 : vector<1x16xf32> to vector<16xf32>
    %add3A_215 = arith.addf %add3A_209, %get3A_214 : vector<16xf32>
    %get3A_216 = arith.constant 4 : i32
    %get3A_217 = arith.index_cast %get3A_216 : i32 to index
    %get3A_218 = arith.constant 16 : index
    %get3A_219 = tpu.vector_load %arg10[%get3A_217, %get3A_218] {strides = array<i32>} : memref<26x64xf32, #tpu.memory_space<vmem>>, vector<1x16xf32>,
    %get3A_220 = vector.shape_cast %get3A_219 : vector<1x16xf32> to vector<16xf32>
    %add3A_221 = arith.addf %add3A_215, %get3A_220 : vector<16xf32>
    %get3A_222 = arith.constant 5 : i32
    %get3A_223 = arith.index_cast %get3A_222 : i32 to index
    %get3A_224 = arith.constant 16 : index
    %get3A_225 = tpu.vector_load %arg10[%get3A_223, %get3A_224] {strides = array<i32>} : memref<26x64xf32, #tpu.memory_space<vmem>>, vector<1x16xf32>,
    %get3A_226 = vector.shape_cast %get3A_225 : vector<1x16xf32> to vector<16xf32>
    %add3A_227 = arith.addf %add3A_221, %get3A_226 : vector<16xf32>
    %get3A_228 = arith.constant 6 : i32
    %get3A_229 = arith.index_cast %get3A_228 : i32 to index
    %get3A_230 = arith.constant 16 : index
    %get3A_231 = tpu.vector_load %arg10[%get3A_229, %get3A_230] {strides = array<i32>} : memref<26x64xf32, #tpu.memory_space<vmem>>, vector<1x16xf32>,
    %get3A_232 = vector.shape_cast %get3A_231 : vector<1x16xf32> to vector<16xf32>
    %add3A_233 = arith.addf %add3A_227, %get3A_232 : vector<16xf32>
    %get3A_234 = arith.constant 7 : i32
    %get3A_235 = arith.index_cast %get3A_234 : i32 to index
    %get3A_236 = arith.constant 16 : index
    %get3A_237 = tpu.vector_load %arg10[%get3A_235, %get3A_236] {strides = array<i32>} : memref<26x64xf32, #tpu.memory_space<vmem>>, vector<1x16xf32>,
    %get3A_238 = vector.shape_cast %get3A_237 : vector<1x16xf32> to vector<16xf32>
    %add3A_239 = arith.addf %add3A_233, %get3A_238 : vector<16xf32>
    %get3A_240 = arith.constant 8 : i32
    %get3A_241 = arith.index_cast %get3A_240 : i32 to index
    %get3A_242 = arith.constant 16 : index
    %get3A_243 = tpu.vector_load %arg10[%get3A_241, %get3A_242] {strides = array<i32>} : memref<26x64xf32, #tpu.memory_space<vmem>>, vector<1x16xf32>,
    %get3A_244 = vector.shape_cast %get3A_243 : vector<1x16xf32> to vector<16xf32>
    %add3A_245 = arith.addf %add3A_239, %get3A_244 : vector<16xf32>
    %get3A_246 = arith.constant 9 : i32
    %get3A_247 = arith.index_cast %get3A_246 : i32 to index
    %get3A_248 = arith.constant 16 : index
    %get3A_249 = tpu.vector_load %arg10[%get3A_247, %get3A_248] {strides = array<i32>} : memref<26x64xf32, #tpu.memory_space<vmem>>, vector<1x16xf32>,
    %get3A_250 = vector.shape_cast %get3A_249 : vector<1x16xf32> to vector<16xf32>
    %add3A_251 = arith.addf %add3A_245, %get3A_250 : vector<16xf32>
    %get3A_252 = arith.constant 10 : i32
    %get3A_253 = arith.index_cast %get3A_252 : i32 to index
    %get3A_254 = arith.constant 16 : index
    %get3A_255 = tpu.vector_load %arg10[%get3A_253, %get3A_254] {strides = array<i32>} : memref<26x64xf32, #tpu.memory_space<vmem>>, vector<1x16xf32>,
    %get3A_256 = vector.shape_cast %get3A_255 : vector<1x16xf32> to vector<16xf32>
    %add3A_257 = arith.addf %add3A_251, %get3A_256 : vector<16xf32>
    %get3A_258 = arith.constant 11 : i32
    %get3A_259 = arith.index_cast %get3A_258 : i32 to index
    %get3A_260 = arith.constant 16 : index
    %get3A_261 = tpu.vector_load %arg10[%get3A_259, %get3A_260] {strides = array<i32>} : memref<26x64xf32, #tpu.memory_space<vmem>>, vector<1x16xf32>,
    %get3A_262 = vector.shape_cast %get3A_261 : vector<1x16xf32> to vector<16xf32>
    %add3A_263 = arith.addf %add3A_257, %get3A_262 : vector<16xf32>
    %get3A_264 = arith.constant 12 : i32
    %get3A_265 = arith.index_cast %get3A_264 : i32 to index
    %get3A_266 = arith.constant 16 : index
    %get3A_267 = tpu.vector_load %arg10[%get3A_265, %get3A_266] {strides = array<i32>} : memref<26x64xf32, #tpu.memory_space<vmem>>, vector<1x16xf32>,
    %get3A_268 = vector.shape_cast %get3A_267 : vector<1x16xf32> to vector<16xf32>
    %add3A_269 = arith.addf %add3A_263, %get3A_268 : vector<16xf32>
    %get3A_270 = arith.constant 13 : i32
    %get3A_271 = arith.index_cast %get3A_270 : i32 to index
    %get3A_272 = arith.constant 16 : index
    %get3A_273 = tpu.vector_load %arg10[%get3A_271, %get3A_272] {strides = array<i32>} : memref<26x64xf32, #tpu.memory_space<vmem>>, vector<1x16xf32>,
    %get3A_274 = vector.shape_cast %get3A_273 : vector<1x16xf32> to vector<16xf32>
    %add3A_275 = arith.addf %add3A_269, %get3A_274 : vector<16xf32>
    %get3A_276 = arith.constant 14 : i32
    %get3A_277 = arith.index_cast %get3A_276 : i32 to index
    %get3A_278 = arith.constant 16 : index
    %get3A_279 = tpu.vector_load %arg10[%get3A_277, %get3A_278] {strides = array<i32>} : memref<26x64xf32, #tpu.memory_space<vmem>>, vector<1x16xf32>,
    %get3A_280 = vector.shape_cast %get3A_279 : vector<1x16xf32> to vector<16xf32>
    %add3A_281 = arith.addf %add3A_275, %get3A_280 : vector<16xf32>
    %get3A_282 = arith.constant 15 : i32
    %get3A_283 = arith.index_cast %get3A_282 : i32 to index
    %get3A_284 = arith.constant 16 : index
    %get3A_285 = tpu.vector_load %arg10[%get3A_283, %get3A_284] {strides = array<i32>} : memref<26x64xf32, #tpu.memory_space<vmem>>, vector<1x16xf32>,
    %get3A_286 = vector.shape_cast %get3A_285 : vector<1x16xf32> to vector<16xf32>
    %add3A_287 = arith.addf %add3A_281, %get3A_286 : vector<16xf32>
    %get3A_288 = arith.constant 16 : i32
    %get3A_289 = arith.index_cast %get3A_288 : i32 to index
    %get3A_290 = arith.constant 16 : index
    %get3A_291 = tpu.vector_load %arg10[%get3A_289, %get3A_290] {strides = array<i32>} : memref<26x64xf32, #tpu.memory_space<vmem>>, vector<1x16xf32>,
    %get3A_292 = vector.shape_cast %get3A_291 : vector<1x16xf32> to vector<16xf32>
    %add3A_293 = arith.addf %add3A_287, %get3A_292 : vector<16xf32>
    %get3A_294 = arith.constant 17 : i32
    %get3A_295 = arith.index_cast %get3A_294 : i32 to index
    %get3A_296 = arith.constant 16 : index
    %get3A_297 = tpu.vector_load %arg10[%get3A_295, %get3A_296] {strides = array<i32>} : memref<26x64xf32, #tpu.memory_space<vmem>>, vector<1x16xf32>,
    %get3A_298 = vector.shape_cast %get3A_297 : vector<1x16xf32> to vector<16xf32>
    %add3A_299 = arith.addf %add3A_293, %get3A_298 : vector<16xf32>
    %get3A_300 = arith.constant 18 : i32
    %get3A_301 = arith.index_cast %get3A_300 : i32 to index
    %get3A_302 = arith.constant 16 : index
    %get3A_303 = tpu.vector_load %arg10[%get3A_301, %get3A_302] {strides = array<i32>} : memref<26x64xf32, #tpu.memory_space<vmem>>, vector<1x16xf32>,
    %get3A_304 = vector.shape_cast %get3A_303 : vector<1x16xf32> to vector<16xf32>
    %add3A_305 = arith.addf %add3A_299, %get3A_304 : vector<16xf32>
    %get3A_306 = arith.constant 19 : i32
    %get3A_307 = arith.index_cast %get3A_306 : i32 to index
    %get3A_308 = arith.constant 16 : index
    %get3A_309 = tpu.vector_load %arg10[%get3A_307, %get3A_308] {strides = array<i32>} : memref<26x64xf32, #tpu.memory_space<vmem>>, vector<1x16xf32>,
    %get3A_310 = vector.shape_cast %get3A_309 : vector<1x16xf32> to vector<16xf32>
    %add3A_311 = arith.addf %add3A_305, %get3A_310 : vector<16xf32>
    %get3A_312 = arith.constant 20 : i32
    %get3A_313 = arith.index_cast %get3A_312 : i32 to index
    %get3A_314 = arith.constant 16 : index
    %get3A_315 = tpu.vector_load %arg10[%get3A_313, %get3A_314] {strides = array<i32>} : memref<26x64xf32, #tpu.memory_space<vmem>>, vector<1x16xf32>,
    %get3A_316 = vector.shape_cast %get3A_315 : vector<1x16xf32> to vector<16xf32>
    %add3A_317 = arith.addf %add3A_311, %get3A_316 : vector<16xf32>
    %get3A_318 = arith.constant 21 : i32
    %get3A_319 = arith.index_cast %get3A_318 : i32 to index
    %get3A_320 = arith.constant 16 : index
    %get3A_321 = tpu.vector_load %arg10[%get3A_319, %get3A_320] {strides = array<i32>} : memref<26x64xf32, #tpu.memory_space<vmem>>, vector<1x16xf32>,
    %get3A_322 = vector.shape_cast %get3A_321 : vector<1x16xf32> to vector<16xf32>
    %add3A_323 = arith.addf %add3A_317, %get3A_322 : vector<16xf32>
    %get3A_324 = arith.constant 22 : i32
    %get3A_325 = arith.index_cast %get3A_324 : i32 to index
    %get3A_326 = arith.constant 16 : index
    %get3A_327 = tpu.vector_load %arg10[%get3A_325, %get3A_326] {strides = array<i32>} : memref<26x64xf32, #tpu.memory_space<vmem>>, vector<1x16xf32>,
    %get3A_328 = vector.shape_cast %get3A_327 : vector<1x16xf32> to vector<16xf32>
    %add3A_329 = arith.addf %add3A_323, %get3A_328 : vector<16xf32>
    %get3A_330 = arith.constant 23 : i32
    %get3A_331 = arith.index_cast %get3A_330 : i32 to index
    %get3A_332 = arith.constant 16 : index
    %get3A_333 = tpu.vector_load %arg10[%get3A_331, %get3A_332] {strides = array<i32>} : memref<26x64xf32, #tpu.memory_space<vmem>>, vector<1x16xf32>,
    %get3A_334 = vector.shape_cast %get3A_333 : vector<1x16xf32> to vector<16xf32>
    %add3A_335 = arith.addf %add3A_329, %get3A_334 : vector<16xf32>
    %get3A_336 = arith.constant 24 : i32
    %get3A_337 = arith.index_cast %get3A_336 : i32 to index
    %get3A_338 = arith.constant 16 : index
    %get3A_339 = tpu.vector_load %arg10[%get3A_337, %get3A_338] {strides = array<i32>} : memref<26x64xf32, #tpu.memory_space<vmem>>, vector<1x16xf32>,
    %get3A_340 = vector.shape_cast %get3A_339 : vector<1x16xf32> to vector<16xf32>
    %add3A_341 = arith.addf %add3A_335, %get3A_340 : vector<16xf32>
    %get3A_342 = arith.constant 25 : i32
    %get3A_343 = arith.index_cast %get3A_342 : i32 to index
    %get3A_344 = arith.constant 16 : index
    %get3A_345 = tpu.vector_load %arg10[%get3A_343, %get3A_344] {strides = array<i32>} : memref<26x64xf32, #tpu.memory_space<vmem>>, vector<1x16xf32>,
    %get3A_346 = vector.shape_cast %get3A_345 : vector<1x16xf32> to vector<16xf32>
    %add3A_347 = arith.addf %add3A_341, %get3A_346 : vector<16xf32>
    %swap3A_348 = arith.constant 16 : index
    %swap3A_349 = tpu.vector_load %arg11[%swap3A_348] {strides = array<i32>} : memref<64xf32, #tpu.memory_space<vmem>>, vector<16xf32>,
    %swap3A_350 = vector.shape_cast %swap3A_349 : vector<16xf32> to vector<16xf32>
    %swap3A_351 = vector.shape_cast %add3A_347 : vector<16xf32> to vector<16xf32>
    tpu.vector_store %arg11[%swap3A_348], %swap3A_351 {strides = array<i32>} : memref<64xf32, #tpu.memory_space<vmem>>, vector<16xf32>,
    %broadcast_in_dim3A_352 = arith.constant 0.000000e+00 : f32
    %broadcast_in_dim3A_353 = vector.broadcast %broadcast_in_dim3A_352 : f32 to vector<16xf32>
    %get3A_354 = arith.constant 0 : i32
    %get3A_355 = arith.index_cast %get3A_354 : i32 to index
    %get3A_356 = arith.constant 32 : index
    %get3A_357 = tpu.vector_load %arg10[%get3A_355, %get3A_356] {strides = array<i32>} : memref<26x64xf32, #tpu.memory_space<vmem>>, vector<1x16xf32>,
    %get3A_358 = vector.shape_cast %get3A_357 : vector<1x16xf32> to vector<16xf32>
    %add3A_359 = arith.addf %broadcast_in_dim3A_353, %get3A_358 : vector<16xf32>
    %get3A_360 = arith.constant 1 : i32
    %get3A_361 = arith.index_cast %get3A_360 : i32 to index
    %get3A_362 = arith.constant 32 : index
    %get3A_363 = tpu.vector_load %arg10[%get3A_361, %get3A_362] {strides = array<i32>} : memref<26x64xf32, #tpu.memory_space<vmem>>, vector<1x16xf32>,
    %get3A_364 = vector.shape_cast %get3A_363 : vector<1x16xf32> to vector<16xf32>
    %add3A_365 = arith.addf %add3A_359, %get3A_364 : vector<16xf32>
    %get3A_366 = arith.constant 2 : i32
    %get3A_367 = arith.index_cast %get3A_366 : i32 to index
    %get3A_368 = arith.constant 32 : index
    %get3A_369 = tpu.vector_load %arg10[%get3A_367, %get3A_368] {strides = array<i32>} : memref<26x64xf32, #tpu.memory_space<vmem>>, vector<1x16xf32>,
    %get3A_370 = vector.shape_cast %get3A_369 : vector<1x16xf32> to vector<16xf32>
    %add3A_371 = arith.addf %add3A_365, %get3A_370 : vector<16xf32>
    %get3A_372 = arith.constant 3 : i32
    %get3A_373 = arith.index_cast %get3A_372 : i32 to index
    %get3A_374 = arith.constant 32 : index
    %get3A_375 = tpu.vector_load %arg10[%get3A_373, %get3A_374] {strides = array<i32>} : memref<26x64xf32, #tpu.memory_space<vmem>>, vector<1x16xf32>,
    %get3A_376 = vector.shape_cast %get3A_375 : vector<1x16xf32> to vector<16xf32>
    %add3A_377 = arith.addf %add3A_371, %get3A_376 : vector<16xf32>
    %get3A_378 = arith.constant 4 : i32
    %get3A_379 = arith.index_cast %get3A_378 : i32 to index
    %get3A_380 = arith.constant 32 : index
    %get3A_381 = tpu.vector_load %arg10[%get3A_379, %get3A_380] {strides = array<i32>} : memref<26x64xf32, #tpu.memory_space<vmem>>, vector<1x16xf32>,
    %get3A_382 = vector.shape_cast %get3A_381 : vector<1x16xf32> to vector<16xf32>
    %add3A_383 = arith.addf %add3A_377, %get3A_382 : vector<16xf32>
    %get3A_384 = arith.constant 5 : i32
    %get3A_385 = arith.index_cast %get3A_384 : i32 to index
    %get3A_386 = arith.constant 32 : index
    %get3A_387 = tpu.vector_load %arg10[%get3A_385, %get3A_386] {strides = array<i32>} : memref<26x64xf32, #tpu.memory_space<vmem>>, vector<1x16xf32>,
    %get3A_388 = vector.shape_cast %get3A_387 : vector<1x16xf32> to vector<16xf32>
    %add3A_389 = arith.addf %add3A_383, %get3A_388 : vector<16xf32>
    %get3A_390 = arith.constant 6 : i32
    %get3A_391 = arith.index_cast %get3A_390 : i32 to index
    %get3A_392 = arith.constant 32 : index
    %get3A_393 = tpu.vector_load %arg10[%get3A_391, %get3A_392] {strides = array<i32>} : memref<26x64xf32, #tpu.memory_space<vmem>>, vector<1x16xf32>,
    %get3A_394 = vector.shape_cast %get3A_393 : vector<1x16xf32> to vector<16xf32>
    %add3A_395 = arith.addf %add3A_389, %get3A_394 : vector<16xf32>
    %get3A_396 = arith.constant 7 : i32
    %get3A_397 = arith.index_cast %get3A_396 : i32 to index
    %get3A_398 = arith.constant 32 : index
    %get3A_399 = tpu.vector_load %arg10[%get3A_397, %get3A_398] {strides = array<i32>} : memref<26x64xf32, #tpu.memory_space<vmem>>, vector<1x16xf32>,
    %get3A_400 = vector.shape_cast %get3A_399 : vector<1x16xf32> to vector<16xf32>
    %add3A_401 = arith.addf %add3A_395, %get3A_400 : vector<16xf32>
    %get3A_402 = arith.constant 8 : i32
    %get3A_403 = arith.index_cast %get3A_402 : i32 to index
    %get3A_404 = arith.constant 32 : index
    %get3A_405 = tpu.vector_load %arg10[%get3A_403, %get3A_404] {strides = array<i32>} : memref<26x64xf32, #tpu.memory_space<vmem>>, vector<1x16xf32>,
    %get3A_406 = vector.shape_cast %get3A_405 : vector<1x16xf32> to vector<16xf32>
    %add3A_407 = arith.addf %add3A_401, %get3A_406 : vector<16xf32>
    %get3A_408 = arith.constant 9 : i32
    %get3A_409 = arith.index_cast %get3A_408 : i32 to index
    %get3A_410 = arith.constant 32 : index
    %get3A_411 = tpu.vector_load %arg10[%get3A_409, %get3A_410] {strides = array<i32>} : memref<26x64xf32, #tpu.memory_space<vmem>>, vector<1x16xf32>,
    %get3A_412 = vector.shape_cast %get3A_411 : vector<1x16xf32> to vector<16xf32>
    %add3A_413 = arith.addf %add3A_407, %get3A_412 : vector<16xf32>
    %get3A_414 = arith.constant 10 : i32
    %get3A_415 = arith.index_cast %get3A_414 : i32 to index
    %get3A_416 = arith.constant 32 : index
    %get3A_417 = tpu.vector_load %arg10[%get3A_415, %get3A_416] {strides = array<i32>} : memref<26x64xf32, #tpu.memory_space<vmem>>, vector<1x16xf32>,
    %get3A_418 = vector.shape_cast %get3A_417 : vector<1x16xf32> to vector<16xf32>
    %add3A_419 = arith.addf %add3A_413, %get3A_418 : vector<16xf32>
    %get3A_420 = arith.constant 11 : i32
    %get3A_421 = arith.index_cast %get3A_420 : i32 to index
    %get3A_422 = arith.constant 32 : index
    %get3A_423 = tpu.vector_load %arg10[%get3A_421, %get3A_422] {strides = array<i32>} : memref<26x64xf32, #tpu.memory_space<vmem>>, vector<1x16xf32>,
    %get3A_424 = vector.shape_cast %get3A_423 : vector<1x16xf32> to vector<16xf32>
    %add3A_425 = arith.addf %add3A_419, %get3A_424 : vector<16xf32>
    %get3A_426 = arith.constant 12 : i32
    %get3A_427 = arith.index_cast %get3A_426 : i32 to index
    %get3A_428 = arith.constant 32 : index
    %get3A_429 = tpu.vector_load %arg10[%get3A_427, %get3A_428] {strides = array<i32>} : memref<26x64xf32, #tpu.memory_space<vmem>>, vector<1x16xf32>,
    %get3A_430 = vector.shape_cast %get3A_429 : vector<1x16xf32> to vector<16xf32>
    %add3A_431 = arith.addf %add3A_425, %get3A_430 : vector<16xf32>
    %get3A_432 = arith.constant 13 : i32
    %get3A_433 = arith.index_cast %get3A_432 : i32 to index
    %get3A_434 = arith.constant 32 : index
    %get3A_435 = tpu.vector_load %arg10[%get3A_433, %get3A_434] {strides = array<i32>} : memref<26x64xf32, #tpu.memory_space<vmem>>, vector<1x16xf32>,
    %get3A_436 = vector.shape_cast %get3A_435 : vector<1x16xf32> to vector<16xf32>
    %add3A_437 = arith.addf %add3A_431, %get3A_436 : vector<16xf32>
    %get3A_438 = arith.constant 14 : i32
    %get3A_439 = arith.index_cast %get3A_438 : i32 to index
    %get3A_440 = arith.constant 32 : index
    %get3A_441 = tpu.vector_load %arg10[%get3A_439, %get3A_440] {strides = array<i32>} : memref<26x64xf32, #tpu.memory_space<vmem>>, vector<1x16xf32>,
    %get3A_442 = vector.shape_cast %get3A_441 : vector<1x16xf32> to vector<16xf32>
    %add3A_443 = arith.addf %add3A_437, %get3A_442 : vector<16xf32>
    %get3A_444 = arith.constant 15 : i32
    %get3A_445 = arith.index_cast %get3A_444 : i32 to index
    %get3A_446 = arith.constant 32 : index
    %get3A_447 = tpu.vector_load %arg10[%get3A_445, %get3A_446] {strides = array<i32>} : memref<26x64xf32, #tpu.memory_space<vmem>>, vector<1x16xf32>,
    %get3A_448 = vector.shape_cast %get3A_447 : vector<1x16xf32> to vector<16xf32>
    %add3A_449 = arith.addf %add3A_443, %get3A_448 : vector<16xf32>
    %get3A_450 = arith.constant 16 : i32
    %get3A_451 = arith.index_cast %get3A_450 : i32 to index
    %get3A_452 = arith.constant 32 : index
    %get3A_453 = tpu.vector_load %arg10[%get3A_451, %get3A_452] {strides = array<i32>} : memref<26x64xf32, #tpu.memory_space<vmem>>, vector<1x16xf32>,
    %get3A_454 = vector.shape_cast %get3A_453 : vector<1x16xf32> to vector<16xf32>
    %add3A_455 = arith.addf %add3A_449, %get3A_454 : vector<16xf32>
    %get3A_456 = arith.constant 17 : i32
    %get3A_457 = arith.index_cast %get3A_456 : i32 to index
    %get3A_458 = arith.constant 32 : index
    %get3A_459 = tpu.vector_load %arg10[%get3A_457, %get3A_458] {strides = array<i32>} : memref<26x64xf32, #tpu.memory_space<vmem>>, vector<1x16xf32>,
    %get3A_460 = vector.shape_cast %get3A_459 : vector<1x16xf32> to vector<16xf32>
    %add3A_461 = arith.addf %add3A_455, %get3A_460 : vector<16xf32>
    %get3A_462 = arith.constant 18 : i32
    %get3A_463 = arith.index_cast %get3A_462 : i32 to index
    %get3A_464 = arith.constant 32 : index
    %get3A_465 = tpu.vector_load %arg10[%get3A_463, %get3A_464] {strides = array<i32>} : memref<26x64xf32, #tpu.memory_space<vmem>>, vector<1x16xf32>,
    %get3A_466 = vector.shape_cast %get3A_465 : vector<1x16xf32> to vector<16xf32>
    %add3A_467 = arith.addf %add3A_461, %get3A_466 : vector<16xf32>
    %get3A_468 = arith.constant 19 : i32
    %get3A_469 = arith.index_cast %get3A_468 : i32 to index
    %get3A_470 = arith.constant 32 : index
    %get3A_471 = tpu.vector_load %arg10[%get3A_469, %get3A_470] {strides = array<i32>} : memref<26x64xf32, #tpu.memory_space<vmem>>, vector<1x16xf32>,
    %get3A_472 = vector.shape_cast %get3A_471 : vector<1x16xf32> to vector<16xf32>
    %add3A_473 = arith.addf %add3A_467, %get3A_472 : vector<16xf32>
    %get3A_474 = arith.constant 20 : i32
    %get3A_475 = arith.index_cast %get3A_474 : i32 to index
    %get3A_476 = arith.constant 32 : index
    %get3A_477 = tpu.vector_load %arg10[%get3A_475, %get3A_476] {strides = array<i32>} : memref<26x64xf32, #tpu.memory_space<vmem>>, vector<1x16xf32>,
    %get3A_478 = vector.shape_cast %get3A_477 : vector<1x16xf32> to vector<16xf32>
    %add3A_479 = arith.addf %add3A_473, %get3A_478 : vector<16xf32>
    %get3A_480 = arith.constant 21 : i32
    %get3A_481 = arith.index_cast %get3A_480 : i32 to index
    %get3A_482 = arith.constant 32 : index
    %get3A_483 = tpu.vector_load %arg10[%get3A_481, %get3A_482] {strides = array<i32>} : memref<26x64xf32, #tpu.memory_space<vmem>>, vector<1x16xf32>,
    %get3A_484 = vector.shape_cast %get3A_483 : vector<1x16xf32> to vector<16xf32>
    %add3A_485 = arith.addf %add3A_479, %get3A_484 : vector<16xf32>
    %get3A_486 = arith.constant 22 : i32
    %get3A_487 = arith.index_cast %get3A_486 : i32 to index
    %get3A_488 = arith.constant 32 : index
    %get3A_489 = tpu.vector_load %arg10[%get3A_487, %get3A_488] {strides = array<i32>} : memref<26x64xf32, #tpu.memory_space<vmem>>, vector<1x16xf32>,
    %get3A_490 = vector.shape_cast %get3A_489 : vector<1x16xf32> to vector<16xf32>
    %add3A_491 = arith.addf %add3A_485, %get3A_490 : vector<16xf32>
    %get3A_492 = arith.constant 23 : i32
    %get3A_493 = arith.index_cast %get3A_492 : i32 to index
    %get3A_494 = arith.constant 32 : index
    %get3A_495 = tpu.vector_load %arg10[%get3A_493, %get3A_494] {strides = array<i32>} : memref<26x64xf32, #tpu.memory_space<vmem>>, vector<1x16xf32>,
    %get3A_496 = vector.shape_cast %get3A_495 : vector<1x16xf32> to vector<16xf32>
    %add3A_497 = arith.addf %add3A_491, %get3A_496 : vector<16xf32>
    %get3A_498 = arith.constant 24 : i32
    %get3A_499 = arith.index_cast %get3A_498 : i32 to index
    %get3A_500 = arith.constant 32 : index
    %get3A_501 = tpu.vector_load %arg10[%get3A_499, %get3A_500] {strides = array<i32>} : memref<26x64xf32, #tpu.memory_space<vmem>>, vector<1x16xf32>,
    %get3A_502 = vector.shape_cast %get3A_501 : vector<1x16xf32> to vector<16xf32>
    %add3A_503 = arith.addf %add3A_497, %get3A_502 : vector<16xf32>
    %get3A_504 = arith.constant 25 : i32
    %get3A_505 = arith.index_cast %get3A_504 : i32 to index
    %get3A_506 = arith.constant 32 : index
    %get3A_507 = tpu.vector_load %arg10[%get3A_505, %get3A_506] {strides = array<i32>} : memref<26x64xf32, #tpu.memory_space<vmem>>, vector<1x16xf32>,
    %get3A_508 = vector.shape_cast %get3A_507 : vector<1x16xf32> to vector<16xf32>
    %add3A_509 = arith.addf %add3A_503, %get3A_508 : vector<16xf32>
    %swap3A_510 = arith.constant 32 : index
    %swap3A_511 = tpu.vector_load %arg11[%swap3A_510] {strides = array<i32>} : memref<64xf32, #tpu.memory_space<vmem>>, vector<16xf32>,
    %swap3A_512 = vector.shape_cast %swap3A_511 : vector<16xf32> to vector<16xf32>
    %swap3A_513 = vector.shape_cast %add3A_509 : vector<16xf32> to vector<16xf32>
    tpu.vector_store %arg11[%swap3A_510], %swap3A_513 {strides = array<i32>} : memref<64xf32, #tpu.memory_space<vmem>>, vector<16xf32>,
    %broadcast_in_dim3A_514 = arith.constant 0.000000e+00 : f32
    %broadcast_in_dim3A_515 = vector.broadcast %broadcast_in_dim3A_514 : f32 to vector<16xf32>
    %get3A_516 = arith.constant 0 : i32
    %get3A_517 = arith.index_cast %get3A_516 : i32 to index
    %get3A_518 = arith.constant 48 : index
    %get3A_519 = tpu.vector_load %arg10[%get3A_517, %get3A_518] {strides = array<i32>} : memref<26x64xf32, #tpu.memory_space<vmem>>, vector<1x16xf32>,
    %get3A_520 = vector.shape_cast %get3A_519 : vector<1x16xf32> to vector<16xf32>
    %add3A_521 = arith.addf %broadcast_in_dim3A_515, %get3A_520 : vector<16xf32>
    %get3A_522 = arith.constant 1 : i32
    %get3A_523 = arith.index_cast %get3A_522 : i32 to index
    %get3A_524 = arith.constant 48 : index
    %get3A_525 = tpu.vector_load %arg10[%get3A_523, %get3A_524] {strides = array<i32>} : memref<26x64xf32, #tpu.memory_space<vmem>>, vector<1x16xf32>,
    %get3A_526 = vector.shape_cast %get3A_525 : vector<1x16xf32> to vector<16xf32>
    %add3A_527 = arith.addf %add3A_521, %get3A_526 : vector<16xf32>
    %get3A_528 = arith.constant 2 : i32
    %get3A_529 = arith.index_cast %get3A_528 : i32 to index
    %get3A_530 = arith.constant 48 : index
    %get3A_531 = tpu.vector_load %arg10[%get3A_529, %get3A_530] {strides = array<i32>} : memref<26x64xf32, #tpu.memory_space<vmem>>, vector<1x16xf32>,
    %get3A_532 = vector.shape_cast %get3A_531 : vector<1x16xf32> to vector<16xf32>
    %add3A_533 = arith.addf %add3A_527, %get3A_532 : vector<16xf32>
    %get3A_534 = arith.constant 3 : i32
    %get3A_535 = arith.index_cast %get3A_534 : i32 to index
    %get3A_536 = arith.constant 48 : index
    %get3A_537 = tpu.vector_load %arg10[%get3A_535, %get3A_536] {strides = array<i32>} : memref<26x64xf32, #tpu.memory_space<vmem>>, vector<1x16xf32>,
    %get3A_538 = vector.shape_cast %get3A_537 : vector<1x16xf32> to vector<16xf32>
    %add3A_539 = arith.addf %add3A_533, %get3A_538 : vector<16xf32>
    %get3A_540 = arith.constant 4 : i32
    %get3A_541 = arith.index_cast %get3A_540 : i32 to index
    %get3A_542 = arith.constant 48 : index
    %get3A_543 = tpu.vector_load %arg10[%get3A_541, %get3A_542] {strides = array<i32>} : memref<26x64xf32, #tpu.memory_space<vmem>>, vector<1x16xf32>,
    %get3A_544 = vector.shape_cast %get3A_543 : vector<1x16xf32> to vector<16xf32>
    %add3A_545 = arith.addf %add3A_539, %get3A_544 : vector<16xf32>
    %get3A_546 = arith.constant 5 : i32
    %get3A_547 = arith.index_cast %get3A_546 : i32 to index
    %get3A_548 = arith.constant 48 : index
    %get3A_549 = tpu.vector_load %arg10[%get3A_547, %get3A_548] {strides = array<i32>} : memref<26x64xf32, #tpu.memory_space<vmem>>, vector<1x16xf32>,
    %get3A_550 = vector.shape_cast %get3A_549 : vector<1x16xf32> to vector<16xf32>
    %add3A_551 = arith.addf %add3A_545, %get3A_550 : vector<16xf32>
    %get3A_552 = arith.constant 6 : i32
    %get3A_553 = arith.index_cast %get3A_552 : i32 to index
    %get3A_554 = arith.constant 48 : index
    %get3A_555 = tpu.vector_load %arg10[%get3A_553, %get3A_554] {strides = array<i32>} : memref<26x64xf32, #tpu.memory_space<vmem>>, vector<1x16xf32>,
    %get3A_556 = vector.shape_cast %get3A_555 : vector<1x16xf32> to vector<16xf32>
    %add3A_557 = arith.addf %add3A_551, %get3A_556 : vector<16xf32>
    %get3A_558 = arith.constant 7 : i32
    %get3A_559 = arith.index_cast %get3A_558 : i32 to index
    %get3A_560 = arith.constant 48 : index
    %get3A_561 = tpu.vector_load %arg10[%get3A_559, %get3A_560] {strides = array<i32>} : memref<26x64xf32, #tpu.memory_space<vmem>>, vector<1x16xf32>,
    %get3A_562 = vector.shape_cast %get3A_561 : vector<1x16xf32> to vector<16xf32>
    %add3A_563 = arith.addf %add3A_557, %get3A_562 : vector<16xf32>
    %get3A_564 = arith.constant 8 : i32
    %get3A_565 = arith.index_cast %get3A_564 : i32 to index
    %get3A_566 = arith.constant 48 : index
    %get3A_567 = tpu.vector_load %arg10[%get3A_565, %get3A_566] {strides = array<i32>} : memref<26x64xf32, #tpu.memory_space<vmem>>, vector<1x16xf32>,
    %get3A_568 = vector.shape_cast %get3A_567 : vector<1x16xf32> to vector<16xf32>
    %add3A_569 = arith.addf %add3A_563, %get3A_568 : vector<16xf32>
    %get3A_570 = arith.constant 9 : i32
    %get3A_571 = arith.index_cast %get3A_570 : i32 to index
    %get3A_572 = arith.constant 48 : index
    %get3A_573 = tpu.vector_load %arg10[%get3A_571, %get3A_572] {strides = array<i32>} : memref<26x64xf32, #tpu.memory_space<vmem>>, vector<1x16xf32>,
    %get3A_574 = vector.shape_cast %get3A_573 : vector<1x16xf32> to vector<16xf32>
    %add3A_575 = arith.addf %add3A_569, %get3A_574 : vector<16xf32>
    %get3A_576 = arith.constant 10 : i32
    %get3A_577 = arith.index_cast %get3A_576 : i32 to index
    %get3A_578 = arith.constant 48 : index
    %get3A_579 = tpu.vector_load %arg10[%get3A_577, %get3A_578] {strides = array<i32>} : memref<26x64xf32, #tpu.memory_space<vmem>>, vector<1x16xf32>,
    %get3A_580 = vector.shape_cast %get3A_579 : vector<1x16xf32> to vector<16xf32>
    %add3A_581 = arith.addf %add3A_575, %get3A_580 : vector<16xf32>
    %get3A_582 = arith.constant 11 : i32
    %get3A_583 = arith.index_cast %get3A_582 : i32 to index
    %get3A_584 = arith.constant 48 : index
    %get3A_585 = tpu.vector_load %arg10[%get3A_583, %get3A_584] {strides = array<i32>} : memref<26x64xf32, #tpu.memory_space<vmem>>, vector<1x16xf32>,
    %get3A_586 = vector.shape_cast %get3A_585 : vector<1x16xf32> to vector<16xf32>
    %add3A_587 = arith.addf %add3A_581, %get3A_586 : vector<16xf32>
    %get3A_588 = arith.constant 12 : i32
    %get3A_589 = arith.index_cast %get3A_588 : i32 to index
    %get3A_590 = arith.constant 48 : index
    %get3A_591 = tpu.vector_load %arg10[%get3A_589, %get3A_590] {strides = array<i32>} : memref<26x64xf32, #tpu.memory_space<vmem>>, vector<1x16xf32>,
    %get3A_592 = vector.shape_cast %get3A_591 : vector<1x16xf32> to vector<16xf32>
    %add3A_593 = arith.addf %add3A_587, %get3A_592 : vector<16xf32>
    %get3A_594 = arith.constant 13 : i32
    %get3A_595 = arith.index_cast %get3A_594 : i32 to index
    %get3A_596 = arith.constant 48 : index
    %get3A_597 = tpu.vector_load %arg10[%get3A_595, %get3A_596] {strides = array<i32>} : memref<26x64xf32, #tpu.memory_space<vmem>>, vector<1x16xf32>,
    %get3A_598 = vector.shape_cast %get3A_597 : vector<1x16xf32> to vector<16xf32>
    %add3A_599 = arith.addf %add3A_593, %get3A_598 : vector<16xf32>
    %get3A_600 = arith.constant 14 : i32
    %get3A_601 = arith.index_cast %get3A_600 : i32 to index
    %get3A_602 = arith.constant 48 : index
    %get3A_603 = tpu.vector_load %arg10[%get3A_601, %get3A_602] {strides = array<i32>} : memref<26x64xf32, #tpu.memory_space<vmem>>, vector<1x16xf32>,
    %get3A_604 = vector.shape_cast %get3A_603 : vector<1x16xf32> to vector<16xf32>
    %add3A_605 = arith.addf %add3A_599, %get3A_604 : vector<16xf32>
    %get3A_606 = arith.constant 15 : i32
    %get3A_607 = arith.index_cast %get3A_606 : i32 to index
    %get3A_608 = arith.constant 48 : index
    %get3A_609 = tpu.vector_load %arg10[%get3A_607, %get3A_608] {strides = array<i32>} : memref<26x64xf32, #tpu.memory_space<vmem>>, vector<1x16xf32>,
    %get3A_610 = vector.shape_cast %get3A_609 : vector<1x16xf32> to vector<16xf32>
    %add3A_611 = arith.addf %add3A_605, %get3A_610 : vector<16xf32>
    %get3A_612 = arith.constant 16 : i32
    %get3A_613 = arith.index_cast %get3A_612 : i32 to index
    %get3A_614 = arith.constant 48 : index
    %get3A_615 = tpu.vector_load %arg10[%get3A_613, %get3A_614] {strides = array<i32>} : memref<26x64xf32, #tpu.memory_space<vmem>>, vector<1x16xf32>,
    %get3A_616 = vector.shape_cast %get3A_615 : vector<1x16xf32> to vector<16xf32>
    %add3A_617 = arith.addf %add3A_611, %get3A_616 : vector<16xf32>
    %get3A_618 = arith.constant 17 : i32
    %get3A_619 = arith.index_cast %get3A_618 : i32 to index
    %get3A_620 = arith.constant 48 : index
    %get3A_621 = tpu.vector_load %arg10[%get3A_619, %get3A_620] {strides = array<i32>} : memref<26x64xf32, #tpu.memory_space<vmem>>, vector<1x16xf32>,
    %get3A_622 = vector.shape_cast %get3A_621 : vector<1x16xf32> to vector<16xf32>
    %add3A_623 = arith.addf %add3A_617, %get3A_622 : vector<16xf32>
    %get3A_624 = arith.constant 18 : i32
    %get3A_625 = arith.index_cast %get3A_624 : i32 to index
    %get3A_626 = arith.constant 48 : index
    %get3A_627 = tpu.vector_load %arg10[%get3A_625, %get3A_626] {strides = array<i32>} : memref<26x64xf32, #tpu.memory_space<vmem>>, vector<1x16xf32>,
    %get3A_628 = vector.shape_cast %get3A_627 : vector<1x16xf32> to vector<16xf32>
    %add3A_629 = arith.addf %add3A_623, %get3A_628 : vector<16xf32>
    %get3A_630 = arith.constant 19 : i32
    %get3A_631 = arith.index_cast %get3A_630 : i32 to index
    %get3A_632 = arith.constant 48 : index
    %get3A_633 = tpu.vector_load %arg10[%get3A_631, %get3A_632] {strides = array<i32>} : memref<26x64xf32, #tpu.memory_space<vmem>>, vector<1x16xf32>,
    %get3A_634 = vector.shape_cast %get3A_633 : vector<1x16xf32> to vector<16xf32>
    %add3A_635 = arith.addf %add3A_629, %get3A_634 : vector<16xf32>
    %get3A_636 = arith.constant 20 : i32
    %get3A_637 = arith.index_cast %get3A_636 : i32 to index
    %get3A_638 = arith.constant 48 : index
    %get3A_639 = tpu.vector_load %arg10[%get3A_637, %get3A_638] {strides = array<i32>} : memref<26x64xf32, #tpu.memory_space<vmem>>, vector<1x16xf32>,
    %get3A_640 = vector.shape_cast %get3A_639 : vector<1x16xf32> to vector<16xf32>
    %add3A_641 = arith.addf %add3A_635, %get3A_640 : vector<16xf32>
    %get3A_642 = arith.constant 21 : i32
    %get3A_643 = arith.index_cast %get3A_642 : i32 to index
    %get3A_644 = arith.constant 48 : index
    %get3A_645 = tpu.vector_load %arg10[%get3A_643, %get3A_644] {strides = array<i32>} : memref<26x64xf32, #tpu.memory_space<vmem>>, vector<1x16xf32>,
    %get3A_646 = vector.shape_cast %get3A_645 : vector<1x16xf32> to vector<16xf32>
    %add3A_647 = arith.addf %add3A_641, %get3A_646 : vector<16xf32>
    %get3A_648 = arith.constant 22 : i32
    %get3A_649 = arith.index_cast %get3A_648 : i32 to index
    %get3A_650 = arith.constant 48 : index
    %get3A_651 = tpu.vector_load %arg10[%get3A_649, %get3A_650] {strides = array<i32>} : memref<26x64xf32, #tpu.memory_space<vmem>>, vector<1x16xf32>,
    %get3A_652 = vector.shape_cast %get3A_651 : vector<1x16xf32> to vector<16xf32>
    %add3A_653 = arith.addf %add3A_647, %get3A_652 : vector<16xf32>
    %get3A_654 = arith.constant 23 : i32
    %get3A_655 = arith.index_cast %get3A_654 : i32 to index
    %get3A_656 = arith.constant 48 : index
    %get3A_657 = tpu.vector_load %arg10[%get3A_655, %get3A_656] {strides = array<i32>} : memref<26x64xf32, #tpu.memory_space<vmem>>, vector<1x16xf32>,
    %get3A_658 = vector.shape_cast %get3A_657 : vector<1x16xf32> to vector<16xf32>
    %add3A_659 = arith.addf %add3A_653, %get3A_658 : vector<16xf32>
    %get3A_660 = arith.constant 24 : i32
    %get3A_661 = arith.index_cast %get3A_660 : i32 to index
    %get3A_662 = arith.constant 48 : index
    %get3A_663 = tpu.vector_load %arg10[%get3A_661, %get3A_662] {strides = array<i32>} : memref<26x64xf32, #tpu.memory_space<vmem>>, vector<1x16xf32>,
    %get3A_664 = vector.shape_cast %get3A_663 : vector<1x16xf32> to vector<16xf32>
    %add3A_665 = arith.addf %add3A_659, %get3A_664 : vector<16xf32>
    %get3A_666 = arith.constant 25 : i32
    %get3A_667 = arith.index_cast %get3A_666 : i32 to index
    %get3A_668 = arith.constant 48 : index
    %get3A_669 = tpu.vector_load %arg10[%get3A_667, %get3A_668] {strides = array<i32>} : memref<26x64xf32, #tpu.memory_space<vmem>>, vector<1x16xf32>,
    %get3A_670 = vector.shape_cast %get3A_669 : vector<1x16xf32> to vector<16xf32>
    %add3A_671 = arith.addf %add3A_665, %get3A_670 : vector<16xf32>
    %swap3A_672 = arith.constant 48 : index
    %swap3A_673 = tpu.vector_load %arg11[%swap3A_672] {strides = array<i32>} : memref<64xf32, #tpu.memory_space<vmem>>, vector<16xf32>,
    %swap3A_674 = vector.shape_cast %swap3A_673 : vector<16xf32> to vector<16xf32>
    %swap3A_675 = vector.shape_cast %add3A_671 : vector<16xf32> to vector<16xf32>
    tpu.vector_store %arg11[%swap3A_672], %swap3A_675 {strides = array<i32>} : memref<64xf32, #tpu.memory_space<vmem>>, vector<16xf32>,
    %mul3A_676 = arith.constant 64 : i32
    %mul3A_677 = arith.muli %add3A, %mul3A_676 : i32
    "tpu.region"() ({
      %run_scoped3A = tpu.sem_alloc : memref<!tpu.dma_semaphore, #tpu.memory_space<semaphore_mem>>
      %dma_start3A_678 = tpu.memref_slice %arg6[%mul3A_677] : memref<2048xf32, #tpu.memory_space<hbm>> -> memref<64xf32, #tpu.memory_space<hbm>>
      %dma_start3A_679 = tpu.memref_slice %arg6[%mul3A_677] : memref<2048xf32, #tpu.memory_space<hbm>> -> memref<64xf32, #tpu.memory_space<hbm>>
      tpu.enqueue_dma source(%arg11 : memref<64xf32, #tpu.memory_space<vmem>>) target(%dma_start3A_679 : memref<64xf32, #tpu.memory_space<hbm>>) target_semaphore(%run_scoped3A : memref<!tpu.dma_semaphore, #tpu.memory_space<semaphore_mem>>)
      %dma_wait3A = tpu.memref_slice %arg6[%mul3A_677] : memref<2048xf32, #tpu.memory_space<hbm>> -> memref<64xf32, #tpu.memory_space<hbm>>
      %dma_wait3A_680 = tpu.memref_slice %arg6[%mul3A_677] : memref<2048xf32, #tpu.memory_space<hbm>> -> memref<64xf32, #tpu.memory_space<hbm>>
      tpu.wait_dma2 semaphore(%run_scoped3A : memref<!tpu.dma_semaphore, #tpu.memory_space<semaphore_mem>>) src(%arg11 : memref<64xf32, #tpu.memory_space<vmem>>) dst(%dma_wait3A_680 : memref<64xf32, #tpu.memory_space<hbm>>)
      tpu.yield
    }) : () -> ()
    return
  }
}

module attributes {stable_mosaic.version = 14 : i64} {
  func.func @body(%arg0: i32, %arg1: memref<64x32768xf32, #tpu.memory_space<vmem>>, %arg2: memref<1x32768xf32, #tpu.memory_space<vmem>>, %arg3: memref<8192x128xf32, #tpu.memory_space<vmem>>, %arg4: memref<32768xf32, #tpu.memory_space<vmem>>) attributes {dimension_semantics = [#tpu.dimension_semantics<arbitrary>], iteration_bounds = array<i64: 32>, scalar_prefetch = 0 : i64, scratch_operands = 0 : i64, tpu.core_type = #tpu.core_type<tc>, window_params = [{transform_indices = @transform_0, window_bounds = array<i64: 64, 32768>}, {transform_indices = @transform_1, window_bounds = array<i64: 1, 32768>}, {transform_indices = @transform_2, window_bounds = array<i64: 8192, 128>}, {transform_indices = @transform_3, window_bounds = array<i64: 32768>}]} {
    %get3A = arith.constant 0 : index
    %get3A_0 = arith.constant 0 : index
    %get3A_1 = vector.load %arg1[%get3A, %get3A_0] : memref<64x32768xf32, #tpu.memory_space<vmem>>, vector<64x32768xf32>
    %slice3A = vector.extract_strided_slice %get3A_1 {offsets = [0, 0], sizes = [64, 128], strides = [1, 1]} : vector<64x32768xf32> to vector<64x128xf32>
    %slice3A_2 = vector.extract_strided_slice %get3A_1 {offsets = [0, 128], sizes = [64, 128], strides = [1, 1]} : vector<64x32768xf32> to vector<64x128xf32>
    %slice3A_3 = vector.extract_strided_slice %get3A_1 {offsets = [0, 256], sizes = [64, 128], strides = [1, 1]} : vector<64x32768xf32> to vector<64x128xf32>
    %slice3A_4 = vector.extract_strided_slice %get3A_1 {offsets = [0, 384], sizes = [64, 128], strides = [1, 1]} : vector<64x32768xf32> to vector<64x128xf32>
    %transpose3A = tpu.transpose %slice3A, [1, 0] : vector<64x128xf32> -> vector<128x64xf32>
    %transpose3A_5 = tpu.transpose %slice3A_2, [1, 0] : vector<64x128xf32> -> vector<128x64xf32>
    %convert_element_type3A = arith.truncf %transpose3A : vector<128x64xf32> to vector<128x64xbf16>
    %bitcast_convert_type3A = tpu.bitcast %convert_element_type3A : vector<128x64xbf16> -> vector<128x64xi16>
    %convert_element_type3A_6 = arith.truncf %transpose3A_5 : vector<128x64xf32> to vector<128x64xbf16>
    %bitcast_convert_type3A_7 = tpu.bitcast %convert_element_type3A_6 : vector<128x64xbf16> -> vector<128x64xi16>
    %convert_element_type3A_8 = arith.extui %bitcast_convert_type3A : vector<128x64xi16> to vector<128x64xi32>
    %shift_left3A = arith.constant 16 : i32
    %shift_left3A_9 = vector.broadcast %shift_left3A : i32 to vector<128x64xi32>
    %shift_left3A_10 = arith.shli %convert_element_type3A_8, %shift_left3A_9 : vector<128x64xi32>
    %convert_element_type3A_11 = arith.extui %bitcast_convert_type3A_7 : vector<128x64xi16> to vector<128x64xi32>
    %or3A = arith.ori %shift_left3A_10, %convert_element_type3A_11 : vector<128x64xi32>
    %bitcast_convert_type3A_12 = tpu.bitcast %or3A : vector<128x64xi32> -> vector<128x64xf32>
    %transpose3A_13 = tpu.transpose %slice3A_3, [1, 0] : vector<64x128xf32> -> vector<128x64xf32>
    %transpose3A_14 = tpu.transpose %slice3A_4, [1, 0] : vector<64x128xf32> -> vector<128x64xf32>
    %convert_element_type3A_15 = arith.truncf %transpose3A_13 : vector<128x64xf32> to vector<128x64xbf16>
    %bitcast_convert_type3A_16 = tpu.bitcast %convert_element_type3A_15 : vector<128x64xbf16> -> vector<128x64xi16>
    %convert_element_type3A_17 = arith.truncf %transpose3A_14 : vector<128x64xf32> to vector<128x64xbf16>
    %bitcast_convert_type3A_18 = tpu.bitcast %convert_element_type3A_17 : vector<128x64xbf16> -> vector<128x64xi16>
    %convert_element_type3A_19 = arith.extui %bitcast_convert_type3A_16 : vector<128x64xi16> to vector<128x64xi32>
    %shift_left3A_20 = arith.constant 16 : i32
    %shift_left3A_21 = vector.broadcast %shift_left3A_20 : i32 to vector<128x64xi32>
    %shift_left3A_22 = arith.shli %convert_element_type3A_19, %shift_left3A_21 : vector<128x64xi32>
    %convert_element_type3A_23 = arith.extui %bitcast_convert_type3A_18 : vector<128x64xi16> to vector<128x64xi32>
    %or3A_24 = arith.ori %shift_left3A_22, %convert_element_type3A_23 : vector<128x64xi32>
    %bitcast_convert_type3A_25 = tpu.bitcast %or3A_24 : vector<128x64xi32> -> vector<128x64xf32>
    %concatenate3A = tpu.concatenate %bitcast_convert_type3A_12, %bitcast_convert_type3A_25 in 1 : vector<128x64xf32>, vector<128x64xf32> -> vector<128x128xf32>
    %slice3A_26 = vector.extract_strided_slice %get3A_1 {offsets = [0, 512], sizes = [64, 128], strides = [1, 1]} : vector<64x32768xf32> to vector<64x128xf32>
    %slice3A_27 = vector.extract_strided_slice %get3A_1 {offsets = [0, 640], sizes = [64, 128], strides = [1, 1]} : vector<64x32768xf32> to vector<64x128xf32>
    %slice3A_28 = vector.extract_strided_slice %get3A_1 {offsets = [0, 768], sizes = [64, 128], strides = [1, 1]} : vector<64x32768xf32> to vector<64x128xf32>
    %slice3A_29 = vector.extract_strided_slice %get3A_1 {offsets = [0, 896], sizes = [64, 128], strides = [1, 1]} : vector<64x32768xf32> to vector<64x128xf32>
    %transpose3A_30 = tpu.transpose %slice3A_26, [1, 0] : vector<64x128xf32> -> vector<128x64xf32>
    %transpose3A_31 = tpu.transpose %slice3A_27, [1, 0] : vector<64x128xf32> -> vector<128x64xf32>
    %convert_element_type3A_32 = arith.truncf %transpose3A_30 : vector<128x64xf32> to vector<128x64xbf16>
    %bitcast_convert_type3A_33 = tpu.bitcast %convert_element_type3A_32 : vector<128x64xbf16> -> vector<128x64xi16>
    %convert_element_type3A_34 = arith.truncf %transpose3A_31 : vector<128x64xf32> to vector<128x64xbf16>
    %bitcast_convert_type3A_35 = tpu.bitcast %convert_element_type3A_34 : vector<128x64xbf16> -> vector<128x64xi16>
    %convert_element_type3A_36 = arith.extui %bitcast_convert_type3A_33 : vector<128x64xi16> to vector<128x64xi32>
    %shift_left3A_37 = arith.constant 16 : i32
    %shift_left3A_38 = vector.broadcast %shift_left3A_37 : i32 to vector<128x64xi32>
    %shift_left3A_39 = arith.shli %convert_element_type3A_36, %shift_left3A_38 : vector<128x64xi32>
    %convert_element_type3A_40 = arith.extui %bitcast_convert_type3A_35 : vector<128x64xi16> to vector<128x64xi32>
    %or3A_41 = arith.ori %shift_left3A_39, %convert_element_type3A_40 : vector<128x64xi32>
    %bitcast_convert_type3A_42 = tpu.bitcast %or3A_41 : vector<128x64xi32> -> vector<128x64xf32>
    %transpose3A_43 = tpu.transpose %slice3A_28, [1, 0] : vector<64x128xf32> -> vector<128x64xf32>
    %transpose3A_44 = tpu.transpose %slice3A_29, [1, 0] : vector<64x128xf32> -> vector<128x64xf32>
    %convert_element_type3A_45 = arith.truncf %transpose3A_43 : vector<128x64xf32> to vector<128x64xbf16>
    %bitcast_convert_type3A_46 = tpu.bitcast %convert_element_type3A_45 : vector<128x64xbf16> -> vector<128x64xi16>
    %convert_element_type3A_47 = arith.truncf %transpose3A_44 : vector<128x64xf32> to vector<128x64xbf16>
    %bitcast_convert_type3A_48 = tpu.bitcast %convert_element_type3A_47 : vector<128x64xbf16> -> vector<128x64xi16>
    %convert_element_type3A_49 = arith.extui %bitcast_convert_type3A_46 : vector<128x64xi16> to vector<128x64xi32>
    %shift_left3A_50 = arith.constant 16 : i32
    %shift_left3A_51 = vector.broadcast %shift_left3A_50 : i32 to vector<128x64xi32>
    %shift_left3A_52 = arith.shli %convert_element_type3A_49, %shift_left3A_51 : vector<128x64xi32>
    %convert_element_type3A_53 = arith.extui %bitcast_convert_type3A_48 : vector<128x64xi16> to vector<128x64xi32>
    %or3A_54 = arith.ori %shift_left3A_52, %convert_element_type3A_53 : vector<128x64xi32>
    %bitcast_convert_type3A_55 = tpu.bitcast %or3A_54 : vector<128x64xi32> -> vector<128x64xf32>
    %concatenate3A_56 = tpu.concatenate %bitcast_convert_type3A_42, %bitcast_convert_type3A_55 in 1 : vector<128x64xf32>, vector<128x64xf32> -> vector<128x128xf32>
    %slice3A_57 = vector.extract_strided_slice %get3A_1 {offsets = [0, 1024], sizes = [64, 128], strides = [1, 1]} : vector<64x32768xf32> to vector<64x128xf32>
    %slice3A_58 = vector.extract_strided_slice %get3A_1 {offsets = [0, 1152], sizes = [64, 128], strides = [1, 1]} : vector<64x32768xf32> to vector<64x128xf32>
    %slice3A_59 = vector.extract_strided_slice %get3A_1 {offsets = [0, 1280], sizes = [64, 128], strides = [1, 1]} : vector<64x32768xf32> to vector<64x128xf32>
    %slice3A_60 = vector.extract_strided_slice %get3A_1 {offsets = [0, 1408], sizes = [64, 128], strides = [1, 1]} : vector<64x32768xf32> to vector<64x128xf32>
    %transpose3A_61 = tpu.transpose %slice3A_57, [1, 0] : vector<64x128xf32> -> vector<128x64xf32>
    %transpose3A_62 = tpu.transpose %slice3A_58, [1, 0] : vector<64x128xf32> -> vector<128x64xf32>
    %convert_element_type3A_63 = arith.truncf %transpose3A_61 : vector<128x64xf32> to vector<128x64xbf16>
    %bitcast_convert_type3A_64 = tpu.bitcast %convert_element_type3A_63 : vector<128x64xbf16> -> vector<128x64xi16>
    %convert_element_type3A_65 = arith.truncf %transpose3A_62 : vector<128x64xf32> to vector<128x64xbf16>
    %bitcast_convert_type3A_66 = tpu.bitcast %convert_element_type3A_65 : vector<128x64xbf16> -> vector<128x64xi16>
    %convert_element_type3A_67 = arith.extui %bitcast_convert_type3A_64 : vector<128x64xi16> to vector<128x64xi32>
    %shift_left3A_68 = arith.constant 16 : i32
    %shift_left3A_69 = vector.broadcast %shift_left3A_68 : i32 to vector<128x64xi32>
    %shift_left3A_70 = arith.shli %convert_element_type3A_67, %shift_left3A_69 : vector<128x64xi32>
    %convert_element_type3A_71 = arith.extui %bitcast_convert_type3A_66 : vector<128x64xi16> to vector<128x64xi32>
    %or3A_72 = arith.ori %shift_left3A_70, %convert_element_type3A_71 : vector<128x64xi32>
    %bitcast_convert_type3A_73 = tpu.bitcast %or3A_72 : vector<128x64xi32> -> vector<128x64xf32>
    %transpose3A_74 = tpu.transpose %slice3A_59, [1, 0] : vector<64x128xf32> -> vector<128x64xf32>
    %transpose3A_75 = tpu.transpose %slice3A_60, [1, 0] : vector<64x128xf32> -> vector<128x64xf32>
    %convert_element_type3A_76 = arith.truncf %transpose3A_74 : vector<128x64xf32> to vector<128x64xbf16>
    %bitcast_convert_type3A_77 = tpu.bitcast %convert_element_type3A_76 : vector<128x64xbf16> -> vector<128x64xi16>
    %convert_element_type3A_78 = arith.truncf %transpose3A_75 : vector<128x64xf32> to vector<128x64xbf16>
    %bitcast_convert_type3A_79 = tpu.bitcast %convert_element_type3A_78 : vector<128x64xbf16> -> vector<128x64xi16>
    %convert_element_type3A_80 = arith.extui %bitcast_convert_type3A_77 : vector<128x64xi16> to vector<128x64xi32>
    %shift_left3A_81 = arith.constant 16 : i32
    %shift_left3A_82 = vector.broadcast %shift_left3A_81 : i32 to vector<128x64xi32>
    %shift_left3A_83 = arith.shli %convert_element_type3A_80, %shift_left3A_82 : vector<128x64xi32>
    %convert_element_type3A_84 = arith.extui %bitcast_convert_type3A_79 : vector<128x64xi16> to vector<128x64xi32>
    %or3A_85 = arith.ori %shift_left3A_83, %convert_element_type3A_84 : vector<128x64xi32>
    %bitcast_convert_type3A_86 = tpu.bitcast %or3A_85 : vector<128x64xi32> -> vector<128x64xf32>
    %concatenate3A_87 = tpu.concatenate %bitcast_convert_type3A_73, %bitcast_convert_type3A_86 in 1 : vector<128x64xf32>, vector<128x64xf32> -> vector<128x128xf32>
    %slice3A_88 = vector.extract_strided_slice %get3A_1 {offsets = [0, 1536], sizes = [64, 128], strides = [1, 1]} : vector<64x32768xf32> to vector<64x128xf32>
    %slice3A_89 = vector.extract_strided_slice %get3A_1 {offsets = [0, 1664], sizes = [64, 128], strides = [1, 1]} : vector<64x32768xf32> to vector<64x128xf32>
    %slice3A_90 = vector.extract_strided_slice %get3A_1 {offsets = [0, 1792], sizes = [64, 128], strides = [1, 1]} : vector<64x32768xf32> to vector<64x128xf32>
    %slice3A_91 = vector.extract_strided_slice %get3A_1 {offsets = [0, 1920], sizes = [64, 128], strides = [1, 1]} : vector<64x32768xf32> to vector<64x128xf32>
    %transpose3A_92 = tpu.transpose %slice3A_88, [1, 0] : vector<64x128xf32> -> vector<128x64xf32>
    %transpose3A_93 = tpu.transpose %slice3A_89, [1, 0] : vector<64x128xf32> -> vector<128x64xf32>
    %convert_element_type3A_94 = arith.truncf %transpose3A_92 : vector<128x64xf32> to vector<128x64xbf16>
    %bitcast_convert_type3A_95 = tpu.bitcast %convert_element_type3A_94 : vector<128x64xbf16> -> vector<128x64xi16>
    %convert_element_type3A_96 = arith.truncf %transpose3A_93 : vector<128x64xf32> to vector<128x64xbf16>
    %bitcast_convert_type3A_97 = tpu.bitcast %convert_element_type3A_96 : vector<128x64xbf16> -> vector<128x64xi16>
    %convert_element_type3A_98 = arith.extui %bitcast_convert_type3A_95 : vector<128x64xi16> to vector<128x64xi32>
    %shift_left3A_99 = arith.constant 16 : i32
    %shift_left3A_100 = vector.broadcast %shift_left3A_99 : i32 to vector<128x64xi32>
    %shift_left3A_101 = arith.shli %convert_element_type3A_98, %shift_left3A_100 : vector<128x64xi32>
    %convert_element_type3A_102 = arith.extui %bitcast_convert_type3A_97 : vector<128x64xi16> to vector<128x64xi32>
    %or3A_103 = arith.ori %shift_left3A_101, %convert_element_type3A_102 : vector<128x64xi32>
    %bitcast_convert_type3A_104 = tpu.bitcast %or3A_103 : vector<128x64xi32> -> vector<128x64xf32>
    %transpose3A_105 = tpu.transpose %slice3A_90, [1, 0] : vector<64x128xf32> -> vector<128x64xf32>
    %transpose3A_106 = tpu.transpose %slice3A_91, [1, 0] : vector<64x128xf32> -> vector<128x64xf32>
    %convert_element_type3A_107 = arith.truncf %transpose3A_105 : vector<128x64xf32> to vector<128x64xbf16>
    %bitcast_convert_type3A_108 = tpu.bitcast %convert_element_type3A_107 : vector<128x64xbf16> -> vector<128x64xi16>
    %convert_element_type3A_109 = arith.truncf %transpose3A_106 : vector<128x64xf32> to vector<128x64xbf16>
    %bitcast_convert_type3A_110 = tpu.bitcast %convert_element_type3A_109 : vector<128x64xbf16> -> vector<128x64xi16>
    %convert_element_type3A_111 = arith.extui %bitcast_convert_type3A_108 : vector<128x64xi16> to vector<128x64xi32>
    %shift_left3A_112 = arith.constant 16 : i32
    %shift_left3A_113 = vector.broadcast %shift_left3A_112 : i32 to vector<128x64xi32>
    %shift_left3A_114 = arith.shli %convert_element_type3A_111, %shift_left3A_113 : vector<128x64xi32>
    %convert_element_type3A_115 = arith.extui %bitcast_convert_type3A_110 : vector<128x64xi16> to vector<128x64xi32>
    %or3A_116 = arith.ori %shift_left3A_114, %convert_element_type3A_115 : vector<128x64xi32>
    %bitcast_convert_type3A_117 = tpu.bitcast %or3A_116 : vector<128x64xi32> -> vector<128x64xf32>
    %concatenate3A_118 = tpu.concatenate %bitcast_convert_type3A_104, %bitcast_convert_type3A_117 in 1 : vector<128x64xf32>, vector<128x64xf32> -> vector<128x128xf32>
    %slice3A_119 = vector.extract_strided_slice %get3A_1 {offsets = [0, 2048], sizes = [64, 128], strides = [1, 1]} : vector<64x32768xf32> to vector<64x128xf32>
    %slice3A_120 = vector.extract_strided_slice %get3A_1 {offsets = [0, 2176], sizes = [64, 128], strides = [1, 1]} : vector<64x32768xf32> to vector<64x128xf32>
    %slice3A_121 = vector.extract_strided_slice %get3A_1 {offsets = [0, 2304], sizes = [64, 128], strides = [1, 1]} : vector<64x32768xf32> to vector<64x128xf32>
    %slice3A_122 = vector.extract_strided_slice %get3A_1 {offsets = [0, 2432], sizes = [64, 128], strides = [1, 1]} : vector<64x32768xf32> to vector<64x128xf32>
    %transpose3A_123 = tpu.transpose %slice3A_119, [1, 0] : vector<64x128xf32> -> vector<128x64xf32>
    %transpose3A_124 = tpu.transpose %slice3A_120, [1, 0] : vector<64x128xf32> -> vector<128x64xf32>
    %convert_element_type3A_125 = arith.truncf %transpose3A_123 : vector<128x64xf32> to vector<128x64xbf16>
    %bitcast_convert_type3A_126 = tpu.bitcast %convert_element_type3A_125 : vector<128x64xbf16> -> vector<128x64xi16>
    %convert_element_type3A_127 = arith.truncf %transpose3A_124 : vector<128x64xf32> to vector<128x64xbf16>
    %bitcast_convert_type3A_128 = tpu.bitcast %convert_element_type3A_127 : vector<128x64xbf16> -> vector<128x64xi16>
    %convert_element_type3A_129 = arith.extui %bitcast_convert_type3A_126 : vector<128x64xi16> to vector<128x64xi32>
    %shift_left3A_130 = arith.constant 16 : i32
    %shift_left3A_131 = vector.broadcast %shift_left3A_130 : i32 to vector<128x64xi32>
    %shift_left3A_132 = arith.shli %convert_element_type3A_129, %shift_left3A_131 : vector<128x64xi32>
    %convert_element_type3A_133 = arith.extui %bitcast_convert_type3A_128 : vector<128x64xi16> to vector<128x64xi32>
    %or3A_134 = arith.ori %shift_left3A_132, %convert_element_type3A_133 : vector<128x64xi32>
    %bitcast_convert_type3A_135 = tpu.bitcast %or3A_134 : vector<128x64xi32> -> vector<128x64xf32>
    %transpose3A_136 = tpu.transpose %slice3A_121, [1, 0] : vector<64x128xf32> -> vector<128x64xf32>
    %transpose3A_137 = tpu.transpose %slice3A_122, [1, 0] : vector<64x128xf32> -> vector<128x64xf32>
    %convert_element_type3A_138 = arith.truncf %transpose3A_136 : vector<128x64xf32> to vector<128x64xbf16>
    %bitcast_convert_type3A_139 = tpu.bitcast %convert_element_type3A_138 : vector<128x64xbf16> -> vector<128x64xi16>
    %convert_element_type3A_140 = arith.truncf %transpose3A_137 : vector<128x64xf32> to vector<128x64xbf16>
    %bitcast_convert_type3A_141 = tpu.bitcast %convert_element_type3A_140 : vector<128x64xbf16> -> vector<128x64xi16>
    %convert_element_type3A_142 = arith.extui %bitcast_convert_type3A_139 : vector<128x64xi16> to vector<128x64xi32>
    %shift_left3A_143 = arith.constant 16 : i32
    %shift_left3A_144 = vector.broadcast %shift_left3A_143 : i32 to vector<128x64xi32>
    %shift_left3A_145 = arith.shli %convert_element_type3A_142, %shift_left3A_144 : vector<128x64xi32>
    %convert_element_type3A_146 = arith.extui %bitcast_convert_type3A_141 : vector<128x64xi16> to vector<128x64xi32>
    %or3A_147 = arith.ori %shift_left3A_145, %convert_element_type3A_146 : vector<128x64xi32>
    %bitcast_convert_type3A_148 = tpu.bitcast %or3A_147 : vector<128x64xi32> -> vector<128x64xf32>
    %concatenate3A_149 = tpu.concatenate %bitcast_convert_type3A_135, %bitcast_convert_type3A_148 in 1 : vector<128x64xf32>, vector<128x64xf32> -> vector<128x128xf32>
    %slice3A_150 = vector.extract_strided_slice %get3A_1 {offsets = [0, 2560], sizes = [64, 128], strides = [1, 1]} : vector<64x32768xf32> to vector<64x128xf32>
    %slice3A_151 = vector.extract_strided_slice %get3A_1 {offsets = [0, 2688], sizes = [64, 128], strides = [1, 1]} : vector<64x32768xf32> to vector<64x128xf32>
    %slice3A_152 = vector.extract_strided_slice %get3A_1 {offsets = [0, 2816], sizes = [64, 128], strides = [1, 1]} : vector<64x32768xf32> to vector<64x128xf32>
    %slice3A_153 = vector.extract_strided_slice %get3A_1 {offsets = [0, 2944], sizes = [64, 128], strides = [1, 1]} : vector<64x32768xf32> to vector<64x128xf32>
    %transpose3A_154 = tpu.transpose %slice3A_150, [1, 0] : vector<64x128xf32> -> vector<128x64xf32>
    %transpose3A_155 = tpu.transpose %slice3A_151, [1, 0] : vector<64x128xf32> -> vector<128x64xf32>
    %convert_element_type3A_156 = arith.truncf %transpose3A_154 : vector<128x64xf32> to vector<128x64xbf16>
    %bitcast_convert_type3A_157 = tpu.bitcast %convert_element_type3A_156 : vector<128x64xbf16> -> vector<128x64xi16>
    %convert_element_type3A_158 = arith.truncf %transpose3A_155 : vector<128x64xf32> to vector<128x64xbf16>
    %bitcast_convert_type3A_159 = tpu.bitcast %convert_element_type3A_158 : vector<128x64xbf16> -> vector<128x64xi16>
    %convert_element_type3A_160 = arith.extui %bitcast_convert_type3A_157 : vector<128x64xi16> to vector<128x64xi32>
    %shift_left3A_161 = arith.constant 16 : i32
    %shift_left3A_162 = vector.broadcast %shift_left3A_161 : i32 to vector<128x64xi32>
    %shift_left3A_163 = arith.shli %convert_element_type3A_160, %shift_left3A_162 : vector<128x64xi32>
    %convert_element_type3A_164 = arith.extui %bitcast_convert_type3A_159 : vector<128x64xi16> to vector<128x64xi32>
    %or3A_165 = arith.ori %shift_left3A_163, %convert_element_type3A_164 : vector<128x64xi32>
    %bitcast_convert_type3A_166 = tpu.bitcast %or3A_165 : vector<128x64xi32> -> vector<128x64xf32>
    %transpose3A_167 = tpu.transpose %slice3A_152, [1, 0] : vector<64x128xf32> -> vector<128x64xf32>
    %transpose3A_168 = tpu.transpose %slice3A_153, [1, 0] : vector<64x128xf32> -> vector<128x64xf32>
    %convert_element_type3A_169 = arith.truncf %transpose3A_167 : vector<128x64xf32> to vector<128x64xbf16>
    %bitcast_convert_type3A_170 = tpu.bitcast %convert_element_type3A_169 : vector<128x64xbf16> -> vector<128x64xi16>
    %convert_element_type3A_171 = arith.truncf %transpose3A_168 : vector<128x64xf32> to vector<128x64xbf16>
    %bitcast_convert_type3A_172 = tpu.bitcast %convert_element_type3A_171 : vector<128x64xbf16> -> vector<128x64xi16>
    %convert_element_type3A_173 = arith.extui %bitcast_convert_type3A_170 : vector<128x64xi16> to vector<128x64xi32>
    %shift_left3A_174 = arith.constant 16 : i32
    %shift_left3A_175 = vector.broadcast %shift_left3A_174 : i32 to vector<128x64xi32>
    %shift_left3A_176 = arith.shli %convert_element_type3A_173, %shift_left3A_175 : vector<128x64xi32>
    %convert_element_type3A_177 = arith.extui %bitcast_convert_type3A_172 : vector<128x64xi16> to vector<128x64xi32>
    %or3A_178 = arith.ori %shift_left3A_176, %convert_element_type3A_177 : vector<128x64xi32>
    %bitcast_convert_type3A_179 = tpu.bitcast %or3A_178 : vector<128x64xi32> -> vector<128x64xf32>
    %concatenate3A_180 = tpu.concatenate %bitcast_convert_type3A_166, %bitcast_convert_type3A_179 in 1 : vector<128x64xf32>, vector<128x64xf32> -> vector<128x128xf32>
    %slice3A_181 = vector.extract_strided_slice %get3A_1 {offsets = [0, 3072], sizes = [64, 128], strides = [1, 1]} : vector<64x32768xf32> to vector<64x128xf32>
    %slice3A_182 = vector.extract_strided_slice %get3A_1 {offsets = [0, 3200], sizes = [64, 128], strides = [1, 1]} : vector<64x32768xf32> to vector<64x128xf32>
    %slice3A_183 = vector.extract_strided_slice %get3A_1 {offsets = [0, 3328], sizes = [64, 128], strides = [1, 1]} : vector<64x32768xf32> to vector<64x128xf32>
    %slice3A_184 = vector.extract_strided_slice %get3A_1 {offsets = [0, 3456], sizes = [64, 128], strides = [1, 1]} : vector<64x32768xf32> to vector<64x128xf32>
    %transpose3A_185 = tpu.transpose %slice3A_181, [1, 0] : vector<64x128xf32> -> vector<128x64xf32>
    %transpose3A_186 = tpu.transpose %slice3A_182, [1, 0] : vector<64x128xf32> -> vector<128x64xf32>
    %convert_element_type3A_187 = arith.truncf %transpose3A_185 : vector<128x64xf32> to vector<128x64xbf16>
    %bitcast_convert_type3A_188 = tpu.bitcast %convert_element_type3A_187 : vector<128x64xbf16> -> vector<128x64xi16>
    %convert_element_type3A_189 = arith.truncf %transpose3A_186 : vector<128x64xf32> to vector<128x64xbf16>
    %bitcast_convert_type3A_190 = tpu.bitcast %convert_element_type3A_189 : vector<128x64xbf16> -> vector<128x64xi16>
    %convert_element_type3A_191 = arith.extui %bitcast_convert_type3A_188 : vector<128x64xi16> to vector<128x64xi32>
    %shift_left3A_192 = arith.constant 16 : i32
    %shift_left3A_193 = vector.broadcast %shift_left3A_192 : i32 to vector<128x64xi32>
    %shift_left3A_194 = arith.shli %convert_element_type3A_191, %shift_left3A_193 : vector<128x64xi32>
    %convert_element_type3A_195 = arith.extui %bitcast_convert_type3A_190 : vector<128x64xi16> to vector<128x64xi32>
    %or3A_196 = arith.ori %shift_left3A_194, %convert_element_type3A_195 : vector<128x64xi32>
    %bitcast_convert_type3A_197 = tpu.bitcast %or3A_196 : vector<128x64xi32> -> vector<128x64xf32>
    %transpose3A_198 = tpu.transpose %slice3A_183, [1, 0] : vector<64x128xf32> -> vector<128x64xf32>
    %transpose3A_199 = tpu.transpose %slice3A_184, [1, 0] : vector<64x128xf32> -> vector<128x64xf32>
    %convert_element_type3A_200 = arith.truncf %transpose3A_198 : vector<128x64xf32> to vector<128x64xbf16>
    %bitcast_convert_type3A_201 = tpu.bitcast %convert_element_type3A_200 : vector<128x64xbf16> -> vector<128x64xi16>
    %convert_element_type3A_202 = arith.truncf %transpose3A_199 : vector<128x64xf32> to vector<128x64xbf16>
    %bitcast_convert_type3A_203 = tpu.bitcast %convert_element_type3A_202 : vector<128x64xbf16> -> vector<128x64xi16>
    %convert_element_type3A_204 = arith.extui %bitcast_convert_type3A_201 : vector<128x64xi16> to vector<128x64xi32>
    %shift_left3A_205 = arith.constant 16 : i32
    %shift_left3A_206 = vector.broadcast %shift_left3A_205 : i32 to vector<128x64xi32>
    %shift_left3A_207 = arith.shli %convert_element_type3A_204, %shift_left3A_206 : vector<128x64xi32>
    %convert_element_type3A_208 = arith.extui %bitcast_convert_type3A_203 : vector<128x64xi16> to vector<128x64xi32>
    %or3A_209 = arith.ori %shift_left3A_207, %convert_element_type3A_208 : vector<128x64xi32>
    %bitcast_convert_type3A_210 = tpu.bitcast %or3A_209 : vector<128x64xi32> -> vector<128x64xf32>
    %concatenate3A_211 = tpu.concatenate %bitcast_convert_type3A_197, %bitcast_convert_type3A_210 in 1 : vector<128x64xf32>, vector<128x64xf32> -> vector<128x128xf32>
    %slice3A_212 = vector.extract_strided_slice %get3A_1 {offsets = [0, 3584], sizes = [64, 128], strides = [1, 1]} : vector<64x32768xf32> to vector<64x128xf32>
    %slice3A_213 = vector.extract_strided_slice %get3A_1 {offsets = [0, 3712], sizes = [64, 128], strides = [1, 1]} : vector<64x32768xf32> to vector<64x128xf32>
    %slice3A_214 = vector.extract_strided_slice %get3A_1 {offsets = [0, 3840], sizes = [64, 128], strides = [1, 1]} : vector<64x32768xf32> to vector<64x128xf32>
    %slice3A_215 = vector.extract_strided_slice %get3A_1 {offsets = [0, 3968], sizes = [64, 128], strides = [1, 1]} : vector<64x32768xf32> to vector<64x128xf32>
    %transpose3A_216 = tpu.transpose %slice3A_212, [1, 0] : vector<64x128xf32> -> vector<128x64xf32>
    %transpose3A_217 = tpu.transpose %slice3A_213, [1, 0] : vector<64x128xf32> -> vector<128x64xf32>
    %convert_element_type3A_218 = arith.truncf %transpose3A_216 : vector<128x64xf32> to vector<128x64xbf16>
    %bitcast_convert_type3A_219 = tpu.bitcast %convert_element_type3A_218 : vector<128x64xbf16> -> vector<128x64xi16>
    %convert_element_type3A_220 = arith.truncf %transpose3A_217 : vector<128x64xf32> to vector<128x64xbf16>
    %bitcast_convert_type3A_221 = tpu.bitcast %convert_element_type3A_220 : vector<128x64xbf16> -> vector<128x64xi16>
    %convert_element_type3A_222 = arith.extui %bitcast_convert_type3A_219 : vector<128x64xi16> to vector<128x64xi32>
    %shift_left3A_223 = arith.constant 16 : i32
    %shift_left3A_224 = vector.broadcast %shift_left3A_223 : i32 to vector<128x64xi32>
    %shift_left3A_225 = arith.shli %convert_element_type3A_222, %shift_left3A_224 : vector<128x64xi32>
    %convert_element_type3A_226 = arith.extui %bitcast_convert_type3A_221 : vector<128x64xi16> to vector<128x64xi32>
    %or3A_227 = arith.ori %shift_left3A_225, %convert_element_type3A_226 : vector<128x64xi32>
    %bitcast_convert_type3A_228 = tpu.bitcast %or3A_227 : vector<128x64xi32> -> vector<128x64xf32>
    %transpose3A_229 = tpu.transpose %slice3A_214, [1, 0] : vector<64x128xf32> -> vector<128x64xf32>
    %transpose3A_230 = tpu.transpose %slice3A_215, [1, 0] : vector<64x128xf32> -> vector<128x64xf32>
    %convert_element_type3A_231 = arith.truncf %transpose3A_229 : vector<128x64xf32> to vector<128x64xbf16>
    %bitcast_convert_type3A_232 = tpu.bitcast %convert_element_type3A_231 : vector<128x64xbf16> -> vector<128x64xi16>
    %convert_element_type3A_233 = arith.truncf %transpose3A_230 : vector<128x64xf32> to vector<128x64xbf16>
    %bitcast_convert_type3A_234 = tpu.bitcast %convert_element_type3A_233 : vector<128x64xbf16> -> vector<128x64xi16>
    %convert_element_type3A_235 = arith.extui %bitcast_convert_type3A_232 : vector<128x64xi16> to vector<128x64xi32>
    %shift_left3A_236 = arith.constant 16 : i32
    %shift_left3A_237 = vector.broadcast %shift_left3A_236 : i32 to vector<128x64xi32>
    %shift_left3A_238 = arith.shli %convert_element_type3A_235, %shift_left3A_237 : vector<128x64xi32>
    %convert_element_type3A_239 = arith.extui %bitcast_convert_type3A_234 : vector<128x64xi16> to vector<128x64xi32>
    %or3A_240 = arith.ori %shift_left3A_238, %convert_element_type3A_239 : vector<128x64xi32>
    %bitcast_convert_type3A_241 = tpu.bitcast %or3A_240 : vector<128x64xi32> -> vector<128x64xf32>
    %concatenate3A_242 = tpu.concatenate %bitcast_convert_type3A_228, %bitcast_convert_type3A_241 in 1 : vector<128x64xf32>, vector<128x64xf32> -> vector<128x128xf32>
    %slice3A_243 = vector.extract_strided_slice %get3A_1 {offsets = [0, 4096], sizes = [64, 128], strides = [1, 1]} : vector<64x32768xf32> to vector<64x128xf32>
    %slice3A_244 = vector.extract_strided_slice %get3A_1 {offsets = [0, 4224], sizes = [64, 128], strides = [1, 1]} : vector<64x32768xf32> to vector<64x128xf32>
    %slice3A_245 = vector.extract_strided_slice %get3A_1 {offsets = [0, 4352], sizes = [64, 128], strides = [1, 1]} : vector<64x32768xf32> to vector<64x128xf32>
    %slice3A_246 = vector.extract_strided_slice %get3A_1 {offsets = [0, 4480], sizes = [64, 128], strides = [1, 1]} : vector<64x32768xf32> to vector<64x128xf32>
    %transpose3A_247 = tpu.transpose %slice3A_243, [1, 0] : vector<64x128xf32> -> vector<128x64xf32>
    %transpose3A_248 = tpu.transpose %slice3A_244, [1, 0] : vector<64x128xf32> -> vector<128x64xf32>
    %convert_element_type3A_249 = arith.truncf %transpose3A_247 : vector<128x64xf32> to vector<128x64xbf16>
    %bitcast_convert_type3A_250 = tpu.bitcast %convert_element_type3A_249 : vector<128x64xbf16> -> vector<128x64xi16>
    %convert_element_type3A_251 = arith.truncf %transpose3A_248 : vector<128x64xf32> to vector<128x64xbf16>
    %bitcast_convert_type3A_252 = tpu.bitcast %convert_element_type3A_251 : vector<128x64xbf16> -> vector<128x64xi16>
    %convert_element_type3A_253 = arith.extui %bitcast_convert_type3A_250 : vector<128x64xi16> to vector<128x64xi32>
    %shift_left3A_254 = arith.constant 16 : i32
    %shift_left3A_255 = vector.broadcast %shift_left3A_254 : i32 to vector<128x64xi32>
    %shift_left3A_256 = arith.shli %convert_element_type3A_253, %shift_left3A_255 : vector<128x64xi32>
    %convert_element_type3A_257 = arith.extui %bitcast_convert_type3A_252 : vector<128x64xi16> to vector<128x64xi32>
    %or3A_258 = arith.ori %shift_left3A_256, %convert_element_type3A_257 : vector<128x64xi32>
    %bitcast_convert_type3A_259 = tpu.bitcast %or3A_258 : vector<128x64xi32> -> vector<128x64xf32>
    %transpose3A_260 = tpu.transpose %slice3A_245, [1, 0] : vector<64x128xf32> -> vector<128x64xf32>
    %transpose3A_261 = tpu.transpose %slice3A_246, [1, 0] : vector<64x128xf32> -> vector<128x64xf32>
    %convert_element_type3A_262 = arith.truncf %transpose3A_260 : vector<128x64xf32> to vector<128x64xbf16>
    %bitcast_convert_type3A_263 = tpu.bitcast %convert_element_type3A_262 : vector<128x64xbf16> -> vector<128x64xi16>
    %convert_element_type3A_264 = arith.truncf %transpose3A_261 : vector<128x64xf32> to vector<128x64xbf16>
    %bitcast_convert_type3A_265 = tpu.bitcast %convert_element_type3A_264 : vector<128x64xbf16> -> vector<128x64xi16>
    %convert_element_type3A_266 = arith.extui %bitcast_convert_type3A_263 : vector<128x64xi16> to vector<128x64xi32>
    %shift_left3A_267 = arith.constant 16 : i32
    %shift_left3A_268 = vector.broadcast %shift_left3A_267 : i32 to vector<128x64xi32>
    %shift_left3A_269 = arith.shli %convert_element_type3A_266, %shift_left3A_268 : vector<128x64xi32>
    %convert_element_type3A_270 = arith.extui %bitcast_convert_type3A_265 : vector<128x64xi16> to vector<128x64xi32>
    %or3A_271 = arith.ori %shift_left3A_269, %convert_element_type3A_270 : vector<128x64xi32>
    %bitcast_convert_type3A_272 = tpu.bitcast %or3A_271 : vector<128x64xi32> -> vector<128x64xf32>
    %concatenate3A_273 = tpu.concatenate %bitcast_convert_type3A_259, %bitcast_convert_type3A_272 in 1 : vector<128x64xf32>, vector<128x64xf32> -> vector<128x128xf32>
    %slice3A_274 = vector.extract_strided_slice %get3A_1 {offsets = [0, 4608], sizes = [64, 128], strides = [1, 1]} : vector<64x32768xf32> to vector<64x128xf32>
    %slice3A_275 = vector.extract_strided_slice %get3A_1 {offsets = [0, 4736], sizes = [64, 128], strides = [1, 1]} : vector<64x32768xf32> to vector<64x128xf32>
    %slice3A_276 = vector.extract_strided_slice %get3A_1 {offsets = [0, 4864], sizes = [64, 128], strides = [1, 1]} : vector<64x32768xf32> to vector<64x128xf32>
    %slice3A_277 = vector.extract_strided_slice %get3A_1 {offsets = [0, 4992], sizes = [64, 128], strides = [1, 1]} : vector<64x32768xf32> to vector<64x128xf32>
    %transpose3A_278 = tpu.transpose %slice3A_274, [1, 0] : vector<64x128xf32> -> vector<128x64xf32>
    %transpose3A_279 = tpu.transpose %slice3A_275, [1, 0] : vector<64x128xf32> -> vector<128x64xf32>
    %convert_element_type3A_280 = arith.truncf %transpose3A_278 : vector<128x64xf32> to vector<128x64xbf16>
    %bitcast_convert_type3A_281 = tpu.bitcast %convert_element_type3A_280 : vector<128x64xbf16> -> vector<128x64xi16>
    %convert_element_type3A_282 = arith.truncf %transpose3A_279 : vector<128x64xf32> to vector<128x64xbf16>
    %bitcast_convert_type3A_283 = tpu.bitcast %convert_element_type3A_282 : vector<128x64xbf16> -> vector<128x64xi16>
    %convert_element_type3A_284 = arith.extui %bitcast_convert_type3A_281 : vector<128x64xi16> to vector<128x64xi32>
    %shift_left3A_285 = arith.constant 16 : i32
    %shift_left3A_286 = vector.broadcast %shift_left3A_285 : i32 to vector<128x64xi32>
    %shift_left3A_287 = arith.shli %convert_element_type3A_284, %shift_left3A_286 : vector<128x64xi32>
    %convert_element_type3A_288 = arith.extui %bitcast_convert_type3A_283 : vector<128x64xi16> to vector<128x64xi32>
    %or3A_289 = arith.ori %shift_left3A_287, %convert_element_type3A_288 : vector<128x64xi32>
    %bitcast_convert_type3A_290 = tpu.bitcast %or3A_289 : vector<128x64xi32> -> vector<128x64xf32>
    %transpose3A_291 = tpu.transpose %slice3A_276, [1, 0] : vector<64x128xf32> -> vector<128x64xf32>
    %transpose3A_292 = tpu.transpose %slice3A_277, [1, 0] : vector<64x128xf32> -> vector<128x64xf32>
    %convert_element_type3A_293 = arith.truncf %transpose3A_291 : vector<128x64xf32> to vector<128x64xbf16>
    %bitcast_convert_type3A_294 = tpu.bitcast %convert_element_type3A_293 : vector<128x64xbf16> -> vector<128x64xi16>
    %convert_element_type3A_295 = arith.truncf %transpose3A_292 : vector<128x64xf32> to vector<128x64xbf16>
    %bitcast_convert_type3A_296 = tpu.bitcast %convert_element_type3A_295 : vector<128x64xbf16> -> vector<128x64xi16>
    %convert_element_type3A_297 = arith.extui %bitcast_convert_type3A_294 : vector<128x64xi16> to vector<128x64xi32>
    %shift_left3A_298 = arith.constant 16 : i32
    %shift_left3A_299 = vector.broadcast %shift_left3A_298 : i32 to vector<128x64xi32>
    %shift_left3A_300 = arith.shli %convert_element_type3A_297, %shift_left3A_299 : vector<128x64xi32>
    %convert_element_type3A_301 = arith.extui %bitcast_convert_type3A_296 : vector<128x64xi16> to vector<128x64xi32>
    %or3A_302 = arith.ori %shift_left3A_300, %convert_element_type3A_301 : vector<128x64xi32>
    %bitcast_convert_type3A_303 = tpu.bitcast %or3A_302 : vector<128x64xi32> -> vector<128x64xf32>
    %concatenate3A_304 = tpu.concatenate %bitcast_convert_type3A_290, %bitcast_convert_type3A_303 in 1 : vector<128x64xf32>, vector<128x64xf32> -> vector<128x128xf32>
    %slice3A_305 = vector.extract_strided_slice %get3A_1 {offsets = [0, 5120], sizes = [64, 128], strides = [1, 1]} : vector<64x32768xf32> to vector<64x128xf32>
    %slice3A_306 = vector.extract_strided_slice %get3A_1 {offsets = [0, 5248], sizes = [64, 128], strides = [1, 1]} : vector<64x32768xf32> to vector<64x128xf32>
    %slice3A_307 = vector.extract_strided_slice %get3A_1 {offsets = [0, 5376], sizes = [64, 128], strides = [1, 1]} : vector<64x32768xf32> to vector<64x128xf32>
    %slice3A_308 = vector.extract_strided_slice %get3A_1 {offsets = [0, 5504], sizes = [64, 128], strides = [1, 1]} : vector<64x32768xf32> to vector<64x128xf32>
    %transpose3A_309 = tpu.transpose %slice3A_305, [1, 0] : vector<64x128xf32> -> vector<128x64xf32>
    %transpose3A_310 = tpu.transpose %slice3A_306, [1, 0] : vector<64x128xf32> -> vector<128x64xf32>
    %convert_element_type3A_311 = arith.truncf %transpose3A_309 : vector<128x64xf32> to vector<128x64xbf16>
    %bitcast_convert_type3A_312 = tpu.bitcast %convert_element_type3A_311 : vector<128x64xbf16> -> vector<128x64xi16>
    %convert_element_type3A_313 = arith.truncf %transpose3A_310 : vector<128x64xf32> to vector<128x64xbf16>
    %bitcast_convert_type3A_314 = tpu.bitcast %convert_element_type3A_313 : vector<128x64xbf16> -> vector<128x64xi16>
    %convert_element_type3A_315 = arith.extui %bitcast_convert_type3A_312 : vector<128x64xi16> to vector<128x64xi32>
    %shift_left3A_316 = arith.constant 16 : i32
    %shift_left3A_317 = vector.broadcast %shift_left3A_316 : i32 to vector<128x64xi32>
    %shift_left3A_318 = arith.shli %convert_element_type3A_315, %shift_left3A_317 : vector<128x64xi32>
    %convert_element_type3A_319 = arith.extui %bitcast_convert_type3A_314 : vector<128x64xi16> to vector<128x64xi32>
    %or3A_320 = arith.ori %shift_left3A_318, %convert_element_type3A_319 : vector<128x64xi32>
    %bitcast_convert_type3A_321 = tpu.bitcast %or3A_320 : vector<128x64xi32> -> vector<128x64xf32>
    %transpose3A_322 = tpu.transpose %slice3A_307, [1, 0] : vector<64x128xf32> -> vector<128x64xf32>
    %transpose3A_323 = tpu.transpose %slice3A_308, [1, 0] : vector<64x128xf32> -> vector<128x64xf32>
    %convert_element_type3A_324 = arith.truncf %transpose3A_322 : vector<128x64xf32> to vector<128x64xbf16>
    %bitcast_convert_type3A_325 = tpu.bitcast %convert_element_type3A_324 : vector<128x64xbf16> -> vector<128x64xi16>
    %convert_element_type3A_326 = arith.truncf %transpose3A_323 : vector<128x64xf32> to vector<128x64xbf16>
    %bitcast_convert_type3A_327 = tpu.bitcast %convert_element_type3A_326 : vector<128x64xbf16> -> vector<128x64xi16>
    %convert_element_type3A_328 = arith.extui %bitcast_convert_type3A_325 : vector<128x64xi16> to vector<128x64xi32>
    %shift_left3A_329 = arith.constant 16 : i32
    %shift_left3A_330 = vector.broadcast %shift_left3A_329 : i32 to vector<128x64xi32>
    %shift_left3A_331 = arith.shli %convert_element_type3A_328, %shift_left3A_330 : vector<128x64xi32>
    %convert_element_type3A_332 = arith.extui %bitcast_convert_type3A_327 : vector<128x64xi16> to vector<128x64xi32>
    %or3A_333 = arith.ori %shift_left3A_331, %convert_element_type3A_332 : vector<128x64xi32>
    %bitcast_convert_type3A_334 = tpu.bitcast %or3A_333 : vector<128x64xi32> -> vector<128x64xf32>
    %concatenate3A_335 = tpu.concatenate %bitcast_convert_type3A_321, %bitcast_convert_type3A_334 in 1 : vector<128x64xf32>, vector<128x64xf32> -> vector<128x128xf32>
    %slice3A_336 = vector.extract_strided_slice %get3A_1 {offsets = [0, 5632], sizes = [64, 128], strides = [1, 1]} : vector<64x32768xf32> to vector<64x128xf32>
    %slice3A_337 = vector.extract_strided_slice %get3A_1 {offsets = [0, 5760], sizes = [64, 128], strides = [1, 1]} : vector<64x32768xf32> to vector<64x128xf32>
    %slice3A_338 = vector.extract_strided_slice %get3A_1 {offsets = [0, 5888], sizes = [64, 128], strides = [1, 1]} : vector<64x32768xf32> to vector<64x128xf32>
    %slice3A_339 = vector.extract_strided_slice %get3A_1 {offsets = [0, 6016], sizes = [64, 128], strides = [1, 1]} : vector<64x32768xf32> to vector<64x128xf32>
    %transpose3A_340 = tpu.transpose %slice3A_336, [1, 0] : vector<64x128xf32> -> vector<128x64xf32>
    %transpose3A_341 = tpu.transpose %slice3A_337, [1, 0] : vector<64x128xf32> -> vector<128x64xf32>
    %convert_element_type3A_342 = arith.truncf %transpose3A_340 : vector<128x64xf32> to vector<128x64xbf16>
    %bitcast_convert_type3A_343 = tpu.bitcast %convert_element_type3A_342 : vector<128x64xbf16> -> vector<128x64xi16>
    %convert_element_type3A_344 = arith.truncf %transpose3A_341 : vector<128x64xf32> to vector<128x64xbf16>
    %bitcast_convert_type3A_345 = tpu.bitcast %convert_element_type3A_344 : vector<128x64xbf16> -> vector<128x64xi16>
    %convert_element_type3A_346 = arith.extui %bitcast_convert_type3A_343 : vector<128x64xi16> to vector<128x64xi32>
    %shift_left3A_347 = arith.constant 16 : i32
    %shift_left3A_348 = vector.broadcast %shift_left3A_347 : i32 to vector<128x64xi32>
    %shift_left3A_349 = arith.shli %convert_element_type3A_346, %shift_left3A_348 : vector<128x64xi32>
    %convert_element_type3A_350 = arith.extui %bitcast_convert_type3A_345 : vector<128x64xi16> to vector<128x64xi32>
    %or3A_351 = arith.ori %shift_left3A_349, %convert_element_type3A_350 : vector<128x64xi32>
    %bitcast_convert_type3A_352 = tpu.bitcast %or3A_351 : vector<128x64xi32> -> vector<128x64xf32>
    %transpose3A_353 = tpu.transpose %slice3A_338, [1, 0] : vector<64x128xf32> -> vector<128x64xf32>
    %transpose3A_354 = tpu.transpose %slice3A_339, [1, 0] : vector<64x128xf32> -> vector<128x64xf32>
    %convert_element_type3A_355 = arith.truncf %transpose3A_353 : vector<128x64xf32> to vector<128x64xbf16>
    %bitcast_convert_type3A_356 = tpu.bitcast %convert_element_type3A_355 : vector<128x64xbf16> -> vector<128x64xi16>
    %convert_element_type3A_357 = arith.truncf %transpose3A_354 : vector<128x64xf32> to vector<128x64xbf16>
    %bitcast_convert_type3A_358 = tpu.bitcast %convert_element_type3A_357 : vector<128x64xbf16> -> vector<128x64xi16>
    %convert_element_type3A_359 = arith.extui %bitcast_convert_type3A_356 : vector<128x64xi16> to vector<128x64xi32>
    %shift_left3A_360 = arith.constant 16 : i32
    %shift_left3A_361 = vector.broadcast %shift_left3A_360 : i32 to vector<128x64xi32>
    %shift_left3A_362 = arith.shli %convert_element_type3A_359, %shift_left3A_361 : vector<128x64xi32>
    %convert_element_type3A_363 = arith.extui %bitcast_convert_type3A_358 : vector<128x64xi16> to vector<128x64xi32>
    %or3A_364 = arith.ori %shift_left3A_362, %convert_element_type3A_363 : vector<128x64xi32>
    %bitcast_convert_type3A_365 = tpu.bitcast %or3A_364 : vector<128x64xi32> -> vector<128x64xf32>
    %concatenate3A_366 = tpu.concatenate %bitcast_convert_type3A_352, %bitcast_convert_type3A_365 in 1 : vector<128x64xf32>, vector<128x64xf32> -> vector<128x128xf32>
    %slice3A_367 = vector.extract_strided_slice %get3A_1 {offsets = [0, 6144], sizes = [64, 128], strides = [1, 1]} : vector<64x32768xf32> to vector<64x128xf32>
    %slice3A_368 = vector.extract_strided_slice %get3A_1 {offsets = [0, 6272], sizes = [64, 128], strides = [1, 1]} : vector<64x32768xf32> to vector<64x128xf32>
    %slice3A_369 = vector.extract_strided_slice %get3A_1 {offsets = [0, 6400], sizes = [64, 128], strides = [1, 1]} : vector<64x32768xf32> to vector<64x128xf32>
    %slice3A_370 = vector.extract_strided_slice %get3A_1 {offsets = [0, 6528], sizes = [64, 128], strides = [1, 1]} : vector<64x32768xf32> to vector<64x128xf32>
    %transpose3A_371 = tpu.transpose %slice3A_367, [1, 0] : vector<64x128xf32> -> vector<128x64xf32>
    %transpose3A_372 = tpu.transpose %slice3A_368, [1, 0] : vector<64x128xf32> -> vector<128x64xf32>
    %convert_element_type3A_373 = arith.truncf %transpose3A_371 : vector<128x64xf32> to vector<128x64xbf16>
    %bitcast_convert_type3A_374 = tpu.bitcast %convert_element_type3A_373 : vector<128x64xbf16> -> vector<128x64xi16>
    %convert_element_type3A_375 = arith.truncf %transpose3A_372 : vector<128x64xf32> to vector<128x64xbf16>
    %bitcast_convert_type3A_376 = tpu.bitcast %convert_element_type3A_375 : vector<128x64xbf16> -> vector<128x64xi16>
    %convert_element_type3A_377 = arith.extui %bitcast_convert_type3A_374 : vector<128x64xi16> to vector<128x64xi32>
    %shift_left3A_378 = arith.constant 16 : i32
    %shift_left3A_379 = vector.broadcast %shift_left3A_378 : i32 to vector<128x64xi32>
    %shift_left3A_380 = arith.shli %convert_element_type3A_377, %shift_left3A_379 : vector<128x64xi32>
    %convert_element_type3A_381 = arith.extui %bitcast_convert_type3A_376 : vector<128x64xi16> to vector<128x64xi32>
    %or3A_382 = arith.ori %shift_left3A_380, %convert_element_type3A_381 : vector<128x64xi32>
    %bitcast_convert_type3A_383 = tpu.bitcast %or3A_382 : vector<128x64xi32> -> vector<128x64xf32>
    %transpose3A_384 = tpu.transpose %slice3A_369, [1, 0] : vector<64x128xf32> -> vector<128x64xf32>
    %transpose3A_385 = tpu.transpose %slice3A_370, [1, 0] : vector<64x128xf32> -> vector<128x64xf32>
    %convert_element_type3A_386 = arith.truncf %transpose3A_384 : vector<128x64xf32> to vector<128x64xbf16>
    %bitcast_convert_type3A_387 = tpu.bitcast %convert_element_type3A_386 : vector<128x64xbf16> -> vector<128x64xi16>
    %convert_element_type3A_388 = arith.truncf %transpose3A_385 : vector<128x64xf32> to vector<128x64xbf16>
    %bitcast_convert_type3A_389 = tpu.bitcast %convert_element_type3A_388 : vector<128x64xbf16> -> vector<128x64xi16>
    %convert_element_type3A_390 = arith.extui %bitcast_convert_type3A_387 : vector<128x64xi16> to vector<128x64xi32>
    %shift_left3A_391 = arith.constant 16 : i32
    %shift_left3A_392 = vector.broadcast %shift_left3A_391 : i32 to vector<128x64xi32>
    %shift_left3A_393 = arith.shli %convert_element_type3A_390, %shift_left3A_392 : vector<128x64xi32>
    %convert_element_type3A_394 = arith.extui %bitcast_convert_type3A_389 : vector<128x64xi16> to vector<128x64xi32>
    %or3A_395 = arith.ori %shift_left3A_393, %convert_element_type3A_394 : vector<128x64xi32>
    %bitcast_convert_type3A_396 = tpu.bitcast %or3A_395 : vector<128x64xi32> -> vector<128x64xf32>
    %concatenate3A_397 = tpu.concatenate %bitcast_convert_type3A_383, %bitcast_convert_type3A_396 in 1 : vector<128x64xf32>, vector<128x64xf32> -> vector<128x128xf32>
    %slice3A_398 = vector.extract_strided_slice %get3A_1 {offsets = [0, 6656], sizes = [64, 128], strides = [1, 1]} : vector<64x32768xf32> to vector<64x128xf32>
    %slice3A_399 = vector.extract_strided_slice %get3A_1 {offsets = [0, 6784], sizes = [64, 128], strides = [1, 1]} : vector<64x32768xf32> to vector<64x128xf32>
    %slice3A_400 = vector.extract_strided_slice %get3A_1 {offsets = [0, 6912], sizes = [64, 128], strides = [1, 1]} : vector<64x32768xf32> to vector<64x128xf32>
    %slice3A_401 = vector.extract_strided_slice %get3A_1 {offsets = [0, 7040], sizes = [64, 128], strides = [1, 1]} : vector<64x32768xf32> to vector<64x128xf32>
    %transpose3A_402 = tpu.transpose %slice3A_398, [1, 0] : vector<64x128xf32> -> vector<128x64xf32>
    %transpose3A_403 = tpu.transpose %slice3A_399, [1, 0] : vector<64x128xf32> -> vector<128x64xf32>
    %convert_element_type3A_404 = arith.truncf %transpose3A_402 : vector<128x64xf32> to vector<128x64xbf16>
    %bitcast_convert_type3A_405 = tpu.bitcast %convert_element_type3A_404 : vector<128x64xbf16> -> vector<128x64xi16>
    %convert_element_type3A_406 = arith.truncf %transpose3A_403 : vector<128x64xf32> to vector<128x64xbf16>
    %bitcast_convert_type3A_407 = tpu.bitcast %convert_element_type3A_406 : vector<128x64xbf16> -> vector<128x64xi16>
    %convert_element_type3A_408 = arith.extui %bitcast_convert_type3A_405 : vector<128x64xi16> to vector<128x64xi32>
    %shift_left3A_409 = arith.constant 16 : i32
    %shift_left3A_410 = vector.broadcast %shift_left3A_409 : i32 to vector<128x64xi32>
    %shift_left3A_411 = arith.shli %convert_element_type3A_408, %shift_left3A_410 : vector<128x64xi32>
    %convert_element_type3A_412 = arith.extui %bitcast_convert_type3A_407 : vector<128x64xi16> to vector<128x64xi32>
    %or3A_413 = arith.ori %shift_left3A_411, %convert_element_type3A_412 : vector<128x64xi32>
    %bitcast_convert_type3A_414 = tpu.bitcast %or3A_413 : vector<128x64xi32> -> vector<128x64xf32>
    %transpose3A_415 = tpu.transpose %slice3A_400, [1, 0] : vector<64x128xf32> -> vector<128x64xf32>
    %transpose3A_416 = tpu.transpose %slice3A_401, [1, 0] : vector<64x128xf32> -> vector<128x64xf32>
    %convert_element_type3A_417 = arith.truncf %transpose3A_415 : vector<128x64xf32> to vector<128x64xbf16>
    %bitcast_convert_type3A_418 = tpu.bitcast %convert_element_type3A_417 : vector<128x64xbf16> -> vector<128x64xi16>
    %convert_element_type3A_419 = arith.truncf %transpose3A_416 : vector<128x64xf32> to vector<128x64xbf16>
    %bitcast_convert_type3A_420 = tpu.bitcast %convert_element_type3A_419 : vector<128x64xbf16> -> vector<128x64xi16>
    %convert_element_type3A_421 = arith.extui %bitcast_convert_type3A_418 : vector<128x64xi16> to vector<128x64xi32>
    %shift_left3A_422 = arith.constant 16 : i32
    %shift_left3A_423 = vector.broadcast %shift_left3A_422 : i32 to vector<128x64xi32>
    %shift_left3A_424 = arith.shli %convert_element_type3A_421, %shift_left3A_423 : vector<128x64xi32>
    %convert_element_type3A_425 = arith.extui %bitcast_convert_type3A_420 : vector<128x64xi16> to vector<128x64xi32>
    %or3A_426 = arith.ori %shift_left3A_424, %convert_element_type3A_425 : vector<128x64xi32>
    %bitcast_convert_type3A_427 = tpu.bitcast %or3A_426 : vector<128x64xi32> -> vector<128x64xf32>
    %concatenate3A_428 = tpu.concatenate %bitcast_convert_type3A_414, %bitcast_convert_type3A_427 in 1 : vector<128x64xf32>, vector<128x64xf32> -> vector<128x128xf32>
    %slice3A_429 = vector.extract_strided_slice %get3A_1 {offsets = [0, 7168], sizes = [64, 128], strides = [1, 1]} : vector<64x32768xf32> to vector<64x128xf32>
    %slice3A_430 = vector.extract_strided_slice %get3A_1 {offsets = [0, 7296], sizes = [64, 128], strides = [1, 1]} : vector<64x32768xf32> to vector<64x128xf32>
    %slice3A_431 = vector.extract_strided_slice %get3A_1 {offsets = [0, 7424], sizes = [64, 128], strides = [1, 1]} : vector<64x32768xf32> to vector<64x128xf32>
    %slice3A_432 = vector.extract_strided_slice %get3A_1 {offsets = [0, 7552], sizes = [64, 128], strides = [1, 1]} : vector<64x32768xf32> to vector<64x128xf32>
    %transpose3A_433 = tpu.transpose %slice3A_429, [1, 0] : vector<64x128xf32> -> vector<128x64xf32>
    %transpose3A_434 = tpu.transpose %slice3A_430, [1, 0] : vector<64x128xf32> -> vector<128x64xf32>
    %convert_element_type3A_435 = arith.truncf %transpose3A_433 : vector<128x64xf32> to vector<128x64xbf16>
    %bitcast_convert_type3A_436 = tpu.bitcast %convert_element_type3A_435 : vector<128x64xbf16> -> vector<128x64xi16>
    %convert_element_type3A_437 = arith.truncf %transpose3A_434 : vector<128x64xf32> to vector<128x64xbf16>
    %bitcast_convert_type3A_438 = tpu.bitcast %convert_element_type3A_437 : vector<128x64xbf16> -> vector<128x64xi16>
    %convert_element_type3A_439 = arith.extui %bitcast_convert_type3A_436 : vector<128x64xi16> to vector<128x64xi32>
    %shift_left3A_440 = arith.constant 16 : i32
    %shift_left3A_441 = vector.broadcast %shift_left3A_440 : i32 to vector<128x64xi32>
    %shift_left3A_442 = arith.shli %convert_element_type3A_439, %shift_left3A_441 : vector<128x64xi32>
    %convert_element_type3A_443 = arith.extui %bitcast_convert_type3A_438 : vector<128x64xi16> to vector<128x64xi32>
    %or3A_444 = arith.ori %shift_left3A_442, %convert_element_type3A_443 : vector<128x64xi32>
    %bitcast_convert_type3A_445 = tpu.bitcast %or3A_444 : vector<128x64xi32> -> vector<128x64xf32>
    %transpose3A_446 = tpu.transpose %slice3A_431, [1, 0] : vector<64x128xf32> -> vector<128x64xf32>
    %transpose3A_447 = tpu.transpose %slice3A_432, [1, 0] : vector<64x128xf32> -> vector<128x64xf32>
    %convert_element_type3A_448 = arith.truncf %transpose3A_446 : vector<128x64xf32> to vector<128x64xbf16>
    %bitcast_convert_type3A_449 = tpu.bitcast %convert_element_type3A_448 : vector<128x64xbf16> -> vector<128x64xi16>
    %convert_element_type3A_450 = arith.truncf %transpose3A_447 : vector<128x64xf32> to vector<128x64xbf16>
    %bitcast_convert_type3A_451 = tpu.bitcast %convert_element_type3A_450 : vector<128x64xbf16> -> vector<128x64xi16>
    %convert_element_type3A_452 = arith.extui %bitcast_convert_type3A_449 : vector<128x64xi16> to vector<128x64xi32>
    %shift_left3A_453 = arith.constant 16 : i32
    %shift_left3A_454 = vector.broadcast %shift_left3A_453 : i32 to vector<128x64xi32>
    %shift_left3A_455 = arith.shli %convert_element_type3A_452, %shift_left3A_454 : vector<128x64xi32>
    %convert_element_type3A_456 = arith.extui %bitcast_convert_type3A_451 : vector<128x64xi16> to vector<128x64xi32>
    %or3A_457 = arith.ori %shift_left3A_455, %convert_element_type3A_456 : vector<128x64xi32>
    %bitcast_convert_type3A_458 = tpu.bitcast %or3A_457 : vector<128x64xi32> -> vector<128x64xf32>
    %concatenate3A_459 = tpu.concatenate %bitcast_convert_type3A_445, %bitcast_convert_type3A_458 in 1 : vector<128x64xf32>, vector<128x64xf32> -> vector<128x128xf32>
    %slice3A_460 = vector.extract_strided_slice %get3A_1 {offsets = [0, 7680], sizes = [64, 128], strides = [1, 1]} : vector<64x32768xf32> to vector<64x128xf32>
    %slice3A_461 = vector.extract_strided_slice %get3A_1 {offsets = [0, 7808], sizes = [64, 128], strides = [1, 1]} : vector<64x32768xf32> to vector<64x128xf32>
    %slice3A_462 = vector.extract_strided_slice %get3A_1 {offsets = [0, 7936], sizes = [64, 128], strides = [1, 1]} : vector<64x32768xf32> to vector<64x128xf32>
    %slice3A_463 = vector.extract_strided_slice %get3A_1 {offsets = [0, 8064], sizes = [64, 128], strides = [1, 1]} : vector<64x32768xf32> to vector<64x128xf32>
    %transpose3A_464 = tpu.transpose %slice3A_460, [1, 0] : vector<64x128xf32> -> vector<128x64xf32>
    %transpose3A_465 = tpu.transpose %slice3A_461, [1, 0] : vector<64x128xf32> -> vector<128x64xf32>
    %convert_element_type3A_466 = arith.truncf %transpose3A_464 : vector<128x64xf32> to vector<128x64xbf16>
    %bitcast_convert_type3A_467 = tpu.bitcast %convert_element_type3A_466 : vector<128x64xbf16> -> vector<128x64xi16>
    %convert_element_type3A_468 = arith.truncf %transpose3A_465 : vector<128x64xf32> to vector<128x64xbf16>
    %bitcast_convert_type3A_469 = tpu.bitcast %convert_element_type3A_468 : vector<128x64xbf16> -> vector<128x64xi16>
    %convert_element_type3A_470 = arith.extui %bitcast_convert_type3A_467 : vector<128x64xi16> to vector<128x64xi32>
    %shift_left3A_471 = arith.constant 16 : i32
    %shift_left3A_472 = vector.broadcast %shift_left3A_471 : i32 to vector<128x64xi32>
    %shift_left3A_473 = arith.shli %convert_element_type3A_470, %shift_left3A_472 : vector<128x64xi32>
    %convert_element_type3A_474 = arith.extui %bitcast_convert_type3A_469 : vector<128x64xi16> to vector<128x64xi32>
    %or3A_475 = arith.ori %shift_left3A_473, %convert_element_type3A_474 : vector<128x64xi32>
    %bitcast_convert_type3A_476 = tpu.bitcast %or3A_475 : vector<128x64xi32> -> vector<128x64xf32>
    %transpose3A_477 = tpu.transpose %slice3A_462, [1, 0] : vector<64x128xf32> -> vector<128x64xf32>
    %transpose3A_478 = tpu.transpose %slice3A_463, [1, 0] : vector<64x128xf32> -> vector<128x64xf32>
    %convert_element_type3A_479 = arith.truncf %transpose3A_477 : vector<128x64xf32> to vector<128x64xbf16>
    %bitcast_convert_type3A_480 = tpu.bitcast %convert_element_type3A_479 : vector<128x64xbf16> -> vector<128x64xi16>
    %convert_element_type3A_481 = arith.truncf %transpose3A_478 : vector<128x64xf32> to vector<128x64xbf16>
    %bitcast_convert_type3A_482 = tpu.bitcast %convert_element_type3A_481 : vector<128x64xbf16> -> vector<128x64xi16>
    %convert_element_type3A_483 = arith.extui %bitcast_convert_type3A_480 : vector<128x64xi16> to vector<128x64xi32>
    %shift_left3A_484 = arith.constant 16 : i32
    %shift_left3A_485 = vector.broadcast %shift_left3A_484 : i32 to vector<128x64xi32>
    %shift_left3A_486 = arith.shli %convert_element_type3A_483, %shift_left3A_485 : vector<128x64xi32>
    %convert_element_type3A_487 = arith.extui %bitcast_convert_type3A_482 : vector<128x64xi16> to vector<128x64xi32>
    %or3A_488 = arith.ori %shift_left3A_486, %convert_element_type3A_487 : vector<128x64xi32>
    %bitcast_convert_type3A_489 = tpu.bitcast %or3A_488 : vector<128x64xi32> -> vector<128x64xf32>
    %concatenate3A_490 = tpu.concatenate %bitcast_convert_type3A_476, %bitcast_convert_type3A_489 in 1 : vector<128x64xf32>, vector<128x64xf32> -> vector<128x128xf32>
    %slice3A_491 = vector.extract_strided_slice %get3A_1 {offsets = [0, 8192], sizes = [64, 128], strides = [1, 1]} : vector<64x32768xf32> to vector<64x128xf32>
    %slice3A_492 = vector.extract_strided_slice %get3A_1 {offsets = [0, 8320], sizes = [64, 128], strides = [1, 1]} : vector<64x32768xf32> to vector<64x128xf32>
    %slice3A_493 = vector.extract_strided_slice %get3A_1 {offsets = [0, 8448], sizes = [64, 128], strides = [1, 1]} : vector<64x32768xf32> to vector<64x128xf32>
    %slice3A_494 = vector.extract_strided_slice %get3A_1 {offsets = [0, 8576], sizes = [64, 128], strides = [1, 1]} : vector<64x32768xf32> to vector<64x128xf32>
    %transpose3A_495 = tpu.transpose %slice3A_491, [1, 0] : vector<64x128xf32> -> vector<128x64xf32>
    %transpose3A_496 = tpu.transpose %slice3A_492, [1, 0] : vector<64x128xf32> -> vector<128x64xf32>
    %convert_element_type3A_497 = arith.truncf %transpose3A_495 : vector<128x64xf32> to vector<128x64xbf16>
    %bitcast_convert_type3A_498 = tpu.bitcast %convert_element_type3A_497 : vector<128x64xbf16> -> vector<128x64xi16>
    %convert_element_type3A_499 = arith.truncf %transpose3A_496 : vector<128x64xf32> to vector<128x64xbf16>
    %bitcast_convert_type3A_500 = tpu.bitcast %convert_element_type3A_499 : vector<128x64xbf16> -> vector<128x64xi16>
    %convert_element_type3A_501 = arith.extui %bitcast_convert_type3A_498 : vector<128x64xi16> to vector<128x64xi32>
    %shift_left3A_502 = arith.constant 16 : i32
    %shift_left3A_503 = vector.broadcast %shift_left3A_502 : i32 to vector<128x64xi32>
    %shift_left3A_504 = arith.shli %convert_element_type3A_501, %shift_left3A_503 : vector<128x64xi32>
    %convert_element_type3A_505 = arith.extui %bitcast_convert_type3A_500 : vector<128x64xi16> to vector<128x64xi32>
    %or3A_506 = arith.ori %shift_left3A_504, %convert_element_type3A_505 : vector<128x64xi32>
    %bitcast_convert_type3A_507 = tpu.bitcast %or3A_506 : vector<128x64xi32> -> vector<128x64xf32>
    %transpose3A_508 = tpu.transpose %slice3A_493, [1, 0] : vector<64x128xf32> -> vector<128x64xf32>
    %transpose3A_509 = tpu.transpose %slice3A_494, [1, 0] : vector<64x128xf32> -> vector<128x64xf32>
    %convert_element_type3A_510 = arith.truncf %transpose3A_508 : vector<128x64xf32> to vector<128x64xbf16>
    %bitcast_convert_type3A_511 = tpu.bitcast %convert_element_type3A_510 : vector<128x64xbf16> -> vector<128x64xi16>
    %convert_element_type3A_512 = arith.truncf %transpose3A_509 : vector<128x64xf32> to vector<128x64xbf16>
    %bitcast_convert_type3A_513 = tpu.bitcast %convert_element_type3A_512 : vector<128x64xbf16> -> vector<128x64xi16>
    %convert_element_type3A_514 = arith.extui %bitcast_convert_type3A_511 : vector<128x64xi16> to vector<128x64xi32>
    %shift_left3A_515 = arith.constant 16 : i32
    %shift_left3A_516 = vector.broadcast %shift_left3A_515 : i32 to vector<128x64xi32>
    %shift_left3A_517 = arith.shli %convert_element_type3A_514, %shift_left3A_516 : vector<128x64xi32>
    %convert_element_type3A_518 = arith.extui %bitcast_convert_type3A_513 : vector<128x64xi16> to vector<128x64xi32>
    %or3A_519 = arith.ori %shift_left3A_517, %convert_element_type3A_518 : vector<128x64xi32>
    %bitcast_convert_type3A_520 = tpu.bitcast %or3A_519 : vector<128x64xi32> -> vector<128x64xf32>
    %concatenate3A_521 = tpu.concatenate %bitcast_convert_type3A_507, %bitcast_convert_type3A_520 in 1 : vector<128x64xf32>, vector<128x64xf32> -> vector<128x128xf32>
    %slice3A_522 = vector.extract_strided_slice %get3A_1 {offsets = [0, 8704], sizes = [64, 128], strides = [1, 1]} : vector<64x32768xf32> to vector<64x128xf32>
    %slice3A_523 = vector.extract_strided_slice %get3A_1 {offsets = [0, 8832], sizes = [64, 128], strides = [1, 1]} : vector<64x32768xf32> to vector<64x128xf32>
    %slice3A_524 = vector.extract_strided_slice %get3A_1 {offsets = [0, 8960], sizes = [64, 128], strides = [1, 1]} : vector<64x32768xf32> to vector<64x128xf32>
    %slice3A_525 = vector.extract_strided_slice %get3A_1 {offsets = [0, 9088], sizes = [64, 128], strides = [1, 1]} : vector<64x32768xf32> to vector<64x128xf32>
    %transpose3A_526 = tpu.transpose %slice3A_522, [1, 0] : vector<64x128xf32> -> vector<128x64xf32>
    %transpose3A_527 = tpu.transpose %slice3A_523, [1, 0] : vector<64x128xf32> -> vector<128x64xf32>
    %convert_element_type3A_528 = arith.truncf %transpose3A_526 : vector<128x64xf32> to vector<128x64xbf16>
    %bitcast_convert_type3A_529 = tpu.bitcast %convert_element_type3A_528 : vector<128x64xbf16> -> vector<128x64xi16>
    %convert_element_type3A_530 = arith.truncf %transpose3A_527 : vector<128x64xf32> to vector<128x64xbf16>
    %bitcast_convert_type3A_531 = tpu.bitcast %convert_element_type3A_530 : vector<128x64xbf16> -> vector<128x64xi16>
    %convert_element_type3A_532 = arith.extui %bitcast_convert_type3A_529 : vector<128x64xi16> to vector<128x64xi32>
    %shift_left3A_533 = arith.constant 16 : i32
    %shift_left3A_534 = vector.broadcast %shift_left3A_533 : i32 to vector<128x64xi32>
    %shift_left3A_535 = arith.shli %convert_element_type3A_532, %shift_left3A_534 : vector<128x64xi32>
    %convert_element_type3A_536 = arith.extui %bitcast_convert_type3A_531 : vector<128x64xi16> to vector<128x64xi32>
    %or3A_537 = arith.ori %shift_left3A_535, %convert_element_type3A_536 : vector<128x64xi32>
    %bitcast_convert_type3A_538 = tpu.bitcast %or3A_537 : vector<128x64xi32> -> vector<128x64xf32>
    %transpose3A_539 = tpu.transpose %slice3A_524, [1, 0] : vector<64x128xf32> -> vector<128x64xf32>
    %transpose3A_540 = tpu.transpose %slice3A_525, [1, 0] : vector<64x128xf32> -> vector<128x64xf32>
    %convert_element_type3A_541 = arith.truncf %transpose3A_539 : vector<128x64xf32> to vector<128x64xbf16>
    %bitcast_convert_type3A_542 = tpu.bitcast %convert_element_type3A_541 : vector<128x64xbf16> -> vector<128x64xi16>
    %convert_element_type3A_543 = arith.truncf %transpose3A_540 : vector<128x64xf32> to vector<128x64xbf16>
    %bitcast_convert_type3A_544 = tpu.bitcast %convert_element_type3A_543 : vector<128x64xbf16> -> vector<128x64xi16>
    %convert_element_type3A_545 = arith.extui %bitcast_convert_type3A_542 : vector<128x64xi16> to vector<128x64xi32>
    %shift_left3A_546 = arith.constant 16 : i32
    %shift_left3A_547 = vector.broadcast %shift_left3A_546 : i32 to vector<128x64xi32>
    %shift_left3A_548 = arith.shli %convert_element_type3A_545, %shift_left3A_547 : vector<128x64xi32>
    %convert_element_type3A_549 = arith.extui %bitcast_convert_type3A_544 : vector<128x64xi16> to vector<128x64xi32>
    %or3A_550 = arith.ori %shift_left3A_548, %convert_element_type3A_549 : vector<128x64xi32>
    %bitcast_convert_type3A_551 = tpu.bitcast %or3A_550 : vector<128x64xi32> -> vector<128x64xf32>
    %concatenate3A_552 = tpu.concatenate %bitcast_convert_type3A_538, %bitcast_convert_type3A_551 in 1 : vector<128x64xf32>, vector<128x64xf32> -> vector<128x128xf32>
    %slice3A_553 = vector.extract_strided_slice %get3A_1 {offsets = [0, 9216], sizes = [64, 128], strides = [1, 1]} : vector<64x32768xf32> to vector<64x128xf32>
    %slice3A_554 = vector.extract_strided_slice %get3A_1 {offsets = [0, 9344], sizes = [64, 128], strides = [1, 1]} : vector<64x32768xf32> to vector<64x128xf32>
    %slice3A_555 = vector.extract_strided_slice %get3A_1 {offsets = [0, 9472], sizes = [64, 128], strides = [1, 1]} : vector<64x32768xf32> to vector<64x128xf32>
    %slice3A_556 = vector.extract_strided_slice %get3A_1 {offsets = [0, 9600], sizes = [64, 128], strides = [1, 1]} : vector<64x32768xf32> to vector<64x128xf32>
    %transpose3A_557 = tpu.transpose %slice3A_553, [1, 0] : vector<64x128xf32> -> vector<128x64xf32>
    %transpose3A_558 = tpu.transpose %slice3A_554, [1, 0] : vector<64x128xf32> -> vector<128x64xf32>
    %convert_element_type3A_559 = arith.truncf %transpose3A_557 : vector<128x64xf32> to vector<128x64xbf16>
    %bitcast_convert_type3A_560 = tpu.bitcast %convert_element_type3A_559 : vector<128x64xbf16> -> vector<128x64xi16>
    %convert_element_type3A_561 = arith.truncf %transpose3A_558 : vector<128x64xf32> to vector<128x64xbf16>
    %bitcast_convert_type3A_562 = tpu.bitcast %convert_element_type3A_561 : vector<128x64xbf16> -> vector<128x64xi16>
    %convert_element_type3A_563 = arith.extui %bitcast_convert_type3A_560 : vector<128x64xi16> to vector<128x64xi32>
    %shift_left3A_564 = arith.constant 16 : i32
    %shift_left3A_565 = vector.broadcast %shift_left3A_564 : i32 to vector<128x64xi32>
    %shift_left3A_566 = arith.shli %convert_element_type3A_563, %shift_left3A_565 : vector<128x64xi32>
    %convert_element_type3A_567 = arith.extui %bitcast_convert_type3A_562 : vector<128x64xi16> to vector<128x64xi32>
    %or3A_568 = arith.ori %shift_left3A_566, %convert_element_type3A_567 : vector<128x64xi32>
    %bitcast_convert_type3A_569 = tpu.bitcast %or3A_568 : vector<128x64xi32> -> vector<128x64xf32>
    %transpose3A_570 = tpu.transpose %slice3A_555, [1, 0] : vector<64x128xf32> -> vector<128x64xf32>
    %transpose3A_571 = tpu.transpose %slice3A_556, [1, 0] : vector<64x128xf32> -> vector<128x64xf32>
    %convert_element_type3A_572 = arith.truncf %transpose3A_570 : vector<128x64xf32> to vector<128x64xbf16>
    %bitcast_convert_type3A_573 = tpu.bitcast %convert_element_type3A_572 : vector<128x64xbf16> -> vector<128x64xi16>
    %convert_element_type3A_574 = arith.truncf %transpose3A_571 : vector<128x64xf32> to vector<128x64xbf16>
    %bitcast_convert_type3A_575 = tpu.bitcast %convert_element_type3A_574 : vector<128x64xbf16> -> vector<128x64xi16>
    %convert_element_type3A_576 = arith.extui %bitcast_convert_type3A_573 : vector<128x64xi16> to vector<128x64xi32>
    %shift_left3A_577 = arith.constant 16 : i32
    %shift_left3A_578 = vector.broadcast %shift_left3A_577 : i32 to vector<128x64xi32>
    %shift_left3A_579 = arith.shli %convert_element_type3A_576, %shift_left3A_578 : vector<128x64xi32>
    %convert_element_type3A_580 = arith.extui %bitcast_convert_type3A_575 : vector<128x64xi16> to vector<128x64xi32>
    %or3A_581 = arith.ori %shift_left3A_579, %convert_element_type3A_580 : vector<128x64xi32>
    %bitcast_convert_type3A_582 = tpu.bitcast %or3A_581 : vector<128x64xi32> -> vector<128x64xf32>
    %concatenate3A_583 = tpu.concatenate %bitcast_convert_type3A_569, %bitcast_convert_type3A_582 in 1 : vector<128x64xf32>, vector<128x64xf32> -> vector<128x128xf32>
    %slice3A_584 = vector.extract_strided_slice %get3A_1 {offsets = [0, 9728], sizes = [64, 128], strides = [1, 1]} : vector<64x32768xf32> to vector<64x128xf32>
    %slice3A_585 = vector.extract_strided_slice %get3A_1 {offsets = [0, 9856], sizes = [64, 128], strides = [1, 1]} : vector<64x32768xf32> to vector<64x128xf32>
    %slice3A_586 = vector.extract_strided_slice %get3A_1 {offsets = [0, 9984], sizes = [64, 128], strides = [1, 1]} : vector<64x32768xf32> to vector<64x128xf32>
    %slice3A_587 = vector.extract_strided_slice %get3A_1 {offsets = [0, 10112], sizes = [64, 128], strides = [1, 1]} : vector<64x32768xf32> to vector<64x128xf32>
    %transpose3A_588 = tpu.transpose %slice3A_584, [1, 0] : vector<64x128xf32> -> vector<128x64xf32>
    %transpose3A_589 = tpu.transpose %slice3A_585, [1, 0] : vector<64x128xf32> -> vector<128x64xf32>
    %convert_element_type3A_590 = arith.truncf %transpose3A_588 : vector<128x64xf32> to vector<128x64xbf16>
    %bitcast_convert_type3A_591 = tpu.bitcast %convert_element_type3A_590 : vector<128x64xbf16> -> vector<128x64xi16>
    %convert_element_type3A_592 = arith.truncf %transpose3A_589 : vector<128x64xf32> to vector<128x64xbf16>
    %bitcast_convert_type3A_593 = tpu.bitcast %convert_element_type3A_592 : vector<128x64xbf16> -> vector<128x64xi16>
    %convert_element_type3A_594 = arith.extui %bitcast_convert_type3A_591 : vector<128x64xi16> to vector<128x64xi32>
    %shift_left3A_595 = arith.constant 16 : i32
    %shift_left3A_596 = vector.broadcast %shift_left3A_595 : i32 to vector<128x64xi32>
    %shift_left3A_597 = arith.shli %convert_element_type3A_594, %shift_left3A_596 : vector<128x64xi32>
    %convert_element_type3A_598 = arith.extui %bitcast_convert_type3A_593 : vector<128x64xi16> to vector<128x64xi32>
    %or3A_599 = arith.ori %shift_left3A_597, %convert_element_type3A_598 : vector<128x64xi32>
    %bitcast_convert_type3A_600 = tpu.bitcast %or3A_599 : vector<128x64xi32> -> vector<128x64xf32>
    %transpose3A_601 = tpu.transpose %slice3A_586, [1, 0] : vector<64x128xf32> -> vector<128x64xf32>
    %transpose3A_602 = tpu.transpose %slice3A_587, [1, 0] : vector<64x128xf32> -> vector<128x64xf32>
    %convert_element_type3A_603 = arith.truncf %transpose3A_601 : vector<128x64xf32> to vector<128x64xbf16>
    %bitcast_convert_type3A_604 = tpu.bitcast %convert_element_type3A_603 : vector<128x64xbf16> -> vector<128x64xi16>
    %convert_element_type3A_605 = arith.truncf %transpose3A_602 : vector<128x64xf32> to vector<128x64xbf16>
    %bitcast_convert_type3A_606 = tpu.bitcast %convert_element_type3A_605 : vector<128x64xbf16> -> vector<128x64xi16>
    %convert_element_type3A_607 = arith.extui %bitcast_convert_type3A_604 : vector<128x64xi16> to vector<128x64xi32>
    %shift_left3A_608 = arith.constant 16 : i32
    %shift_left3A_609 = vector.broadcast %shift_left3A_608 : i32 to vector<128x64xi32>
    %shift_left3A_610 = arith.shli %convert_element_type3A_607, %shift_left3A_609 : vector<128x64xi32>
    %convert_element_type3A_611 = arith.extui %bitcast_convert_type3A_606 : vector<128x64xi16> to vector<128x64xi32>
    %or3A_612 = arith.ori %shift_left3A_610, %convert_element_type3A_611 : vector<128x64xi32>
    %bitcast_convert_type3A_613 = tpu.bitcast %or3A_612 : vector<128x64xi32> -> vector<128x64xf32>
    %concatenate3A_614 = tpu.concatenate %bitcast_convert_type3A_600, %bitcast_convert_type3A_613 in 1 : vector<128x64xf32>, vector<128x64xf32> -> vector<128x128xf32>
    %slice3A_615 = vector.extract_strided_slice %get3A_1 {offsets = [0, 10240], sizes = [64, 128], strides = [1, 1]} : vector<64x32768xf32> to vector<64x128xf32>
    %slice3A_616 = vector.extract_strided_slice %get3A_1 {offsets = [0, 10368], sizes = [64, 128], strides = [1, 1]} : vector<64x32768xf32> to vector<64x128xf32>
    %slice3A_617 = vector.extract_strided_slice %get3A_1 {offsets = [0, 10496], sizes = [64, 128], strides = [1, 1]} : vector<64x32768xf32> to vector<64x128xf32>
    %slice3A_618 = vector.extract_strided_slice %get3A_1 {offsets = [0, 10624], sizes = [64, 128], strides = [1, 1]} : vector<64x32768xf32> to vector<64x128xf32>
    %transpose3A_619 = tpu.transpose %slice3A_615, [1, 0] : vector<64x128xf32> -> vector<128x64xf32>
    %transpose3A_620 = tpu.transpose %slice3A_616, [1, 0] : vector<64x128xf32> -> vector<128x64xf32>
    %convert_element_type3A_621 = arith.truncf %transpose3A_619 : vector<128x64xf32> to vector<128x64xbf16>
    %bitcast_convert_type3A_622 = tpu.bitcast %convert_element_type3A_621 : vector<128x64xbf16> -> vector<128x64xi16>
    %convert_element_type3A_623 = arith.truncf %transpose3A_620 : vector<128x64xf32> to vector<128x64xbf16>
    %bitcast_convert_type3A_624 = tpu.bitcast %convert_element_type3A_623 : vector<128x64xbf16> -> vector<128x64xi16>
    %convert_element_type3A_625 = arith.extui %bitcast_convert_type3A_622 : vector<128x64xi16> to vector<128x64xi32>
    %shift_left3A_626 = arith.constant 16 : i32
    %shift_left3A_627 = vector.broadcast %shift_left3A_626 : i32 to vector<128x64xi32>
    %shift_left3A_628 = arith.shli %convert_element_type3A_625, %shift_left3A_627 : vector<128x64xi32>
    %convert_element_type3A_629 = arith.extui %bitcast_convert_type3A_624 : vector<128x64xi16> to vector<128x64xi32>
    %or3A_630 = arith.ori %shift_left3A_628, %convert_element_type3A_629 : vector<128x64xi32>
    %bitcast_convert_type3A_631 = tpu.bitcast %or3A_630 : vector<128x64xi32> -> vector<128x64xf32>
    %transpose3A_632 = tpu.transpose %slice3A_617, [1, 0] : vector<64x128xf32> -> vector<128x64xf32>
    %transpose3A_633 = tpu.transpose %slice3A_618, [1, 0] : vector<64x128xf32> -> vector<128x64xf32>
    %convert_element_type3A_634 = arith.truncf %transpose3A_632 : vector<128x64xf32> to vector<128x64xbf16>
    %bitcast_convert_type3A_635 = tpu.bitcast %convert_element_type3A_634 : vector<128x64xbf16> -> vector<128x64xi16>
    %convert_element_type3A_636 = arith.truncf %transpose3A_633 : vector<128x64xf32> to vector<128x64xbf16>
    %bitcast_convert_type3A_637 = tpu.bitcast %convert_element_type3A_636 : vector<128x64xbf16> -> vector<128x64xi16>
    %convert_element_type3A_638 = arith.extui %bitcast_convert_type3A_635 : vector<128x64xi16> to vector<128x64xi32>
    %shift_left3A_639 = arith.constant 16 : i32
    %shift_left3A_640 = vector.broadcast %shift_left3A_639 : i32 to vector<128x64xi32>
    %shift_left3A_641 = arith.shli %convert_element_type3A_638, %shift_left3A_640 : vector<128x64xi32>
    %convert_element_type3A_642 = arith.extui %bitcast_convert_type3A_637 : vector<128x64xi16> to vector<128x64xi32>
    %or3A_643 = arith.ori %shift_left3A_641, %convert_element_type3A_642 : vector<128x64xi32>
    %bitcast_convert_type3A_644 = tpu.bitcast %or3A_643 : vector<128x64xi32> -> vector<128x64xf32>
    %concatenate3A_645 = tpu.concatenate %bitcast_convert_type3A_631, %bitcast_convert_type3A_644 in 1 : vector<128x64xf32>, vector<128x64xf32> -> vector<128x128xf32>
    %slice3A_646 = vector.extract_strided_slice %get3A_1 {offsets = [0, 10752], sizes = [64, 128], strides = [1, 1]} : vector<64x32768xf32> to vector<64x128xf32>
    %slice3A_647 = vector.extract_strided_slice %get3A_1 {offsets = [0, 10880], sizes = [64, 128], strides = [1, 1]} : vector<64x32768xf32> to vector<64x128xf32>
    %slice3A_648 = vector.extract_strided_slice %get3A_1 {offsets = [0, 11008], sizes = [64, 128], strides = [1, 1]} : vector<64x32768xf32> to vector<64x128xf32>
    %slice3A_649 = vector.extract_strided_slice %get3A_1 {offsets = [0, 11136], sizes = [64, 128], strides = [1, 1]} : vector<64x32768xf32> to vector<64x128xf32>
    %transpose3A_650 = tpu.transpose %slice3A_646, [1, 0] : vector<64x128xf32> -> vector<128x64xf32>
    %transpose3A_651 = tpu.transpose %slice3A_647, [1, 0] : vector<64x128xf32> -> vector<128x64xf32>
    %convert_element_type3A_652 = arith.truncf %transpose3A_650 : vector<128x64xf32> to vector<128x64xbf16>
    %bitcast_convert_type3A_653 = tpu.bitcast %convert_element_type3A_652 : vector<128x64xbf16> -> vector<128x64xi16>
    %convert_element_type3A_654 = arith.truncf %transpose3A_651 : vector<128x64xf32> to vector<128x64xbf16>
    %bitcast_convert_type3A_655 = tpu.bitcast %convert_element_type3A_654 : vector<128x64xbf16> -> vector<128x64xi16>
    %convert_element_type3A_656 = arith.extui %bitcast_convert_type3A_653 : vector<128x64xi16> to vector<128x64xi32>
    %shift_left3A_657 = arith.constant 16 : i32
    %shift_left3A_658 = vector.broadcast %shift_left3A_657 : i32 to vector<128x64xi32>
    %shift_left3A_659 = arith.shli %convert_element_type3A_656, %shift_left3A_658 : vector<128x64xi32>
    %convert_element_type3A_660 = arith.extui %bitcast_convert_type3A_655 : vector<128x64xi16> to vector<128x64xi32>
    %or3A_661 = arith.ori %shift_left3A_659, %convert_element_type3A_660 : vector<128x64xi32>
    %bitcast_convert_type3A_662 = tpu.bitcast %or3A_661 : vector<128x64xi32> -> vector<128x64xf32>
    %transpose3A_663 = tpu.transpose %slice3A_648, [1, 0] : vector<64x128xf32> -> vector<128x64xf32>
    %transpose3A_664 = tpu.transpose %slice3A_649, [1, 0] : vector<64x128xf32> -> vector<128x64xf32>
    %convert_element_type3A_665 = arith.truncf %transpose3A_663 : vector<128x64xf32> to vector<128x64xbf16>
    %bitcast_convert_type3A_666 = tpu.bitcast %convert_element_type3A_665 : vector<128x64xbf16> -> vector<128x64xi16>
    %convert_element_type3A_667 = arith.truncf %transpose3A_664 : vector<128x64xf32> to vector<128x64xbf16>
    %bitcast_convert_type3A_668 = tpu.bitcast %convert_element_type3A_667 : vector<128x64xbf16> -> vector<128x64xi16>
    %convert_element_type3A_669 = arith.extui %bitcast_convert_type3A_666 : vector<128x64xi16> to vector<128x64xi32>
    %shift_left3A_670 = arith.constant 16 : i32
    %shift_left3A_671 = vector.broadcast %shift_left3A_670 : i32 to vector<128x64xi32>
    %shift_left3A_672 = arith.shli %convert_element_type3A_669, %shift_left3A_671 : vector<128x64xi32>
    %convert_element_type3A_673 = arith.extui %bitcast_convert_type3A_668 : vector<128x64xi16> to vector<128x64xi32>
    %or3A_674 = arith.ori %shift_left3A_672, %convert_element_type3A_673 : vector<128x64xi32>
    %bitcast_convert_type3A_675 = tpu.bitcast %or3A_674 : vector<128x64xi32> -> vector<128x64xf32>
    %concatenate3A_676 = tpu.concatenate %bitcast_convert_type3A_662, %bitcast_convert_type3A_675 in 1 : vector<128x64xf32>, vector<128x64xf32> -> vector<128x128xf32>
    %slice3A_677 = vector.extract_strided_slice %get3A_1 {offsets = [0, 11264], sizes = [64, 128], strides = [1, 1]} : vector<64x32768xf32> to vector<64x128xf32>
    %slice3A_678 = vector.extract_strided_slice %get3A_1 {offsets = [0, 11392], sizes = [64, 128], strides = [1, 1]} : vector<64x32768xf32> to vector<64x128xf32>
    %slice3A_679 = vector.extract_strided_slice %get3A_1 {offsets = [0, 11520], sizes = [64, 128], strides = [1, 1]} : vector<64x32768xf32> to vector<64x128xf32>
    %slice3A_680 = vector.extract_strided_slice %get3A_1 {offsets = [0, 11648], sizes = [64, 128], strides = [1, 1]} : vector<64x32768xf32> to vector<64x128xf32>
    %transpose3A_681 = tpu.transpose %slice3A_677, [1, 0] : vector<64x128xf32> -> vector<128x64xf32>
    %transpose3A_682 = tpu.transpose %slice3A_678, [1, 0] : vector<64x128xf32> -> vector<128x64xf32>
    %convert_element_type3A_683 = arith.truncf %transpose3A_681 : vector<128x64xf32> to vector<128x64xbf16>
    %bitcast_convert_type3A_684 = tpu.bitcast %convert_element_type3A_683 : vector<128x64xbf16> -> vector<128x64xi16>
    %convert_element_type3A_685 = arith.truncf %transpose3A_682 : vector<128x64xf32> to vector<128x64xbf16>
    %bitcast_convert_type3A_686 = tpu.bitcast %convert_element_type3A_685 : vector<128x64xbf16> -> vector<128x64xi16>
    %convert_element_type3A_687 = arith.extui %bitcast_convert_type3A_684 : vector<128x64xi16> to vector<128x64xi32>
    %shift_left3A_688 = arith.constant 16 : i32
    %shift_left3A_689 = vector.broadcast %shift_left3A_688 : i32 to vector<128x64xi32>
    %shift_left3A_690 = arith.shli %convert_element_type3A_687, %shift_left3A_689 : vector<128x64xi32>
    %convert_element_type3A_691 = arith.extui %bitcast_convert_type3A_686 : vector<128x64xi16> to vector<128x64xi32>
    %or3A_692 = arith.ori %shift_left3A_690, %convert_element_type3A_691 : vector<128x64xi32>
    %bitcast_convert_type3A_693 = tpu.bitcast %or3A_692 : vector<128x64xi32> -> vector<128x64xf32>
    %transpose3A_694 = tpu.transpose %slice3A_679, [1, 0] : vector<64x128xf32> -> vector<128x64xf32>
    %transpose3A_695 = tpu.transpose %slice3A_680, [1, 0] : vector<64x128xf32> -> vector<128x64xf32>
    %convert_element_type3A_696 = arith.truncf %transpose3A_694 : vector<128x64xf32> to vector<128x64xbf16>
    %bitcast_convert_type3A_697 = tpu.bitcast %convert_element_type3A_696 : vector<128x64xbf16> -> vector<128x64xi16>
    %convert_element_type3A_698 = arith.truncf %transpose3A_695 : vector<128x64xf32> to vector<128x64xbf16>
    %bitcast_convert_type3A_699 = tpu.bitcast %convert_element_type3A_698 : vector<128x64xbf16> -> vector<128x64xi16>
    %convert_element_type3A_700 = arith.extui %bitcast_convert_type3A_697 : vector<128x64xi16> to vector<128x64xi32>
    %shift_left3A_701 = arith.constant 16 : i32
    %shift_left3A_702 = vector.broadcast %shift_left3A_701 : i32 to vector<128x64xi32>
    %shift_left3A_703 = arith.shli %convert_element_type3A_700, %shift_left3A_702 : vector<128x64xi32>
    %convert_element_type3A_704 = arith.extui %bitcast_convert_type3A_699 : vector<128x64xi16> to vector<128x64xi32>
    %or3A_705 = arith.ori %shift_left3A_703, %convert_element_type3A_704 : vector<128x64xi32>
    %bitcast_convert_type3A_706 = tpu.bitcast %or3A_705 : vector<128x64xi32> -> vector<128x64xf32>
    %concatenate3A_707 = tpu.concatenate %bitcast_convert_type3A_693, %bitcast_convert_type3A_706 in 1 : vector<128x64xf32>, vector<128x64xf32> -> vector<128x128xf32>
    %slice3A_708 = vector.extract_strided_slice %get3A_1 {offsets = [0, 11776], sizes = [64, 128], strides = [1, 1]} : vector<64x32768xf32> to vector<64x128xf32>
    %slice3A_709 = vector.extract_strided_slice %get3A_1 {offsets = [0, 11904], sizes = [64, 128], strides = [1, 1]} : vector<64x32768xf32> to vector<64x128xf32>
    %slice3A_710 = vector.extract_strided_slice %get3A_1 {offsets = [0, 12032], sizes = [64, 128], strides = [1, 1]} : vector<64x32768xf32> to vector<64x128xf32>
    %slice3A_711 = vector.extract_strided_slice %get3A_1 {offsets = [0, 12160], sizes = [64, 128], strides = [1, 1]} : vector<64x32768xf32> to vector<64x128xf32>
    %transpose3A_712 = tpu.transpose %slice3A_708, [1, 0] : vector<64x128xf32> -> vector<128x64xf32>
    %transpose3A_713 = tpu.transpose %slice3A_709, [1, 0] : vector<64x128xf32> -> vector<128x64xf32>
    %convert_element_type3A_714 = arith.truncf %transpose3A_712 : vector<128x64xf32> to vector<128x64xbf16>
    %bitcast_convert_type3A_715 = tpu.bitcast %convert_element_type3A_714 : vector<128x64xbf16> -> vector<128x64xi16>
    %convert_element_type3A_716 = arith.truncf %transpose3A_713 : vector<128x64xf32> to vector<128x64xbf16>
    %bitcast_convert_type3A_717 = tpu.bitcast %convert_element_type3A_716 : vector<128x64xbf16> -> vector<128x64xi16>
    %convert_element_type3A_718 = arith.extui %bitcast_convert_type3A_715 : vector<128x64xi16> to vector<128x64xi32>
    %shift_left3A_719 = arith.constant 16 : i32
    %shift_left3A_720 = vector.broadcast %shift_left3A_719 : i32 to vector<128x64xi32>
    %shift_left3A_721 = arith.shli %convert_element_type3A_718, %shift_left3A_720 : vector<128x64xi32>
    %convert_element_type3A_722 = arith.extui %bitcast_convert_type3A_717 : vector<128x64xi16> to vector<128x64xi32>
    %or3A_723 = arith.ori %shift_left3A_721, %convert_element_type3A_722 : vector<128x64xi32>
    %bitcast_convert_type3A_724 = tpu.bitcast %or3A_723 : vector<128x64xi32> -> vector<128x64xf32>
    %transpose3A_725 = tpu.transpose %slice3A_710, [1, 0] : vector<64x128xf32> -> vector<128x64xf32>
    %transpose3A_726 = tpu.transpose %slice3A_711, [1, 0] : vector<64x128xf32> -> vector<128x64xf32>
    %convert_element_type3A_727 = arith.truncf %transpose3A_725 : vector<128x64xf32> to vector<128x64xbf16>
    %bitcast_convert_type3A_728 = tpu.bitcast %convert_element_type3A_727 : vector<128x64xbf16> -> vector<128x64xi16>
    %convert_element_type3A_729 = arith.truncf %transpose3A_726 : vector<128x64xf32> to vector<128x64xbf16>
    %bitcast_convert_type3A_730 = tpu.bitcast %convert_element_type3A_729 : vector<128x64xbf16> -> vector<128x64xi16>
    %convert_element_type3A_731 = arith.extui %bitcast_convert_type3A_728 : vector<128x64xi16> to vector<128x64xi32>
    %shift_left3A_732 = arith.constant 16 : i32
    %shift_left3A_733 = vector.broadcast %shift_left3A_732 : i32 to vector<128x64xi32>
    %shift_left3A_734 = arith.shli %convert_element_type3A_731, %shift_left3A_733 : vector<128x64xi32>
    %convert_element_type3A_735 = arith.extui %bitcast_convert_type3A_730 : vector<128x64xi16> to vector<128x64xi32>
    %or3A_736 = arith.ori %shift_left3A_734, %convert_element_type3A_735 : vector<128x64xi32>
    %bitcast_convert_type3A_737 = tpu.bitcast %or3A_736 : vector<128x64xi32> -> vector<128x64xf32>
    %concatenate3A_738 = tpu.concatenate %bitcast_convert_type3A_724, %bitcast_convert_type3A_737 in 1 : vector<128x64xf32>, vector<128x64xf32> -> vector<128x128xf32>
    %slice3A_739 = vector.extract_strided_slice %get3A_1 {offsets = [0, 12288], sizes = [64, 128], strides = [1, 1]} : vector<64x32768xf32> to vector<64x128xf32>
    %slice3A_740 = vector.extract_strided_slice %get3A_1 {offsets = [0, 12416], sizes = [64, 128], strides = [1, 1]} : vector<64x32768xf32> to vector<64x128xf32>
    %slice3A_741 = vector.extract_strided_slice %get3A_1 {offsets = [0, 12544], sizes = [64, 128], strides = [1, 1]} : vector<64x32768xf32> to vector<64x128xf32>
    %slice3A_742 = vector.extract_strided_slice %get3A_1 {offsets = [0, 12672], sizes = [64, 128], strides = [1, 1]} : vector<64x32768xf32> to vector<64x128xf32>
    %transpose3A_743 = tpu.transpose %slice3A_739, [1, 0] : vector<64x128xf32> -> vector<128x64xf32>
    %transpose3A_744 = tpu.transpose %slice3A_740, [1, 0] : vector<64x128xf32> -> vector<128x64xf32>
    %convert_element_type3A_745 = arith.truncf %transpose3A_743 : vector<128x64xf32> to vector<128x64xbf16>
    %bitcast_convert_type3A_746 = tpu.bitcast %convert_element_type3A_745 : vector<128x64xbf16> -> vector<128x64xi16>
    %convert_element_type3A_747 = arith.truncf %transpose3A_744 : vector<128x64xf32> to vector<128x64xbf16>
    %bitcast_convert_type3A_748 = tpu.bitcast %convert_element_type3A_747 : vector<128x64xbf16> -> vector<128x64xi16>
    %convert_element_type3A_749 = arith.extui %bitcast_convert_type3A_746 : vector<128x64xi16> to vector<128x64xi32>
    %shift_left3A_750 = arith.constant 16 : i32
    %shift_left3A_751 = vector.broadcast %shift_left3A_750 : i32 to vector<128x64xi32>
    %shift_left3A_752 = arith.shli %convert_element_type3A_749, %shift_left3A_751 : vector<128x64xi32>
    %convert_element_type3A_753 = arith.extui %bitcast_convert_type3A_748 : vector<128x64xi16> to vector<128x64xi32>
    %or3A_754 = arith.ori %shift_left3A_752, %convert_element_type3A_753 : vector<128x64xi32>
    %bitcast_convert_type3A_755 = tpu.bitcast %or3A_754 : vector<128x64xi32> -> vector<128x64xf32>
    %transpose3A_756 = tpu.transpose %slice3A_741, [1, 0] : vector<64x128xf32> -> vector<128x64xf32>
    %transpose3A_757 = tpu.transpose %slice3A_742, [1, 0] : vector<64x128xf32> -> vector<128x64xf32>
    %convert_element_type3A_758 = arith.truncf %transpose3A_756 : vector<128x64xf32> to vector<128x64xbf16>
    %bitcast_convert_type3A_759 = tpu.bitcast %convert_element_type3A_758 : vector<128x64xbf16> -> vector<128x64xi16>
    %convert_element_type3A_760 = arith.truncf %transpose3A_757 : vector<128x64xf32> to vector<128x64xbf16>
    %bitcast_convert_type3A_761 = tpu.bitcast %convert_element_type3A_760 : vector<128x64xbf16> -> vector<128x64xi16>
    %convert_element_type3A_762 = arith.extui %bitcast_convert_type3A_759 : vector<128x64xi16> to vector<128x64xi32>
    %shift_left3A_763 = arith.constant 16 : i32
    %shift_left3A_764 = vector.broadcast %shift_left3A_763 : i32 to vector<128x64xi32>
    %shift_left3A_765 = arith.shli %convert_element_type3A_762, %shift_left3A_764 : vector<128x64xi32>
    %convert_element_type3A_766 = arith.extui %bitcast_convert_type3A_761 : vector<128x64xi16> to vector<128x64xi32>
    %or3A_767 = arith.ori %shift_left3A_765, %convert_element_type3A_766 : vector<128x64xi32>
    %bitcast_convert_type3A_768 = tpu.bitcast %or3A_767 : vector<128x64xi32> -> vector<128x64xf32>
    %concatenate3A_769 = tpu.concatenate %bitcast_convert_type3A_755, %bitcast_convert_type3A_768 in 1 : vector<128x64xf32>, vector<128x64xf32> -> vector<128x128xf32>
    %slice3A_770 = vector.extract_strided_slice %get3A_1 {offsets = [0, 12800], sizes = [64, 128], strides = [1, 1]} : vector<64x32768xf32> to vector<64x128xf32>
    %slice3A_771 = vector.extract_strided_slice %get3A_1 {offsets = [0, 12928], sizes = [64, 128], strides = [1, 1]} : vector<64x32768xf32> to vector<64x128xf32>
    %slice3A_772 = vector.extract_strided_slice %get3A_1 {offsets = [0, 13056], sizes = [64, 128], strides = [1, 1]} : vector<64x32768xf32> to vector<64x128xf32>
    %slice3A_773 = vector.extract_strided_slice %get3A_1 {offsets = [0, 13184], sizes = [64, 128], strides = [1, 1]} : vector<64x32768xf32> to vector<64x128xf32>
    %transpose3A_774 = tpu.transpose %slice3A_770, [1, 0] : vector<64x128xf32> -> vector<128x64xf32>
    %transpose3A_775 = tpu.transpose %slice3A_771, [1, 0] : vector<64x128xf32> -> vector<128x64xf32>
    %convert_element_type3A_776 = arith.truncf %transpose3A_774 : vector<128x64xf32> to vector<128x64xbf16>
    %bitcast_convert_type3A_777 = tpu.bitcast %convert_element_type3A_776 : vector<128x64xbf16> -> vector<128x64xi16>
    %convert_element_type3A_778 = arith.truncf %transpose3A_775 : vector<128x64xf32> to vector<128x64xbf16>
    %bitcast_convert_type3A_779 = tpu.bitcast %convert_element_type3A_778 : vector<128x64xbf16> -> vector<128x64xi16>
    %convert_element_type3A_780 = arith.extui %bitcast_convert_type3A_777 : vector<128x64xi16> to vector<128x64xi32>
    %shift_left3A_781 = arith.constant 16 : i32
    %shift_left3A_782 = vector.broadcast %shift_left3A_781 : i32 to vector<128x64xi32>
    %shift_left3A_783 = arith.shli %convert_element_type3A_780, %shift_left3A_782 : vector<128x64xi32>
    %convert_element_type3A_784 = arith.extui %bitcast_convert_type3A_779 : vector<128x64xi16> to vector<128x64xi32>
    %or3A_785 = arith.ori %shift_left3A_783, %convert_element_type3A_784 : vector<128x64xi32>
    %bitcast_convert_type3A_786 = tpu.bitcast %or3A_785 : vector<128x64xi32> -> vector<128x64xf32>
    %transpose3A_787 = tpu.transpose %slice3A_772, [1, 0] : vector<64x128xf32> -> vector<128x64xf32>
    %transpose3A_788 = tpu.transpose %slice3A_773, [1, 0] : vector<64x128xf32> -> vector<128x64xf32>
    %convert_element_type3A_789 = arith.truncf %transpose3A_787 : vector<128x64xf32> to vector<128x64xbf16>
    %bitcast_convert_type3A_790 = tpu.bitcast %convert_element_type3A_789 : vector<128x64xbf16> -> vector<128x64xi16>
    %convert_element_type3A_791 = arith.truncf %transpose3A_788 : vector<128x64xf32> to vector<128x64xbf16>
    %bitcast_convert_type3A_792 = tpu.bitcast %convert_element_type3A_791 : vector<128x64xbf16> -> vector<128x64xi16>
    %convert_element_type3A_793 = arith.extui %bitcast_convert_type3A_790 : vector<128x64xi16> to vector<128x64xi32>
    %shift_left3A_794 = arith.constant 16 : i32
    %shift_left3A_795 = vector.broadcast %shift_left3A_794 : i32 to vector<128x64xi32>
    %shift_left3A_796 = arith.shli %convert_element_type3A_793, %shift_left3A_795 : vector<128x64xi32>
    %convert_element_type3A_797 = arith.extui %bitcast_convert_type3A_792 : vector<128x64xi16> to vector<128x64xi32>
    %or3A_798 = arith.ori %shift_left3A_796, %convert_element_type3A_797 : vector<128x64xi32>
    %bitcast_convert_type3A_799 = tpu.bitcast %or3A_798 : vector<128x64xi32> -> vector<128x64xf32>
    %concatenate3A_800 = tpu.concatenate %bitcast_convert_type3A_786, %bitcast_convert_type3A_799 in 1 : vector<128x64xf32>, vector<128x64xf32> -> vector<128x128xf32>
    %slice3A_801 = vector.extract_strided_slice %get3A_1 {offsets = [0, 13312], sizes = [64, 128], strides = [1, 1]} : vector<64x32768xf32> to vector<64x128xf32>
    %slice3A_802 = vector.extract_strided_slice %get3A_1 {offsets = [0, 13440], sizes = [64, 128], strides = [1, 1]} : vector<64x32768xf32> to vector<64x128xf32>
    %slice3A_803 = vector.extract_strided_slice %get3A_1 {offsets = [0, 13568], sizes = [64, 128], strides = [1, 1]} : vector<64x32768xf32> to vector<64x128xf32>
    %slice3A_804 = vector.extract_strided_slice %get3A_1 {offsets = [0, 13696], sizes = [64, 128], strides = [1, 1]} : vector<64x32768xf32> to vector<64x128xf32>
    %transpose3A_805 = tpu.transpose %slice3A_801, [1, 0] : vector<64x128xf32> -> vector<128x64xf32>
    %transpose3A_806 = tpu.transpose %slice3A_802, [1, 0] : vector<64x128xf32> -> vector<128x64xf32>
    %convert_element_type3A_807 = arith.truncf %transpose3A_805 : vector<128x64xf32> to vector<128x64xbf16>
    %bitcast_convert_type3A_808 = tpu.bitcast %convert_element_type3A_807 : vector<128x64xbf16> -> vector<128x64xi16>
    %convert_element_type3A_809 = arith.truncf %transpose3A_806 : vector<128x64xf32> to vector<128x64xbf16>
    %bitcast_convert_type3A_810 = tpu.bitcast %convert_element_type3A_809 : vector<128x64xbf16> -> vector<128x64xi16>
    %convert_element_type3A_811 = arith.extui %bitcast_convert_type3A_808 : vector<128x64xi16> to vector<128x64xi32>
    %shift_left3A_812 = arith.constant 16 : i32
    %shift_left3A_813 = vector.broadcast %shift_left3A_812 : i32 to vector<128x64xi32>
    %shift_left3A_814 = arith.shli %convert_element_type3A_811, %shift_left3A_813 : vector<128x64xi32>
    %convert_element_type3A_815 = arith.extui %bitcast_convert_type3A_810 : vector<128x64xi16> to vector<128x64xi32>
    %or3A_816 = arith.ori %shift_left3A_814, %convert_element_type3A_815 : vector<128x64xi32>
    %bitcast_convert_type3A_817 = tpu.bitcast %or3A_816 : vector<128x64xi32> -> vector<128x64xf32>
    %transpose3A_818 = tpu.transpose %slice3A_803, [1, 0] : vector<64x128xf32> -> vector<128x64xf32>
    %transpose3A_819 = tpu.transpose %slice3A_804, [1, 0] : vector<64x128xf32> -> vector<128x64xf32>
    %convert_element_type3A_820 = arith.truncf %transpose3A_818 : vector<128x64xf32> to vector<128x64xbf16>
    %bitcast_convert_type3A_821 = tpu.bitcast %convert_element_type3A_820 : vector<128x64xbf16> -> vector<128x64xi16>
    %convert_element_type3A_822 = arith.truncf %transpose3A_819 : vector<128x64xf32> to vector<128x64xbf16>
    %bitcast_convert_type3A_823 = tpu.bitcast %convert_element_type3A_822 : vector<128x64xbf16> -> vector<128x64xi16>
    %convert_element_type3A_824 = arith.extui %bitcast_convert_type3A_821 : vector<128x64xi16> to vector<128x64xi32>
    %shift_left3A_825 = arith.constant 16 : i32
    %shift_left3A_826 = vector.broadcast %shift_left3A_825 : i32 to vector<128x64xi32>
    %shift_left3A_827 = arith.shli %convert_element_type3A_824, %shift_left3A_826 : vector<128x64xi32>
    %convert_element_type3A_828 = arith.extui %bitcast_convert_type3A_823 : vector<128x64xi16> to vector<128x64xi32>
    %or3A_829 = arith.ori %shift_left3A_827, %convert_element_type3A_828 : vector<128x64xi32>
    %bitcast_convert_type3A_830 = tpu.bitcast %or3A_829 : vector<128x64xi32> -> vector<128x64xf32>
    %concatenate3A_831 = tpu.concatenate %bitcast_convert_type3A_817, %bitcast_convert_type3A_830 in 1 : vector<128x64xf32>, vector<128x64xf32> -> vector<128x128xf32>
    %slice3A_832 = vector.extract_strided_slice %get3A_1 {offsets = [0, 13824], sizes = [64, 128], strides = [1, 1]} : vector<64x32768xf32> to vector<64x128xf32>
    %slice3A_833 = vector.extract_strided_slice %get3A_1 {offsets = [0, 13952], sizes = [64, 128], strides = [1, 1]} : vector<64x32768xf32> to vector<64x128xf32>
    %slice3A_834 = vector.extract_strided_slice %get3A_1 {offsets = [0, 14080], sizes = [64, 128], strides = [1, 1]} : vector<64x32768xf32> to vector<64x128xf32>
    %slice3A_835 = vector.extract_strided_slice %get3A_1 {offsets = [0, 14208], sizes = [64, 128], strides = [1, 1]} : vector<64x32768xf32> to vector<64x128xf32>
    %transpose3A_836 = tpu.transpose %slice3A_832, [1, 0] : vector<64x128xf32> -> vector<128x64xf32>
    %transpose3A_837 = tpu.transpose %slice3A_833, [1, 0] : vector<64x128xf32> -> vector<128x64xf32>
    %convert_element_type3A_838 = arith.truncf %transpose3A_836 : vector<128x64xf32> to vector<128x64xbf16>
    %bitcast_convert_type3A_839 = tpu.bitcast %convert_element_type3A_838 : vector<128x64xbf16> -> vector<128x64xi16>
    %convert_element_type3A_840 = arith.truncf %transpose3A_837 : vector<128x64xf32> to vector<128x64xbf16>
    %bitcast_convert_type3A_841 = tpu.bitcast %convert_element_type3A_840 : vector<128x64xbf16> -> vector<128x64xi16>
    %convert_element_type3A_842 = arith.extui %bitcast_convert_type3A_839 : vector<128x64xi16> to vector<128x64xi32>
    %shift_left3A_843 = arith.constant 16 : i32
    %shift_left3A_844 = vector.broadcast %shift_left3A_843 : i32 to vector<128x64xi32>
    %shift_left3A_845 = arith.shli %convert_element_type3A_842, %shift_left3A_844 : vector<128x64xi32>
    %convert_element_type3A_846 = arith.extui %bitcast_convert_type3A_841 : vector<128x64xi16> to vector<128x64xi32>
    %or3A_847 = arith.ori %shift_left3A_845, %convert_element_type3A_846 : vector<128x64xi32>
    %bitcast_convert_type3A_848 = tpu.bitcast %or3A_847 : vector<128x64xi32> -> vector<128x64xf32>
    %transpose3A_849 = tpu.transpose %slice3A_834, [1, 0] : vector<64x128xf32> -> vector<128x64xf32>
    %transpose3A_850 = tpu.transpose %slice3A_835, [1, 0] : vector<64x128xf32> -> vector<128x64xf32>
    %convert_element_type3A_851 = arith.truncf %transpose3A_849 : vector<128x64xf32> to vector<128x64xbf16>
    %bitcast_convert_type3A_852 = tpu.bitcast %convert_element_type3A_851 : vector<128x64xbf16> -> vector<128x64xi16>
    %convert_element_type3A_853 = arith.truncf %transpose3A_850 : vector<128x64xf32> to vector<128x64xbf16>
    %bitcast_convert_type3A_854 = tpu.bitcast %convert_element_type3A_853 : vector<128x64xbf16> -> vector<128x64xi16>
    %convert_element_type3A_855 = arith.extui %bitcast_convert_type3A_852 : vector<128x64xi16> to vector<128x64xi32>
    %shift_left3A_856 = arith.constant 16 : i32
    %shift_left3A_857 = vector.broadcast %shift_left3A_856 : i32 to vector<128x64xi32>
    %shift_left3A_858 = arith.shli %convert_element_type3A_855, %shift_left3A_857 : vector<128x64xi32>
    %convert_element_type3A_859 = arith.extui %bitcast_convert_type3A_854 : vector<128x64xi16> to vector<128x64xi32>
    %or3A_860 = arith.ori %shift_left3A_858, %convert_element_type3A_859 : vector<128x64xi32>
    %bitcast_convert_type3A_861 = tpu.bitcast %or3A_860 : vector<128x64xi32> -> vector<128x64xf32>
    %concatenate3A_862 = tpu.concatenate %bitcast_convert_type3A_848, %bitcast_convert_type3A_861 in 1 : vector<128x64xf32>, vector<128x64xf32> -> vector<128x128xf32>
    %slice3A_863 = vector.extract_strided_slice %get3A_1 {offsets = [0, 14336], sizes = [64, 128], strides = [1, 1]} : vector<64x32768xf32> to vector<64x128xf32>
    %slice3A_864 = vector.extract_strided_slice %get3A_1 {offsets = [0, 14464], sizes = [64, 128], strides = [1, 1]} : vector<64x32768xf32> to vector<64x128xf32>
    %slice3A_865 = vector.extract_strided_slice %get3A_1 {offsets = [0, 14592], sizes = [64, 128], strides = [1, 1]} : vector<64x32768xf32> to vector<64x128xf32>
    %slice3A_866 = vector.extract_strided_slice %get3A_1 {offsets = [0, 14720], sizes = [64, 128], strides = [1, 1]} : vector<64x32768xf32> to vector<64x128xf32>
    %transpose3A_867 = tpu.transpose %slice3A_863, [1, 0] : vector<64x128xf32> -> vector<128x64xf32>
    %transpose3A_868 = tpu.transpose %slice3A_864, [1, 0] : vector<64x128xf32> -> vector<128x64xf32>
    %convert_element_type3A_869 = arith.truncf %transpose3A_867 : vector<128x64xf32> to vector<128x64xbf16>
    %bitcast_convert_type3A_870 = tpu.bitcast %convert_element_type3A_869 : vector<128x64xbf16> -> vector<128x64xi16>
    %convert_element_type3A_871 = arith.truncf %transpose3A_868 : vector<128x64xf32> to vector<128x64xbf16>
    %bitcast_convert_type3A_872 = tpu.bitcast %convert_element_type3A_871 : vector<128x64xbf16> -> vector<128x64xi16>
    %convert_element_type3A_873 = arith.extui %bitcast_convert_type3A_870 : vector<128x64xi16> to vector<128x64xi32>
    %shift_left3A_874 = arith.constant 16 : i32
    %shift_left3A_875 = vector.broadcast %shift_left3A_874 : i32 to vector<128x64xi32>
    %shift_left3A_876 = arith.shli %convert_element_type3A_873, %shift_left3A_875 : vector<128x64xi32>
    %convert_element_type3A_877 = arith.extui %bitcast_convert_type3A_872 : vector<128x64xi16> to vector<128x64xi32>
    %or3A_878 = arith.ori %shift_left3A_876, %convert_element_type3A_877 : vector<128x64xi32>
    %bitcast_convert_type3A_879 = tpu.bitcast %or3A_878 : vector<128x64xi32> -> vector<128x64xf32>
    %transpose3A_880 = tpu.transpose %slice3A_865, [1, 0] : vector<64x128xf32> -> vector<128x64xf32>
    %transpose3A_881 = tpu.transpose %slice3A_866, [1, 0] : vector<64x128xf32> -> vector<128x64xf32>
    %convert_element_type3A_882 = arith.truncf %transpose3A_880 : vector<128x64xf32> to vector<128x64xbf16>
    %bitcast_convert_type3A_883 = tpu.bitcast %convert_element_type3A_882 : vector<128x64xbf16> -> vector<128x64xi16>
    %convert_element_type3A_884 = arith.truncf %transpose3A_881 : vector<128x64xf32> to vector<128x64xbf16>
    %bitcast_convert_type3A_885 = tpu.bitcast %convert_element_type3A_884 : vector<128x64xbf16> -> vector<128x64xi16>
    %convert_element_type3A_886 = arith.extui %bitcast_convert_type3A_883 : vector<128x64xi16> to vector<128x64xi32>
    %shift_left3A_887 = arith.constant 16 : i32
    %shift_left3A_888 = vector.broadcast %shift_left3A_887 : i32 to vector<128x64xi32>
    %shift_left3A_889 = arith.shli %convert_element_type3A_886, %shift_left3A_888 : vector<128x64xi32>
    %convert_element_type3A_890 = arith.extui %bitcast_convert_type3A_885 : vector<128x64xi16> to vector<128x64xi32>
    %or3A_891 = arith.ori %shift_left3A_889, %convert_element_type3A_890 : vector<128x64xi32>
    %bitcast_convert_type3A_892 = tpu.bitcast %or3A_891 : vector<128x64xi32> -> vector<128x64xf32>
    %concatenate3A_893 = tpu.concatenate %bitcast_convert_type3A_879, %bitcast_convert_type3A_892 in 1 : vector<128x64xf32>, vector<128x64xf32> -> vector<128x128xf32>
    %slice3A_894 = vector.extract_strided_slice %get3A_1 {offsets = [0, 14848], sizes = [64, 128], strides = [1, 1]} : vector<64x32768xf32> to vector<64x128xf32>
    %slice3A_895 = vector.extract_strided_slice %get3A_1 {offsets = [0, 14976], sizes = [64, 128], strides = [1, 1]} : vector<64x32768xf32> to vector<64x128xf32>
    %slice3A_896 = vector.extract_strided_slice %get3A_1 {offsets = [0, 15104], sizes = [64, 128], strides = [1, 1]} : vector<64x32768xf32> to vector<64x128xf32>
    %slice3A_897 = vector.extract_strided_slice %get3A_1 {offsets = [0, 15232], sizes = [64, 128], strides = [1, 1]} : vector<64x32768xf32> to vector<64x128xf32>
    %transpose3A_898 = tpu.transpose %slice3A_894, [1, 0] : vector<64x128xf32> -> vector<128x64xf32>
    %transpose3A_899 = tpu.transpose %slice3A_895, [1, 0] : vector<64x128xf32> -> vector<128x64xf32>
    %convert_element_type3A_900 = arith.truncf %transpose3A_898 : vector<128x64xf32> to vector<128x64xbf16>
    %bitcast_convert_type3A_901 = tpu.bitcast %convert_element_type3A_900 : vector<128x64xbf16> -> vector<128x64xi16>
    %convert_element_type3A_902 = arith.truncf %transpose3A_899 : vector<128x64xf32> to vector<128x64xbf16>
    %bitcast_convert_type3A_903 = tpu.bitcast %convert_element_type3A_902 : vector<128x64xbf16> -> vector<128x64xi16>
    %convert_element_type3A_904 = arith.extui %bitcast_convert_type3A_901 : vector<128x64xi16> to vector<128x64xi32>
    %shift_left3A_905 = arith.constant 16 : i32
    %shift_left3A_906 = vector.broadcast %shift_left3A_905 : i32 to vector<128x64xi32>
    %shift_left3A_907 = arith.shli %convert_element_type3A_904, %shift_left3A_906 : vector<128x64xi32>
    %convert_element_type3A_908 = arith.extui %bitcast_convert_type3A_903 : vector<128x64xi16> to vector<128x64xi32>
    %or3A_909 = arith.ori %shift_left3A_907, %convert_element_type3A_908 : vector<128x64xi32>
    %bitcast_convert_type3A_910 = tpu.bitcast %or3A_909 : vector<128x64xi32> -> vector<128x64xf32>
    %transpose3A_911 = tpu.transpose %slice3A_896, [1, 0] : vector<64x128xf32> -> vector<128x64xf32>
    %transpose3A_912 = tpu.transpose %slice3A_897, [1, 0] : vector<64x128xf32> -> vector<128x64xf32>
    %convert_element_type3A_913 = arith.truncf %transpose3A_911 : vector<128x64xf32> to vector<128x64xbf16>
    %bitcast_convert_type3A_914 = tpu.bitcast %convert_element_type3A_913 : vector<128x64xbf16> -> vector<128x64xi16>
    %convert_element_type3A_915 = arith.truncf %transpose3A_912 : vector<128x64xf32> to vector<128x64xbf16>
    %bitcast_convert_type3A_916 = tpu.bitcast %convert_element_type3A_915 : vector<128x64xbf16> -> vector<128x64xi16>
    %convert_element_type3A_917 = arith.extui %bitcast_convert_type3A_914 : vector<128x64xi16> to vector<128x64xi32>
    %shift_left3A_918 = arith.constant 16 : i32
    %shift_left3A_919 = vector.broadcast %shift_left3A_918 : i32 to vector<128x64xi32>
    %shift_left3A_920 = arith.shli %convert_element_type3A_917, %shift_left3A_919 : vector<128x64xi32>
    %convert_element_type3A_921 = arith.extui %bitcast_convert_type3A_916 : vector<128x64xi16> to vector<128x64xi32>
    %or3A_922 = arith.ori %shift_left3A_920, %convert_element_type3A_921 : vector<128x64xi32>
    %bitcast_convert_type3A_923 = tpu.bitcast %or3A_922 : vector<128x64xi32> -> vector<128x64xf32>
    %concatenate3A_924 = tpu.concatenate %bitcast_convert_type3A_910, %bitcast_convert_type3A_923 in 1 : vector<128x64xf32>, vector<128x64xf32> -> vector<128x128xf32>
    %slice3A_925 = vector.extract_strided_slice %get3A_1 {offsets = [0, 15360], sizes = [64, 128], strides = [1, 1]} : vector<64x32768xf32> to vector<64x128xf32>
    %slice3A_926 = vector.extract_strided_slice %get3A_1 {offsets = [0, 15488], sizes = [64, 128], strides = [1, 1]} : vector<64x32768xf32> to vector<64x128xf32>
    %slice3A_927 = vector.extract_strided_slice %get3A_1 {offsets = [0, 15616], sizes = [64, 128], strides = [1, 1]} : vector<64x32768xf32> to vector<64x128xf32>
    %slice3A_928 = vector.extract_strided_slice %get3A_1 {offsets = [0, 15744], sizes = [64, 128], strides = [1, 1]} : vector<64x32768xf32> to vector<64x128xf32>
    %transpose3A_929 = tpu.transpose %slice3A_925, [1, 0] : vector<64x128xf32> -> vector<128x64xf32>
    %transpose3A_930 = tpu.transpose %slice3A_926, [1, 0] : vector<64x128xf32> -> vector<128x64xf32>
    %convert_element_type3A_931 = arith.truncf %transpose3A_929 : vector<128x64xf32> to vector<128x64xbf16>
    %bitcast_convert_type3A_932 = tpu.bitcast %convert_element_type3A_931 : vector<128x64xbf16> -> vector<128x64xi16>
    %convert_element_type3A_933 = arith.truncf %transpose3A_930 : vector<128x64xf32> to vector<128x64xbf16>
    %bitcast_convert_type3A_934 = tpu.bitcast %convert_element_type3A_933 : vector<128x64xbf16> -> vector<128x64xi16>
    %convert_element_type3A_935 = arith.extui %bitcast_convert_type3A_932 : vector<128x64xi16> to vector<128x64xi32>
    %shift_left3A_936 = arith.constant 16 : i32
    %shift_left3A_937 = vector.broadcast %shift_left3A_936 : i32 to vector<128x64xi32>
    %shift_left3A_938 = arith.shli %convert_element_type3A_935, %shift_left3A_937 : vector<128x64xi32>
    %convert_element_type3A_939 = arith.extui %bitcast_convert_type3A_934 : vector<128x64xi16> to vector<128x64xi32>
    %or3A_940 = arith.ori %shift_left3A_938, %convert_element_type3A_939 : vector<128x64xi32>
    %bitcast_convert_type3A_941 = tpu.bitcast %or3A_940 : vector<128x64xi32> -> vector<128x64xf32>
    %transpose3A_942 = tpu.transpose %slice3A_927, [1, 0] : vector<64x128xf32> -> vector<128x64xf32>
    %transpose3A_943 = tpu.transpose %slice3A_928, [1, 0] : vector<64x128xf32> -> vector<128x64xf32>
    %convert_element_type3A_944 = arith.truncf %transpose3A_942 : vector<128x64xf32> to vector<128x64xbf16>
    %bitcast_convert_type3A_945 = tpu.bitcast %convert_element_type3A_944 : vector<128x64xbf16> -> vector<128x64xi16>
    %convert_element_type3A_946 = arith.truncf %transpose3A_943 : vector<128x64xf32> to vector<128x64xbf16>
    %bitcast_convert_type3A_947 = tpu.bitcast %convert_element_type3A_946 : vector<128x64xbf16> -> vector<128x64xi16>
    %convert_element_type3A_948 = arith.extui %bitcast_convert_type3A_945 : vector<128x64xi16> to vector<128x64xi32>
    %shift_left3A_949 = arith.constant 16 : i32
    %shift_left3A_950 = vector.broadcast %shift_left3A_949 : i32 to vector<128x64xi32>
    %shift_left3A_951 = arith.shli %convert_element_type3A_948, %shift_left3A_950 : vector<128x64xi32>
    %convert_element_type3A_952 = arith.extui %bitcast_convert_type3A_947 : vector<128x64xi16> to vector<128x64xi32>
    %or3A_953 = arith.ori %shift_left3A_951, %convert_element_type3A_952 : vector<128x64xi32>
    %bitcast_convert_type3A_954 = tpu.bitcast %or3A_953 : vector<128x64xi32> -> vector<128x64xf32>
    %concatenate3A_955 = tpu.concatenate %bitcast_convert_type3A_941, %bitcast_convert_type3A_954 in 1 : vector<128x64xf32>, vector<128x64xf32> -> vector<128x128xf32>
    %slice3A_956 = vector.extract_strided_slice %get3A_1 {offsets = [0, 15872], sizes = [64, 128], strides = [1, 1]} : vector<64x32768xf32> to vector<64x128xf32>
    %slice3A_957 = vector.extract_strided_slice %get3A_1 {offsets = [0, 16000], sizes = [64, 128], strides = [1, 1]} : vector<64x32768xf32> to vector<64x128xf32>
    %slice3A_958 = vector.extract_strided_slice %get3A_1 {offsets = [0, 16128], sizes = [64, 128], strides = [1, 1]} : vector<64x32768xf32> to vector<64x128xf32>
    %slice3A_959 = vector.extract_strided_slice %get3A_1 {offsets = [0, 16256], sizes = [64, 128], strides = [1, 1]} : vector<64x32768xf32> to vector<64x128xf32>
    %transpose3A_960 = tpu.transpose %slice3A_956, [1, 0] : vector<64x128xf32> -> vector<128x64xf32>
    %transpose3A_961 = tpu.transpose %slice3A_957, [1, 0] : vector<64x128xf32> -> vector<128x64xf32>
    %convert_element_type3A_962 = arith.truncf %transpose3A_960 : vector<128x64xf32> to vector<128x64xbf16>
    %bitcast_convert_type3A_963 = tpu.bitcast %convert_element_type3A_962 : vector<128x64xbf16> -> vector<128x64xi16>
    %convert_element_type3A_964 = arith.truncf %transpose3A_961 : vector<128x64xf32> to vector<128x64xbf16>
    %bitcast_convert_type3A_965 = tpu.bitcast %convert_element_type3A_964 : vector<128x64xbf16> -> vector<128x64xi16>
    %convert_element_type3A_966 = arith.extui %bitcast_convert_type3A_963 : vector<128x64xi16> to vector<128x64xi32>
    %shift_left3A_967 = arith.constant 16 : i32
    %shift_left3A_968 = vector.broadcast %shift_left3A_967 : i32 to vector<128x64xi32>
    %shift_left3A_969 = arith.shli %convert_element_type3A_966, %shift_left3A_968 : vector<128x64xi32>
    %convert_element_type3A_970 = arith.extui %bitcast_convert_type3A_965 : vector<128x64xi16> to vector<128x64xi32>
    %or3A_971 = arith.ori %shift_left3A_969, %convert_element_type3A_970 : vector<128x64xi32>
    %bitcast_convert_type3A_972 = tpu.bitcast %or3A_971 : vector<128x64xi32> -> vector<128x64xf32>
    %transpose3A_973 = tpu.transpose %slice3A_958, [1, 0] : vector<64x128xf32> -> vector<128x64xf32>
    %transpose3A_974 = tpu.transpose %slice3A_959, [1, 0] : vector<64x128xf32> -> vector<128x64xf32>
    %convert_element_type3A_975 = arith.truncf %transpose3A_973 : vector<128x64xf32> to vector<128x64xbf16>
    %bitcast_convert_type3A_976 = tpu.bitcast %convert_element_type3A_975 : vector<128x64xbf16> -> vector<128x64xi16>
    %convert_element_type3A_977 = arith.truncf %transpose3A_974 : vector<128x64xf32> to vector<128x64xbf16>
    %bitcast_convert_type3A_978 = tpu.bitcast %convert_element_type3A_977 : vector<128x64xbf16> -> vector<128x64xi16>
    %convert_element_type3A_979 = arith.extui %bitcast_convert_type3A_976 : vector<128x64xi16> to vector<128x64xi32>
    %shift_left3A_980 = arith.constant 16 : i32
    %shift_left3A_981 = vector.broadcast %shift_left3A_980 : i32 to vector<128x64xi32>
    %shift_left3A_982 = arith.shli %convert_element_type3A_979, %shift_left3A_981 : vector<128x64xi32>
    %convert_element_type3A_983 = arith.extui %bitcast_convert_type3A_978 : vector<128x64xi16> to vector<128x64xi32>
    %or3A_984 = arith.ori %shift_left3A_982, %convert_element_type3A_983 : vector<128x64xi32>
    %bitcast_convert_type3A_985 = tpu.bitcast %or3A_984 : vector<128x64xi32> -> vector<128x64xf32>
    %concatenate3A_986 = tpu.concatenate %bitcast_convert_type3A_972, %bitcast_convert_type3A_985 in 1 : vector<128x64xf32>, vector<128x64xf32> -> vector<128x128xf32>
    %slice3A_987 = vector.extract_strided_slice %get3A_1 {offsets = [0, 16384], sizes = [64, 128], strides = [1, 1]} : vector<64x32768xf32> to vector<64x128xf32>
    %slice3A_988 = vector.extract_strided_slice %get3A_1 {offsets = [0, 16512], sizes = [64, 128], strides = [1, 1]} : vector<64x32768xf32> to vector<64x128xf32>
    %slice3A_989 = vector.extract_strided_slice %get3A_1 {offsets = [0, 16640], sizes = [64, 128], strides = [1, 1]} : vector<64x32768xf32> to vector<64x128xf32>
    %slice3A_990 = vector.extract_strided_slice %get3A_1 {offsets = [0, 16768], sizes = [64, 128], strides = [1, 1]} : vector<64x32768xf32> to vector<64x128xf32>
    %transpose3A_991 = tpu.transpose %slice3A_987, [1, 0] : vector<64x128xf32> -> vector<128x64xf32>
    %transpose3A_992 = tpu.transpose %slice3A_988, [1, 0] : vector<64x128xf32> -> vector<128x64xf32>
    %convert_element_type3A_993 = arith.truncf %transpose3A_991 : vector<128x64xf32> to vector<128x64xbf16>
    %bitcast_convert_type3A_994 = tpu.bitcast %convert_element_type3A_993 : vector<128x64xbf16> -> vector<128x64xi16>
    %convert_element_type3A_995 = arith.truncf %transpose3A_992 : vector<128x64xf32> to vector<128x64xbf16>
    %bitcast_convert_type3A_996 = tpu.bitcast %convert_element_type3A_995 : vector<128x64xbf16> -> vector<128x64xi16>
    %convert_element_type3A_997 = arith.extui %bitcast_convert_type3A_994 : vector<128x64xi16> to vector<128x64xi32>
    %shift_left3A_998 = arith.constant 16 : i32
    %shift_left3A_999 = vector.broadcast %shift_left3A_998 : i32 to vector<128x64xi32>
    %shift_left3A_1000 = arith.shli %convert_element_type3A_997, %shift_left3A_999 : vector<128x64xi32>
    %convert_element_type3A_1001 = arith.extui %bitcast_convert_type3A_996 : vector<128x64xi16> to vector<128x64xi32>
    %or3A_1002 = arith.ori %shift_left3A_1000, %convert_element_type3A_1001 : vector<128x64xi32>
    %bitcast_convert_type3A_1003 = tpu.bitcast %or3A_1002 : vector<128x64xi32> -> vector<128x64xf32>
    %transpose3A_1004 = tpu.transpose %slice3A_989, [1, 0] : vector<64x128xf32> -> vector<128x64xf32>
    %transpose3A_1005 = tpu.transpose %slice3A_990, [1, 0] : vector<64x128xf32> -> vector<128x64xf32>
    %convert_element_type3A_1006 = arith.truncf %transpose3A_1004 : vector<128x64xf32> to vector<128x64xbf16>
    %bitcast_convert_type3A_1007 = tpu.bitcast %convert_element_type3A_1006 : vector<128x64xbf16> -> vector<128x64xi16>
    %convert_element_type3A_1008 = arith.truncf %transpose3A_1005 : vector<128x64xf32> to vector<128x64xbf16>
    %bitcast_convert_type3A_1009 = tpu.bitcast %convert_element_type3A_1008 : vector<128x64xbf16> -> vector<128x64xi16>
    %convert_element_type3A_1010 = arith.extui %bitcast_convert_type3A_1007 : vector<128x64xi16> to vector<128x64xi32>
    %shift_left3A_1011 = arith.constant 16 : i32
    %shift_left3A_1012 = vector.broadcast %shift_left3A_1011 : i32 to vector<128x64xi32>
    %shift_left3A_1013 = arith.shli %convert_element_type3A_1010, %shift_left3A_1012 : vector<128x64xi32>
    %convert_element_type3A_1014 = arith.extui %bitcast_convert_type3A_1009 : vector<128x64xi16> to vector<128x64xi32>
    %or3A_1015 = arith.ori %shift_left3A_1013, %convert_element_type3A_1014 : vector<128x64xi32>
    %bitcast_convert_type3A_1016 = tpu.bitcast %or3A_1015 : vector<128x64xi32> -> vector<128x64xf32>
    %concatenate3A_1017 = tpu.concatenate %bitcast_convert_type3A_1003, %bitcast_convert_type3A_1016 in 1 : vector<128x64xf32>, vector<128x64xf32> -> vector<128x128xf32>
    %slice3A_1018 = vector.extract_strided_slice %get3A_1 {offsets = [0, 16896], sizes = [64, 128], strides = [1, 1]} : vector<64x32768xf32> to vector<64x128xf32>
    %slice3A_1019 = vector.extract_strided_slice %get3A_1 {offsets = [0, 17024], sizes = [64, 128], strides = [1, 1]} : vector<64x32768xf32> to vector<64x128xf32>
    %slice3A_1020 = vector.extract_strided_slice %get3A_1 {offsets = [0, 17152], sizes = [64, 128], strides = [1, 1]} : vector<64x32768xf32> to vector<64x128xf32>
    %slice3A_1021 = vector.extract_strided_slice %get3A_1 {offsets = [0, 17280], sizes = [64, 128], strides = [1, 1]} : vector<64x32768xf32> to vector<64x128xf32>
    %transpose3A_1022 = tpu.transpose %slice3A_1018, [1, 0] : vector<64x128xf32> -> vector<128x64xf32>
    %transpose3A_1023 = tpu.transpose %slice3A_1019, [1, 0] : vector<64x128xf32> -> vector<128x64xf32>
    %convert_element_type3A_1024 = arith.truncf %transpose3A_1022 : vector<128x64xf32> to vector<128x64xbf16>
    %bitcast_convert_type3A_1025 = tpu.bitcast %convert_element_type3A_1024 : vector<128x64xbf16> -> vector<128x64xi16>
    %convert_element_type3A_1026 = arith.truncf %transpose3A_1023 : vector<128x64xf32> to vector<128x64xbf16>
    %bitcast_convert_type3A_1027 = tpu.bitcast %convert_element_type3A_1026 : vector<128x64xbf16> -> vector<128x64xi16>
    %convert_element_type3A_1028 = arith.extui %bitcast_convert_type3A_1025 : vector<128x64xi16> to vector<128x64xi32>
    %shift_left3A_1029 = arith.constant 16 : i32
    %shift_left3A_1030 = vector.broadcast %shift_left3A_1029 : i32 to vector<128x64xi32>
    %shift_left3A_1031 = arith.shli %convert_element_type3A_1028, %shift_left3A_1030 : vector<128x64xi32>
    %convert_element_type3A_1032 = arith.extui %bitcast_convert_type3A_1027 : vector<128x64xi16> to vector<128x64xi32>
    %or3A_1033 = arith.ori %shift_left3A_1031, %convert_element_type3A_1032 : vector<128x64xi32>
    %bitcast_convert_type3A_1034 = tpu.bitcast %or3A_1033 : vector<128x64xi32> -> vector<128x64xf32>
    %transpose3A_1035 = tpu.transpose %slice3A_1020, [1, 0] : vector<64x128xf32> -> vector<128x64xf32>
    %transpose3A_1036 = tpu.transpose %slice3A_1021, [1, 0] : vector<64x128xf32> -> vector<128x64xf32>
    %convert_element_type3A_1037 = arith.truncf %transpose3A_1035 : vector<128x64xf32> to vector<128x64xbf16>
    %bitcast_convert_type3A_1038 = tpu.bitcast %convert_element_type3A_1037 : vector<128x64xbf16> -> vector<128x64xi16>
    %convert_element_type3A_1039 = arith.truncf %transpose3A_1036 : vector<128x64xf32> to vector<128x64xbf16>
    %bitcast_convert_type3A_1040 = tpu.bitcast %convert_element_type3A_1039 : vector<128x64xbf16> -> vector<128x64xi16>
    %convert_element_type3A_1041 = arith.extui %bitcast_convert_type3A_1038 : vector<128x64xi16> to vector<128x64xi32>
    %shift_left3A_1042 = arith.constant 16 : i32
    %shift_left3A_1043 = vector.broadcast %shift_left3A_1042 : i32 to vector<128x64xi32>
    %shift_left3A_1044 = arith.shli %convert_element_type3A_1041, %shift_left3A_1043 : vector<128x64xi32>
    %convert_element_type3A_1045 = arith.extui %bitcast_convert_type3A_1040 : vector<128x64xi16> to vector<128x64xi32>
    %or3A_1046 = arith.ori %shift_left3A_1044, %convert_element_type3A_1045 : vector<128x64xi32>
    %bitcast_convert_type3A_1047 = tpu.bitcast %or3A_1046 : vector<128x64xi32> -> vector<128x64xf32>
    %concatenate3A_1048 = tpu.concatenate %bitcast_convert_type3A_1034, %bitcast_convert_type3A_1047 in 1 : vector<128x64xf32>, vector<128x64xf32> -> vector<128x128xf32>
    %slice3A_1049 = vector.extract_strided_slice %get3A_1 {offsets = [0, 17408], sizes = [64, 128], strides = [1, 1]} : vector<64x32768xf32> to vector<64x128xf32>
    %slice3A_1050 = vector.extract_strided_slice %get3A_1 {offsets = [0, 17536], sizes = [64, 128], strides = [1, 1]} : vector<64x32768xf32> to vector<64x128xf32>
    %slice3A_1051 = vector.extract_strided_slice %get3A_1 {offsets = [0, 17664], sizes = [64, 128], strides = [1, 1]} : vector<64x32768xf32> to vector<64x128xf32>
    %slice3A_1052 = vector.extract_strided_slice %get3A_1 {offsets = [0, 17792], sizes = [64, 128], strides = [1, 1]} : vector<64x32768xf32> to vector<64x128xf32>
    %transpose3A_1053 = tpu.transpose %slice3A_1049, [1, 0] : vector<64x128xf32> -> vector<128x64xf32>
    %transpose3A_1054 = tpu.transpose %slice3A_1050, [1, 0] : vector<64x128xf32> -> vector<128x64xf32>
    %convert_element_type3A_1055 = arith.truncf %transpose3A_1053 : vector<128x64xf32> to vector<128x64xbf16>
    %bitcast_convert_type3A_1056 = tpu.bitcast %convert_element_type3A_1055 : vector<128x64xbf16> -> vector<128x64xi16>
    %convert_element_type3A_1057 = arith.truncf %transpose3A_1054 : vector<128x64xf32> to vector<128x64xbf16>
    %bitcast_convert_type3A_1058 = tpu.bitcast %convert_element_type3A_1057 : vector<128x64xbf16> -> vector<128x64xi16>
    %convert_element_type3A_1059 = arith.extui %bitcast_convert_type3A_1056 : vector<128x64xi16> to vector<128x64xi32>
    %shift_left3A_1060 = arith.constant 16 : i32
    %shift_left3A_1061 = vector.broadcast %shift_left3A_1060 : i32 to vector<128x64xi32>
    %shift_left3A_1062 = arith.shli %convert_element_type3A_1059, %shift_left3A_1061 : vector<128x64xi32>
    %convert_element_type3A_1063 = arith.extui %bitcast_convert_type3A_1058 : vector<128x64xi16> to vector<128x64xi32>
    %or3A_1064 = arith.ori %shift_left3A_1062, %convert_element_type3A_1063 : vector<128x64xi32>
    %bitcast_convert_type3A_1065 = tpu.bitcast %or3A_1064 : vector<128x64xi32> -> vector<128x64xf32>
    %transpose3A_1066 = tpu.transpose %slice3A_1051, [1, 0] : vector<64x128xf32> -> vector<128x64xf32>
    %transpose3A_1067 = tpu.transpose %slice3A_1052, [1, 0] : vector<64x128xf32> -> vector<128x64xf32>
    %convert_element_type3A_1068 = arith.truncf %transpose3A_1066 : vector<128x64xf32> to vector<128x64xbf16>
    %bitcast_convert_type3A_1069 = tpu.bitcast %convert_element_type3A_1068 : vector<128x64xbf16> -> vector<128x64xi16>
    %convert_element_type3A_1070 = arith.truncf %transpose3A_1067 : vector<128x64xf32> to vector<128x64xbf16>
    %bitcast_convert_type3A_1071 = tpu.bitcast %convert_element_type3A_1070 : vector<128x64xbf16> -> vector<128x64xi16>
    %convert_element_type3A_1072 = arith.extui %bitcast_convert_type3A_1069 : vector<128x64xi16> to vector<128x64xi32>
    %shift_left3A_1073 = arith.constant 16 : i32
    %shift_left3A_1074 = vector.broadcast %shift_left3A_1073 : i32 to vector<128x64xi32>
    %shift_left3A_1075 = arith.shli %convert_element_type3A_1072, %shift_left3A_1074 : vector<128x64xi32>
    %convert_element_type3A_1076 = arith.extui %bitcast_convert_type3A_1071 : vector<128x64xi16> to vector<128x64xi32>
    %or3A_1077 = arith.ori %shift_left3A_1075, %convert_element_type3A_1076 : vector<128x64xi32>
    %bitcast_convert_type3A_1078 = tpu.bitcast %or3A_1077 : vector<128x64xi32> -> vector<128x64xf32>
    %concatenate3A_1079 = tpu.concatenate %bitcast_convert_type3A_1065, %bitcast_convert_type3A_1078 in 1 : vector<128x64xf32>, vector<128x64xf32> -> vector<128x128xf32>
    %slice3A_1080 = vector.extract_strided_slice %get3A_1 {offsets = [0, 17920], sizes = [64, 128], strides = [1, 1]} : vector<64x32768xf32> to vector<64x128xf32>
    %slice3A_1081 = vector.extract_strided_slice %get3A_1 {offsets = [0, 18048], sizes = [64, 128], strides = [1, 1]} : vector<64x32768xf32> to vector<64x128xf32>
    %slice3A_1082 = vector.extract_strided_slice %get3A_1 {offsets = [0, 18176], sizes = [64, 128], strides = [1, 1]} : vector<64x32768xf32> to vector<64x128xf32>
    %slice3A_1083 = vector.extract_strided_slice %get3A_1 {offsets = [0, 18304], sizes = [64, 128], strides = [1, 1]} : vector<64x32768xf32> to vector<64x128xf32>
    %transpose3A_1084 = tpu.transpose %slice3A_1080, [1, 0] : vector<64x128xf32> -> vector<128x64xf32>
    %transpose3A_1085 = tpu.transpose %slice3A_1081, [1, 0] : vector<64x128xf32> -> vector<128x64xf32>
    %convert_element_type3A_1086 = arith.truncf %transpose3A_1084 : vector<128x64xf32> to vector<128x64xbf16>
    %bitcast_convert_type3A_1087 = tpu.bitcast %convert_element_type3A_1086 : vector<128x64xbf16> -> vector<128x64xi16>
    %convert_element_type3A_1088 = arith.truncf %transpose3A_1085 : vector<128x64xf32> to vector<128x64xbf16>
    %bitcast_convert_type3A_1089 = tpu.bitcast %convert_element_type3A_1088 : vector<128x64xbf16> -> vector<128x64xi16>
    %convert_element_type3A_1090 = arith.extui %bitcast_convert_type3A_1087 : vector<128x64xi16> to vector<128x64xi32>
    %shift_left3A_1091 = arith.constant 16 : i32
    %shift_left3A_1092 = vector.broadcast %shift_left3A_1091 : i32 to vector<128x64xi32>
    %shift_left3A_1093 = arith.shli %convert_element_type3A_1090, %shift_left3A_1092 : vector<128x64xi32>
    %convert_element_type3A_1094 = arith.extui %bitcast_convert_type3A_1089 : vector<128x64xi16> to vector<128x64xi32>
    %or3A_1095 = arith.ori %shift_left3A_1093, %convert_element_type3A_1094 : vector<128x64xi32>
    %bitcast_convert_type3A_1096 = tpu.bitcast %or3A_1095 : vector<128x64xi32> -> vector<128x64xf32>
    %transpose3A_1097 = tpu.transpose %slice3A_1082, [1, 0] : vector<64x128xf32> -> vector<128x64xf32>
    %transpose3A_1098 = tpu.transpose %slice3A_1083, [1, 0] : vector<64x128xf32> -> vector<128x64xf32>
    %convert_element_type3A_1099 = arith.truncf %transpose3A_1097 : vector<128x64xf32> to vector<128x64xbf16>
    %bitcast_convert_type3A_1100 = tpu.bitcast %convert_element_type3A_1099 : vector<128x64xbf16> -> vector<128x64xi16>
    %convert_element_type3A_1101 = arith.truncf %transpose3A_1098 : vector<128x64xf32> to vector<128x64xbf16>
    %bitcast_convert_type3A_1102 = tpu.bitcast %convert_element_type3A_1101 : vector<128x64xbf16> -> vector<128x64xi16>
    %convert_element_type3A_1103 = arith.extui %bitcast_convert_type3A_1100 : vector<128x64xi16> to vector<128x64xi32>
    %shift_left3A_1104 = arith.constant 16 : i32
    %shift_left3A_1105 = vector.broadcast %shift_left3A_1104 : i32 to vector<128x64xi32>
    %shift_left3A_1106 = arith.shli %convert_element_type3A_1103, %shift_left3A_1105 : vector<128x64xi32>
    %convert_element_type3A_1107 = arith.extui %bitcast_convert_type3A_1102 : vector<128x64xi16> to vector<128x64xi32>
    %or3A_1108 = arith.ori %shift_left3A_1106, %convert_element_type3A_1107 : vector<128x64xi32>
    %bitcast_convert_type3A_1109 = tpu.bitcast %or3A_1108 : vector<128x64xi32> -> vector<128x64xf32>
    %concatenate3A_1110 = tpu.concatenate %bitcast_convert_type3A_1096, %bitcast_convert_type3A_1109 in 1 : vector<128x64xf32>, vector<128x64xf32> -> vector<128x128xf32>
    %slice3A_1111 = vector.extract_strided_slice %get3A_1 {offsets = [0, 18432], sizes = [64, 128], strides = [1, 1]} : vector<64x32768xf32> to vector<64x128xf32>
    %slice3A_1112 = vector.extract_strided_slice %get3A_1 {offsets = [0, 18560], sizes = [64, 128], strides = [1, 1]} : vector<64x32768xf32> to vector<64x128xf32>
    %slice3A_1113 = vector.extract_strided_slice %get3A_1 {offsets = [0, 18688], sizes = [64, 128], strides = [1, 1]} : vector<64x32768xf32> to vector<64x128xf32>
    %slice3A_1114 = vector.extract_strided_slice %get3A_1 {offsets = [0, 18816], sizes = [64, 128], strides = [1, 1]} : vector<64x32768xf32> to vector<64x128xf32>
    %transpose3A_1115 = tpu.transpose %slice3A_1111, [1, 0] : vector<64x128xf32> -> vector<128x64xf32>
    %transpose3A_1116 = tpu.transpose %slice3A_1112, [1, 0] : vector<64x128xf32> -> vector<128x64xf32>
    %convert_element_type3A_1117 = arith.truncf %transpose3A_1115 : vector<128x64xf32> to vector<128x64xbf16>
    %bitcast_convert_type3A_1118 = tpu.bitcast %convert_element_type3A_1117 : vector<128x64xbf16> -> vector<128x64xi16>
    %convert_element_type3A_1119 = arith.truncf %transpose3A_1116 : vector<128x64xf32> to vector<128x64xbf16>
    %bitcast_convert_type3A_1120 = tpu.bitcast %convert_element_type3A_1119 : vector<128x64xbf16> -> vector<128x64xi16>
    %convert_element_type3A_1121 = arith.extui %bitcast_convert_type3A_1118 : vector<128x64xi16> to vector<128x64xi32>
    %shift_left3A_1122 = arith.constant 16 : i32
    %shift_left3A_1123 = vector.broadcast %shift_left3A_1122 : i32 to vector<128x64xi32>
    %shift_left3A_1124 = arith.shli %convert_element_type3A_1121, %shift_left3A_1123 : vector<128x64xi32>
    %convert_element_type3A_1125 = arith.extui %bitcast_convert_type3A_1120 : vector<128x64xi16> to vector<128x64xi32>
    %or3A_1126 = arith.ori %shift_left3A_1124, %convert_element_type3A_1125 : vector<128x64xi32>
    %bitcast_convert_type3A_1127 = tpu.bitcast %or3A_1126 : vector<128x64xi32> -> vector<128x64xf32>
    %transpose3A_1128 = tpu.transpose %slice3A_1113, [1, 0] : vector<64x128xf32> -> vector<128x64xf32>
    %transpose3A_1129 = tpu.transpose %slice3A_1114, [1, 0] : vector<64x128xf32> -> vector<128x64xf32>
    %convert_element_type3A_1130 = arith.truncf %transpose3A_1128 : vector<128x64xf32> to vector<128x64xbf16>
    %bitcast_convert_type3A_1131 = tpu.bitcast %convert_element_type3A_1130 : vector<128x64xbf16> -> vector<128x64xi16>
    %convert_element_type3A_1132 = arith.truncf %transpose3A_1129 : vector<128x64xf32> to vector<128x64xbf16>
    %bitcast_convert_type3A_1133 = tpu.bitcast %convert_element_type3A_1132 : vector<128x64xbf16> -> vector<128x64xi16>
    %convert_element_type3A_1134 = arith.extui %bitcast_convert_type3A_1131 : vector<128x64xi16> to vector<128x64xi32>
    %shift_left3A_1135 = arith.constant 16 : i32
    %shift_left3A_1136 = vector.broadcast %shift_left3A_1135 : i32 to vector<128x64xi32>
    %shift_left3A_1137 = arith.shli %convert_element_type3A_1134, %shift_left3A_1136 : vector<128x64xi32>
    %convert_element_type3A_1138 = arith.extui %bitcast_convert_type3A_1133 : vector<128x64xi16> to vector<128x64xi32>
    %or3A_1139 = arith.ori %shift_left3A_1137, %convert_element_type3A_1138 : vector<128x64xi32>
    %bitcast_convert_type3A_1140 = tpu.bitcast %or3A_1139 : vector<128x64xi32> -> vector<128x64xf32>
    %concatenate3A_1141 = tpu.concatenate %bitcast_convert_type3A_1127, %bitcast_convert_type3A_1140 in 1 : vector<128x64xf32>, vector<128x64xf32> -> vector<128x128xf32>
    %slice3A_1142 = vector.extract_strided_slice %get3A_1 {offsets = [0, 18944], sizes = [64, 128], strides = [1, 1]} : vector<64x32768xf32> to vector<64x128xf32>
    %slice3A_1143 = vector.extract_strided_slice %get3A_1 {offsets = [0, 19072], sizes = [64, 128], strides = [1, 1]} : vector<64x32768xf32> to vector<64x128xf32>
    %slice3A_1144 = vector.extract_strided_slice %get3A_1 {offsets = [0, 19200], sizes = [64, 128], strides = [1, 1]} : vector<64x32768xf32> to vector<64x128xf32>
    %slice3A_1145 = vector.extract_strided_slice %get3A_1 {offsets = [0, 19328], sizes = [64, 128], strides = [1, 1]} : vector<64x32768xf32> to vector<64x128xf32>
    %transpose3A_1146 = tpu.transpose %slice3A_1142, [1, 0] : vector<64x128xf32> -> vector<128x64xf32>
    %transpose3A_1147 = tpu.transpose %slice3A_1143, [1, 0] : vector<64x128xf32> -> vector<128x64xf32>
    %convert_element_type3A_1148 = arith.truncf %transpose3A_1146 : vector<128x64xf32> to vector<128x64xbf16>
    %bitcast_convert_type3A_1149 = tpu.bitcast %convert_element_type3A_1148 : vector<128x64xbf16> -> vector<128x64xi16>
    %convert_element_type3A_1150 = arith.truncf %transpose3A_1147 : vector<128x64xf32> to vector<128x64xbf16>
    %bitcast_convert_type3A_1151 = tpu.bitcast %convert_element_type3A_1150 : vector<128x64xbf16> -> vector<128x64xi16>
    %convert_element_type3A_1152 = arith.extui %bitcast_convert_type3A_1149 : vector<128x64xi16> to vector<128x64xi32>
    %shift_left3A_1153 = arith.constant 16 : i32
    %shift_left3A_1154 = vector.broadcast %shift_left3A_1153 : i32 to vector<128x64xi32>
    %shift_left3A_1155 = arith.shli %convert_element_type3A_1152, %shift_left3A_1154 : vector<128x64xi32>
    %convert_element_type3A_1156 = arith.extui %bitcast_convert_type3A_1151 : vector<128x64xi16> to vector<128x64xi32>
    %or3A_1157 = arith.ori %shift_left3A_1155, %convert_element_type3A_1156 : vector<128x64xi32>
    %bitcast_convert_type3A_1158 = tpu.bitcast %or3A_1157 : vector<128x64xi32> -> vector<128x64xf32>
    %transpose3A_1159 = tpu.transpose %slice3A_1144, [1, 0] : vector<64x128xf32> -> vector<128x64xf32>
    %transpose3A_1160 = tpu.transpose %slice3A_1145, [1, 0] : vector<64x128xf32> -> vector<128x64xf32>
    %convert_element_type3A_1161 = arith.truncf %transpose3A_1159 : vector<128x64xf32> to vector<128x64xbf16>
    %bitcast_convert_type3A_1162 = tpu.bitcast %convert_element_type3A_1161 : vector<128x64xbf16> -> vector<128x64xi16>
    %convert_element_type3A_1163 = arith.truncf %transpose3A_1160 : vector<128x64xf32> to vector<128x64xbf16>
    %bitcast_convert_type3A_1164 = tpu.bitcast %convert_element_type3A_1163 : vector<128x64xbf16> -> vector<128x64xi16>
    %convert_element_type3A_1165 = arith.extui %bitcast_convert_type3A_1162 : vector<128x64xi16> to vector<128x64xi32>
    %shift_left3A_1166 = arith.constant 16 : i32
    %shift_left3A_1167 = vector.broadcast %shift_left3A_1166 : i32 to vector<128x64xi32>
    %shift_left3A_1168 = arith.shli %convert_element_type3A_1165, %shift_left3A_1167 : vector<128x64xi32>
    %convert_element_type3A_1169 = arith.extui %bitcast_convert_type3A_1164 : vector<128x64xi16> to vector<128x64xi32>
    %or3A_1170 = arith.ori %shift_left3A_1168, %convert_element_type3A_1169 : vector<128x64xi32>
    %bitcast_convert_type3A_1171 = tpu.bitcast %or3A_1170 : vector<128x64xi32> -> vector<128x64xf32>
    %concatenate3A_1172 = tpu.concatenate %bitcast_convert_type3A_1158, %bitcast_convert_type3A_1171 in 1 : vector<128x64xf32>, vector<128x64xf32> -> vector<128x128xf32>
    %slice3A_1173 = vector.extract_strided_slice %get3A_1 {offsets = [0, 19456], sizes = [64, 128], strides = [1, 1]} : vector<64x32768xf32> to vector<64x128xf32>
    %slice3A_1174 = vector.extract_strided_slice %get3A_1 {offsets = [0, 19584], sizes = [64, 128], strides = [1, 1]} : vector<64x32768xf32> to vector<64x128xf32>
    %slice3A_1175 = vector.extract_strided_slice %get3A_1 {offsets = [0, 19712], sizes = [64, 128], strides = [1, 1]} : vector<64x32768xf32> to vector<64x128xf32>
    %slice3A_1176 = vector.extract_strided_slice %get3A_1 {offsets = [0, 19840], sizes = [64, 128], strides = [1, 1]} : vector<64x32768xf32> to vector<64x128xf32>
    %transpose3A_1177 = tpu.transpose %slice3A_1173, [1, 0] : vector<64x128xf32> -> vector<128x64xf32>
    %transpose3A_1178 = tpu.transpose %slice3A_1174, [1, 0] : vector<64x128xf32> -> vector<128x64xf32>
    %convert_element_type3A_1179 = arith.truncf %transpose3A_1177 : vector<128x64xf32> to vector<128x64xbf16>
    %bitcast_convert_type3A_1180 = tpu.bitcast %convert_element_type3A_1179 : vector<128x64xbf16> -> vector<128x64xi16>
    %convert_element_type3A_1181 = arith.truncf %transpose3A_1178 : vector<128x64xf32> to vector<128x64xbf16>
    %bitcast_convert_type3A_1182 = tpu.bitcast %convert_element_type3A_1181 : vector<128x64xbf16> -> vector<128x64xi16>
    %convert_element_type3A_1183 = arith.extui %bitcast_convert_type3A_1180 : vector<128x64xi16> to vector<128x64xi32>
    %shift_left3A_1184 = arith.constant 16 : i32
    %shift_left3A_1185 = vector.broadcast %shift_left3A_1184 : i32 to vector<128x64xi32>
    %shift_left3A_1186 = arith.shli %convert_element_type3A_1183, %shift_left3A_1185 : vector<128x64xi32>
    %convert_element_type3A_1187 = arith.extui %bitcast_convert_type3A_1182 : vector<128x64xi16> to vector<128x64xi32>
    %or3A_1188 = arith.ori %shift_left3A_1186, %convert_element_type3A_1187 : vector<128x64xi32>
    %bitcast_convert_type3A_1189 = tpu.bitcast %or3A_1188 : vector<128x64xi32> -> vector<128x64xf32>
    %transpose3A_1190 = tpu.transpose %slice3A_1175, [1, 0] : vector<64x128xf32> -> vector<128x64xf32>
    %transpose3A_1191 = tpu.transpose %slice3A_1176, [1, 0] : vector<64x128xf32> -> vector<128x64xf32>
    %convert_element_type3A_1192 = arith.truncf %transpose3A_1190 : vector<128x64xf32> to vector<128x64xbf16>
    %bitcast_convert_type3A_1193 = tpu.bitcast %convert_element_type3A_1192 : vector<128x64xbf16> -> vector<128x64xi16>
    %convert_element_type3A_1194 = arith.truncf %transpose3A_1191 : vector<128x64xf32> to vector<128x64xbf16>
    %bitcast_convert_type3A_1195 = tpu.bitcast %convert_element_type3A_1194 : vector<128x64xbf16> -> vector<128x64xi16>
    %convert_element_type3A_1196 = arith.extui %bitcast_convert_type3A_1193 : vector<128x64xi16> to vector<128x64xi32>
    %shift_left3A_1197 = arith.constant 16 : i32
    %shift_left3A_1198 = vector.broadcast %shift_left3A_1197 : i32 to vector<128x64xi32>
    %shift_left3A_1199 = arith.shli %convert_element_type3A_1196, %shift_left3A_1198 : vector<128x64xi32>
    %convert_element_type3A_1200 = arith.extui %bitcast_convert_type3A_1195 : vector<128x64xi16> to vector<128x64xi32>
    %or3A_1201 = arith.ori %shift_left3A_1199, %convert_element_type3A_1200 : vector<128x64xi32>
    %bitcast_convert_type3A_1202 = tpu.bitcast %or3A_1201 : vector<128x64xi32> -> vector<128x64xf32>
    %concatenate3A_1203 = tpu.concatenate %bitcast_convert_type3A_1189, %bitcast_convert_type3A_1202 in 1 : vector<128x64xf32>, vector<128x64xf32> -> vector<128x128xf32>
    %slice3A_1204 = vector.extract_strided_slice %get3A_1 {offsets = [0, 19968], sizes = [64, 128], strides = [1, 1]} : vector<64x32768xf32> to vector<64x128xf32>
    %slice3A_1205 = vector.extract_strided_slice %get3A_1 {offsets = [0, 20096], sizes = [64, 128], strides = [1, 1]} : vector<64x32768xf32> to vector<64x128xf32>
    %slice3A_1206 = vector.extract_strided_slice %get3A_1 {offsets = [0, 20224], sizes = [64, 128], strides = [1, 1]} : vector<64x32768xf32> to vector<64x128xf32>
    %slice3A_1207 = vector.extract_strided_slice %get3A_1 {offsets = [0, 20352], sizes = [64, 128], strides = [1, 1]} : vector<64x32768xf32> to vector<64x128xf32>
    %transpose3A_1208 = tpu.transpose %slice3A_1204, [1, 0] : vector<64x128xf32> -> vector<128x64xf32>
    %transpose3A_1209 = tpu.transpose %slice3A_1205, [1, 0] : vector<64x128xf32> -> vector<128x64xf32>
    %convert_element_type3A_1210 = arith.truncf %transpose3A_1208 : vector<128x64xf32> to vector<128x64xbf16>
    %bitcast_convert_type3A_1211 = tpu.bitcast %convert_element_type3A_1210 : vector<128x64xbf16> -> vector<128x64xi16>
    %convert_element_type3A_1212 = arith.truncf %transpose3A_1209 : vector<128x64xf32> to vector<128x64xbf16>
    %bitcast_convert_type3A_1213 = tpu.bitcast %convert_element_type3A_1212 : vector<128x64xbf16> -> vector<128x64xi16>
    %convert_element_type3A_1214 = arith.extui %bitcast_convert_type3A_1211 : vector<128x64xi16> to vector<128x64xi32>
    %shift_left3A_1215 = arith.constant 16 : i32
    %shift_left3A_1216 = vector.broadcast %shift_left3A_1215 : i32 to vector<128x64xi32>
    %shift_left3A_1217 = arith.shli %convert_element_type3A_1214, %shift_left3A_1216 : vector<128x64xi32>
    %convert_element_type3A_1218 = arith.extui %bitcast_convert_type3A_1213 : vector<128x64xi16> to vector<128x64xi32>
    %or3A_1219 = arith.ori %shift_left3A_1217, %convert_element_type3A_1218 : vector<128x64xi32>
    %bitcast_convert_type3A_1220 = tpu.bitcast %or3A_1219 : vector<128x64xi32> -> vector<128x64xf32>
    %transpose3A_1221 = tpu.transpose %slice3A_1206, [1, 0] : vector<64x128xf32> -> vector<128x64xf32>
    %transpose3A_1222 = tpu.transpose %slice3A_1207, [1, 0] : vector<64x128xf32> -> vector<128x64xf32>
    %convert_element_type3A_1223 = arith.truncf %transpose3A_1221 : vector<128x64xf32> to vector<128x64xbf16>
    %bitcast_convert_type3A_1224 = tpu.bitcast %convert_element_type3A_1223 : vector<128x64xbf16> -> vector<128x64xi16>
    %convert_element_type3A_1225 = arith.truncf %transpose3A_1222 : vector<128x64xf32> to vector<128x64xbf16>
    %bitcast_convert_type3A_1226 = tpu.bitcast %convert_element_type3A_1225 : vector<128x64xbf16> -> vector<128x64xi16>
    %convert_element_type3A_1227 = arith.extui %bitcast_convert_type3A_1224 : vector<128x64xi16> to vector<128x64xi32>
    %shift_left3A_1228 = arith.constant 16 : i32
    %shift_left3A_1229 = vector.broadcast %shift_left3A_1228 : i32 to vector<128x64xi32>
    %shift_left3A_1230 = arith.shli %convert_element_type3A_1227, %shift_left3A_1229 : vector<128x64xi32>
    %convert_element_type3A_1231 = arith.extui %bitcast_convert_type3A_1226 : vector<128x64xi16> to vector<128x64xi32>
    %or3A_1232 = arith.ori %shift_left3A_1230, %convert_element_type3A_1231 : vector<128x64xi32>
    %bitcast_convert_type3A_1233 = tpu.bitcast %or3A_1232 : vector<128x64xi32> -> vector<128x64xf32>
    %concatenate3A_1234 = tpu.concatenate %bitcast_convert_type3A_1220, %bitcast_convert_type3A_1233 in 1 : vector<128x64xf32>, vector<128x64xf32> -> vector<128x128xf32>
    %slice3A_1235 = vector.extract_strided_slice %get3A_1 {offsets = [0, 20480], sizes = [64, 128], strides = [1, 1]} : vector<64x32768xf32> to vector<64x128xf32>
    %slice3A_1236 = vector.extract_strided_slice %get3A_1 {offsets = [0, 20608], sizes = [64, 128], strides = [1, 1]} : vector<64x32768xf32> to vector<64x128xf32>
    %slice3A_1237 = vector.extract_strided_slice %get3A_1 {offsets = [0, 20736], sizes = [64, 128], strides = [1, 1]} : vector<64x32768xf32> to vector<64x128xf32>
    %slice3A_1238 = vector.extract_strided_slice %get3A_1 {offsets = [0, 20864], sizes = [64, 128], strides = [1, 1]} : vector<64x32768xf32> to vector<64x128xf32>
    %transpose3A_1239 = tpu.transpose %slice3A_1235, [1, 0] : vector<64x128xf32> -> vector<128x64xf32>
    %transpose3A_1240 = tpu.transpose %slice3A_1236, [1, 0] : vector<64x128xf32> -> vector<128x64xf32>
    %convert_element_type3A_1241 = arith.truncf %transpose3A_1239 : vector<128x64xf32> to vector<128x64xbf16>
    %bitcast_convert_type3A_1242 = tpu.bitcast %convert_element_type3A_1241 : vector<128x64xbf16> -> vector<128x64xi16>
    %convert_element_type3A_1243 = arith.truncf %transpose3A_1240 : vector<128x64xf32> to vector<128x64xbf16>
    %bitcast_convert_type3A_1244 = tpu.bitcast %convert_element_type3A_1243 : vector<128x64xbf16> -> vector<128x64xi16>
    %convert_element_type3A_1245 = arith.extui %bitcast_convert_type3A_1242 : vector<128x64xi16> to vector<128x64xi32>
    %shift_left3A_1246 = arith.constant 16 : i32
    %shift_left3A_1247 = vector.broadcast %shift_left3A_1246 : i32 to vector<128x64xi32>
    %shift_left3A_1248 = arith.shli %convert_element_type3A_1245, %shift_left3A_1247 : vector<128x64xi32>
    %convert_element_type3A_1249 = arith.extui %bitcast_convert_type3A_1244 : vector<128x64xi16> to vector<128x64xi32>
    %or3A_1250 = arith.ori %shift_left3A_1248, %convert_element_type3A_1249 : vector<128x64xi32>
    %bitcast_convert_type3A_1251 = tpu.bitcast %or3A_1250 : vector<128x64xi32> -> vector<128x64xf32>
    %transpose3A_1252 = tpu.transpose %slice3A_1237, [1, 0] : vector<64x128xf32> -> vector<128x64xf32>
    %transpose3A_1253 = tpu.transpose %slice3A_1238, [1, 0] : vector<64x128xf32> -> vector<128x64xf32>
    %convert_element_type3A_1254 = arith.truncf %transpose3A_1252 : vector<128x64xf32> to vector<128x64xbf16>
    %bitcast_convert_type3A_1255 = tpu.bitcast %convert_element_type3A_1254 : vector<128x64xbf16> -> vector<128x64xi16>
    %convert_element_type3A_1256 = arith.truncf %transpose3A_1253 : vector<128x64xf32> to vector<128x64xbf16>
    %bitcast_convert_type3A_1257 = tpu.bitcast %convert_element_type3A_1256 : vector<128x64xbf16> -> vector<128x64xi16>
    %convert_element_type3A_1258 = arith.extui %bitcast_convert_type3A_1255 : vector<128x64xi16> to vector<128x64xi32>
    %shift_left3A_1259 = arith.constant 16 : i32
    %shift_left3A_1260 = vector.broadcast %shift_left3A_1259 : i32 to vector<128x64xi32>
    %shift_left3A_1261 = arith.shli %convert_element_type3A_1258, %shift_left3A_1260 : vector<128x64xi32>
    %convert_element_type3A_1262 = arith.extui %bitcast_convert_type3A_1257 : vector<128x64xi16> to vector<128x64xi32>
    %or3A_1263 = arith.ori %shift_left3A_1261, %convert_element_type3A_1262 : vector<128x64xi32>
    %bitcast_convert_type3A_1264 = tpu.bitcast %or3A_1263 : vector<128x64xi32> -> vector<128x64xf32>
    %concatenate3A_1265 = tpu.concatenate %bitcast_convert_type3A_1251, %bitcast_convert_type3A_1264 in 1 : vector<128x64xf32>, vector<128x64xf32> -> vector<128x128xf32>
    %slice3A_1266 = vector.extract_strided_slice %get3A_1 {offsets = [0, 20992], sizes = [64, 128], strides = [1, 1]} : vector<64x32768xf32> to vector<64x128xf32>
    %slice3A_1267 = vector.extract_strided_slice %get3A_1 {offsets = [0, 21120], sizes = [64, 128], strides = [1, 1]} : vector<64x32768xf32> to vector<64x128xf32>
    %slice3A_1268 = vector.extract_strided_slice %get3A_1 {offsets = [0, 21248], sizes = [64, 128], strides = [1, 1]} : vector<64x32768xf32> to vector<64x128xf32>
    %slice3A_1269 = vector.extract_strided_slice %get3A_1 {offsets = [0, 21376], sizes = [64, 128], strides = [1, 1]} : vector<64x32768xf32> to vector<64x128xf32>
    %transpose3A_1270 = tpu.transpose %slice3A_1266, [1, 0] : vector<64x128xf32> -> vector<128x64xf32>
    %transpose3A_1271 = tpu.transpose %slice3A_1267, [1, 0] : vector<64x128xf32> -> vector<128x64xf32>
    %convert_element_type3A_1272 = arith.truncf %transpose3A_1270 : vector<128x64xf32> to vector<128x64xbf16>
    %bitcast_convert_type3A_1273 = tpu.bitcast %convert_element_type3A_1272 : vector<128x64xbf16> -> vector<128x64xi16>
    %convert_element_type3A_1274 = arith.truncf %transpose3A_1271 : vector<128x64xf32> to vector<128x64xbf16>
    %bitcast_convert_type3A_1275 = tpu.bitcast %convert_element_type3A_1274 : vector<128x64xbf16> -> vector<128x64xi16>
    %convert_element_type3A_1276 = arith.extui %bitcast_convert_type3A_1273 : vector<128x64xi16> to vector<128x64xi32>
    %shift_left3A_1277 = arith.constant 16 : i32
    %shift_left3A_1278 = vector.broadcast %shift_left3A_1277 : i32 to vector<128x64xi32>
    %shift_left3A_1279 = arith.shli %convert_element_type3A_1276, %shift_left3A_1278 : vector<128x64xi32>
    %convert_element_type3A_1280 = arith.extui %bitcast_convert_type3A_1275 : vector<128x64xi16> to vector<128x64xi32>
    %or3A_1281 = arith.ori %shift_left3A_1279, %convert_element_type3A_1280 : vector<128x64xi32>
    %bitcast_convert_type3A_1282 = tpu.bitcast %or3A_1281 : vector<128x64xi32> -> vector<128x64xf32>
    %transpose3A_1283 = tpu.transpose %slice3A_1268, [1, 0] : vector<64x128xf32> -> vector<128x64xf32>
    %transpose3A_1284 = tpu.transpose %slice3A_1269, [1, 0] : vector<64x128xf32> -> vector<128x64xf32>
    %convert_element_type3A_1285 = arith.truncf %transpose3A_1283 : vector<128x64xf32> to vector<128x64xbf16>
    %bitcast_convert_type3A_1286 = tpu.bitcast %convert_element_type3A_1285 : vector<128x64xbf16> -> vector<128x64xi16>
    %convert_element_type3A_1287 = arith.truncf %transpose3A_1284 : vector<128x64xf32> to vector<128x64xbf16>
    %bitcast_convert_type3A_1288 = tpu.bitcast %convert_element_type3A_1287 : vector<128x64xbf16> -> vector<128x64xi16>
    %convert_element_type3A_1289 = arith.extui %bitcast_convert_type3A_1286 : vector<128x64xi16> to vector<128x64xi32>
    %shift_left3A_1290 = arith.constant 16 : i32
    %shift_left3A_1291 = vector.broadcast %shift_left3A_1290 : i32 to vector<128x64xi32>
    %shift_left3A_1292 = arith.shli %convert_element_type3A_1289, %shift_left3A_1291 : vector<128x64xi32>
    %convert_element_type3A_1293 = arith.extui %bitcast_convert_type3A_1288 : vector<128x64xi16> to vector<128x64xi32>
    %or3A_1294 = arith.ori %shift_left3A_1292, %convert_element_type3A_1293 : vector<128x64xi32>
    %bitcast_convert_type3A_1295 = tpu.bitcast %or3A_1294 : vector<128x64xi32> -> vector<128x64xf32>
    %concatenate3A_1296 = tpu.concatenate %bitcast_convert_type3A_1282, %bitcast_convert_type3A_1295 in 1 : vector<128x64xf32>, vector<128x64xf32> -> vector<128x128xf32>
    %slice3A_1297 = vector.extract_strided_slice %get3A_1 {offsets = [0, 21504], sizes = [64, 128], strides = [1, 1]} : vector<64x32768xf32> to vector<64x128xf32>
    %slice3A_1298 = vector.extract_strided_slice %get3A_1 {offsets = [0, 21632], sizes = [64, 128], strides = [1, 1]} : vector<64x32768xf32> to vector<64x128xf32>
    %slice3A_1299 = vector.extract_strided_slice %get3A_1 {offsets = [0, 21760], sizes = [64, 128], strides = [1, 1]} : vector<64x32768xf32> to vector<64x128xf32>
    %slice3A_1300 = vector.extract_strided_slice %get3A_1 {offsets = [0, 21888], sizes = [64, 128], strides = [1, 1]} : vector<64x32768xf32> to vector<64x128xf32>
    %transpose3A_1301 = tpu.transpose %slice3A_1297, [1, 0] : vector<64x128xf32> -> vector<128x64xf32>
    %transpose3A_1302 = tpu.transpose %slice3A_1298, [1, 0] : vector<64x128xf32> -> vector<128x64xf32>
    %convert_element_type3A_1303 = arith.truncf %transpose3A_1301 : vector<128x64xf32> to vector<128x64xbf16>
    %bitcast_convert_type3A_1304 = tpu.bitcast %convert_element_type3A_1303 : vector<128x64xbf16> -> vector<128x64xi16>
    %convert_element_type3A_1305 = arith.truncf %transpose3A_1302 : vector<128x64xf32> to vector<128x64xbf16>
    %bitcast_convert_type3A_1306 = tpu.bitcast %convert_element_type3A_1305 : vector<128x64xbf16> -> vector<128x64xi16>
    %convert_element_type3A_1307 = arith.extui %bitcast_convert_type3A_1304 : vector<128x64xi16> to vector<128x64xi32>
    %shift_left3A_1308 = arith.constant 16 : i32
    %shift_left3A_1309 = vector.broadcast %shift_left3A_1308 : i32 to vector<128x64xi32>
    %shift_left3A_1310 = arith.shli %convert_element_type3A_1307, %shift_left3A_1309 : vector<128x64xi32>
    %convert_element_type3A_1311 = arith.extui %bitcast_convert_type3A_1306 : vector<128x64xi16> to vector<128x64xi32>
    %or3A_1312 = arith.ori %shift_left3A_1310, %convert_element_type3A_1311 : vector<128x64xi32>
    %bitcast_convert_type3A_1313 = tpu.bitcast %or3A_1312 : vector<128x64xi32> -> vector<128x64xf32>
    %transpose3A_1314 = tpu.transpose %slice3A_1299, [1, 0] : vector<64x128xf32> -> vector<128x64xf32>
    %transpose3A_1315 = tpu.transpose %slice3A_1300, [1, 0] : vector<64x128xf32> -> vector<128x64xf32>
    %convert_element_type3A_1316 = arith.truncf %transpose3A_1314 : vector<128x64xf32> to vector<128x64xbf16>
    %bitcast_convert_type3A_1317 = tpu.bitcast %convert_element_type3A_1316 : vector<128x64xbf16> -> vector<128x64xi16>
    %convert_element_type3A_1318 = arith.truncf %transpose3A_1315 : vector<128x64xf32> to vector<128x64xbf16>
    %bitcast_convert_type3A_1319 = tpu.bitcast %convert_element_type3A_1318 : vector<128x64xbf16> -> vector<128x64xi16>
    %convert_element_type3A_1320 = arith.extui %bitcast_convert_type3A_1317 : vector<128x64xi16> to vector<128x64xi32>
    %shift_left3A_1321 = arith.constant 16 : i32
    %shift_left3A_1322 = vector.broadcast %shift_left3A_1321 : i32 to vector<128x64xi32>
    %shift_left3A_1323 = arith.shli %convert_element_type3A_1320, %shift_left3A_1322 : vector<128x64xi32>
    %convert_element_type3A_1324 = arith.extui %bitcast_convert_type3A_1319 : vector<128x64xi16> to vector<128x64xi32>
    %or3A_1325 = arith.ori %shift_left3A_1323, %convert_element_type3A_1324 : vector<128x64xi32>
    %bitcast_convert_type3A_1326 = tpu.bitcast %or3A_1325 : vector<128x64xi32> -> vector<128x64xf32>
    %concatenate3A_1327 = tpu.concatenate %bitcast_convert_type3A_1313, %bitcast_convert_type3A_1326 in 1 : vector<128x64xf32>, vector<128x64xf32> -> vector<128x128xf32>
    %slice3A_1328 = vector.extract_strided_slice %get3A_1 {offsets = [0, 22016], sizes = [64, 128], strides = [1, 1]} : vector<64x32768xf32> to vector<64x128xf32>
    %slice3A_1329 = vector.extract_strided_slice %get3A_1 {offsets = [0, 22144], sizes = [64, 128], strides = [1, 1]} : vector<64x32768xf32> to vector<64x128xf32>
    %slice3A_1330 = vector.extract_strided_slice %get3A_1 {offsets = [0, 22272], sizes = [64, 128], strides = [1, 1]} : vector<64x32768xf32> to vector<64x128xf32>
    %slice3A_1331 = vector.extract_strided_slice %get3A_1 {offsets = [0, 22400], sizes = [64, 128], strides = [1, 1]} : vector<64x32768xf32> to vector<64x128xf32>
    %transpose3A_1332 = tpu.transpose %slice3A_1328, [1, 0] : vector<64x128xf32> -> vector<128x64xf32>
    %transpose3A_1333 = tpu.transpose %slice3A_1329, [1, 0] : vector<64x128xf32> -> vector<128x64xf32>
    %convert_element_type3A_1334 = arith.truncf %transpose3A_1332 : vector<128x64xf32> to vector<128x64xbf16>
    %bitcast_convert_type3A_1335 = tpu.bitcast %convert_element_type3A_1334 : vector<128x64xbf16> -> vector<128x64xi16>
    %convert_element_type3A_1336 = arith.truncf %transpose3A_1333 : vector<128x64xf32> to vector<128x64xbf16>
    %bitcast_convert_type3A_1337 = tpu.bitcast %convert_element_type3A_1336 : vector<128x64xbf16> -> vector<128x64xi16>
    %convert_element_type3A_1338 = arith.extui %bitcast_convert_type3A_1335 : vector<128x64xi16> to vector<128x64xi32>
    %shift_left3A_1339 = arith.constant 16 : i32
    %shift_left3A_1340 = vector.broadcast %shift_left3A_1339 : i32 to vector<128x64xi32>
    %shift_left3A_1341 = arith.shli %convert_element_type3A_1338, %shift_left3A_1340 : vector<128x64xi32>
    %convert_element_type3A_1342 = arith.extui %bitcast_convert_type3A_1337 : vector<128x64xi16> to vector<128x64xi32>
    %or3A_1343 = arith.ori %shift_left3A_1341, %convert_element_type3A_1342 : vector<128x64xi32>
    %bitcast_convert_type3A_1344 = tpu.bitcast %or3A_1343 : vector<128x64xi32> -> vector<128x64xf32>
    %transpose3A_1345 = tpu.transpose %slice3A_1330, [1, 0] : vector<64x128xf32> -> vector<128x64xf32>
    %transpose3A_1346 = tpu.transpose %slice3A_1331, [1, 0] : vector<64x128xf32> -> vector<128x64xf32>
    %convert_element_type3A_1347 = arith.truncf %transpose3A_1345 : vector<128x64xf32> to vector<128x64xbf16>
    %bitcast_convert_type3A_1348 = tpu.bitcast %convert_element_type3A_1347 : vector<128x64xbf16> -> vector<128x64xi16>
    %convert_element_type3A_1349 = arith.truncf %transpose3A_1346 : vector<128x64xf32> to vector<128x64xbf16>
    %bitcast_convert_type3A_1350 = tpu.bitcast %convert_element_type3A_1349 : vector<128x64xbf16> -> vector<128x64xi16>
    %convert_element_type3A_1351 = arith.extui %bitcast_convert_type3A_1348 : vector<128x64xi16> to vector<128x64xi32>
    %shift_left3A_1352 = arith.constant 16 : i32
    %shift_left3A_1353 = vector.broadcast %shift_left3A_1352 : i32 to vector<128x64xi32>
    %shift_left3A_1354 = arith.shli %convert_element_type3A_1351, %shift_left3A_1353 : vector<128x64xi32>
    %convert_element_type3A_1355 = arith.extui %bitcast_convert_type3A_1350 : vector<128x64xi16> to vector<128x64xi32>
    %or3A_1356 = arith.ori %shift_left3A_1354, %convert_element_type3A_1355 : vector<128x64xi32>
    %bitcast_convert_type3A_1357 = tpu.bitcast %or3A_1356 : vector<128x64xi32> -> vector<128x64xf32>
    %concatenate3A_1358 = tpu.concatenate %bitcast_convert_type3A_1344, %bitcast_convert_type3A_1357 in 1 : vector<128x64xf32>, vector<128x64xf32> -> vector<128x128xf32>
    %slice3A_1359 = vector.extract_strided_slice %get3A_1 {offsets = [0, 22528], sizes = [64, 128], strides = [1, 1]} : vector<64x32768xf32> to vector<64x128xf32>
    %slice3A_1360 = vector.extract_strided_slice %get3A_1 {offsets = [0, 22656], sizes = [64, 128], strides = [1, 1]} : vector<64x32768xf32> to vector<64x128xf32>
    %slice3A_1361 = vector.extract_strided_slice %get3A_1 {offsets = [0, 22784], sizes = [64, 128], strides = [1, 1]} : vector<64x32768xf32> to vector<64x128xf32>
    %slice3A_1362 = vector.extract_strided_slice %get3A_1 {offsets = [0, 22912], sizes = [64, 128], strides = [1, 1]} : vector<64x32768xf32> to vector<64x128xf32>
    %transpose3A_1363 = tpu.transpose %slice3A_1359, [1, 0] : vector<64x128xf32> -> vector<128x64xf32>
    %transpose3A_1364 = tpu.transpose %slice3A_1360, [1, 0] : vector<64x128xf32> -> vector<128x64xf32>
    %convert_element_type3A_1365 = arith.truncf %transpose3A_1363 : vector<128x64xf32> to vector<128x64xbf16>
    %bitcast_convert_type3A_1366 = tpu.bitcast %convert_element_type3A_1365 : vector<128x64xbf16> -> vector<128x64xi16>
    %convert_element_type3A_1367 = arith.truncf %transpose3A_1364 : vector<128x64xf32> to vector<128x64xbf16>
    %bitcast_convert_type3A_1368 = tpu.bitcast %convert_element_type3A_1367 : vector<128x64xbf16> -> vector<128x64xi16>
    %convert_element_type3A_1369 = arith.extui %bitcast_convert_type3A_1366 : vector<128x64xi16> to vector<128x64xi32>
    %shift_left3A_1370 = arith.constant 16 : i32
    %shift_left3A_1371 = vector.broadcast %shift_left3A_1370 : i32 to vector<128x64xi32>
    %shift_left3A_1372 = arith.shli %convert_element_type3A_1369, %shift_left3A_1371 : vector<128x64xi32>
    %convert_element_type3A_1373 = arith.extui %bitcast_convert_type3A_1368 : vector<128x64xi16> to vector<128x64xi32>
    %or3A_1374 = arith.ori %shift_left3A_1372, %convert_element_type3A_1373 : vector<128x64xi32>
    %bitcast_convert_type3A_1375 = tpu.bitcast %or3A_1374 : vector<128x64xi32> -> vector<128x64xf32>
    %transpose3A_1376 = tpu.transpose %slice3A_1361, [1, 0] : vector<64x128xf32> -> vector<128x64xf32>
    %transpose3A_1377 = tpu.transpose %slice3A_1362, [1, 0] : vector<64x128xf32> -> vector<128x64xf32>
    %convert_element_type3A_1378 = arith.truncf %transpose3A_1376 : vector<128x64xf32> to vector<128x64xbf16>
    %bitcast_convert_type3A_1379 = tpu.bitcast %convert_element_type3A_1378 : vector<128x64xbf16> -> vector<128x64xi16>
    %convert_element_type3A_1380 = arith.truncf %transpose3A_1377 : vector<128x64xf32> to vector<128x64xbf16>
    %bitcast_convert_type3A_1381 = tpu.bitcast %convert_element_type3A_1380 : vector<128x64xbf16> -> vector<128x64xi16>
    %convert_element_type3A_1382 = arith.extui %bitcast_convert_type3A_1379 : vector<128x64xi16> to vector<128x64xi32>
    %shift_left3A_1383 = arith.constant 16 : i32
    %shift_left3A_1384 = vector.broadcast %shift_left3A_1383 : i32 to vector<128x64xi32>
    %shift_left3A_1385 = arith.shli %convert_element_type3A_1382, %shift_left3A_1384 : vector<128x64xi32>
    %convert_element_type3A_1386 = arith.extui %bitcast_convert_type3A_1381 : vector<128x64xi16> to vector<128x64xi32>
    %or3A_1387 = arith.ori %shift_left3A_1385, %convert_element_type3A_1386 : vector<128x64xi32>
    %bitcast_convert_type3A_1388 = tpu.bitcast %or3A_1387 : vector<128x64xi32> -> vector<128x64xf32>
    %concatenate3A_1389 = tpu.concatenate %bitcast_convert_type3A_1375, %bitcast_convert_type3A_1388 in 1 : vector<128x64xf32>, vector<128x64xf32> -> vector<128x128xf32>
    %slice3A_1390 = vector.extract_strided_slice %get3A_1 {offsets = [0, 23040], sizes = [64, 128], strides = [1, 1]} : vector<64x32768xf32> to vector<64x128xf32>
    %slice3A_1391 = vector.extract_strided_slice %get3A_1 {offsets = [0, 23168], sizes = [64, 128], strides = [1, 1]} : vector<64x32768xf32> to vector<64x128xf32>
    %slice3A_1392 = vector.extract_strided_slice %get3A_1 {offsets = [0, 23296], sizes = [64, 128], strides = [1, 1]} : vector<64x32768xf32> to vector<64x128xf32>
    %slice3A_1393 = vector.extract_strided_slice %get3A_1 {offsets = [0, 23424], sizes = [64, 128], strides = [1, 1]} : vector<64x32768xf32> to vector<64x128xf32>
    %transpose3A_1394 = tpu.transpose %slice3A_1390, [1, 0] : vector<64x128xf32> -> vector<128x64xf32>
    %transpose3A_1395 = tpu.transpose %slice3A_1391, [1, 0] : vector<64x128xf32> -> vector<128x64xf32>
    %convert_element_type3A_1396 = arith.truncf %transpose3A_1394 : vector<128x64xf32> to vector<128x64xbf16>
    %bitcast_convert_type3A_1397 = tpu.bitcast %convert_element_type3A_1396 : vector<128x64xbf16> -> vector<128x64xi16>
    %convert_element_type3A_1398 = arith.truncf %transpose3A_1395 : vector<128x64xf32> to vector<128x64xbf16>
    %bitcast_convert_type3A_1399 = tpu.bitcast %convert_element_type3A_1398 : vector<128x64xbf16> -> vector<128x64xi16>
    %convert_element_type3A_1400 = arith.extui %bitcast_convert_type3A_1397 : vector<128x64xi16> to vector<128x64xi32>
    %shift_left3A_1401 = arith.constant 16 : i32
    %shift_left3A_1402 = vector.broadcast %shift_left3A_1401 : i32 to vector<128x64xi32>
    %shift_left3A_1403 = arith.shli %convert_element_type3A_1400, %shift_left3A_1402 : vector<128x64xi32>
    %convert_element_type3A_1404 = arith.extui %bitcast_convert_type3A_1399 : vector<128x64xi16> to vector<128x64xi32>
    %or3A_1405 = arith.ori %shift_left3A_1403, %convert_element_type3A_1404 : vector<128x64xi32>
    %bitcast_convert_type3A_1406 = tpu.bitcast %or3A_1405 : vector<128x64xi32> -> vector<128x64xf32>
    %transpose3A_1407 = tpu.transpose %slice3A_1392, [1, 0] : vector<64x128xf32> -> vector<128x64xf32>
    %transpose3A_1408 = tpu.transpose %slice3A_1393, [1, 0] : vector<64x128xf32> -> vector<128x64xf32>
    %convert_element_type3A_1409 = arith.truncf %transpose3A_1407 : vector<128x64xf32> to vector<128x64xbf16>
    %bitcast_convert_type3A_1410 = tpu.bitcast %convert_element_type3A_1409 : vector<128x64xbf16> -> vector<128x64xi16>
    %convert_element_type3A_1411 = arith.truncf %transpose3A_1408 : vector<128x64xf32> to vector<128x64xbf16>
    %bitcast_convert_type3A_1412 = tpu.bitcast %convert_element_type3A_1411 : vector<128x64xbf16> -> vector<128x64xi16>
    %convert_element_type3A_1413 = arith.extui %bitcast_convert_type3A_1410 : vector<128x64xi16> to vector<128x64xi32>
    %shift_left3A_1414 = arith.constant 16 : i32
    %shift_left3A_1415 = vector.broadcast %shift_left3A_1414 : i32 to vector<128x64xi32>
    %shift_left3A_1416 = arith.shli %convert_element_type3A_1413, %shift_left3A_1415 : vector<128x64xi32>
    %convert_element_type3A_1417 = arith.extui %bitcast_convert_type3A_1412 : vector<128x64xi16> to vector<128x64xi32>
    %or3A_1418 = arith.ori %shift_left3A_1416, %convert_element_type3A_1417 : vector<128x64xi32>
    %bitcast_convert_type3A_1419 = tpu.bitcast %or3A_1418 : vector<128x64xi32> -> vector<128x64xf32>
    %concatenate3A_1420 = tpu.concatenate %bitcast_convert_type3A_1406, %bitcast_convert_type3A_1419 in 1 : vector<128x64xf32>, vector<128x64xf32> -> vector<128x128xf32>
    %slice3A_1421 = vector.extract_strided_slice %get3A_1 {offsets = [0, 23552], sizes = [64, 128], strides = [1, 1]} : vector<64x32768xf32> to vector<64x128xf32>
    %slice3A_1422 = vector.extract_strided_slice %get3A_1 {offsets = [0, 23680], sizes = [64, 128], strides = [1, 1]} : vector<64x32768xf32> to vector<64x128xf32>
    %slice3A_1423 = vector.extract_strided_slice %get3A_1 {offsets = [0, 23808], sizes = [64, 128], strides = [1, 1]} : vector<64x32768xf32> to vector<64x128xf32>
    %slice3A_1424 = vector.extract_strided_slice %get3A_1 {offsets = [0, 23936], sizes = [64, 128], strides = [1, 1]} : vector<64x32768xf32> to vector<64x128xf32>
    %transpose3A_1425 = tpu.transpose %slice3A_1421, [1, 0] : vector<64x128xf32> -> vector<128x64xf32>
    %transpose3A_1426 = tpu.transpose %slice3A_1422, [1, 0] : vector<64x128xf32> -> vector<128x64xf32>
    %convert_element_type3A_1427 = arith.truncf %transpose3A_1425 : vector<128x64xf32> to vector<128x64xbf16>
    %bitcast_convert_type3A_1428 = tpu.bitcast %convert_element_type3A_1427 : vector<128x64xbf16> -> vector<128x64xi16>
    %convert_element_type3A_1429 = arith.truncf %transpose3A_1426 : vector<128x64xf32> to vector<128x64xbf16>
    %bitcast_convert_type3A_1430 = tpu.bitcast %convert_element_type3A_1429 : vector<128x64xbf16> -> vector<128x64xi16>
    %convert_element_type3A_1431 = arith.extui %bitcast_convert_type3A_1428 : vector<128x64xi16> to vector<128x64xi32>
    %shift_left3A_1432 = arith.constant 16 : i32
    %shift_left3A_1433 = vector.broadcast %shift_left3A_1432 : i32 to vector<128x64xi32>
    %shift_left3A_1434 = arith.shli %convert_element_type3A_1431, %shift_left3A_1433 : vector<128x64xi32>
    %convert_element_type3A_1435 = arith.extui %bitcast_convert_type3A_1430 : vector<128x64xi16> to vector<128x64xi32>
    %or3A_1436 = arith.ori %shift_left3A_1434, %convert_element_type3A_1435 : vector<128x64xi32>
    %bitcast_convert_type3A_1437 = tpu.bitcast %or3A_1436 : vector<128x64xi32> -> vector<128x64xf32>
    %transpose3A_1438 = tpu.transpose %slice3A_1423, [1, 0] : vector<64x128xf32> -> vector<128x64xf32>
    %transpose3A_1439 = tpu.transpose %slice3A_1424, [1, 0] : vector<64x128xf32> -> vector<128x64xf32>
    %convert_element_type3A_1440 = arith.truncf %transpose3A_1438 : vector<128x64xf32> to vector<128x64xbf16>
    %bitcast_convert_type3A_1441 = tpu.bitcast %convert_element_type3A_1440 : vector<128x64xbf16> -> vector<128x64xi16>
    %convert_element_type3A_1442 = arith.truncf %transpose3A_1439 : vector<128x64xf32> to vector<128x64xbf16>
    %bitcast_convert_type3A_1443 = tpu.bitcast %convert_element_type3A_1442 : vector<128x64xbf16> -> vector<128x64xi16>
    %convert_element_type3A_1444 = arith.extui %bitcast_convert_type3A_1441 : vector<128x64xi16> to vector<128x64xi32>
    %shift_left3A_1445 = arith.constant 16 : i32
    %shift_left3A_1446 = vector.broadcast %shift_left3A_1445 : i32 to vector<128x64xi32>
    %shift_left3A_1447 = arith.shli %convert_element_type3A_1444, %shift_left3A_1446 : vector<128x64xi32>
    %convert_element_type3A_1448 = arith.extui %bitcast_convert_type3A_1443 : vector<128x64xi16> to vector<128x64xi32>
    %or3A_1449 = arith.ori %shift_left3A_1447, %convert_element_type3A_1448 : vector<128x64xi32>
    %bitcast_convert_type3A_1450 = tpu.bitcast %or3A_1449 : vector<128x64xi32> -> vector<128x64xf32>
    %concatenate3A_1451 = tpu.concatenate %bitcast_convert_type3A_1437, %bitcast_convert_type3A_1450 in 1 : vector<128x64xf32>, vector<128x64xf32> -> vector<128x128xf32>
    %slice3A_1452 = vector.extract_strided_slice %get3A_1 {offsets = [0, 24064], sizes = [64, 128], strides = [1, 1]} : vector<64x32768xf32> to vector<64x128xf32>
    %slice3A_1453 = vector.extract_strided_slice %get3A_1 {offsets = [0, 24192], sizes = [64, 128], strides = [1, 1]} : vector<64x32768xf32> to vector<64x128xf32>
    %slice3A_1454 = vector.extract_strided_slice %get3A_1 {offsets = [0, 24320], sizes = [64, 128], strides = [1, 1]} : vector<64x32768xf32> to vector<64x128xf32>
    %slice3A_1455 = vector.extract_strided_slice %get3A_1 {offsets = [0, 24448], sizes = [64, 128], strides = [1, 1]} : vector<64x32768xf32> to vector<64x128xf32>
    %transpose3A_1456 = tpu.transpose %slice3A_1452, [1, 0] : vector<64x128xf32> -> vector<128x64xf32>
    %transpose3A_1457 = tpu.transpose %slice3A_1453, [1, 0] : vector<64x128xf32> -> vector<128x64xf32>
    %convert_element_type3A_1458 = arith.truncf %transpose3A_1456 : vector<128x64xf32> to vector<128x64xbf16>
    %bitcast_convert_type3A_1459 = tpu.bitcast %convert_element_type3A_1458 : vector<128x64xbf16> -> vector<128x64xi16>
    %convert_element_type3A_1460 = arith.truncf %transpose3A_1457 : vector<128x64xf32> to vector<128x64xbf16>
    %bitcast_convert_type3A_1461 = tpu.bitcast %convert_element_type3A_1460 : vector<128x64xbf16> -> vector<128x64xi16>
    %convert_element_type3A_1462 = arith.extui %bitcast_convert_type3A_1459 : vector<128x64xi16> to vector<128x64xi32>
    %shift_left3A_1463 = arith.constant 16 : i32
    %shift_left3A_1464 = vector.broadcast %shift_left3A_1463 : i32 to vector<128x64xi32>
    %shift_left3A_1465 = arith.shli %convert_element_type3A_1462, %shift_left3A_1464 : vector<128x64xi32>
    %convert_element_type3A_1466 = arith.extui %bitcast_convert_type3A_1461 : vector<128x64xi16> to vector<128x64xi32>
    %or3A_1467 = arith.ori %shift_left3A_1465, %convert_element_type3A_1466 : vector<128x64xi32>
    %bitcast_convert_type3A_1468 = tpu.bitcast %or3A_1467 : vector<128x64xi32> -> vector<128x64xf32>
    %transpose3A_1469 = tpu.transpose %slice3A_1454, [1, 0] : vector<64x128xf32> -> vector<128x64xf32>
    %transpose3A_1470 = tpu.transpose %slice3A_1455, [1, 0] : vector<64x128xf32> -> vector<128x64xf32>
    %convert_element_type3A_1471 = arith.truncf %transpose3A_1469 : vector<128x64xf32> to vector<128x64xbf16>
    %bitcast_convert_type3A_1472 = tpu.bitcast %convert_element_type3A_1471 : vector<128x64xbf16> -> vector<128x64xi16>
    %convert_element_type3A_1473 = arith.truncf %transpose3A_1470 : vector<128x64xf32> to vector<128x64xbf16>
    %bitcast_convert_type3A_1474 = tpu.bitcast %convert_element_type3A_1473 : vector<128x64xbf16> -> vector<128x64xi16>
    %convert_element_type3A_1475 = arith.extui %bitcast_convert_type3A_1472 : vector<128x64xi16> to vector<128x64xi32>
    %shift_left3A_1476 = arith.constant 16 : i32
    %shift_left3A_1477 = vector.broadcast %shift_left3A_1476 : i32 to vector<128x64xi32>
    %shift_left3A_1478 = arith.shli %convert_element_type3A_1475, %shift_left3A_1477 : vector<128x64xi32>
    %convert_element_type3A_1479 = arith.extui %bitcast_convert_type3A_1474 : vector<128x64xi16> to vector<128x64xi32>
    %or3A_1480 = arith.ori %shift_left3A_1478, %convert_element_type3A_1479 : vector<128x64xi32>
    %bitcast_convert_type3A_1481 = tpu.bitcast %or3A_1480 : vector<128x64xi32> -> vector<128x64xf32>
    %concatenate3A_1482 = tpu.concatenate %bitcast_convert_type3A_1468, %bitcast_convert_type3A_1481 in 1 : vector<128x64xf32>, vector<128x64xf32> -> vector<128x128xf32>
    %slice3A_1483 = vector.extract_strided_slice %get3A_1 {offsets = [0, 24576], sizes = [64, 128], strides = [1, 1]} : vector<64x32768xf32> to vector<64x128xf32>
    %slice3A_1484 = vector.extract_strided_slice %get3A_1 {offsets = [0, 24704], sizes = [64, 128], strides = [1, 1]} : vector<64x32768xf32> to vector<64x128xf32>
    %slice3A_1485 = vector.extract_strided_slice %get3A_1 {offsets = [0, 24832], sizes = [64, 128], strides = [1, 1]} : vector<64x32768xf32> to vector<64x128xf32>
    %slice3A_1486 = vector.extract_strided_slice %get3A_1 {offsets = [0, 24960], sizes = [64, 128], strides = [1, 1]} : vector<64x32768xf32> to vector<64x128xf32>
    %transpose3A_1487 = tpu.transpose %slice3A_1483, [1, 0] : vector<64x128xf32> -> vector<128x64xf32>
    %transpose3A_1488 = tpu.transpose %slice3A_1484, [1, 0] : vector<64x128xf32> -> vector<128x64xf32>
    %convert_element_type3A_1489 = arith.truncf %transpose3A_1487 : vector<128x64xf32> to vector<128x64xbf16>
    %bitcast_convert_type3A_1490 = tpu.bitcast %convert_element_type3A_1489 : vector<128x64xbf16> -> vector<128x64xi16>
    %convert_element_type3A_1491 = arith.truncf %transpose3A_1488 : vector<128x64xf32> to vector<128x64xbf16>
    %bitcast_convert_type3A_1492 = tpu.bitcast %convert_element_type3A_1491 : vector<128x64xbf16> -> vector<128x64xi16>
    %convert_element_type3A_1493 = arith.extui %bitcast_convert_type3A_1490 : vector<128x64xi16> to vector<128x64xi32>
    %shift_left3A_1494 = arith.constant 16 : i32
    %shift_left3A_1495 = vector.broadcast %shift_left3A_1494 : i32 to vector<128x64xi32>
    %shift_left3A_1496 = arith.shli %convert_element_type3A_1493, %shift_left3A_1495 : vector<128x64xi32>
    %convert_element_type3A_1497 = arith.extui %bitcast_convert_type3A_1492 : vector<128x64xi16> to vector<128x64xi32>
    %or3A_1498 = arith.ori %shift_left3A_1496, %convert_element_type3A_1497 : vector<128x64xi32>
    %bitcast_convert_type3A_1499 = tpu.bitcast %or3A_1498 : vector<128x64xi32> -> vector<128x64xf32>
    %transpose3A_1500 = tpu.transpose %slice3A_1485, [1, 0] : vector<64x128xf32> -> vector<128x64xf32>
    %transpose3A_1501 = tpu.transpose %slice3A_1486, [1, 0] : vector<64x128xf32> -> vector<128x64xf32>
    %convert_element_type3A_1502 = arith.truncf %transpose3A_1500 : vector<128x64xf32> to vector<128x64xbf16>
    %bitcast_convert_type3A_1503 = tpu.bitcast %convert_element_type3A_1502 : vector<128x64xbf16> -> vector<128x64xi16>
    %convert_element_type3A_1504 = arith.truncf %transpose3A_1501 : vector<128x64xf32> to vector<128x64xbf16>
    %bitcast_convert_type3A_1505 = tpu.bitcast %convert_element_type3A_1504 : vector<128x64xbf16> -> vector<128x64xi16>
    %convert_element_type3A_1506 = arith.extui %bitcast_convert_type3A_1503 : vector<128x64xi16> to vector<128x64xi32>
    %shift_left3A_1507 = arith.constant 16 : i32
    %shift_left3A_1508 = vector.broadcast %shift_left3A_1507 : i32 to vector<128x64xi32>
    %shift_left3A_1509 = arith.shli %convert_element_type3A_1506, %shift_left3A_1508 : vector<128x64xi32>
    %convert_element_type3A_1510 = arith.extui %bitcast_convert_type3A_1505 : vector<128x64xi16> to vector<128x64xi32>
    %or3A_1511 = arith.ori %shift_left3A_1509, %convert_element_type3A_1510 : vector<128x64xi32>
    %bitcast_convert_type3A_1512 = tpu.bitcast %or3A_1511 : vector<128x64xi32> -> vector<128x64xf32>
    %concatenate3A_1513 = tpu.concatenate %bitcast_convert_type3A_1499, %bitcast_convert_type3A_1512 in 1 : vector<128x64xf32>, vector<128x64xf32> -> vector<128x128xf32>
    %slice3A_1514 = vector.extract_strided_slice %get3A_1 {offsets = [0, 25088], sizes = [64, 128], strides = [1, 1]} : vector<64x32768xf32> to vector<64x128xf32>
    %slice3A_1515 = vector.extract_strided_slice %get3A_1 {offsets = [0, 25216], sizes = [64, 128], strides = [1, 1]} : vector<64x32768xf32> to vector<64x128xf32>
    %slice3A_1516 = vector.extract_strided_slice %get3A_1 {offsets = [0, 25344], sizes = [64, 128], strides = [1, 1]} : vector<64x32768xf32> to vector<64x128xf32>
    %slice3A_1517 = vector.extract_strided_slice %get3A_1 {offsets = [0, 25472], sizes = [64, 128], strides = [1, 1]} : vector<64x32768xf32> to vector<64x128xf32>
    %transpose3A_1518 = tpu.transpose %slice3A_1514, [1, 0] : vector<64x128xf32> -> vector<128x64xf32>
    %transpose3A_1519 = tpu.transpose %slice3A_1515, [1, 0] : vector<64x128xf32> -> vector<128x64xf32>
    %convert_element_type3A_1520 = arith.truncf %transpose3A_1518 : vector<128x64xf32> to vector<128x64xbf16>
    %bitcast_convert_type3A_1521 = tpu.bitcast %convert_element_type3A_1520 : vector<128x64xbf16> -> vector<128x64xi16>
    %convert_element_type3A_1522 = arith.truncf %transpose3A_1519 : vector<128x64xf32> to vector<128x64xbf16>
    %bitcast_convert_type3A_1523 = tpu.bitcast %convert_element_type3A_1522 : vector<128x64xbf16> -> vector<128x64xi16>
    %convert_element_type3A_1524 = arith.extui %bitcast_convert_type3A_1521 : vector<128x64xi16> to vector<128x64xi32>
    %shift_left3A_1525 = arith.constant 16 : i32
    %shift_left3A_1526 = vector.broadcast %shift_left3A_1525 : i32 to vector<128x64xi32>
    %shift_left3A_1527 = arith.shli %convert_element_type3A_1524, %shift_left3A_1526 : vector<128x64xi32>
    %convert_element_type3A_1528 = arith.extui %bitcast_convert_type3A_1523 : vector<128x64xi16> to vector<128x64xi32>
    %or3A_1529 = arith.ori %shift_left3A_1527, %convert_element_type3A_1528 : vector<128x64xi32>
    %bitcast_convert_type3A_1530 = tpu.bitcast %or3A_1529 : vector<128x64xi32> -> vector<128x64xf32>
    %transpose3A_1531 = tpu.transpose %slice3A_1516, [1, 0] : vector<64x128xf32> -> vector<128x64xf32>
    %transpose3A_1532 = tpu.transpose %slice3A_1517, [1, 0] : vector<64x128xf32> -> vector<128x64xf32>
    %convert_element_type3A_1533 = arith.truncf %transpose3A_1531 : vector<128x64xf32> to vector<128x64xbf16>
    %bitcast_convert_type3A_1534 = tpu.bitcast %convert_element_type3A_1533 : vector<128x64xbf16> -> vector<128x64xi16>
    %convert_element_type3A_1535 = arith.truncf %transpose3A_1532 : vector<128x64xf32> to vector<128x64xbf16>
    %bitcast_convert_type3A_1536 = tpu.bitcast %convert_element_type3A_1535 : vector<128x64xbf16> -> vector<128x64xi16>
    %convert_element_type3A_1537 = arith.extui %bitcast_convert_type3A_1534 : vector<128x64xi16> to vector<128x64xi32>
    %shift_left3A_1538 = arith.constant 16 : i32
    %shift_left3A_1539 = vector.broadcast %shift_left3A_1538 : i32 to vector<128x64xi32>
    %shift_left3A_1540 = arith.shli %convert_element_type3A_1537, %shift_left3A_1539 : vector<128x64xi32>
    %convert_element_type3A_1541 = arith.extui %bitcast_convert_type3A_1536 : vector<128x64xi16> to vector<128x64xi32>
    %or3A_1542 = arith.ori %shift_left3A_1540, %convert_element_type3A_1541 : vector<128x64xi32>
    %bitcast_convert_type3A_1543 = tpu.bitcast %or3A_1542 : vector<128x64xi32> -> vector<128x64xf32>
    %concatenate3A_1544 = tpu.concatenate %bitcast_convert_type3A_1530, %bitcast_convert_type3A_1543 in 1 : vector<128x64xf32>, vector<128x64xf32> -> vector<128x128xf32>
    %slice3A_1545 = vector.extract_strided_slice %get3A_1 {offsets = [0, 25600], sizes = [64, 128], strides = [1, 1]} : vector<64x32768xf32> to vector<64x128xf32>
    %slice3A_1546 = vector.extract_strided_slice %get3A_1 {offsets = [0, 25728], sizes = [64, 128], strides = [1, 1]} : vector<64x32768xf32> to vector<64x128xf32>
    %slice3A_1547 = vector.extract_strided_slice %get3A_1 {offsets = [0, 25856], sizes = [64, 128], strides = [1, 1]} : vector<64x32768xf32> to vector<64x128xf32>
    %slice3A_1548 = vector.extract_strided_slice %get3A_1 {offsets = [0, 25984], sizes = [64, 128], strides = [1, 1]} : vector<64x32768xf32> to vector<64x128xf32>
    %transpose3A_1549 = tpu.transpose %slice3A_1545, [1, 0] : vector<64x128xf32> -> vector<128x64xf32>
    %transpose3A_1550 = tpu.transpose %slice3A_1546, [1, 0] : vector<64x128xf32> -> vector<128x64xf32>
    %convert_element_type3A_1551 = arith.truncf %transpose3A_1549 : vector<128x64xf32> to vector<128x64xbf16>
    %bitcast_convert_type3A_1552 = tpu.bitcast %convert_element_type3A_1551 : vector<128x64xbf16> -> vector<128x64xi16>
    %convert_element_type3A_1553 = arith.truncf %transpose3A_1550 : vector<128x64xf32> to vector<128x64xbf16>
    %bitcast_convert_type3A_1554 = tpu.bitcast %convert_element_type3A_1553 : vector<128x64xbf16> -> vector<128x64xi16>
    %convert_element_type3A_1555 = arith.extui %bitcast_convert_type3A_1552 : vector<128x64xi16> to vector<128x64xi32>
    %shift_left3A_1556 = arith.constant 16 : i32
    %shift_left3A_1557 = vector.broadcast %shift_left3A_1556 : i32 to vector<128x64xi32>
    %shift_left3A_1558 = arith.shli %convert_element_type3A_1555, %shift_left3A_1557 : vector<128x64xi32>
    %convert_element_type3A_1559 = arith.extui %bitcast_convert_type3A_1554 : vector<128x64xi16> to vector<128x64xi32>
    %or3A_1560 = arith.ori %shift_left3A_1558, %convert_element_type3A_1559 : vector<128x64xi32>
    %bitcast_convert_type3A_1561 = tpu.bitcast %or3A_1560 : vector<128x64xi32> -> vector<128x64xf32>
    %transpose3A_1562 = tpu.transpose %slice3A_1547, [1, 0] : vector<64x128xf32> -> vector<128x64xf32>
    %transpose3A_1563 = tpu.transpose %slice3A_1548, [1, 0] : vector<64x128xf32> -> vector<128x64xf32>
    %convert_element_type3A_1564 = arith.truncf %transpose3A_1562 : vector<128x64xf32> to vector<128x64xbf16>
    %bitcast_convert_type3A_1565 = tpu.bitcast %convert_element_type3A_1564 : vector<128x64xbf16> -> vector<128x64xi16>
    %convert_element_type3A_1566 = arith.truncf %transpose3A_1563 : vector<128x64xf32> to vector<128x64xbf16>
    %bitcast_convert_type3A_1567 = tpu.bitcast %convert_element_type3A_1566 : vector<128x64xbf16> -> vector<128x64xi16>
    %convert_element_type3A_1568 = arith.extui %bitcast_convert_type3A_1565 : vector<128x64xi16> to vector<128x64xi32>
    %shift_left3A_1569 = arith.constant 16 : i32
    %shift_left3A_1570 = vector.broadcast %shift_left3A_1569 : i32 to vector<128x64xi32>
    %shift_left3A_1571 = arith.shli %convert_element_type3A_1568, %shift_left3A_1570 : vector<128x64xi32>
    %convert_element_type3A_1572 = arith.extui %bitcast_convert_type3A_1567 : vector<128x64xi16> to vector<128x64xi32>
    %or3A_1573 = arith.ori %shift_left3A_1571, %convert_element_type3A_1572 : vector<128x64xi32>
    %bitcast_convert_type3A_1574 = tpu.bitcast %or3A_1573 : vector<128x64xi32> -> vector<128x64xf32>
    %concatenate3A_1575 = tpu.concatenate %bitcast_convert_type3A_1561, %bitcast_convert_type3A_1574 in 1 : vector<128x64xf32>, vector<128x64xf32> -> vector<128x128xf32>
    %slice3A_1576 = vector.extract_strided_slice %get3A_1 {offsets = [0, 26112], sizes = [64, 128], strides = [1, 1]} : vector<64x32768xf32> to vector<64x128xf32>
    %slice3A_1577 = vector.extract_strided_slice %get3A_1 {offsets = [0, 26240], sizes = [64, 128], strides = [1, 1]} : vector<64x32768xf32> to vector<64x128xf32>
    %slice3A_1578 = vector.extract_strided_slice %get3A_1 {offsets = [0, 26368], sizes = [64, 128], strides = [1, 1]} : vector<64x32768xf32> to vector<64x128xf32>
    %slice3A_1579 = vector.extract_strided_slice %get3A_1 {offsets = [0, 26496], sizes = [64, 128], strides = [1, 1]} : vector<64x32768xf32> to vector<64x128xf32>
    %transpose3A_1580 = tpu.transpose %slice3A_1576, [1, 0] : vector<64x128xf32> -> vector<128x64xf32>
    %transpose3A_1581 = tpu.transpose %slice3A_1577, [1, 0] : vector<64x128xf32> -> vector<128x64xf32>
    %convert_element_type3A_1582 = arith.truncf %transpose3A_1580 : vector<128x64xf32> to vector<128x64xbf16>
    %bitcast_convert_type3A_1583 = tpu.bitcast %convert_element_type3A_1582 : vector<128x64xbf16> -> vector<128x64xi16>
    %convert_element_type3A_1584 = arith.truncf %transpose3A_1581 : vector<128x64xf32> to vector<128x64xbf16>
    %bitcast_convert_type3A_1585 = tpu.bitcast %convert_element_type3A_1584 : vector<128x64xbf16> -> vector<128x64xi16>
    %convert_element_type3A_1586 = arith.extui %bitcast_convert_type3A_1583 : vector<128x64xi16> to vector<128x64xi32>
    %shift_left3A_1587 = arith.constant 16 : i32
    %shift_left3A_1588 = vector.broadcast %shift_left3A_1587 : i32 to vector<128x64xi32>
    %shift_left3A_1589 = arith.shli %convert_element_type3A_1586, %shift_left3A_1588 : vector<128x64xi32>
    %convert_element_type3A_1590 = arith.extui %bitcast_convert_type3A_1585 : vector<128x64xi16> to vector<128x64xi32>
    %or3A_1591 = arith.ori %shift_left3A_1589, %convert_element_type3A_1590 : vector<128x64xi32>
    %bitcast_convert_type3A_1592 = tpu.bitcast %or3A_1591 : vector<128x64xi32> -> vector<128x64xf32>
    %transpose3A_1593 = tpu.transpose %slice3A_1578, [1, 0] : vector<64x128xf32> -> vector<128x64xf32>
    %transpose3A_1594 = tpu.transpose %slice3A_1579, [1, 0] : vector<64x128xf32> -> vector<128x64xf32>
    %convert_element_type3A_1595 = arith.truncf %transpose3A_1593 : vector<128x64xf32> to vector<128x64xbf16>
    %bitcast_convert_type3A_1596 = tpu.bitcast %convert_element_type3A_1595 : vector<128x64xbf16> -> vector<128x64xi16>
    %convert_element_type3A_1597 = arith.truncf %transpose3A_1594 : vector<128x64xf32> to vector<128x64xbf16>
    %bitcast_convert_type3A_1598 = tpu.bitcast %convert_element_type3A_1597 : vector<128x64xbf16> -> vector<128x64xi16>
    %convert_element_type3A_1599 = arith.extui %bitcast_convert_type3A_1596 : vector<128x64xi16> to vector<128x64xi32>
    %shift_left3A_1600 = arith.constant 16 : i32
    %shift_left3A_1601 = vector.broadcast %shift_left3A_1600 : i32 to vector<128x64xi32>
    %shift_left3A_1602 = arith.shli %convert_element_type3A_1599, %shift_left3A_1601 : vector<128x64xi32>
    %convert_element_type3A_1603 = arith.extui %bitcast_convert_type3A_1598 : vector<128x64xi16> to vector<128x64xi32>
    %or3A_1604 = arith.ori %shift_left3A_1602, %convert_element_type3A_1603 : vector<128x64xi32>
    %bitcast_convert_type3A_1605 = tpu.bitcast %or3A_1604 : vector<128x64xi32> -> vector<128x64xf32>
    %concatenate3A_1606 = tpu.concatenate %bitcast_convert_type3A_1592, %bitcast_convert_type3A_1605 in 1 : vector<128x64xf32>, vector<128x64xf32> -> vector<128x128xf32>
    %slice3A_1607 = vector.extract_strided_slice %get3A_1 {offsets = [0, 26624], sizes = [64, 128], strides = [1, 1]} : vector<64x32768xf32> to vector<64x128xf32>
    %slice3A_1608 = vector.extract_strided_slice %get3A_1 {offsets = [0, 26752], sizes = [64, 128], strides = [1, 1]} : vector<64x32768xf32> to vector<64x128xf32>
    %slice3A_1609 = vector.extract_strided_slice %get3A_1 {offsets = [0, 26880], sizes = [64, 128], strides = [1, 1]} : vector<64x32768xf32> to vector<64x128xf32>
    %slice3A_1610 = vector.extract_strided_slice %get3A_1 {offsets = [0, 27008], sizes = [64, 128], strides = [1, 1]} : vector<64x32768xf32> to vector<64x128xf32>
    %transpose3A_1611 = tpu.transpose %slice3A_1607, [1, 0] : vector<64x128xf32> -> vector<128x64xf32>
    %transpose3A_1612 = tpu.transpose %slice3A_1608, [1, 0] : vector<64x128xf32> -> vector<128x64xf32>
    %convert_element_type3A_1613 = arith.truncf %transpose3A_1611 : vector<128x64xf32> to vector<128x64xbf16>
    %bitcast_convert_type3A_1614 = tpu.bitcast %convert_element_type3A_1613 : vector<128x64xbf16> -> vector<128x64xi16>
    %convert_element_type3A_1615 = arith.truncf %transpose3A_1612 : vector<128x64xf32> to vector<128x64xbf16>
    %bitcast_convert_type3A_1616 = tpu.bitcast %convert_element_type3A_1615 : vector<128x64xbf16> -> vector<128x64xi16>
    %convert_element_type3A_1617 = arith.extui %bitcast_convert_type3A_1614 : vector<128x64xi16> to vector<128x64xi32>
    %shift_left3A_1618 = arith.constant 16 : i32
    %shift_left3A_1619 = vector.broadcast %shift_left3A_1618 : i32 to vector<128x64xi32>
    %shift_left3A_1620 = arith.shli %convert_element_type3A_1617, %shift_left3A_1619 : vector<128x64xi32>
    %convert_element_type3A_1621 = arith.extui %bitcast_convert_type3A_1616 : vector<128x64xi16> to vector<128x64xi32>
    %or3A_1622 = arith.ori %shift_left3A_1620, %convert_element_type3A_1621 : vector<128x64xi32>
    %bitcast_convert_type3A_1623 = tpu.bitcast %or3A_1622 : vector<128x64xi32> -> vector<128x64xf32>
    %transpose3A_1624 = tpu.transpose %slice3A_1609, [1, 0] : vector<64x128xf32> -> vector<128x64xf32>
    %transpose3A_1625 = tpu.transpose %slice3A_1610, [1, 0] : vector<64x128xf32> -> vector<128x64xf32>
    %convert_element_type3A_1626 = arith.truncf %transpose3A_1624 : vector<128x64xf32> to vector<128x64xbf16>
    %bitcast_convert_type3A_1627 = tpu.bitcast %convert_element_type3A_1626 : vector<128x64xbf16> -> vector<128x64xi16>
    %convert_element_type3A_1628 = arith.truncf %transpose3A_1625 : vector<128x64xf32> to vector<128x64xbf16>
    %bitcast_convert_type3A_1629 = tpu.bitcast %convert_element_type3A_1628 : vector<128x64xbf16> -> vector<128x64xi16>
    %convert_element_type3A_1630 = arith.extui %bitcast_convert_type3A_1627 : vector<128x64xi16> to vector<128x64xi32>
    %shift_left3A_1631 = arith.constant 16 : i32
    %shift_left3A_1632 = vector.broadcast %shift_left3A_1631 : i32 to vector<128x64xi32>
    %shift_left3A_1633 = arith.shli %convert_element_type3A_1630, %shift_left3A_1632 : vector<128x64xi32>
    %convert_element_type3A_1634 = arith.extui %bitcast_convert_type3A_1629 : vector<128x64xi16> to vector<128x64xi32>
    %or3A_1635 = arith.ori %shift_left3A_1633, %convert_element_type3A_1634 : vector<128x64xi32>
    %bitcast_convert_type3A_1636 = tpu.bitcast %or3A_1635 : vector<128x64xi32> -> vector<128x64xf32>
    %concatenate3A_1637 = tpu.concatenate %bitcast_convert_type3A_1623, %bitcast_convert_type3A_1636 in 1 : vector<128x64xf32>, vector<128x64xf32> -> vector<128x128xf32>
    %slice3A_1638 = vector.extract_strided_slice %get3A_1 {offsets = [0, 27136], sizes = [64, 128], strides = [1, 1]} : vector<64x32768xf32> to vector<64x128xf32>
    %slice3A_1639 = vector.extract_strided_slice %get3A_1 {offsets = [0, 27264], sizes = [64, 128], strides = [1, 1]} : vector<64x32768xf32> to vector<64x128xf32>
    %slice3A_1640 = vector.extract_strided_slice %get3A_1 {offsets = [0, 27392], sizes = [64, 128], strides = [1, 1]} : vector<64x32768xf32> to vector<64x128xf32>
    %slice3A_1641 = vector.extract_strided_slice %get3A_1 {offsets = [0, 27520], sizes = [64, 128], strides = [1, 1]} : vector<64x32768xf32> to vector<64x128xf32>
    %transpose3A_1642 = tpu.transpose %slice3A_1638, [1, 0] : vector<64x128xf32> -> vector<128x64xf32>
    %transpose3A_1643 = tpu.transpose %slice3A_1639, [1, 0] : vector<64x128xf32> -> vector<128x64xf32>
    %convert_element_type3A_1644 = arith.truncf %transpose3A_1642 : vector<128x64xf32> to vector<128x64xbf16>
    %bitcast_convert_type3A_1645 = tpu.bitcast %convert_element_type3A_1644 : vector<128x64xbf16> -> vector<128x64xi16>
    %convert_element_type3A_1646 = arith.truncf %transpose3A_1643 : vector<128x64xf32> to vector<128x64xbf16>
    %bitcast_convert_type3A_1647 = tpu.bitcast %convert_element_type3A_1646 : vector<128x64xbf16> -> vector<128x64xi16>
    %convert_element_type3A_1648 = arith.extui %bitcast_convert_type3A_1645 : vector<128x64xi16> to vector<128x64xi32>
    %shift_left3A_1649 = arith.constant 16 : i32
    %shift_left3A_1650 = vector.broadcast %shift_left3A_1649 : i32 to vector<128x64xi32>
    %shift_left3A_1651 = arith.shli %convert_element_type3A_1648, %shift_left3A_1650 : vector<128x64xi32>
    %convert_element_type3A_1652 = arith.extui %bitcast_convert_type3A_1647 : vector<128x64xi16> to vector<128x64xi32>
    %or3A_1653 = arith.ori %shift_left3A_1651, %convert_element_type3A_1652 : vector<128x64xi32>
    %bitcast_convert_type3A_1654 = tpu.bitcast %or3A_1653 : vector<128x64xi32> -> vector<128x64xf32>
    %transpose3A_1655 = tpu.transpose %slice3A_1640, [1, 0] : vector<64x128xf32> -> vector<128x64xf32>
    %transpose3A_1656 = tpu.transpose %slice3A_1641, [1, 0] : vector<64x128xf32> -> vector<128x64xf32>
    %convert_element_type3A_1657 = arith.truncf %transpose3A_1655 : vector<128x64xf32> to vector<128x64xbf16>
    %bitcast_convert_type3A_1658 = tpu.bitcast %convert_element_type3A_1657 : vector<128x64xbf16> -> vector<128x64xi16>
    %convert_element_type3A_1659 = arith.truncf %transpose3A_1656 : vector<128x64xf32> to vector<128x64xbf16>
    %bitcast_convert_type3A_1660 = tpu.bitcast %convert_element_type3A_1659 : vector<128x64xbf16> -> vector<128x64xi16>
    %convert_element_type3A_1661 = arith.extui %bitcast_convert_type3A_1658 : vector<128x64xi16> to vector<128x64xi32>
    %shift_left3A_1662 = arith.constant 16 : i32
    %shift_left3A_1663 = vector.broadcast %shift_left3A_1662 : i32 to vector<128x64xi32>
    %shift_left3A_1664 = arith.shli %convert_element_type3A_1661, %shift_left3A_1663 : vector<128x64xi32>
    %convert_element_type3A_1665 = arith.extui %bitcast_convert_type3A_1660 : vector<128x64xi16> to vector<128x64xi32>
    %or3A_1666 = arith.ori %shift_left3A_1664, %convert_element_type3A_1665 : vector<128x64xi32>
    %bitcast_convert_type3A_1667 = tpu.bitcast %or3A_1666 : vector<128x64xi32> -> vector<128x64xf32>
    %concatenate3A_1668 = tpu.concatenate %bitcast_convert_type3A_1654, %bitcast_convert_type3A_1667 in 1 : vector<128x64xf32>, vector<128x64xf32> -> vector<128x128xf32>
    %slice3A_1669 = vector.extract_strided_slice %get3A_1 {offsets = [0, 27648], sizes = [64, 128], strides = [1, 1]} : vector<64x32768xf32> to vector<64x128xf32>
    %slice3A_1670 = vector.extract_strided_slice %get3A_1 {offsets = [0, 27776], sizes = [64, 128], strides = [1, 1]} : vector<64x32768xf32> to vector<64x128xf32>
    %slice3A_1671 = vector.extract_strided_slice %get3A_1 {offsets = [0, 27904], sizes = [64, 128], strides = [1, 1]} : vector<64x32768xf32> to vector<64x128xf32>
    %slice3A_1672 = vector.extract_strided_slice %get3A_1 {offsets = [0, 28032], sizes = [64, 128], strides = [1, 1]} : vector<64x32768xf32> to vector<64x128xf32>
    %transpose3A_1673 = tpu.transpose %slice3A_1669, [1, 0] : vector<64x128xf32> -> vector<128x64xf32>
    %transpose3A_1674 = tpu.transpose %slice3A_1670, [1, 0] : vector<64x128xf32> -> vector<128x64xf32>
    %convert_element_type3A_1675 = arith.truncf %transpose3A_1673 : vector<128x64xf32> to vector<128x64xbf16>
    %bitcast_convert_type3A_1676 = tpu.bitcast %convert_element_type3A_1675 : vector<128x64xbf16> -> vector<128x64xi16>
    %convert_element_type3A_1677 = arith.truncf %transpose3A_1674 : vector<128x64xf32> to vector<128x64xbf16>
    %bitcast_convert_type3A_1678 = tpu.bitcast %convert_element_type3A_1677 : vector<128x64xbf16> -> vector<128x64xi16>
    %convert_element_type3A_1679 = arith.extui %bitcast_convert_type3A_1676 : vector<128x64xi16> to vector<128x64xi32>
    %shift_left3A_1680 = arith.constant 16 : i32
    %shift_left3A_1681 = vector.broadcast %shift_left3A_1680 : i32 to vector<128x64xi32>
    %shift_left3A_1682 = arith.shli %convert_element_type3A_1679, %shift_left3A_1681 : vector<128x64xi32>
    %convert_element_type3A_1683 = arith.extui %bitcast_convert_type3A_1678 : vector<128x64xi16> to vector<128x64xi32>
    %or3A_1684 = arith.ori %shift_left3A_1682, %convert_element_type3A_1683 : vector<128x64xi32>
    %bitcast_convert_type3A_1685 = tpu.bitcast %or3A_1684 : vector<128x64xi32> -> vector<128x64xf32>
    %transpose3A_1686 = tpu.transpose %slice3A_1671, [1, 0] : vector<64x128xf32> -> vector<128x64xf32>
    %transpose3A_1687 = tpu.transpose %slice3A_1672, [1, 0] : vector<64x128xf32> -> vector<128x64xf32>
    %convert_element_type3A_1688 = arith.truncf %transpose3A_1686 : vector<128x64xf32> to vector<128x64xbf16>
    %bitcast_convert_type3A_1689 = tpu.bitcast %convert_element_type3A_1688 : vector<128x64xbf16> -> vector<128x64xi16>
    %convert_element_type3A_1690 = arith.truncf %transpose3A_1687 : vector<128x64xf32> to vector<128x64xbf16>
    %bitcast_convert_type3A_1691 = tpu.bitcast %convert_element_type3A_1690 : vector<128x64xbf16> -> vector<128x64xi16>
    %convert_element_type3A_1692 = arith.extui %bitcast_convert_type3A_1689 : vector<128x64xi16> to vector<128x64xi32>
    %shift_left3A_1693 = arith.constant 16 : i32
    %shift_left3A_1694 = vector.broadcast %shift_left3A_1693 : i32 to vector<128x64xi32>
    %shift_left3A_1695 = arith.shli %convert_element_type3A_1692, %shift_left3A_1694 : vector<128x64xi32>
    %convert_element_type3A_1696 = arith.extui %bitcast_convert_type3A_1691 : vector<128x64xi16> to vector<128x64xi32>
    %or3A_1697 = arith.ori %shift_left3A_1695, %convert_element_type3A_1696 : vector<128x64xi32>
    %bitcast_convert_type3A_1698 = tpu.bitcast %or3A_1697 : vector<128x64xi32> -> vector<128x64xf32>
    %concatenate3A_1699 = tpu.concatenate %bitcast_convert_type3A_1685, %bitcast_convert_type3A_1698 in 1 : vector<128x64xf32>, vector<128x64xf32> -> vector<128x128xf32>
    %slice3A_1700 = vector.extract_strided_slice %get3A_1 {offsets = [0, 28160], sizes = [64, 128], strides = [1, 1]} : vector<64x32768xf32> to vector<64x128xf32>
    %slice3A_1701 = vector.extract_strided_slice %get3A_1 {offsets = [0, 28288], sizes = [64, 128], strides = [1, 1]} : vector<64x32768xf32> to vector<64x128xf32>
    %slice3A_1702 = vector.extract_strided_slice %get3A_1 {offsets = [0, 28416], sizes = [64, 128], strides = [1, 1]} : vector<64x32768xf32> to vector<64x128xf32>
    %slice3A_1703 = vector.extract_strided_slice %get3A_1 {offsets = [0, 28544], sizes = [64, 128], strides = [1, 1]} : vector<64x32768xf32> to vector<64x128xf32>
    %transpose3A_1704 = tpu.transpose %slice3A_1700, [1, 0] : vector<64x128xf32> -> vector<128x64xf32>
    %transpose3A_1705 = tpu.transpose %slice3A_1701, [1, 0] : vector<64x128xf32> -> vector<128x64xf32>
    %convert_element_type3A_1706 = arith.truncf %transpose3A_1704 : vector<128x64xf32> to vector<128x64xbf16>
    %bitcast_convert_type3A_1707 = tpu.bitcast %convert_element_type3A_1706 : vector<128x64xbf16> -> vector<128x64xi16>
    %convert_element_type3A_1708 = arith.truncf %transpose3A_1705 : vector<128x64xf32> to vector<128x64xbf16>
    %bitcast_convert_type3A_1709 = tpu.bitcast %convert_element_type3A_1708 : vector<128x64xbf16> -> vector<128x64xi16>
    %convert_element_type3A_1710 = arith.extui %bitcast_convert_type3A_1707 : vector<128x64xi16> to vector<128x64xi32>
    %shift_left3A_1711 = arith.constant 16 : i32
    %shift_left3A_1712 = vector.broadcast %shift_left3A_1711 : i32 to vector<128x64xi32>
    %shift_left3A_1713 = arith.shli %convert_element_type3A_1710, %shift_left3A_1712 : vector<128x64xi32>
    %convert_element_type3A_1714 = arith.extui %bitcast_convert_type3A_1709 : vector<128x64xi16> to vector<128x64xi32>
    %or3A_1715 = arith.ori %shift_left3A_1713, %convert_element_type3A_1714 : vector<128x64xi32>
    %bitcast_convert_type3A_1716 = tpu.bitcast %or3A_1715 : vector<128x64xi32> -> vector<128x64xf32>
    %transpose3A_1717 = tpu.transpose %slice3A_1702, [1, 0] : vector<64x128xf32> -> vector<128x64xf32>
    %transpose3A_1718 = tpu.transpose %slice3A_1703, [1, 0] : vector<64x128xf32> -> vector<128x64xf32>
    %convert_element_type3A_1719 = arith.truncf %transpose3A_1717 : vector<128x64xf32> to vector<128x64xbf16>
    %bitcast_convert_type3A_1720 = tpu.bitcast %convert_element_type3A_1719 : vector<128x64xbf16> -> vector<128x64xi16>
    %convert_element_type3A_1721 = arith.truncf %transpose3A_1718 : vector<128x64xf32> to vector<128x64xbf16>
    %bitcast_convert_type3A_1722 = tpu.bitcast %convert_element_type3A_1721 : vector<128x64xbf16> -> vector<128x64xi16>
    %convert_element_type3A_1723 = arith.extui %bitcast_convert_type3A_1720 : vector<128x64xi16> to vector<128x64xi32>
    %shift_left3A_1724 = arith.constant 16 : i32
    %shift_left3A_1725 = vector.broadcast %shift_left3A_1724 : i32 to vector<128x64xi32>
    %shift_left3A_1726 = arith.shli %convert_element_type3A_1723, %shift_left3A_1725 : vector<128x64xi32>
    %convert_element_type3A_1727 = arith.extui %bitcast_convert_type3A_1722 : vector<128x64xi16> to vector<128x64xi32>
    %or3A_1728 = arith.ori %shift_left3A_1726, %convert_element_type3A_1727 : vector<128x64xi32>
    %bitcast_convert_type3A_1729 = tpu.bitcast %or3A_1728 : vector<128x64xi32> -> vector<128x64xf32>
    %concatenate3A_1730 = tpu.concatenate %bitcast_convert_type3A_1716, %bitcast_convert_type3A_1729 in 1 : vector<128x64xf32>, vector<128x64xf32> -> vector<128x128xf32>
    %slice3A_1731 = vector.extract_strided_slice %get3A_1 {offsets = [0, 28672], sizes = [64, 128], strides = [1, 1]} : vector<64x32768xf32> to vector<64x128xf32>
    %slice3A_1732 = vector.extract_strided_slice %get3A_1 {offsets = [0, 28800], sizes = [64, 128], strides = [1, 1]} : vector<64x32768xf32> to vector<64x128xf32>
    %slice3A_1733 = vector.extract_strided_slice %get3A_1 {offsets = [0, 28928], sizes = [64, 128], strides = [1, 1]} : vector<64x32768xf32> to vector<64x128xf32>
    %slice3A_1734 = vector.extract_strided_slice %get3A_1 {offsets = [0, 29056], sizes = [64, 128], strides = [1, 1]} : vector<64x32768xf32> to vector<64x128xf32>
    %transpose3A_1735 = tpu.transpose %slice3A_1731, [1, 0] : vector<64x128xf32> -> vector<128x64xf32>
    %transpose3A_1736 = tpu.transpose %slice3A_1732, [1, 0] : vector<64x128xf32> -> vector<128x64xf32>
    %convert_element_type3A_1737 = arith.truncf %transpose3A_1735 : vector<128x64xf32> to vector<128x64xbf16>
    %bitcast_convert_type3A_1738 = tpu.bitcast %convert_element_type3A_1737 : vector<128x64xbf16> -> vector<128x64xi16>
    %convert_element_type3A_1739 = arith.truncf %transpose3A_1736 : vector<128x64xf32> to vector<128x64xbf16>
    %bitcast_convert_type3A_1740 = tpu.bitcast %convert_element_type3A_1739 : vector<128x64xbf16> -> vector<128x64xi16>
    %convert_element_type3A_1741 = arith.extui %bitcast_convert_type3A_1738 : vector<128x64xi16> to vector<128x64xi32>
    %shift_left3A_1742 = arith.constant 16 : i32
    %shift_left3A_1743 = vector.broadcast %shift_left3A_1742 : i32 to vector<128x64xi32>
    %shift_left3A_1744 = arith.shli %convert_element_type3A_1741, %shift_left3A_1743 : vector<128x64xi32>
    %convert_element_type3A_1745 = arith.extui %bitcast_convert_type3A_1740 : vector<128x64xi16> to vector<128x64xi32>
    %or3A_1746 = arith.ori %shift_left3A_1744, %convert_element_type3A_1745 : vector<128x64xi32>
    %bitcast_convert_type3A_1747 = tpu.bitcast %or3A_1746 : vector<128x64xi32> -> vector<128x64xf32>
    %transpose3A_1748 = tpu.transpose %slice3A_1733, [1, 0] : vector<64x128xf32> -> vector<128x64xf32>
    %transpose3A_1749 = tpu.transpose %slice3A_1734, [1, 0] : vector<64x128xf32> -> vector<128x64xf32>
    %convert_element_type3A_1750 = arith.truncf %transpose3A_1748 : vector<128x64xf32> to vector<128x64xbf16>
    %bitcast_convert_type3A_1751 = tpu.bitcast %convert_element_type3A_1750 : vector<128x64xbf16> -> vector<128x64xi16>
    %convert_element_type3A_1752 = arith.truncf %transpose3A_1749 : vector<128x64xf32> to vector<128x64xbf16>
    %bitcast_convert_type3A_1753 = tpu.bitcast %convert_element_type3A_1752 : vector<128x64xbf16> -> vector<128x64xi16>
    %convert_element_type3A_1754 = arith.extui %bitcast_convert_type3A_1751 : vector<128x64xi16> to vector<128x64xi32>
    %shift_left3A_1755 = arith.constant 16 : i32
    %shift_left3A_1756 = vector.broadcast %shift_left3A_1755 : i32 to vector<128x64xi32>
    %shift_left3A_1757 = arith.shli %convert_element_type3A_1754, %shift_left3A_1756 : vector<128x64xi32>
    %convert_element_type3A_1758 = arith.extui %bitcast_convert_type3A_1753 : vector<128x64xi16> to vector<128x64xi32>
    %or3A_1759 = arith.ori %shift_left3A_1757, %convert_element_type3A_1758 : vector<128x64xi32>
    %bitcast_convert_type3A_1760 = tpu.bitcast %or3A_1759 : vector<128x64xi32> -> vector<128x64xf32>
    %concatenate3A_1761 = tpu.concatenate %bitcast_convert_type3A_1747, %bitcast_convert_type3A_1760 in 1 : vector<128x64xf32>, vector<128x64xf32> -> vector<128x128xf32>
    %slice3A_1762 = vector.extract_strided_slice %get3A_1 {offsets = [0, 29184], sizes = [64, 128], strides = [1, 1]} : vector<64x32768xf32> to vector<64x128xf32>
    %slice3A_1763 = vector.extract_strided_slice %get3A_1 {offsets = [0, 29312], sizes = [64, 128], strides = [1, 1]} : vector<64x32768xf32> to vector<64x128xf32>
    %slice3A_1764 = vector.extract_strided_slice %get3A_1 {offsets = [0, 29440], sizes = [64, 128], strides = [1, 1]} : vector<64x32768xf32> to vector<64x128xf32>
    %slice3A_1765 = vector.extract_strided_slice %get3A_1 {offsets = [0, 29568], sizes = [64, 128], strides = [1, 1]} : vector<64x32768xf32> to vector<64x128xf32>
    %transpose3A_1766 = tpu.transpose %slice3A_1762, [1, 0] : vector<64x128xf32> -> vector<128x64xf32>
    %transpose3A_1767 = tpu.transpose %slice3A_1763, [1, 0] : vector<64x128xf32> -> vector<128x64xf32>
    %convert_element_type3A_1768 = arith.truncf %transpose3A_1766 : vector<128x64xf32> to vector<128x64xbf16>
    %bitcast_convert_type3A_1769 = tpu.bitcast %convert_element_type3A_1768 : vector<128x64xbf16> -> vector<128x64xi16>
    %convert_element_type3A_1770 = arith.truncf %transpose3A_1767 : vector<128x64xf32> to vector<128x64xbf16>
    %bitcast_convert_type3A_1771 = tpu.bitcast %convert_element_type3A_1770 : vector<128x64xbf16> -> vector<128x64xi16>
    %convert_element_type3A_1772 = arith.extui %bitcast_convert_type3A_1769 : vector<128x64xi16> to vector<128x64xi32>
    %shift_left3A_1773 = arith.constant 16 : i32
    %shift_left3A_1774 = vector.broadcast %shift_left3A_1773 : i32 to vector<128x64xi32>
    %shift_left3A_1775 = arith.shli %convert_element_type3A_1772, %shift_left3A_1774 : vector<128x64xi32>
    %convert_element_type3A_1776 = arith.extui %bitcast_convert_type3A_1771 : vector<128x64xi16> to vector<128x64xi32>
    %or3A_1777 = arith.ori %shift_left3A_1775, %convert_element_type3A_1776 : vector<128x64xi32>
    %bitcast_convert_type3A_1778 = tpu.bitcast %or3A_1777 : vector<128x64xi32> -> vector<128x64xf32>
    %transpose3A_1779 = tpu.transpose %slice3A_1764, [1, 0] : vector<64x128xf32> -> vector<128x64xf32>
    %transpose3A_1780 = tpu.transpose %slice3A_1765, [1, 0] : vector<64x128xf32> -> vector<128x64xf32>
    %convert_element_type3A_1781 = arith.truncf %transpose3A_1779 : vector<128x64xf32> to vector<128x64xbf16>
    %bitcast_convert_type3A_1782 = tpu.bitcast %convert_element_type3A_1781 : vector<128x64xbf16> -> vector<128x64xi16>
    %convert_element_type3A_1783 = arith.truncf %transpose3A_1780 : vector<128x64xf32> to vector<128x64xbf16>
    %bitcast_convert_type3A_1784 = tpu.bitcast %convert_element_type3A_1783 : vector<128x64xbf16> -> vector<128x64xi16>
    %convert_element_type3A_1785 = arith.extui %bitcast_convert_type3A_1782 : vector<128x64xi16> to vector<128x64xi32>
    %shift_left3A_1786 = arith.constant 16 : i32
    %shift_left3A_1787 = vector.broadcast %shift_left3A_1786 : i32 to vector<128x64xi32>
    %shift_left3A_1788 = arith.shli %convert_element_type3A_1785, %shift_left3A_1787 : vector<128x64xi32>
    %convert_element_type3A_1789 = arith.extui %bitcast_convert_type3A_1784 : vector<128x64xi16> to vector<128x64xi32>
    %or3A_1790 = arith.ori %shift_left3A_1788, %convert_element_type3A_1789 : vector<128x64xi32>
    %bitcast_convert_type3A_1791 = tpu.bitcast %or3A_1790 : vector<128x64xi32> -> vector<128x64xf32>
    %concatenate3A_1792 = tpu.concatenate %bitcast_convert_type3A_1778, %bitcast_convert_type3A_1791 in 1 : vector<128x64xf32>, vector<128x64xf32> -> vector<128x128xf32>
    %slice3A_1793 = vector.extract_strided_slice %get3A_1 {offsets = [0, 29696], sizes = [64, 128], strides = [1, 1]} : vector<64x32768xf32> to vector<64x128xf32>
    %slice3A_1794 = vector.extract_strided_slice %get3A_1 {offsets = [0, 29824], sizes = [64, 128], strides = [1, 1]} : vector<64x32768xf32> to vector<64x128xf32>
    %slice3A_1795 = vector.extract_strided_slice %get3A_1 {offsets = [0, 29952], sizes = [64, 128], strides = [1, 1]} : vector<64x32768xf32> to vector<64x128xf32>
    %slice3A_1796 = vector.extract_strided_slice %get3A_1 {offsets = [0, 30080], sizes = [64, 128], strides = [1, 1]} : vector<64x32768xf32> to vector<64x128xf32>
    %transpose3A_1797 = tpu.transpose %slice3A_1793, [1, 0] : vector<64x128xf32> -> vector<128x64xf32>
    %transpose3A_1798 = tpu.transpose %slice3A_1794, [1, 0] : vector<64x128xf32> -> vector<128x64xf32>
    %convert_element_type3A_1799 = arith.truncf %transpose3A_1797 : vector<128x64xf32> to vector<128x64xbf16>
    %bitcast_convert_type3A_1800 = tpu.bitcast %convert_element_type3A_1799 : vector<128x64xbf16> -> vector<128x64xi16>
    %convert_element_type3A_1801 = arith.truncf %transpose3A_1798 : vector<128x64xf32> to vector<128x64xbf16>
    %bitcast_convert_type3A_1802 = tpu.bitcast %convert_element_type3A_1801 : vector<128x64xbf16> -> vector<128x64xi16>
    %convert_element_type3A_1803 = arith.extui %bitcast_convert_type3A_1800 : vector<128x64xi16> to vector<128x64xi32>
    %shift_left3A_1804 = arith.constant 16 : i32
    %shift_left3A_1805 = vector.broadcast %shift_left3A_1804 : i32 to vector<128x64xi32>
    %shift_left3A_1806 = arith.shli %convert_element_type3A_1803, %shift_left3A_1805 : vector<128x64xi32>
    %convert_element_type3A_1807 = arith.extui %bitcast_convert_type3A_1802 : vector<128x64xi16> to vector<128x64xi32>
    %or3A_1808 = arith.ori %shift_left3A_1806, %convert_element_type3A_1807 : vector<128x64xi32>
    %bitcast_convert_type3A_1809 = tpu.bitcast %or3A_1808 : vector<128x64xi32> -> vector<128x64xf32>
    %transpose3A_1810 = tpu.transpose %slice3A_1795, [1, 0] : vector<64x128xf32> -> vector<128x64xf32>
    %transpose3A_1811 = tpu.transpose %slice3A_1796, [1, 0] : vector<64x128xf32> -> vector<128x64xf32>
    %convert_element_type3A_1812 = arith.truncf %transpose3A_1810 : vector<128x64xf32> to vector<128x64xbf16>
    %bitcast_convert_type3A_1813 = tpu.bitcast %convert_element_type3A_1812 : vector<128x64xbf16> -> vector<128x64xi16>
    %convert_element_type3A_1814 = arith.truncf %transpose3A_1811 : vector<128x64xf32> to vector<128x64xbf16>
    %bitcast_convert_type3A_1815 = tpu.bitcast %convert_element_type3A_1814 : vector<128x64xbf16> -> vector<128x64xi16>
    %convert_element_type3A_1816 = arith.extui %bitcast_convert_type3A_1813 : vector<128x64xi16> to vector<128x64xi32>
    %shift_left3A_1817 = arith.constant 16 : i32
    %shift_left3A_1818 = vector.broadcast %shift_left3A_1817 : i32 to vector<128x64xi32>
    %shift_left3A_1819 = arith.shli %convert_element_type3A_1816, %shift_left3A_1818 : vector<128x64xi32>
    %convert_element_type3A_1820 = arith.extui %bitcast_convert_type3A_1815 : vector<128x64xi16> to vector<128x64xi32>
    %or3A_1821 = arith.ori %shift_left3A_1819, %convert_element_type3A_1820 : vector<128x64xi32>
    %bitcast_convert_type3A_1822 = tpu.bitcast %or3A_1821 : vector<128x64xi32> -> vector<128x64xf32>
    %concatenate3A_1823 = tpu.concatenate %bitcast_convert_type3A_1809, %bitcast_convert_type3A_1822 in 1 : vector<128x64xf32>, vector<128x64xf32> -> vector<128x128xf32>
    %slice3A_1824 = vector.extract_strided_slice %get3A_1 {offsets = [0, 30208], sizes = [64, 128], strides = [1, 1]} : vector<64x32768xf32> to vector<64x128xf32>
    %slice3A_1825 = vector.extract_strided_slice %get3A_1 {offsets = [0, 30336], sizes = [64, 128], strides = [1, 1]} : vector<64x32768xf32> to vector<64x128xf32>
    %slice3A_1826 = vector.extract_strided_slice %get3A_1 {offsets = [0, 30464], sizes = [64, 128], strides = [1, 1]} : vector<64x32768xf32> to vector<64x128xf32>
    %slice3A_1827 = vector.extract_strided_slice %get3A_1 {offsets = [0, 30592], sizes = [64, 128], strides = [1, 1]} : vector<64x32768xf32> to vector<64x128xf32>
    %transpose3A_1828 = tpu.transpose %slice3A_1824, [1, 0] : vector<64x128xf32> -> vector<128x64xf32>
    %transpose3A_1829 = tpu.transpose %slice3A_1825, [1, 0] : vector<64x128xf32> -> vector<128x64xf32>
    %convert_element_type3A_1830 = arith.truncf %transpose3A_1828 : vector<128x64xf32> to vector<128x64xbf16>
    %bitcast_convert_type3A_1831 = tpu.bitcast %convert_element_type3A_1830 : vector<128x64xbf16> -> vector<128x64xi16>
    %convert_element_type3A_1832 = arith.truncf %transpose3A_1829 : vector<128x64xf32> to vector<128x64xbf16>
    %bitcast_convert_type3A_1833 = tpu.bitcast %convert_element_type3A_1832 : vector<128x64xbf16> -> vector<128x64xi16>
    %convert_element_type3A_1834 = arith.extui %bitcast_convert_type3A_1831 : vector<128x64xi16> to vector<128x64xi32>
    %shift_left3A_1835 = arith.constant 16 : i32
    %shift_left3A_1836 = vector.broadcast %shift_left3A_1835 : i32 to vector<128x64xi32>
    %shift_left3A_1837 = arith.shli %convert_element_type3A_1834, %shift_left3A_1836 : vector<128x64xi32>
    %convert_element_type3A_1838 = arith.extui %bitcast_convert_type3A_1833 : vector<128x64xi16> to vector<128x64xi32>
    %or3A_1839 = arith.ori %shift_left3A_1837, %convert_element_type3A_1838 : vector<128x64xi32>
    %bitcast_convert_type3A_1840 = tpu.bitcast %or3A_1839 : vector<128x64xi32> -> vector<128x64xf32>
    %transpose3A_1841 = tpu.transpose %slice3A_1826, [1, 0] : vector<64x128xf32> -> vector<128x64xf32>
    %transpose3A_1842 = tpu.transpose %slice3A_1827, [1, 0] : vector<64x128xf32> -> vector<128x64xf32>
    %convert_element_type3A_1843 = arith.truncf %transpose3A_1841 : vector<128x64xf32> to vector<128x64xbf16>
    %bitcast_convert_type3A_1844 = tpu.bitcast %convert_element_type3A_1843 : vector<128x64xbf16> -> vector<128x64xi16>
    %convert_element_type3A_1845 = arith.truncf %transpose3A_1842 : vector<128x64xf32> to vector<128x64xbf16>
    %bitcast_convert_type3A_1846 = tpu.bitcast %convert_element_type3A_1845 : vector<128x64xbf16> -> vector<128x64xi16>
    %convert_element_type3A_1847 = arith.extui %bitcast_convert_type3A_1844 : vector<128x64xi16> to vector<128x64xi32>
    %shift_left3A_1848 = arith.constant 16 : i32
    %shift_left3A_1849 = vector.broadcast %shift_left3A_1848 : i32 to vector<128x64xi32>
    %shift_left3A_1850 = arith.shli %convert_element_type3A_1847, %shift_left3A_1849 : vector<128x64xi32>
    %convert_element_type3A_1851 = arith.extui %bitcast_convert_type3A_1846 : vector<128x64xi16> to vector<128x64xi32>
    %or3A_1852 = arith.ori %shift_left3A_1850, %convert_element_type3A_1851 : vector<128x64xi32>
    %bitcast_convert_type3A_1853 = tpu.bitcast %or3A_1852 : vector<128x64xi32> -> vector<128x64xf32>
    %concatenate3A_1854 = tpu.concatenate %bitcast_convert_type3A_1840, %bitcast_convert_type3A_1853 in 1 : vector<128x64xf32>, vector<128x64xf32> -> vector<128x128xf32>
    %slice3A_1855 = vector.extract_strided_slice %get3A_1 {offsets = [0, 30720], sizes = [64, 128], strides = [1, 1]} : vector<64x32768xf32> to vector<64x128xf32>
    %slice3A_1856 = vector.extract_strided_slice %get3A_1 {offsets = [0, 30848], sizes = [64, 128], strides = [1, 1]} : vector<64x32768xf32> to vector<64x128xf32>
    %slice3A_1857 = vector.extract_strided_slice %get3A_1 {offsets = [0, 30976], sizes = [64, 128], strides = [1, 1]} : vector<64x32768xf32> to vector<64x128xf32>
    %slice3A_1858 = vector.extract_strided_slice %get3A_1 {offsets = [0, 31104], sizes = [64, 128], strides = [1, 1]} : vector<64x32768xf32> to vector<64x128xf32>
    %transpose3A_1859 = tpu.transpose %slice3A_1855, [1, 0] : vector<64x128xf32> -> vector<128x64xf32>
    %transpose3A_1860 = tpu.transpose %slice3A_1856, [1, 0] : vector<64x128xf32> -> vector<128x64xf32>
    %convert_element_type3A_1861 = arith.truncf %transpose3A_1859 : vector<128x64xf32> to vector<128x64xbf16>
    %bitcast_convert_type3A_1862 = tpu.bitcast %convert_element_type3A_1861 : vector<128x64xbf16> -> vector<128x64xi16>
    %convert_element_type3A_1863 = arith.truncf %transpose3A_1860 : vector<128x64xf32> to vector<128x64xbf16>
    %bitcast_convert_type3A_1864 = tpu.bitcast %convert_element_type3A_1863 : vector<128x64xbf16> -> vector<128x64xi16>
    %convert_element_type3A_1865 = arith.extui %bitcast_convert_type3A_1862 : vector<128x64xi16> to vector<128x64xi32>
    %shift_left3A_1866 = arith.constant 16 : i32
    %shift_left3A_1867 = vector.broadcast %shift_left3A_1866 : i32 to vector<128x64xi32>
    %shift_left3A_1868 = arith.shli %convert_element_type3A_1865, %shift_left3A_1867 : vector<128x64xi32>
    %convert_element_type3A_1869 = arith.extui %bitcast_convert_type3A_1864 : vector<128x64xi16> to vector<128x64xi32>
    %or3A_1870 = arith.ori %shift_left3A_1868, %convert_element_type3A_1869 : vector<128x64xi32>
    %bitcast_convert_type3A_1871 = tpu.bitcast %or3A_1870 : vector<128x64xi32> -> vector<128x64xf32>
    %transpose3A_1872 = tpu.transpose %slice3A_1857, [1, 0] : vector<64x128xf32> -> vector<128x64xf32>
    %transpose3A_1873 = tpu.transpose %slice3A_1858, [1, 0] : vector<64x128xf32> -> vector<128x64xf32>
    %convert_element_type3A_1874 = arith.truncf %transpose3A_1872 : vector<128x64xf32> to vector<128x64xbf16>
    %bitcast_convert_type3A_1875 = tpu.bitcast %convert_element_type3A_1874 : vector<128x64xbf16> -> vector<128x64xi16>
    %convert_element_type3A_1876 = arith.truncf %transpose3A_1873 : vector<128x64xf32> to vector<128x64xbf16>
    %bitcast_convert_type3A_1877 = tpu.bitcast %convert_element_type3A_1876 : vector<128x64xbf16> -> vector<128x64xi16>
    %convert_element_type3A_1878 = arith.extui %bitcast_convert_type3A_1875 : vector<128x64xi16> to vector<128x64xi32>
    %shift_left3A_1879 = arith.constant 16 : i32
    %shift_left3A_1880 = vector.broadcast %shift_left3A_1879 : i32 to vector<128x64xi32>
    %shift_left3A_1881 = arith.shli %convert_element_type3A_1878, %shift_left3A_1880 : vector<128x64xi32>
    %convert_element_type3A_1882 = arith.extui %bitcast_convert_type3A_1877 : vector<128x64xi16> to vector<128x64xi32>
    %or3A_1883 = arith.ori %shift_left3A_1881, %convert_element_type3A_1882 : vector<128x64xi32>
    %bitcast_convert_type3A_1884 = tpu.bitcast %or3A_1883 : vector<128x64xi32> -> vector<128x64xf32>
    %concatenate3A_1885 = tpu.concatenate %bitcast_convert_type3A_1871, %bitcast_convert_type3A_1884 in 1 : vector<128x64xf32>, vector<128x64xf32> -> vector<128x128xf32>
    %slice3A_1886 = vector.extract_strided_slice %get3A_1 {offsets = [0, 31232], sizes = [64, 128], strides = [1, 1]} : vector<64x32768xf32> to vector<64x128xf32>
    %slice3A_1887 = vector.extract_strided_slice %get3A_1 {offsets = [0, 31360], sizes = [64, 128], strides = [1, 1]} : vector<64x32768xf32> to vector<64x128xf32>
    %slice3A_1888 = vector.extract_strided_slice %get3A_1 {offsets = [0, 31488], sizes = [64, 128], strides = [1, 1]} : vector<64x32768xf32> to vector<64x128xf32>
    %slice3A_1889 = vector.extract_strided_slice %get3A_1 {offsets = [0, 31616], sizes = [64, 128], strides = [1, 1]} : vector<64x32768xf32> to vector<64x128xf32>
    %transpose3A_1890 = tpu.transpose %slice3A_1886, [1, 0] : vector<64x128xf32> -> vector<128x64xf32>
    %transpose3A_1891 = tpu.transpose %slice3A_1887, [1, 0] : vector<64x128xf32> -> vector<128x64xf32>
    %convert_element_type3A_1892 = arith.truncf %transpose3A_1890 : vector<128x64xf32> to vector<128x64xbf16>
    %bitcast_convert_type3A_1893 = tpu.bitcast %convert_element_type3A_1892 : vector<128x64xbf16> -> vector<128x64xi16>
    %convert_element_type3A_1894 = arith.truncf %transpose3A_1891 : vector<128x64xf32> to vector<128x64xbf16>
    %bitcast_convert_type3A_1895 = tpu.bitcast %convert_element_type3A_1894 : vector<128x64xbf16> -> vector<128x64xi16>
    %convert_element_type3A_1896 = arith.extui %bitcast_convert_type3A_1893 : vector<128x64xi16> to vector<128x64xi32>
    %shift_left3A_1897 = arith.constant 16 : i32
    %shift_left3A_1898 = vector.broadcast %shift_left3A_1897 : i32 to vector<128x64xi32>
    %shift_left3A_1899 = arith.shli %convert_element_type3A_1896, %shift_left3A_1898 : vector<128x64xi32>
    %convert_element_type3A_1900 = arith.extui %bitcast_convert_type3A_1895 : vector<128x64xi16> to vector<128x64xi32>
    %or3A_1901 = arith.ori %shift_left3A_1899, %convert_element_type3A_1900 : vector<128x64xi32>
    %bitcast_convert_type3A_1902 = tpu.bitcast %or3A_1901 : vector<128x64xi32> -> vector<128x64xf32>
    %transpose3A_1903 = tpu.transpose %slice3A_1888, [1, 0] : vector<64x128xf32> -> vector<128x64xf32>
    %transpose3A_1904 = tpu.transpose %slice3A_1889, [1, 0] : vector<64x128xf32> -> vector<128x64xf32>
    %convert_element_type3A_1905 = arith.truncf %transpose3A_1903 : vector<128x64xf32> to vector<128x64xbf16>
    %bitcast_convert_type3A_1906 = tpu.bitcast %convert_element_type3A_1905 : vector<128x64xbf16> -> vector<128x64xi16>
    %convert_element_type3A_1907 = arith.truncf %transpose3A_1904 : vector<128x64xf32> to vector<128x64xbf16>
    %bitcast_convert_type3A_1908 = tpu.bitcast %convert_element_type3A_1907 : vector<128x64xbf16> -> vector<128x64xi16>
    %convert_element_type3A_1909 = arith.extui %bitcast_convert_type3A_1906 : vector<128x64xi16> to vector<128x64xi32>
    %shift_left3A_1910 = arith.constant 16 : i32
    %shift_left3A_1911 = vector.broadcast %shift_left3A_1910 : i32 to vector<128x64xi32>
    %shift_left3A_1912 = arith.shli %convert_element_type3A_1909, %shift_left3A_1911 : vector<128x64xi32>
    %convert_element_type3A_1913 = arith.extui %bitcast_convert_type3A_1908 : vector<128x64xi16> to vector<128x64xi32>
    %or3A_1914 = arith.ori %shift_left3A_1912, %convert_element_type3A_1913 : vector<128x64xi32>
    %bitcast_convert_type3A_1915 = tpu.bitcast %or3A_1914 : vector<128x64xi32> -> vector<128x64xf32>
    %concatenate3A_1916 = tpu.concatenate %bitcast_convert_type3A_1902, %bitcast_convert_type3A_1915 in 1 : vector<128x64xf32>, vector<128x64xf32> -> vector<128x128xf32>
    %slice3A_1917 = vector.extract_strided_slice %get3A_1 {offsets = [0, 31744], sizes = [64, 128], strides = [1, 1]} : vector<64x32768xf32> to vector<64x128xf32>
    %slice3A_1918 = vector.extract_strided_slice %get3A_1 {offsets = [0, 31872], sizes = [64, 128], strides = [1, 1]} : vector<64x32768xf32> to vector<64x128xf32>
    %slice3A_1919 = vector.extract_strided_slice %get3A_1 {offsets = [0, 32000], sizes = [64, 128], strides = [1, 1]} : vector<64x32768xf32> to vector<64x128xf32>
    %slice3A_1920 = vector.extract_strided_slice %get3A_1 {offsets = [0, 32128], sizes = [64, 128], strides = [1, 1]} : vector<64x32768xf32> to vector<64x128xf32>
    %transpose3A_1921 = tpu.transpose %slice3A_1917, [1, 0] : vector<64x128xf32> -> vector<128x64xf32>
    %transpose3A_1922 = tpu.transpose %slice3A_1918, [1, 0] : vector<64x128xf32> -> vector<128x64xf32>
    %convert_element_type3A_1923 = arith.truncf %transpose3A_1921 : vector<128x64xf32> to vector<128x64xbf16>
    %bitcast_convert_type3A_1924 = tpu.bitcast %convert_element_type3A_1923 : vector<128x64xbf16> -> vector<128x64xi16>
    %convert_element_type3A_1925 = arith.truncf %transpose3A_1922 : vector<128x64xf32> to vector<128x64xbf16>
    %bitcast_convert_type3A_1926 = tpu.bitcast %convert_element_type3A_1925 : vector<128x64xbf16> -> vector<128x64xi16>
    %convert_element_type3A_1927 = arith.extui %bitcast_convert_type3A_1924 : vector<128x64xi16> to vector<128x64xi32>
    %shift_left3A_1928 = arith.constant 16 : i32
    %shift_left3A_1929 = vector.broadcast %shift_left3A_1928 : i32 to vector<128x64xi32>
    %shift_left3A_1930 = arith.shli %convert_element_type3A_1927, %shift_left3A_1929 : vector<128x64xi32>
    %convert_element_type3A_1931 = arith.extui %bitcast_convert_type3A_1926 : vector<128x64xi16> to vector<128x64xi32>
    %or3A_1932 = arith.ori %shift_left3A_1930, %convert_element_type3A_1931 : vector<128x64xi32>
    %bitcast_convert_type3A_1933 = tpu.bitcast %or3A_1932 : vector<128x64xi32> -> vector<128x64xf32>
    %transpose3A_1934 = tpu.transpose %slice3A_1919, [1, 0] : vector<64x128xf32> -> vector<128x64xf32>
    %transpose3A_1935 = tpu.transpose %slice3A_1920, [1, 0] : vector<64x128xf32> -> vector<128x64xf32>
    %convert_element_type3A_1936 = arith.truncf %transpose3A_1934 : vector<128x64xf32> to vector<128x64xbf16>
    %bitcast_convert_type3A_1937 = tpu.bitcast %convert_element_type3A_1936 : vector<128x64xbf16> -> vector<128x64xi16>
    %convert_element_type3A_1938 = arith.truncf %transpose3A_1935 : vector<128x64xf32> to vector<128x64xbf16>
    %bitcast_convert_type3A_1939 = tpu.bitcast %convert_element_type3A_1938 : vector<128x64xbf16> -> vector<128x64xi16>
    %convert_element_type3A_1940 = arith.extui %bitcast_convert_type3A_1937 : vector<128x64xi16> to vector<128x64xi32>
    %shift_left3A_1941 = arith.constant 16 : i32
    %shift_left3A_1942 = vector.broadcast %shift_left3A_1941 : i32 to vector<128x64xi32>
    %shift_left3A_1943 = arith.shli %convert_element_type3A_1940, %shift_left3A_1942 : vector<128x64xi32>
    %convert_element_type3A_1944 = arith.extui %bitcast_convert_type3A_1939 : vector<128x64xi16> to vector<128x64xi32>
    %or3A_1945 = arith.ori %shift_left3A_1943, %convert_element_type3A_1944 : vector<128x64xi32>
    %bitcast_convert_type3A_1946 = tpu.bitcast %or3A_1945 : vector<128x64xi32> -> vector<128x64xf32>
    %concatenate3A_1947 = tpu.concatenate %bitcast_convert_type3A_1933, %bitcast_convert_type3A_1946 in 1 : vector<128x64xf32>, vector<128x64xf32> -> vector<128x128xf32>
    %slice3A_1948 = vector.extract_strided_slice %get3A_1 {offsets = [0, 32256], sizes = [64, 128], strides = [1, 1]} : vector<64x32768xf32> to vector<64x128xf32>
    %slice3A_1949 = vector.extract_strided_slice %get3A_1 {offsets = [0, 32384], sizes = [64, 128], strides = [1, 1]} : vector<64x32768xf32> to vector<64x128xf32>
    %slice3A_1950 = vector.extract_strided_slice %get3A_1 {offsets = [0, 32512], sizes = [64, 128], strides = [1, 1]} : vector<64x32768xf32> to vector<64x128xf32>
    %slice3A_1951 = vector.extract_strided_slice %get3A_1 {offsets = [0, 32640], sizes = [64, 128], strides = [1, 1]} : vector<64x32768xf32> to vector<64x128xf32>
    %transpose3A_1952 = tpu.transpose %slice3A_1948, [1, 0] : vector<64x128xf32> -> vector<128x64xf32>
    %transpose3A_1953 = tpu.transpose %slice3A_1949, [1, 0] : vector<64x128xf32> -> vector<128x64xf32>
    %convert_element_type3A_1954 = arith.truncf %transpose3A_1952 : vector<128x64xf32> to vector<128x64xbf16>
    %bitcast_convert_type3A_1955 = tpu.bitcast %convert_element_type3A_1954 : vector<128x64xbf16> -> vector<128x64xi16>
    %convert_element_type3A_1956 = arith.truncf %transpose3A_1953 : vector<128x64xf32> to vector<128x64xbf16>
    %bitcast_convert_type3A_1957 = tpu.bitcast %convert_element_type3A_1956 : vector<128x64xbf16> -> vector<128x64xi16>
    %convert_element_type3A_1958 = arith.extui %bitcast_convert_type3A_1955 : vector<128x64xi16> to vector<128x64xi32>
    %shift_left3A_1959 = arith.constant 16 : i32
    %shift_left3A_1960 = vector.broadcast %shift_left3A_1959 : i32 to vector<128x64xi32>
    %shift_left3A_1961 = arith.shli %convert_element_type3A_1958, %shift_left3A_1960 : vector<128x64xi32>
    %convert_element_type3A_1962 = arith.extui %bitcast_convert_type3A_1957 : vector<128x64xi16> to vector<128x64xi32>
    %or3A_1963 = arith.ori %shift_left3A_1961, %convert_element_type3A_1962 : vector<128x64xi32>
    %bitcast_convert_type3A_1964 = tpu.bitcast %or3A_1963 : vector<128x64xi32> -> vector<128x64xf32>
    %transpose3A_1965 = tpu.transpose %slice3A_1950, [1, 0] : vector<64x128xf32> -> vector<128x64xf32>
    %transpose3A_1966 = tpu.transpose %slice3A_1951, [1, 0] : vector<64x128xf32> -> vector<128x64xf32>
    %convert_element_type3A_1967 = arith.truncf %transpose3A_1965 : vector<128x64xf32> to vector<128x64xbf16>
    %bitcast_convert_type3A_1968 = tpu.bitcast %convert_element_type3A_1967 : vector<128x64xbf16> -> vector<128x64xi16>
    %convert_element_type3A_1969 = arith.truncf %transpose3A_1966 : vector<128x64xf32> to vector<128x64xbf16>
    %bitcast_convert_type3A_1970 = tpu.bitcast %convert_element_type3A_1969 : vector<128x64xbf16> -> vector<128x64xi16>
    %convert_element_type3A_1971 = arith.extui %bitcast_convert_type3A_1968 : vector<128x64xi16> to vector<128x64xi32>
    %shift_left3A_1972 = arith.constant 16 : i32
    %shift_left3A_1973 = vector.broadcast %shift_left3A_1972 : i32 to vector<128x64xi32>
    %shift_left3A_1974 = arith.shli %convert_element_type3A_1971, %shift_left3A_1973 : vector<128x64xi32>
    %convert_element_type3A_1975 = arith.extui %bitcast_convert_type3A_1970 : vector<128x64xi16> to vector<128x64xi32>
    %or3A_1976 = arith.ori %shift_left3A_1974, %convert_element_type3A_1975 : vector<128x64xi32>
    %bitcast_convert_type3A_1977 = tpu.bitcast %or3A_1976 : vector<128x64xi32> -> vector<128x64xf32>
    %concatenate3A_1978 = tpu.concatenate %bitcast_convert_type3A_1964, %bitcast_convert_type3A_1977 in 1 : vector<128x64xf32>, vector<128x64xf32> -> vector<128x128xf32>
    %concatenate3A_1979 = tpu.concatenate %concatenate3A, %concatenate3A_56, %concatenate3A_87, %concatenate3A_118, %concatenate3A_149, %concatenate3A_180, %concatenate3A_211, %concatenate3A_242, %concatenate3A_273, %concatenate3A_304, %concatenate3A_335, %concatenate3A_366, %concatenate3A_397, %concatenate3A_428, %concatenate3A_459, %concatenate3A_490, %concatenate3A_521, %concatenate3A_552, %concatenate3A_583, %concatenate3A_614, %concatenate3A_645, %concatenate3A_676, %concatenate3A_707, %concatenate3A_738, %concatenate3A_769, %concatenate3A_800, %concatenate3A_831, %concatenate3A_862, %concatenate3A_893, %concatenate3A_924, %concatenate3A_955, %concatenate3A_986, %concatenate3A_1017, %concatenate3A_1048, %concatenate3A_1079, %concatenate3A_1110, %concatenate3A_1141, %concatenate3A_1172, %concatenate3A_1203, %concatenate3A_1234, %concatenate3A_1265, %concatenate3A_1296, %concatenate3A_1327, %concatenate3A_1358, %concatenate3A_1389, %concatenate3A_1420, %concatenate3A_1451, %concatenate3A_1482, %concatenate3A_1513, %concatenate3A_1544, %concatenate3A_1575, %concatenate3A_1606, %concatenate3A_1637, %concatenate3A_1668, %concatenate3A_1699, %concatenate3A_1730, %concatenate3A_1761, %concatenate3A_1792, %concatenate3A_1823, %concatenate3A_1854, %concatenate3A_1885, %concatenate3A_1916, %concatenate3A_1947, %concatenate3A_1978 in 0 : vector<128x128xf32>, vector<128x128xf32>, vector<128x128xf32>, vector<128x128xf32>, vector<128x128xf32>, vector<128x128xf32>, vector<128x128xf32>, vector<128x128xf32>, vector<128x128xf32>, vector<128x128xf32>, vector<128x128xf32>, vector<128x128xf32>, vector<128x128xf32>, vector<128x128xf32>, vector<128x128xf32>, vector<128x128xf32>, vector<128x128xf32>, vector<128x128xf32>, vector<128x128xf32>, vector<128x128xf32>, vector<128x128xf32>, vector<128x128xf32>, vector<128x128xf32>, vector<128x128xf32>, vector<128x128xf32>, vector<128x128xf32>, vector<128x128xf32>, vector<128x128xf32>, vector<128x128xf32>, vector<128x128xf32>, vector<128x128xf32>, vector<128x128xf32>, vector<128x128xf32>, vector<128x128xf32>, vector<128x128xf32>, vector<128x128xf32>, vector<128x128xf32>, vector<128x128xf32>, vector<128x128xf32>, vector<128x128xf32>, vector<128x128xf32>, vector<128x128xf32>, vector<128x128xf32>, vector<128x128xf32>, vector<128x128xf32>, vector<128x128xf32>, vector<128x128xf32>, vector<128x128xf32>, vector<128x128xf32>, vector<128x128xf32>, vector<128x128xf32>, vector<128x128xf32>, vector<128x128xf32>, vector<128x128xf32>, vector<128x128xf32>, vector<128x128xf32>, vector<128x128xf32>, vector<128x128xf32>, vector<128x128xf32>, vector<128x128xf32>, vector<128x128xf32>, vector<128x128xf32>, vector<128x128xf32>, vector<128x128xf32> -> vector<8192x128xf32>
    %swap3A = arith.constant 0 : index
    %swap3A_1980 = arith.constant 0 : index
    %swap3A_1981 = vector.load %arg3[%swap3A, %swap3A_1980] : memref<8192x128xf32, #tpu.memory_space<vmem>>, vector<8192x128xf32>
    tpu.vector_store %arg3[%swap3A, %swap3A_1980], %concatenate3A_1979 {strides = array<i32>} : memref<8192x128xf32, #tpu.memory_space<vmem>>, vector<8192x128xf32>,
    %get3A_1982 = arith.constant 0 : index
    %get3A_1983 = arith.constant 0 : index
    %get3A_1984 = vector.load %arg2[%get3A_1982, %get3A_1983] : memref<1x32768xf32, #tpu.memory_space<vmem>>, vector<1x32768xf32>
    %squeeze3A = vector.shape_cast %get3A_1984 : vector<1x32768xf32> to vector<32768xf32>
    %swap3A_1985 = arith.constant 0 : index
    %swap3A_1986 = vector.load %arg4[%swap3A_1985] : memref<32768xf32, #tpu.memory_space<vmem>>, vector<32768xf32>
    tpu.vector_store %arg4[%swap3A_1985], %squeeze3A {strides = array<i32>} : memref<32768xf32, #tpu.memory_space<vmem>>, vector<32768xf32>,
    return
  }
  func.func @transform_0(%arg0: i32) -> (i32, i32) {
    %c0_i32 = arith.constant 0 : i32
    %c0_i32_0 = arith.constant 0 : i32
    return %c0_i32, %arg0 : i32, i32
  }
  func.func @transform_1(%arg0: i32) -> (i32, i32) {
    %c0_i32 = arith.constant 0 : i32
    %c0_i32_0 = arith.constant 0 : i32
    return %c0_i32, %arg0 : i32, i32
  }
  func.func @transform_2(%arg0: i32) -> (i32, i32) {
    %c0_i32 = arith.constant 0 : i32
    %c0_i32_0 = arith.constant 0 : i32
    return %arg0, %c0_i32 : i32, i32
  }
  func.func @transform_3(%arg0: i32) -> i32 {
    %c0_i32 = arith.constant 0 : i32
    return %arg0 : i32
  }
}

module attributes {stable_mosaic.version = 14 : i64} {
  func.func @body(%arg0: i32, %arg1: memref<26x512x128xf32, #tpu.memory_space<vmem>>, %arg2: memref<512x32xi32, #tpu.memory_space<vmem>>, %arg3: memref<512xf32, #tpu.memory_space<vmem>>, %arg4: memref<1xf32, #tpu.memory_space<smem>>, %arg5: memref<1xf32, #tpu.memory_space<smem>>, %arg6: memref<1024x1664xbf16, #tpu.memory_space<vmem>>, %arg7: memref<1024xf32, #tpu.memory_space<vmem>>, %arg8: memref<512x1024xbf16, #tpu.memory_space<vmem>>, %arg9: memref<512xf32, #tpu.memory_space<vmem>>, %arg10: memref<256x512xbf16, #tpu.memory_space<vmem>>, %arg11: memref<256xf32, #tpu.memory_space<vmem>>, %arg12: memref<1x256xf32, #tpu.memory_space<vmem>>, %arg13: memref<512xf32, #tpu.memory_space<vmem>>) attributes {dimension_semantics = [#tpu.dimension_semantics<arbitrary>], iteration_bounds = array<i64: 4>, scalar_prefetch = 0 : i64, scratch_operands = 0 : i64, tpu.core_type = #tpu.core_type<tc>, window_params = [{transform_indices = @transform_0, window_bounds = array<i64: 26, 512, 128>}, {transform_indices = @transform_1, window_bounds = array<i64: 512, 32>}, {transform_indices = @transform_2, window_bounds = array<i64: 512>}, {transform_indices = @transform_3, window_bounds = array<i64: 1>}, {transform_indices = @transform_4, window_bounds = array<i64: 1>}, {pipeline_mode = #tpu.pipeline_mode<synchronous>, transform_indices = @transform_5, window_bounds = array<i64: 1024, 1664>}, {pipeline_mode = #tpu.pipeline_mode<synchronous>, transform_indices = @transform_6, window_bounds = array<i64: 1024>}, {pipeline_mode = #tpu.pipeline_mode<synchronous>, transform_indices = @transform_7, window_bounds = array<i64: 512, 1024>}, {pipeline_mode = #tpu.pipeline_mode<synchronous>, transform_indices = @transform_8, window_bounds = array<i64: 512>}, {pipeline_mode = #tpu.pipeline_mode<synchronous>, transform_indices = @transform_9, window_bounds = array<i64: 256, 512>}, {pipeline_mode = #tpu.pipeline_mode<synchronous>, transform_indices = @transform_10, window_bounds = array<i64: 256>}, {pipeline_mode = #tpu.pipeline_mode<synchronous>, transform_indices = @transform_11, window_bounds = array<i64: 1, 256>}, {transform_indices = @transform_12, window_bounds = array<i64: 512>}]} {
    %get3A = arith.constant 0 : index
    %get3A_0 = arith.constant 0 : index
    %get3A_1 = vector.load %arg2[%get3A, %get3A_0] : memref<512x32xi32, #tpu.memory_space<vmem>>, vector<512x32xi32>
    %broadcast_in_dim3A = arith.constant 0.000000e+00 : f32
    %broadcast_in_dim3A_2 = vector.broadcast %broadcast_in_dim3A : f32 to vector<512x64xf32>
    %broadcast_in_dim3A_3 = arith.constant 0.000000e+00 : f32
    %broadcast_in_dim3A_4 = vector.broadcast %broadcast_in_dim3A_3 : f32 to vector<512x64xf32>
    %broadcast_in_dim3A_5 = arith.constant 0.000000e+00 : f32
    %broadcast_in_dim3A_6 = vector.broadcast %broadcast_in_dim3A_5 : f32 to vector<512x1024xf32>
    %slice3A = vector.extract_strided_slice %get3A_1 {offsets = [0, 0], sizes = [512, 1], strides = [1, 1]} : vector<512x32xi32> to vector<512x1xi32>
    %shift_right_logical3A = arith.constant 8 : i32
    %shift_right_logical3A_7 = vector.broadcast %shift_right_logical3A : i32 to vector<512x1xi32>
    %shift_right_logical3A_8 = arith.shrui %slice3A, %shift_right_logical3A_7 : vector<512x1xi32>
    %and3A = arith.constant 1 : i32
    %and3A_9 = vector.broadcast %and3A : i32 to vector<512x1xi32>
    %and3A_10 = arith.andi %shift_right_logical3A_8, %and3A_9 : vector<512x1xi32>
    %eq3A = arith.constant 1 : i32
    %eq3A_11 = vector.broadcast %eq3A : i32 to vector<512x1xi32>
    %eq3A_12 = arith.cmpi eq, %and3A_10, %eq3A_11 : vector<512x1xi32>
    %shift_right_logical3A_13 = arith.constant 7 : i32
    %shift_right_logical3A_14 = vector.broadcast %shift_right_logical3A_13 : i32 to vector<512x1xi32>
    %shift_right_logical3A_15 = arith.shrui %slice3A, %shift_right_logical3A_14 : vector<512x1xi32>
    %and3A_16 = arith.constant 1 : i32
    %and3A_17 = vector.broadcast %and3A_16 : i32 to vector<512x1xi32>
    %and3A_18 = arith.andi %shift_right_logical3A_15, %and3A_17 : vector<512x1xi32>
    %eq3A_19 = arith.constant 1 : i32
    %eq3A_20 = vector.broadcast %eq3A_19 : i32 to vector<512x1xi32>
    %eq3A_21 = arith.cmpi eq, %and3A_18, %eq3A_20 : vector<512x1xi32>
    %get3A_22 = arith.constant 0 : index
    %get3A_23 = arith.constant 0 : index
    %get3A_24 = arith.constant 0 : index
    %get3A_25 = vector.load %arg1[%get3A_22, %get3A_23, %get3A_24] : memref<26x512x128xf32, #tpu.memory_space<vmem>>, vector<1x512x128xf32>
    %get3A_26 = vector.shape_cast %get3A_25 : vector<1x512x128xf32> to vector<512x128xf32>
    %slice3A_27 = vector.extract_strided_slice %get3A_26 {offsets = [0, 64], sizes = [512, 64], strides = [1, 1]} : vector<512x128xf32> to vector<512x64xf32>
    %slice3A_28 = vector.extract_strided_slice %get3A_26 {offsets = [0, 0], sizes = [512, 64], strides = [1, 1]} : vector<512x128xf32> to vector<512x64xf32>
    %broadcast_in_dim3A_29 = vector.shape_cast %eq3A_12 : vector<512x1xi1> to vector<512x1xi1>
    %broadcast_in_dim3A_30 = vector.broadcast %broadcast_in_dim3A_29 : vector<512x1xi1> to vector<512x64xi1>
    %select_n3A = arith.select %broadcast_in_dim3A_30, %slice3A_27, %slice3A_28 : vector<512x64xi1>, vector<512x64xf32>
    %bitcast_convert_type3A = tpu.bitcast %select_n3A : vector<512x64xf32> -> vector<512x64xi32>
    %shift_left3A = arith.constant 16 : i32
    %shift_left3A_31 = vector.broadcast %shift_left3A : i32 to vector<512x64xi32>
    %shift_left3A_32 = arith.shli %bitcast_convert_type3A, %shift_left3A_31 : vector<512x64xi32>
    %and3A_33 = arith.constant -65536 : i32
    %and3A_34 = vector.broadcast %and3A_33 : i32 to vector<512x64xi32>
    %and3A_35 = arith.andi %bitcast_convert_type3A, %and3A_34 : vector<512x64xi32>
    %broadcast_in_dim3A_36 = vector.shape_cast %eq3A_21 : vector<512x1xi1> to vector<512x1xi1>
    %broadcast_in_dim3A_37 = vector.broadcast %broadcast_in_dim3A_36 : vector<512x1xi1> to vector<512x64xi1>
    %select_n3A_38 = arith.select %broadcast_in_dim3A_37, %shift_left3A_32, %and3A_35 : vector<512x64xi1>, vector<512x64xi32>
    %bitcast_convert_type3A_39 = tpu.bitcast %select_n3A_38 : vector<512x64xi32> -> vector<512x64xf32>
    %add3A = arith.addf %broadcast_in_dim3A_2, %bitcast_convert_type3A_39 : vector<512x64xf32>
    %mul3A = arith.mulf %bitcast_convert_type3A_39, %bitcast_convert_type3A_39 : vector<512x64xf32>
    %add3A_40 = arith.addf %broadcast_in_dim3A_4, %mul3A : vector<512x64xf32>
    %slice3A_41 = vector.extract_strided_slice %get3A_1 {offsets = [0, 1], sizes = [512, 1], strides = [1, 1]} : vector<512x32xi32> to vector<512x1xi32>
    %shift_right_logical3A_42 = arith.constant 8 : i32
    %shift_right_logical3A_43 = vector.broadcast %shift_right_logical3A_42 : i32 to vector<512x1xi32>
    %shift_right_logical3A_44 = arith.shrui %slice3A_41, %shift_right_logical3A_43 : vector<512x1xi32>
    %and3A_45 = arith.constant 1 : i32
    %and3A_46 = vector.broadcast %and3A_45 : i32 to vector<512x1xi32>
    %and3A_47 = arith.andi %shift_right_logical3A_44, %and3A_46 : vector<512x1xi32>
    %eq3A_48 = arith.constant 1 : i32
    %eq3A_49 = vector.broadcast %eq3A_48 : i32 to vector<512x1xi32>
    %eq3A_50 = arith.cmpi eq, %and3A_47, %eq3A_49 : vector<512x1xi32>
    %shift_right_logical3A_51 = arith.constant 7 : i32
    %shift_right_logical3A_52 = vector.broadcast %shift_right_logical3A_51 : i32 to vector<512x1xi32>
    %shift_right_logical3A_53 = arith.shrui %slice3A_41, %shift_right_logical3A_52 : vector<512x1xi32>
    %and3A_54 = arith.constant 1 : i32
    %and3A_55 = vector.broadcast %and3A_54 : i32 to vector<512x1xi32>
    %and3A_56 = arith.andi %shift_right_logical3A_53, %and3A_55 : vector<512x1xi32>
    %eq3A_57 = arith.constant 1 : i32
    %eq3A_58 = vector.broadcast %eq3A_57 : i32 to vector<512x1xi32>
    %eq3A_59 = arith.cmpi eq, %and3A_56, %eq3A_58 : vector<512x1xi32>
    %get3A_60 = arith.constant 1 : index
    %get3A_61 = arith.constant 0 : index
    %get3A_62 = arith.constant 0 : index
    %get3A_63 = vector.load %arg1[%get3A_60, %get3A_61, %get3A_62] : memref<26x512x128xf32, #tpu.memory_space<vmem>>, vector<1x512x128xf32>
    %get3A_64 = vector.shape_cast %get3A_63 : vector<1x512x128xf32> to vector<512x128xf32>
    %slice3A_65 = vector.extract_strided_slice %get3A_64 {offsets = [0, 64], sizes = [512, 64], strides = [1, 1]} : vector<512x128xf32> to vector<512x64xf32>
    %slice3A_66 = vector.extract_strided_slice %get3A_64 {offsets = [0, 0], sizes = [512, 64], strides = [1, 1]} : vector<512x128xf32> to vector<512x64xf32>
    %broadcast_in_dim3A_67 = vector.shape_cast %eq3A_50 : vector<512x1xi1> to vector<512x1xi1>
    %broadcast_in_dim3A_68 = vector.broadcast %broadcast_in_dim3A_67 : vector<512x1xi1> to vector<512x64xi1>
    %select_n3A_69 = arith.select %broadcast_in_dim3A_68, %slice3A_65, %slice3A_66 : vector<512x64xi1>, vector<512x64xf32>
    %bitcast_convert_type3A_70 = tpu.bitcast %select_n3A_69 : vector<512x64xf32> -> vector<512x64xi32>
    %shift_left3A_71 = arith.constant 16 : i32
    %shift_left3A_72 = vector.broadcast %shift_left3A_71 : i32 to vector<512x64xi32>
    %shift_left3A_73 = arith.shli %bitcast_convert_type3A_70, %shift_left3A_72 : vector<512x64xi32>
    %and3A_74 = arith.constant -65536 : i32
    %and3A_75 = vector.broadcast %and3A_74 : i32 to vector<512x64xi32>
    %and3A_76 = arith.andi %bitcast_convert_type3A_70, %and3A_75 : vector<512x64xi32>
    %broadcast_in_dim3A_77 = vector.shape_cast %eq3A_59 : vector<512x1xi1> to vector<512x1xi1>
    %broadcast_in_dim3A_78 = vector.broadcast %broadcast_in_dim3A_77 : vector<512x1xi1> to vector<512x64xi1>
    %select_n3A_79 = arith.select %broadcast_in_dim3A_78, %shift_left3A_73, %and3A_76 : vector<512x64xi1>, vector<512x64xi32>
    %bitcast_convert_type3A_80 = tpu.bitcast %select_n3A_79 : vector<512x64xi32> -> vector<512x64xf32>
    %add3A_81 = arith.addf %add3A, %bitcast_convert_type3A_80 : vector<512x64xf32>
    %mul3A_82 = arith.mulf %bitcast_convert_type3A_80, %bitcast_convert_type3A_80 : vector<512x64xf32>
    %add3A_83 = arith.addf %add3A_40, %mul3A_82 : vector<512x64xf32>
    %concatenate3A = tpu.concatenate %bitcast_convert_type3A_39, %bitcast_convert_type3A_80 in 1 : vector<512x64xf32>, vector<512x64xf32> -> vector<512x128xf32>
    %convert_element_type3A = arith.truncf %concatenate3A : vector<512x128xf32> to vector<512x128xbf16>
    %get3A_84 = arith.constant 0 : index
    %get3A_85 = arith.constant 0 : index
    %get3A_86 = vector.load %arg6[%get3A_84, %get3A_85] : memref<1024x1664xbf16, #tpu.memory_space<vmem>>, vector<1024x128xbf16>
    %dot_general3A = arith.constant dense<0.000000e+00> : vector<512x1024xf32>
    %dot_general3A_87 = tpu.matmul %convert_element_type3A, %get3A_86, %dot_general3A {dimension_numbers = #tpu.dot_dimension_numbers<[1], [1], [0], [0], [0, 0, 1, 0], [], []>, transpose_lhs_hint = false} : vector<512x128xbf16>, vector<1024x128xbf16>, vector<512x1024xf32> -> vector<512x1024xf32>
    %add3A_88 = arith.addf %broadcast_in_dim3A_6, %dot_general3A_87 : vector<512x1024xf32>
    %slice3A_89 = vector.extract_strided_slice %get3A_1 {offsets = [0, 2], sizes = [512, 1], strides = [1, 1]} : vector<512x32xi32> to vector<512x1xi32>
    %shift_right_logical3A_90 = arith.constant 8 : i32
    %shift_right_logical3A_91 = vector.broadcast %shift_right_logical3A_90 : i32 to vector<512x1xi32>
    %shift_right_logical3A_92 = arith.shrui %slice3A_89, %shift_right_logical3A_91 : vector<512x1xi32>
    %and3A_93 = arith.constant 1 : i32
    %and3A_94 = vector.broadcast %and3A_93 : i32 to vector<512x1xi32>
    %and3A_95 = arith.andi %shift_right_logical3A_92, %and3A_94 : vector<512x1xi32>
    %eq3A_96 = arith.constant 1 : i32
    %eq3A_97 = vector.broadcast %eq3A_96 : i32 to vector<512x1xi32>
    %eq3A_98 = arith.cmpi eq, %and3A_95, %eq3A_97 : vector<512x1xi32>
    %shift_right_logical3A_99 = arith.constant 7 : i32
    %shift_right_logical3A_100 = vector.broadcast %shift_right_logical3A_99 : i32 to vector<512x1xi32>
    %shift_right_logical3A_101 = arith.shrui %slice3A_89, %shift_right_logical3A_100 : vector<512x1xi32>
    %and3A_102 = arith.constant 1 : i32
    %and3A_103 = vector.broadcast %and3A_102 : i32 to vector<512x1xi32>
    %and3A_104 = arith.andi %shift_right_logical3A_101, %and3A_103 : vector<512x1xi32>
    %eq3A_105 = arith.constant 1 : i32
    %eq3A_106 = vector.broadcast %eq3A_105 : i32 to vector<512x1xi32>
    %eq3A_107 = arith.cmpi eq, %and3A_104, %eq3A_106 : vector<512x1xi32>
    %get3A_108 = arith.constant 2 : index
    %get3A_109 = arith.constant 0 : index
    %get3A_110 = arith.constant 0 : index
    %get3A_111 = vector.load %arg1[%get3A_108, %get3A_109, %get3A_110] : memref<26x512x128xf32, #tpu.memory_space<vmem>>, vector<1x512x128xf32>
    %get3A_112 = vector.shape_cast %get3A_111 : vector<1x512x128xf32> to vector<512x128xf32>
    %slice3A_113 = vector.extract_strided_slice %get3A_112 {offsets = [0, 64], sizes = [512, 64], strides = [1, 1]} : vector<512x128xf32> to vector<512x64xf32>
    %slice3A_114 = vector.extract_strided_slice %get3A_112 {offsets = [0, 0], sizes = [512, 64], strides = [1, 1]} : vector<512x128xf32> to vector<512x64xf32>
    %broadcast_in_dim3A_115 = vector.shape_cast %eq3A_98 : vector<512x1xi1> to vector<512x1xi1>
    %broadcast_in_dim3A_116 = vector.broadcast %broadcast_in_dim3A_115 : vector<512x1xi1> to vector<512x64xi1>
    %select_n3A_117 = arith.select %broadcast_in_dim3A_116, %slice3A_113, %slice3A_114 : vector<512x64xi1>, vector<512x64xf32>
    %bitcast_convert_type3A_118 = tpu.bitcast %select_n3A_117 : vector<512x64xf32> -> vector<512x64xi32>
    %shift_left3A_119 = arith.constant 16 : i32
    %shift_left3A_120 = vector.broadcast %shift_left3A_119 : i32 to vector<512x64xi32>
    %shift_left3A_121 = arith.shli %bitcast_convert_type3A_118, %shift_left3A_120 : vector<512x64xi32>
    %and3A_122 = arith.constant -65536 : i32
    %and3A_123 = vector.broadcast %and3A_122 : i32 to vector<512x64xi32>
    %and3A_124 = arith.andi %bitcast_convert_type3A_118, %and3A_123 : vector<512x64xi32>
    %broadcast_in_dim3A_125 = vector.shape_cast %eq3A_107 : vector<512x1xi1> to vector<512x1xi1>
    %broadcast_in_dim3A_126 = vector.broadcast %broadcast_in_dim3A_125 : vector<512x1xi1> to vector<512x64xi1>
    %select_n3A_127 = arith.select %broadcast_in_dim3A_126, %shift_left3A_121, %and3A_124 : vector<512x64xi1>, vector<512x64xi32>
    %bitcast_convert_type3A_128 = tpu.bitcast %select_n3A_127 : vector<512x64xi32> -> vector<512x64xf32>
    %add3A_129 = arith.addf %add3A_81, %bitcast_convert_type3A_128 : vector<512x64xf32>
    %mul3A_130 = arith.mulf %bitcast_convert_type3A_128, %bitcast_convert_type3A_128 : vector<512x64xf32>
    %add3A_131 = arith.addf %add3A_83, %mul3A_130 : vector<512x64xf32>
    %slice3A_132 = vector.extract_strided_slice %get3A_1 {offsets = [0, 3], sizes = [512, 1], strides = [1, 1]} : vector<512x32xi32> to vector<512x1xi32>
    %shift_right_logical3A_133 = arith.constant 8 : i32
    %shift_right_logical3A_134 = vector.broadcast %shift_right_logical3A_133 : i32 to vector<512x1xi32>
    %shift_right_logical3A_135 = arith.shrui %slice3A_132, %shift_right_logical3A_134 : vector<512x1xi32>
    %and3A_136 = arith.constant 1 : i32
    %and3A_137 = vector.broadcast %and3A_136 : i32 to vector<512x1xi32>
    %and3A_138 = arith.andi %shift_right_logical3A_135, %and3A_137 : vector<512x1xi32>
    %eq3A_139 = arith.constant 1 : i32
    %eq3A_140 = vector.broadcast %eq3A_139 : i32 to vector<512x1xi32>
    %eq3A_141 = arith.cmpi eq, %and3A_138, %eq3A_140 : vector<512x1xi32>
    %shift_right_logical3A_142 = arith.constant 7 : i32
    %shift_right_logical3A_143 = vector.broadcast %shift_right_logical3A_142 : i32 to vector<512x1xi32>
    %shift_right_logical3A_144 = arith.shrui %slice3A_132, %shift_right_logical3A_143 : vector<512x1xi32>
    %and3A_145 = arith.constant 1 : i32
    %and3A_146 = vector.broadcast %and3A_145 : i32 to vector<512x1xi32>
    %and3A_147 = arith.andi %shift_right_logical3A_144, %and3A_146 : vector<512x1xi32>
    %eq3A_148 = arith.constant 1 : i32
    %eq3A_149 = vector.broadcast %eq3A_148 : i32 to vector<512x1xi32>
    %eq3A_150 = arith.cmpi eq, %and3A_147, %eq3A_149 : vector<512x1xi32>
    %get3A_151 = arith.constant 3 : index
    %get3A_152 = arith.constant 0 : index
    %get3A_153 = arith.constant 0 : index
    %get3A_154 = vector.load %arg1[%get3A_151, %get3A_152, %get3A_153] : memref<26x512x128xf32, #tpu.memory_space<vmem>>, vector<1x512x128xf32>
    %get3A_155 = vector.shape_cast %get3A_154 : vector<1x512x128xf32> to vector<512x128xf32>
    %slice3A_156 = vector.extract_strided_slice %get3A_155 {offsets = [0, 64], sizes = [512, 64], strides = [1, 1]} : vector<512x128xf32> to vector<512x64xf32>
    %slice3A_157 = vector.extract_strided_slice %get3A_155 {offsets = [0, 0], sizes = [512, 64], strides = [1, 1]} : vector<512x128xf32> to vector<512x64xf32>
    %broadcast_in_dim3A_158 = vector.shape_cast %eq3A_141 : vector<512x1xi1> to vector<512x1xi1>
    %broadcast_in_dim3A_159 = vector.broadcast %broadcast_in_dim3A_158 : vector<512x1xi1> to vector<512x64xi1>
    %select_n3A_160 = arith.select %broadcast_in_dim3A_159, %slice3A_156, %slice3A_157 : vector<512x64xi1>, vector<512x64xf32>
    %bitcast_convert_type3A_161 = tpu.bitcast %select_n3A_160 : vector<512x64xf32> -> vector<512x64xi32>
    %shift_left3A_162 = arith.constant 16 : i32
    %shift_left3A_163 = vector.broadcast %shift_left3A_162 : i32 to vector<512x64xi32>
    %shift_left3A_164 = arith.shli %bitcast_convert_type3A_161, %shift_left3A_163 : vector<512x64xi32>
    %and3A_165 = arith.constant -65536 : i32
    %and3A_166 = vector.broadcast %and3A_165 : i32 to vector<512x64xi32>
    %and3A_167 = arith.andi %bitcast_convert_type3A_161, %and3A_166 : vector<512x64xi32>
    %broadcast_in_dim3A_168 = vector.shape_cast %eq3A_150 : vector<512x1xi1> to vector<512x1xi1>
    %broadcast_in_dim3A_169 = vector.broadcast %broadcast_in_dim3A_168 : vector<512x1xi1> to vector<512x64xi1>
    %select_n3A_170 = arith.select %broadcast_in_dim3A_169, %shift_left3A_164, %and3A_167 : vector<512x64xi1>, vector<512x64xi32>
    %bitcast_convert_type3A_171 = tpu.bitcast %select_n3A_170 : vector<512x64xi32> -> vector<512x64xf32>
    %add3A_172 = arith.addf %add3A_129, %bitcast_convert_type3A_171 : vector<512x64xf32>
    %mul3A_173 = arith.mulf %bitcast_convert_type3A_171, %bitcast_convert_type3A_171 : vector<512x64xf32>
    %add3A_174 = arith.addf %add3A_131, %mul3A_173 : vector<512x64xf32>
    %concatenate3A_175 = tpu.concatenate %bitcast_convert_type3A_128, %bitcast_convert_type3A_171 in 1 : vector<512x64xf32>, vector<512x64xf32> -> vector<512x128xf32>
    %convert_element_type3A_176 = arith.truncf %concatenate3A_175 : vector<512x128xf32> to vector<512x128xbf16>
    %get3A_177 = arith.constant 0 : index
    %get3A_178 = arith.constant 128 : index
    %get3A_179 = vector.load %arg6[%get3A_177, %get3A_178] : memref<1024x1664xbf16, #tpu.memory_space<vmem>>, vector<1024x128xbf16>
    %dot_general3A_180 = arith.constant dense<0.000000e+00> : vector<512x1024xf32>
    %dot_general3A_181 = tpu.matmul %convert_element_type3A_176, %get3A_179, %dot_general3A_180 {dimension_numbers = #tpu.dot_dimension_numbers<[1], [1], [0], [0], [0, 0, 1, 0], [], []>, transpose_lhs_hint = false} : vector<512x128xbf16>, vector<1024x128xbf16>, vector<512x1024xf32> -> vector<512x1024xf32>
    %add3A_182 = arith.addf %add3A_88, %dot_general3A_181 : vector<512x1024xf32>
    %slice3A_183 = vector.extract_strided_slice %get3A_1 {offsets = [0, 4], sizes = [512, 1], strides = [1, 1]} : vector<512x32xi32> to vector<512x1xi32>
    %shift_right_logical3A_184 = arith.constant 8 : i32
    %shift_right_logical3A_185 = vector.broadcast %shift_right_logical3A_184 : i32 to vector<512x1xi32>
    %shift_right_logical3A_186 = arith.shrui %slice3A_183, %shift_right_logical3A_185 : vector<512x1xi32>
    %and3A_187 = arith.constant 1 : i32
    %and3A_188 = vector.broadcast %and3A_187 : i32 to vector<512x1xi32>
    %and3A_189 = arith.andi %shift_right_logical3A_186, %and3A_188 : vector<512x1xi32>
    %eq3A_190 = arith.constant 1 : i32
    %eq3A_191 = vector.broadcast %eq3A_190 : i32 to vector<512x1xi32>
    %eq3A_192 = arith.cmpi eq, %and3A_189, %eq3A_191 : vector<512x1xi32>
    %shift_right_logical3A_193 = arith.constant 7 : i32
    %shift_right_logical3A_194 = vector.broadcast %shift_right_logical3A_193 : i32 to vector<512x1xi32>
    %shift_right_logical3A_195 = arith.shrui %slice3A_183, %shift_right_logical3A_194 : vector<512x1xi32>
    %and3A_196 = arith.constant 1 : i32
    %and3A_197 = vector.broadcast %and3A_196 : i32 to vector<512x1xi32>
    %and3A_198 = arith.andi %shift_right_logical3A_195, %and3A_197 : vector<512x1xi32>
    %eq3A_199 = arith.constant 1 : i32
    %eq3A_200 = vector.broadcast %eq3A_199 : i32 to vector<512x1xi32>
    %eq3A_201 = arith.cmpi eq, %and3A_198, %eq3A_200 : vector<512x1xi32>
    %get3A_202 = arith.constant 4 : index
    %get3A_203 = arith.constant 0 : index
    %get3A_204 = arith.constant 0 : index
    %get3A_205 = vector.load %arg1[%get3A_202, %get3A_203, %get3A_204] : memref<26x512x128xf32, #tpu.memory_space<vmem>>, vector<1x512x128xf32>
    %get3A_206 = vector.shape_cast %get3A_205 : vector<1x512x128xf32> to vector<512x128xf32>
    %slice3A_207 = vector.extract_strided_slice %get3A_206 {offsets = [0, 64], sizes = [512, 64], strides = [1, 1]} : vector<512x128xf32> to vector<512x64xf32>
    %slice3A_208 = vector.extract_strided_slice %get3A_206 {offsets = [0, 0], sizes = [512, 64], strides = [1, 1]} : vector<512x128xf32> to vector<512x64xf32>
    %broadcast_in_dim3A_209 = vector.shape_cast %eq3A_192 : vector<512x1xi1> to vector<512x1xi1>
    %broadcast_in_dim3A_210 = vector.broadcast %broadcast_in_dim3A_209 : vector<512x1xi1> to vector<512x64xi1>
    %select_n3A_211 = arith.select %broadcast_in_dim3A_210, %slice3A_207, %slice3A_208 : vector<512x64xi1>, vector<512x64xf32>
    %bitcast_convert_type3A_212 = tpu.bitcast %select_n3A_211 : vector<512x64xf32> -> vector<512x64xi32>
    %shift_left3A_213 = arith.constant 16 : i32
    %shift_left3A_214 = vector.broadcast %shift_left3A_213 : i32 to vector<512x64xi32>
    %shift_left3A_215 = arith.shli %bitcast_convert_type3A_212, %shift_left3A_214 : vector<512x64xi32>
    %and3A_216 = arith.constant -65536 : i32
    %and3A_217 = vector.broadcast %and3A_216 : i32 to vector<512x64xi32>
    %and3A_218 = arith.andi %bitcast_convert_type3A_212, %and3A_217 : vector<512x64xi32>
    %broadcast_in_dim3A_219 = vector.shape_cast %eq3A_201 : vector<512x1xi1> to vector<512x1xi1>
    %broadcast_in_dim3A_220 = vector.broadcast %broadcast_in_dim3A_219 : vector<512x1xi1> to vector<512x64xi1>
    %select_n3A_221 = arith.select %broadcast_in_dim3A_220, %shift_left3A_215, %and3A_218 : vector<512x64xi1>, vector<512x64xi32>
    %bitcast_convert_type3A_222 = tpu.bitcast %select_n3A_221 : vector<512x64xi32> -> vector<512x64xf32>
    %add3A_223 = arith.addf %add3A_172, %bitcast_convert_type3A_222 : vector<512x64xf32>
    %mul3A_224 = arith.mulf %bitcast_convert_type3A_222, %bitcast_convert_type3A_222 : vector<512x64xf32>
    %add3A_225 = arith.addf %add3A_174, %mul3A_224 : vector<512x64xf32>
    %slice3A_226 = vector.extract_strided_slice %get3A_1 {offsets = [0, 5], sizes = [512, 1], strides = [1, 1]} : vector<512x32xi32> to vector<512x1xi32>
    %shift_right_logical3A_227 = arith.constant 8 : i32
    %shift_right_logical3A_228 = vector.broadcast %shift_right_logical3A_227 : i32 to vector<512x1xi32>
    %shift_right_logical3A_229 = arith.shrui %slice3A_226, %shift_right_logical3A_228 : vector<512x1xi32>
    %and3A_230 = arith.constant 1 : i32
    %and3A_231 = vector.broadcast %and3A_230 : i32 to vector<512x1xi32>
    %and3A_232 = arith.andi %shift_right_logical3A_229, %and3A_231 : vector<512x1xi32>
    %eq3A_233 = arith.constant 1 : i32
    %eq3A_234 = vector.broadcast %eq3A_233 : i32 to vector<512x1xi32>
    %eq3A_235 = arith.cmpi eq, %and3A_232, %eq3A_234 : vector<512x1xi32>
    %shift_right_logical3A_236 = arith.constant 7 : i32
    %shift_right_logical3A_237 = vector.broadcast %shift_right_logical3A_236 : i32 to vector<512x1xi32>
    %shift_right_logical3A_238 = arith.shrui %slice3A_226, %shift_right_logical3A_237 : vector<512x1xi32>
    %and3A_239 = arith.constant 1 : i32
    %and3A_240 = vector.broadcast %and3A_239 : i32 to vector<512x1xi32>
    %and3A_241 = arith.andi %shift_right_logical3A_238, %and3A_240 : vector<512x1xi32>
    %eq3A_242 = arith.constant 1 : i32
    %eq3A_243 = vector.broadcast %eq3A_242 : i32 to vector<512x1xi32>
    %eq3A_244 = arith.cmpi eq, %and3A_241, %eq3A_243 : vector<512x1xi32>
    %get3A_245 = arith.constant 5 : index
    %get3A_246 = arith.constant 0 : index
    %get3A_247 = arith.constant 0 : index
    %get3A_248 = vector.load %arg1[%get3A_245, %get3A_246, %get3A_247] : memref<26x512x128xf32, #tpu.memory_space<vmem>>, vector<1x512x128xf32>
    %get3A_249 = vector.shape_cast %get3A_248 : vector<1x512x128xf32> to vector<512x128xf32>
    %slice3A_250 = vector.extract_strided_slice %get3A_249 {offsets = [0, 64], sizes = [512, 64], strides = [1, 1]} : vector<512x128xf32> to vector<512x64xf32>
    %slice3A_251 = vector.extract_strided_slice %get3A_249 {offsets = [0, 0], sizes = [512, 64], strides = [1, 1]} : vector<512x128xf32> to vector<512x64xf32>
    %broadcast_in_dim3A_252 = vector.shape_cast %eq3A_235 : vector<512x1xi1> to vector<512x1xi1>
    %broadcast_in_dim3A_253 = vector.broadcast %broadcast_in_dim3A_252 : vector<512x1xi1> to vector<512x64xi1>
    %select_n3A_254 = arith.select %broadcast_in_dim3A_253, %slice3A_250, %slice3A_251 : vector<512x64xi1>, vector<512x64xf32>
    %bitcast_convert_type3A_255 = tpu.bitcast %select_n3A_254 : vector<512x64xf32> -> vector<512x64xi32>
    %shift_left3A_256 = arith.constant 16 : i32
    %shift_left3A_257 = vector.broadcast %shift_left3A_256 : i32 to vector<512x64xi32>
    %shift_left3A_258 = arith.shli %bitcast_convert_type3A_255, %shift_left3A_257 : vector<512x64xi32>
    %and3A_259 = arith.constant -65536 : i32
    %and3A_260 = vector.broadcast %and3A_259 : i32 to vector<512x64xi32>
    %and3A_261 = arith.andi %bitcast_convert_type3A_255, %and3A_260 : vector<512x64xi32>
    %broadcast_in_dim3A_262 = vector.shape_cast %eq3A_244 : vector<512x1xi1> to vector<512x1xi1>
    %broadcast_in_dim3A_263 = vector.broadcast %broadcast_in_dim3A_262 : vector<512x1xi1> to vector<512x64xi1>
    %select_n3A_264 = arith.select %broadcast_in_dim3A_263, %shift_left3A_258, %and3A_261 : vector<512x64xi1>, vector<512x64xi32>
    %bitcast_convert_type3A_265 = tpu.bitcast %select_n3A_264 : vector<512x64xi32> -> vector<512x64xf32>
    %add3A_266 = arith.addf %add3A_223, %bitcast_convert_type3A_265 : vector<512x64xf32>
    %mul3A_267 = arith.mulf %bitcast_convert_type3A_265, %bitcast_convert_type3A_265 : vector<512x64xf32>
    %add3A_268 = arith.addf %add3A_225, %mul3A_267 : vector<512x64xf32>
    %concatenate3A_269 = tpu.concatenate %bitcast_convert_type3A_222, %bitcast_convert_type3A_265 in 1 : vector<512x64xf32>, vector<512x64xf32> -> vector<512x128xf32>
    %convert_element_type3A_270 = arith.truncf %concatenate3A_269 : vector<512x128xf32> to vector<512x128xbf16>
    %get3A_271 = arith.constant 0 : index
    %get3A_272 = arith.constant 256 : index
    %get3A_273 = vector.load %arg6[%get3A_271, %get3A_272] : memref<1024x1664xbf16, #tpu.memory_space<vmem>>, vector<1024x128xbf16>
    %dot_general3A_274 = arith.constant dense<0.000000e+00> : vector<512x1024xf32>
    %dot_general3A_275 = tpu.matmul %convert_element_type3A_270, %get3A_273, %dot_general3A_274 {dimension_numbers = #tpu.dot_dimension_numbers<[1], [1], [0], [0], [0, 0, 1, 0], [], []>, transpose_lhs_hint = false} : vector<512x128xbf16>, vector<1024x128xbf16>, vector<512x1024xf32> -> vector<512x1024xf32>
    %add3A_276 = arith.addf %add3A_182, %dot_general3A_275 : vector<512x1024xf32>
    %slice3A_277 = vector.extract_strided_slice %get3A_1 {offsets = [0, 6], sizes = [512, 1], strides = [1, 1]} : vector<512x32xi32> to vector<512x1xi32>
    %shift_right_logical3A_278 = arith.constant 8 : i32
    %shift_right_logical3A_279 = vector.broadcast %shift_right_logical3A_278 : i32 to vector<512x1xi32>
    %shift_right_logical3A_280 = arith.shrui %slice3A_277, %shift_right_logical3A_279 : vector<512x1xi32>
    %and3A_281 = arith.constant 1 : i32
    %and3A_282 = vector.broadcast %and3A_281 : i32 to vector<512x1xi32>
    %and3A_283 = arith.andi %shift_right_logical3A_280, %and3A_282 : vector<512x1xi32>
    %eq3A_284 = arith.constant 1 : i32
    %eq3A_285 = vector.broadcast %eq3A_284 : i32 to vector<512x1xi32>
    %eq3A_286 = arith.cmpi eq, %and3A_283, %eq3A_285 : vector<512x1xi32>
    %shift_right_logical3A_287 = arith.constant 7 : i32
    %shift_right_logical3A_288 = vector.broadcast %shift_right_logical3A_287 : i32 to vector<512x1xi32>
    %shift_right_logical3A_289 = arith.shrui %slice3A_277, %shift_right_logical3A_288 : vector<512x1xi32>
    %and3A_290 = arith.constant 1 : i32
    %and3A_291 = vector.broadcast %and3A_290 : i32 to vector<512x1xi32>
    %and3A_292 = arith.andi %shift_right_logical3A_289, %and3A_291 : vector<512x1xi32>
    %eq3A_293 = arith.constant 1 : i32
    %eq3A_294 = vector.broadcast %eq3A_293 : i32 to vector<512x1xi32>
    %eq3A_295 = arith.cmpi eq, %and3A_292, %eq3A_294 : vector<512x1xi32>
    %get3A_296 = arith.constant 6 : index
    %get3A_297 = arith.constant 0 : index
    %get3A_298 = arith.constant 0 : index
    %get3A_299 = vector.load %arg1[%get3A_296, %get3A_297, %get3A_298] : memref<26x512x128xf32, #tpu.memory_space<vmem>>, vector<1x512x128xf32>
    %get3A_300 = vector.shape_cast %get3A_299 : vector<1x512x128xf32> to vector<512x128xf32>
    %slice3A_301 = vector.extract_strided_slice %get3A_300 {offsets = [0, 64], sizes = [512, 64], strides = [1, 1]} : vector<512x128xf32> to vector<512x64xf32>
    %slice3A_302 = vector.extract_strided_slice %get3A_300 {offsets = [0, 0], sizes = [512, 64], strides = [1, 1]} : vector<512x128xf32> to vector<512x64xf32>
    %broadcast_in_dim3A_303 = vector.shape_cast %eq3A_286 : vector<512x1xi1> to vector<512x1xi1>
    %broadcast_in_dim3A_304 = vector.broadcast %broadcast_in_dim3A_303 : vector<512x1xi1> to vector<512x64xi1>
    %select_n3A_305 = arith.select %broadcast_in_dim3A_304, %slice3A_301, %slice3A_302 : vector<512x64xi1>, vector<512x64xf32>
    %bitcast_convert_type3A_306 = tpu.bitcast %select_n3A_305 : vector<512x64xf32> -> vector<512x64xi32>
    %shift_left3A_307 = arith.constant 16 : i32
    %shift_left3A_308 = vector.broadcast %shift_left3A_307 : i32 to vector<512x64xi32>
    %shift_left3A_309 = arith.shli %bitcast_convert_type3A_306, %shift_left3A_308 : vector<512x64xi32>
    %and3A_310 = arith.constant -65536 : i32
    %and3A_311 = vector.broadcast %and3A_310 : i32 to vector<512x64xi32>
    %and3A_312 = arith.andi %bitcast_convert_type3A_306, %and3A_311 : vector<512x64xi32>
    %broadcast_in_dim3A_313 = vector.shape_cast %eq3A_295 : vector<512x1xi1> to vector<512x1xi1>
    %broadcast_in_dim3A_314 = vector.broadcast %broadcast_in_dim3A_313 : vector<512x1xi1> to vector<512x64xi1>
    %select_n3A_315 = arith.select %broadcast_in_dim3A_314, %shift_left3A_309, %and3A_312 : vector<512x64xi1>, vector<512x64xi32>
    %bitcast_convert_type3A_316 = tpu.bitcast %select_n3A_315 : vector<512x64xi32> -> vector<512x64xf32>
    %add3A_317 = arith.addf %add3A_266, %bitcast_convert_type3A_316 : vector<512x64xf32>
    %mul3A_318 = arith.mulf %bitcast_convert_type3A_316, %bitcast_convert_type3A_316 : vector<512x64xf32>
    %add3A_319 = arith.addf %add3A_268, %mul3A_318 : vector<512x64xf32>
    %slice3A_320 = vector.extract_strided_slice %get3A_1 {offsets = [0, 7], sizes = [512, 1], strides = [1, 1]} : vector<512x32xi32> to vector<512x1xi32>
    %shift_right_logical3A_321 = arith.constant 8 : i32
    %shift_right_logical3A_322 = vector.broadcast %shift_right_logical3A_321 : i32 to vector<512x1xi32>
    %shift_right_logical3A_323 = arith.shrui %slice3A_320, %shift_right_logical3A_322 : vector<512x1xi32>
    %and3A_324 = arith.constant 1 : i32
    %and3A_325 = vector.broadcast %and3A_324 : i32 to vector<512x1xi32>
    %and3A_326 = arith.andi %shift_right_logical3A_323, %and3A_325 : vector<512x1xi32>
    %eq3A_327 = arith.constant 1 : i32
    %eq3A_328 = vector.broadcast %eq3A_327 : i32 to vector<512x1xi32>
    %eq3A_329 = arith.cmpi eq, %and3A_326, %eq3A_328 : vector<512x1xi32>
    %shift_right_logical3A_330 = arith.constant 7 : i32
    %shift_right_logical3A_331 = vector.broadcast %shift_right_logical3A_330 : i32 to vector<512x1xi32>
    %shift_right_logical3A_332 = arith.shrui %slice3A_320, %shift_right_logical3A_331 : vector<512x1xi32>
    %and3A_333 = arith.constant 1 : i32
    %and3A_334 = vector.broadcast %and3A_333 : i32 to vector<512x1xi32>
    %and3A_335 = arith.andi %shift_right_logical3A_332, %and3A_334 : vector<512x1xi32>
    %eq3A_336 = arith.constant 1 : i32
    %eq3A_337 = vector.broadcast %eq3A_336 : i32 to vector<512x1xi32>
    %eq3A_338 = arith.cmpi eq, %and3A_335, %eq3A_337 : vector<512x1xi32>
    %get3A_339 = arith.constant 7 : index
    %get3A_340 = arith.constant 0 : index
    %get3A_341 = arith.constant 0 : index
    %get3A_342 = vector.load %arg1[%get3A_339, %get3A_340, %get3A_341] : memref<26x512x128xf32, #tpu.memory_space<vmem>>, vector<1x512x128xf32>
    %get3A_343 = vector.shape_cast %get3A_342 : vector<1x512x128xf32> to vector<512x128xf32>
    %slice3A_344 = vector.extract_strided_slice %get3A_343 {offsets = [0, 64], sizes = [512, 64], strides = [1, 1]} : vector<512x128xf32> to vector<512x64xf32>
    %slice3A_345 = vector.extract_strided_slice %get3A_343 {offsets = [0, 0], sizes = [512, 64], strides = [1, 1]} : vector<512x128xf32> to vector<512x64xf32>
    %broadcast_in_dim3A_346 = vector.shape_cast %eq3A_329 : vector<512x1xi1> to vector<512x1xi1>
    %broadcast_in_dim3A_347 = vector.broadcast %broadcast_in_dim3A_346 : vector<512x1xi1> to vector<512x64xi1>
    %select_n3A_348 = arith.select %broadcast_in_dim3A_347, %slice3A_344, %slice3A_345 : vector<512x64xi1>, vector<512x64xf32>
    %bitcast_convert_type3A_349 = tpu.bitcast %select_n3A_348 : vector<512x64xf32> -> vector<512x64xi32>
    %shift_left3A_350 = arith.constant 16 : i32
    %shift_left3A_351 = vector.broadcast %shift_left3A_350 : i32 to vector<512x64xi32>
    %shift_left3A_352 = arith.shli %bitcast_convert_type3A_349, %shift_left3A_351 : vector<512x64xi32>
    %and3A_353 = arith.constant -65536 : i32
    %and3A_354 = vector.broadcast %and3A_353 : i32 to vector<512x64xi32>
    %and3A_355 = arith.andi %bitcast_convert_type3A_349, %and3A_354 : vector<512x64xi32>
    %broadcast_in_dim3A_356 = vector.shape_cast %eq3A_338 : vector<512x1xi1> to vector<512x1xi1>
    %broadcast_in_dim3A_357 = vector.broadcast %broadcast_in_dim3A_356 : vector<512x1xi1> to vector<512x64xi1>
    %select_n3A_358 = arith.select %broadcast_in_dim3A_357, %shift_left3A_352, %and3A_355 : vector<512x64xi1>, vector<512x64xi32>
    %bitcast_convert_type3A_359 = tpu.bitcast %select_n3A_358 : vector<512x64xi32> -> vector<512x64xf32>
    %add3A_360 = arith.addf %add3A_317, %bitcast_convert_type3A_359 : vector<512x64xf32>
    %mul3A_361 = arith.mulf %bitcast_convert_type3A_359, %bitcast_convert_type3A_359 : vector<512x64xf32>
    %add3A_362 = arith.addf %add3A_319, %mul3A_361 : vector<512x64xf32>
    %concatenate3A_363 = tpu.concatenate %bitcast_convert_type3A_316, %bitcast_convert_type3A_359 in 1 : vector<512x64xf32>, vector<512x64xf32> -> vector<512x128xf32>
    %convert_element_type3A_364 = arith.truncf %concatenate3A_363 : vector<512x128xf32> to vector<512x128xbf16>
    %get3A_365 = arith.constant 0 : index
    %get3A_366 = arith.constant 384 : index
    %get3A_367 = vector.load %arg6[%get3A_365, %get3A_366] : memref<1024x1664xbf16, #tpu.memory_space<vmem>>, vector<1024x128xbf16>
    %dot_general3A_368 = arith.constant dense<0.000000e+00> : vector<512x1024xf32>
    %dot_general3A_369 = tpu.matmul %convert_element_type3A_364, %get3A_367, %dot_general3A_368 {dimension_numbers = #tpu.dot_dimension_numbers<[1], [1], [0], [0], [0, 0, 1, 0], [], []>, transpose_lhs_hint = false} : vector<512x128xbf16>, vector<1024x128xbf16>, vector<512x1024xf32> -> vector<512x1024xf32>
    %add3A_370 = arith.addf %add3A_276, %dot_general3A_369 : vector<512x1024xf32>
    %slice3A_371 = vector.extract_strided_slice %get3A_1 {offsets = [0, 8], sizes = [512, 1], strides = [1, 1]} : vector<512x32xi32> to vector<512x1xi32>
    %shift_right_logical3A_372 = arith.constant 8 : i32
    %shift_right_logical3A_373 = vector.broadcast %shift_right_logical3A_372 : i32 to vector<512x1xi32>
    %shift_right_logical3A_374 = arith.shrui %slice3A_371, %shift_right_logical3A_373 : vector<512x1xi32>
    %and3A_375 = arith.constant 1 : i32
    %and3A_376 = vector.broadcast %and3A_375 : i32 to vector<512x1xi32>
    %and3A_377 = arith.andi %shift_right_logical3A_374, %and3A_376 : vector<512x1xi32>
    %eq3A_378 = arith.constant 1 : i32
    %eq3A_379 = vector.broadcast %eq3A_378 : i32 to vector<512x1xi32>
    %eq3A_380 = arith.cmpi eq, %and3A_377, %eq3A_379 : vector<512x1xi32>
    %shift_right_logical3A_381 = arith.constant 7 : i32
    %shift_right_logical3A_382 = vector.broadcast %shift_right_logical3A_381 : i32 to vector<512x1xi32>
    %shift_right_logical3A_383 = arith.shrui %slice3A_371, %shift_right_logical3A_382 : vector<512x1xi32>
    %and3A_384 = arith.constant 1 : i32
    %and3A_385 = vector.broadcast %and3A_384 : i32 to vector<512x1xi32>
    %and3A_386 = arith.andi %shift_right_logical3A_383, %and3A_385 : vector<512x1xi32>
    %eq3A_387 = arith.constant 1 : i32
    %eq3A_388 = vector.broadcast %eq3A_387 : i32 to vector<512x1xi32>
    %eq3A_389 = arith.cmpi eq, %and3A_386, %eq3A_388 : vector<512x1xi32>
    %get3A_390 = arith.constant 8 : index
    %get3A_391 = arith.constant 0 : index
    %get3A_392 = arith.constant 0 : index
    %get3A_393 = vector.load %arg1[%get3A_390, %get3A_391, %get3A_392] : memref<26x512x128xf32, #tpu.memory_space<vmem>>, vector<1x512x128xf32>
    %get3A_394 = vector.shape_cast %get3A_393 : vector<1x512x128xf32> to vector<512x128xf32>
    %slice3A_395 = vector.extract_strided_slice %get3A_394 {offsets = [0, 64], sizes = [512, 64], strides = [1, 1]} : vector<512x128xf32> to vector<512x64xf32>
    %slice3A_396 = vector.extract_strided_slice %get3A_394 {offsets = [0, 0], sizes = [512, 64], strides = [1, 1]} : vector<512x128xf32> to vector<512x64xf32>
    %broadcast_in_dim3A_397 = vector.shape_cast %eq3A_380 : vector<512x1xi1> to vector<512x1xi1>
    %broadcast_in_dim3A_398 = vector.broadcast %broadcast_in_dim3A_397 : vector<512x1xi1> to vector<512x64xi1>
    %select_n3A_399 = arith.select %broadcast_in_dim3A_398, %slice3A_395, %slice3A_396 : vector<512x64xi1>, vector<512x64xf32>
    %bitcast_convert_type3A_400 = tpu.bitcast %select_n3A_399 : vector<512x64xf32> -> vector<512x64xi32>
    %shift_left3A_401 = arith.constant 16 : i32
    %shift_left3A_402 = vector.broadcast %shift_left3A_401 : i32 to vector<512x64xi32>
    %shift_left3A_403 = arith.shli %bitcast_convert_type3A_400, %shift_left3A_402 : vector<512x64xi32>
    %and3A_404 = arith.constant -65536 : i32
    %and3A_405 = vector.broadcast %and3A_404 : i32 to vector<512x64xi32>
    %and3A_406 = arith.andi %bitcast_convert_type3A_400, %and3A_405 : vector<512x64xi32>
    %broadcast_in_dim3A_407 = vector.shape_cast %eq3A_389 : vector<512x1xi1> to vector<512x1xi1>
    %broadcast_in_dim3A_408 = vector.broadcast %broadcast_in_dim3A_407 : vector<512x1xi1> to vector<512x64xi1>
    %select_n3A_409 = arith.select %broadcast_in_dim3A_408, %shift_left3A_403, %and3A_406 : vector<512x64xi1>, vector<512x64xi32>
    %bitcast_convert_type3A_410 = tpu.bitcast %select_n3A_409 : vector<512x64xi32> -> vector<512x64xf32>
    %add3A_411 = arith.addf %add3A_360, %bitcast_convert_type3A_410 : vector<512x64xf32>
    %mul3A_412 = arith.mulf %bitcast_convert_type3A_410, %bitcast_convert_type3A_410 : vector<512x64xf32>
    %add3A_413 = arith.addf %add3A_362, %mul3A_412 : vector<512x64xf32>
    %slice3A_414 = vector.extract_strided_slice %get3A_1 {offsets = [0, 9], sizes = [512, 1], strides = [1, 1]} : vector<512x32xi32> to vector<512x1xi32>
    %shift_right_logical3A_415 = arith.constant 8 : i32
    %shift_right_logical3A_416 = vector.broadcast %shift_right_logical3A_415 : i32 to vector<512x1xi32>
    %shift_right_logical3A_417 = arith.shrui %slice3A_414, %shift_right_logical3A_416 : vector<512x1xi32>
    %and3A_418 = arith.constant 1 : i32
    %and3A_419 = vector.broadcast %and3A_418 : i32 to vector<512x1xi32>
    %and3A_420 = arith.andi %shift_right_logical3A_417, %and3A_419 : vector<512x1xi32>
    %eq3A_421 = arith.constant 1 : i32
    %eq3A_422 = vector.broadcast %eq3A_421 : i32 to vector<512x1xi32>
    %eq3A_423 = arith.cmpi eq, %and3A_420, %eq3A_422 : vector<512x1xi32>
    %shift_right_logical3A_424 = arith.constant 7 : i32
    %shift_right_logical3A_425 = vector.broadcast %shift_right_logical3A_424 : i32 to vector<512x1xi32>
    %shift_right_logical3A_426 = arith.shrui %slice3A_414, %shift_right_logical3A_425 : vector<512x1xi32>
    %and3A_427 = arith.constant 1 : i32
    %and3A_428 = vector.broadcast %and3A_427 : i32 to vector<512x1xi32>
    %and3A_429 = arith.andi %shift_right_logical3A_426, %and3A_428 : vector<512x1xi32>
    %eq3A_430 = arith.constant 1 : i32
    %eq3A_431 = vector.broadcast %eq3A_430 : i32 to vector<512x1xi32>
    %eq3A_432 = arith.cmpi eq, %and3A_429, %eq3A_431 : vector<512x1xi32>
    %get3A_433 = arith.constant 9 : index
    %get3A_434 = arith.constant 0 : index
    %get3A_435 = arith.constant 0 : index
    %get3A_436 = vector.load %arg1[%get3A_433, %get3A_434, %get3A_435] : memref<26x512x128xf32, #tpu.memory_space<vmem>>, vector<1x512x128xf32>
    %get3A_437 = vector.shape_cast %get3A_436 : vector<1x512x128xf32> to vector<512x128xf32>
    %slice3A_438 = vector.extract_strided_slice %get3A_437 {offsets = [0, 64], sizes = [512, 64], strides = [1, 1]} : vector<512x128xf32> to vector<512x64xf32>
    %slice3A_439 = vector.extract_strided_slice %get3A_437 {offsets = [0, 0], sizes = [512, 64], strides = [1, 1]} : vector<512x128xf32> to vector<512x64xf32>
    %broadcast_in_dim3A_440 = vector.shape_cast %eq3A_423 : vector<512x1xi1> to vector<512x1xi1>
    %broadcast_in_dim3A_441 = vector.broadcast %broadcast_in_dim3A_440 : vector<512x1xi1> to vector<512x64xi1>
    %select_n3A_442 = arith.select %broadcast_in_dim3A_441, %slice3A_438, %slice3A_439 : vector<512x64xi1>, vector<512x64xf32>
    %bitcast_convert_type3A_443 = tpu.bitcast %select_n3A_442 : vector<512x64xf32> -> vector<512x64xi32>
    %shift_left3A_444 = arith.constant 16 : i32
    %shift_left3A_445 = vector.broadcast %shift_left3A_444 : i32 to vector<512x64xi32>
    %shift_left3A_446 = arith.shli %bitcast_convert_type3A_443, %shift_left3A_445 : vector<512x64xi32>
    %and3A_447 = arith.constant -65536 : i32
    %and3A_448 = vector.broadcast %and3A_447 : i32 to vector<512x64xi32>
    %and3A_449 = arith.andi %bitcast_convert_type3A_443, %and3A_448 : vector<512x64xi32>
    %broadcast_in_dim3A_450 = vector.shape_cast %eq3A_432 : vector<512x1xi1> to vector<512x1xi1>
    %broadcast_in_dim3A_451 = vector.broadcast %broadcast_in_dim3A_450 : vector<512x1xi1> to vector<512x64xi1>
    %select_n3A_452 = arith.select %broadcast_in_dim3A_451, %shift_left3A_446, %and3A_449 : vector<512x64xi1>, vector<512x64xi32>
    %bitcast_convert_type3A_453 = tpu.bitcast %select_n3A_452 : vector<512x64xi32> -> vector<512x64xf32>
    %add3A_454 = arith.addf %add3A_411, %bitcast_convert_type3A_453 : vector<512x64xf32>
    %mul3A_455 = arith.mulf %bitcast_convert_type3A_453, %bitcast_convert_type3A_453 : vector<512x64xf32>
    %add3A_456 = arith.addf %add3A_413, %mul3A_455 : vector<512x64xf32>
    %concatenate3A_457 = tpu.concatenate %bitcast_convert_type3A_410, %bitcast_convert_type3A_453 in 1 : vector<512x64xf32>, vector<512x64xf32> -> vector<512x128xf32>
    %convert_element_type3A_458 = arith.truncf %concatenate3A_457 : vector<512x128xf32> to vector<512x128xbf16>
    %get3A_459 = arith.constant 0 : index
    %get3A_460 = arith.constant 512 : index
    %get3A_461 = vector.load %arg6[%get3A_459, %get3A_460] : memref<1024x1664xbf16, #tpu.memory_space<vmem>>, vector<1024x128xbf16>
    %dot_general3A_462 = arith.constant dense<0.000000e+00> : vector<512x1024xf32>
    %dot_general3A_463 = tpu.matmul %convert_element_type3A_458, %get3A_461, %dot_general3A_462 {dimension_numbers = #tpu.dot_dimension_numbers<[1], [1], [0], [0], [0, 0, 1, 0], [], []>, transpose_lhs_hint = false} : vector<512x128xbf16>, vector<1024x128xbf16>, vector<512x1024xf32> -> vector<512x1024xf32>
    %add3A_464 = arith.addf %add3A_370, %dot_general3A_463 : vector<512x1024xf32>
    %slice3A_465 = vector.extract_strided_slice %get3A_1 {offsets = [0, 10], sizes = [512, 1], strides = [1, 1]} : vector<512x32xi32> to vector<512x1xi32>
    %shift_right_logical3A_466 = arith.constant 8 : i32
    %shift_right_logical3A_467 = vector.broadcast %shift_right_logical3A_466 : i32 to vector<512x1xi32>
    %shift_right_logical3A_468 = arith.shrui %slice3A_465, %shift_right_logical3A_467 : vector<512x1xi32>
    %and3A_469 = arith.constant 1 : i32
    %and3A_470 = vector.broadcast %and3A_469 : i32 to vector<512x1xi32>
    %and3A_471 = arith.andi %shift_right_logical3A_468, %and3A_470 : vector<512x1xi32>
    %eq3A_472 = arith.constant 1 : i32
    %eq3A_473 = vector.broadcast %eq3A_472 : i32 to vector<512x1xi32>
    %eq3A_474 = arith.cmpi eq, %and3A_471, %eq3A_473 : vector<512x1xi32>
    %shift_right_logical3A_475 = arith.constant 7 : i32
    %shift_right_logical3A_476 = vector.broadcast %shift_right_logical3A_475 : i32 to vector<512x1xi32>
    %shift_right_logical3A_477 = arith.shrui %slice3A_465, %shift_right_logical3A_476 : vector<512x1xi32>
    %and3A_478 = arith.constant 1 : i32
    %and3A_479 = vector.broadcast %and3A_478 : i32 to vector<512x1xi32>
    %and3A_480 = arith.andi %shift_right_logical3A_477, %and3A_479 : vector<512x1xi32>
    %eq3A_481 = arith.constant 1 : i32
    %eq3A_482 = vector.broadcast %eq3A_481 : i32 to vector<512x1xi32>
    %eq3A_483 = arith.cmpi eq, %and3A_480, %eq3A_482 : vector<512x1xi32>
    %get3A_484 = arith.constant 10 : index
    %get3A_485 = arith.constant 0 : index
    %get3A_486 = arith.constant 0 : index
    %get3A_487 = vector.load %arg1[%get3A_484, %get3A_485, %get3A_486] : memref<26x512x128xf32, #tpu.memory_space<vmem>>, vector<1x512x128xf32>
    %get3A_488 = vector.shape_cast %get3A_487 : vector<1x512x128xf32> to vector<512x128xf32>
    %slice3A_489 = vector.extract_strided_slice %get3A_488 {offsets = [0, 64], sizes = [512, 64], strides = [1, 1]} : vector<512x128xf32> to vector<512x64xf32>
    %slice3A_490 = vector.extract_strided_slice %get3A_488 {offsets = [0, 0], sizes = [512, 64], strides = [1, 1]} : vector<512x128xf32> to vector<512x64xf32>
    %broadcast_in_dim3A_491 = vector.shape_cast %eq3A_474 : vector<512x1xi1> to vector<512x1xi1>
    %broadcast_in_dim3A_492 = vector.broadcast %broadcast_in_dim3A_491 : vector<512x1xi1> to vector<512x64xi1>
    %select_n3A_493 = arith.select %broadcast_in_dim3A_492, %slice3A_489, %slice3A_490 : vector<512x64xi1>, vector<512x64xf32>
    %bitcast_convert_type3A_494 = tpu.bitcast %select_n3A_493 : vector<512x64xf32> -> vector<512x64xi32>
    %shift_left3A_495 = arith.constant 16 : i32
    %shift_left3A_496 = vector.broadcast %shift_left3A_495 : i32 to vector<512x64xi32>
    %shift_left3A_497 = arith.shli %bitcast_convert_type3A_494, %shift_left3A_496 : vector<512x64xi32>
    %and3A_498 = arith.constant -65536 : i32
    %and3A_499 = vector.broadcast %and3A_498 : i32 to vector<512x64xi32>
    %and3A_500 = arith.andi %bitcast_convert_type3A_494, %and3A_499 : vector<512x64xi32>
    %broadcast_in_dim3A_501 = vector.shape_cast %eq3A_483 : vector<512x1xi1> to vector<512x1xi1>
    %broadcast_in_dim3A_502 = vector.broadcast %broadcast_in_dim3A_501 : vector<512x1xi1> to vector<512x64xi1>
    %select_n3A_503 = arith.select %broadcast_in_dim3A_502, %shift_left3A_497, %and3A_500 : vector<512x64xi1>, vector<512x64xi32>
    %bitcast_convert_type3A_504 = tpu.bitcast %select_n3A_503 : vector<512x64xi32> -> vector<512x64xf32>
    %add3A_505 = arith.addf %add3A_454, %bitcast_convert_type3A_504 : vector<512x64xf32>
    %mul3A_506 = arith.mulf %bitcast_convert_type3A_504, %bitcast_convert_type3A_504 : vector<512x64xf32>
    %add3A_507 = arith.addf %add3A_456, %mul3A_506 : vector<512x64xf32>
    %slice3A_508 = vector.extract_strided_slice %get3A_1 {offsets = [0, 11], sizes = [512, 1], strides = [1, 1]} : vector<512x32xi32> to vector<512x1xi32>
    %shift_right_logical3A_509 = arith.constant 8 : i32
    %shift_right_logical3A_510 = vector.broadcast %shift_right_logical3A_509 : i32 to vector<512x1xi32>
    %shift_right_logical3A_511 = arith.shrui %slice3A_508, %shift_right_logical3A_510 : vector<512x1xi32>
    %and3A_512 = arith.constant 1 : i32
    %and3A_513 = vector.broadcast %and3A_512 : i32 to vector<512x1xi32>
    %and3A_514 = arith.andi %shift_right_logical3A_511, %and3A_513 : vector<512x1xi32>
    %eq3A_515 = arith.constant 1 : i32
    %eq3A_516 = vector.broadcast %eq3A_515 : i32 to vector<512x1xi32>
    %eq3A_517 = arith.cmpi eq, %and3A_514, %eq3A_516 : vector<512x1xi32>
    %shift_right_logical3A_518 = arith.constant 7 : i32
    %shift_right_logical3A_519 = vector.broadcast %shift_right_logical3A_518 : i32 to vector<512x1xi32>
    %shift_right_logical3A_520 = arith.shrui %slice3A_508, %shift_right_logical3A_519 : vector<512x1xi32>
    %and3A_521 = arith.constant 1 : i32
    %and3A_522 = vector.broadcast %and3A_521 : i32 to vector<512x1xi32>
    %and3A_523 = arith.andi %shift_right_logical3A_520, %and3A_522 : vector<512x1xi32>
    %eq3A_524 = arith.constant 1 : i32
    %eq3A_525 = vector.broadcast %eq3A_524 : i32 to vector<512x1xi32>
    %eq3A_526 = arith.cmpi eq, %and3A_523, %eq3A_525 : vector<512x1xi32>
    %get3A_527 = arith.constant 11 : index
    %get3A_528 = arith.constant 0 : index
    %get3A_529 = arith.constant 0 : index
    %get3A_530 = vector.load %arg1[%get3A_527, %get3A_528, %get3A_529] : memref<26x512x128xf32, #tpu.memory_space<vmem>>, vector<1x512x128xf32>
    %get3A_531 = vector.shape_cast %get3A_530 : vector<1x512x128xf32> to vector<512x128xf32>
    %slice3A_532 = vector.extract_strided_slice %get3A_531 {offsets = [0, 64], sizes = [512, 64], strides = [1, 1]} : vector<512x128xf32> to vector<512x64xf32>
    %slice3A_533 = vector.extract_strided_slice %get3A_531 {offsets = [0, 0], sizes = [512, 64], strides = [1, 1]} : vector<512x128xf32> to vector<512x64xf32>
    %broadcast_in_dim3A_534 = vector.shape_cast %eq3A_517 : vector<512x1xi1> to vector<512x1xi1>
    %broadcast_in_dim3A_535 = vector.broadcast %broadcast_in_dim3A_534 : vector<512x1xi1> to vector<512x64xi1>
    %select_n3A_536 = arith.select %broadcast_in_dim3A_535, %slice3A_532, %slice3A_533 : vector<512x64xi1>, vector<512x64xf32>
    %bitcast_convert_type3A_537 = tpu.bitcast %select_n3A_536 : vector<512x64xf32> -> vector<512x64xi32>
    %shift_left3A_538 = arith.constant 16 : i32
    %shift_left3A_539 = vector.broadcast %shift_left3A_538 : i32 to vector<512x64xi32>
    %shift_left3A_540 = arith.shli %bitcast_convert_type3A_537, %shift_left3A_539 : vector<512x64xi32>
    %and3A_541 = arith.constant -65536 : i32
    %and3A_542 = vector.broadcast %and3A_541 : i32 to vector<512x64xi32>
    %and3A_543 = arith.andi %bitcast_convert_type3A_537, %and3A_542 : vector<512x64xi32>
    %broadcast_in_dim3A_544 = vector.shape_cast %eq3A_526 : vector<512x1xi1> to vector<512x1xi1>
    %broadcast_in_dim3A_545 = vector.broadcast %broadcast_in_dim3A_544 : vector<512x1xi1> to vector<512x64xi1>
    %select_n3A_546 = arith.select %broadcast_in_dim3A_545, %shift_left3A_540, %and3A_543 : vector<512x64xi1>, vector<512x64xi32>
    %bitcast_convert_type3A_547 = tpu.bitcast %select_n3A_546 : vector<512x64xi32> -> vector<512x64xf32>
    %add3A_548 = arith.addf %add3A_505, %bitcast_convert_type3A_547 : vector<512x64xf32>
    %mul3A_549 = arith.mulf %bitcast_convert_type3A_547, %bitcast_convert_type3A_547 : vector<512x64xf32>
    %add3A_550 = arith.addf %add3A_507, %mul3A_549 : vector<512x64xf32>
    %concatenate3A_551 = tpu.concatenate %bitcast_convert_type3A_504, %bitcast_convert_type3A_547 in 1 : vector<512x64xf32>, vector<512x64xf32> -> vector<512x128xf32>
    %convert_element_type3A_552 = arith.truncf %concatenate3A_551 : vector<512x128xf32> to vector<512x128xbf16>
    %get3A_553 = arith.constant 0 : index
    %get3A_554 = arith.constant 640 : index
    %get3A_555 = vector.load %arg6[%get3A_553, %get3A_554] : memref<1024x1664xbf16, #tpu.memory_space<vmem>>, vector<1024x128xbf16>
    %dot_general3A_556 = arith.constant dense<0.000000e+00> : vector<512x1024xf32>
    %dot_general3A_557 = tpu.matmul %convert_element_type3A_552, %get3A_555, %dot_general3A_556 {dimension_numbers = #tpu.dot_dimension_numbers<[1], [1], [0], [0], [0, 0, 1, 0], [], []>, transpose_lhs_hint = false} : vector<512x128xbf16>, vector<1024x128xbf16>, vector<512x1024xf32> -> vector<512x1024xf32>
    %add3A_558 = arith.addf %add3A_464, %dot_general3A_557 : vector<512x1024xf32>
    %slice3A_559 = vector.extract_strided_slice %get3A_1 {offsets = [0, 12], sizes = [512, 1], strides = [1, 1]} : vector<512x32xi32> to vector<512x1xi32>
    %shift_right_logical3A_560 = arith.constant 8 : i32
    %shift_right_logical3A_561 = vector.broadcast %shift_right_logical3A_560 : i32 to vector<512x1xi32>
    %shift_right_logical3A_562 = arith.shrui %slice3A_559, %shift_right_logical3A_561 : vector<512x1xi32>
    %and3A_563 = arith.constant 1 : i32
    %and3A_564 = vector.broadcast %and3A_563 : i32 to vector<512x1xi32>
    %and3A_565 = arith.andi %shift_right_logical3A_562, %and3A_564 : vector<512x1xi32>
    %eq3A_566 = arith.constant 1 : i32
    %eq3A_567 = vector.broadcast %eq3A_566 : i32 to vector<512x1xi32>
    %eq3A_568 = arith.cmpi eq, %and3A_565, %eq3A_567 : vector<512x1xi32>
    %shift_right_logical3A_569 = arith.constant 7 : i32
    %shift_right_logical3A_570 = vector.broadcast %shift_right_logical3A_569 : i32 to vector<512x1xi32>
    %shift_right_logical3A_571 = arith.shrui %slice3A_559, %shift_right_logical3A_570 : vector<512x1xi32>
    %and3A_572 = arith.constant 1 : i32
    %and3A_573 = vector.broadcast %and3A_572 : i32 to vector<512x1xi32>
    %and3A_574 = arith.andi %shift_right_logical3A_571, %and3A_573 : vector<512x1xi32>
    %eq3A_575 = arith.constant 1 : i32
    %eq3A_576 = vector.broadcast %eq3A_575 : i32 to vector<512x1xi32>
    %eq3A_577 = arith.cmpi eq, %and3A_574, %eq3A_576 : vector<512x1xi32>
    %get3A_578 = arith.constant 12 : index
    %get3A_579 = arith.constant 0 : index
    %get3A_580 = arith.constant 0 : index
    %get3A_581 = vector.load %arg1[%get3A_578, %get3A_579, %get3A_580] : memref<26x512x128xf32, #tpu.memory_space<vmem>>, vector<1x512x128xf32>
    %get3A_582 = vector.shape_cast %get3A_581 : vector<1x512x128xf32> to vector<512x128xf32>
    %slice3A_583 = vector.extract_strided_slice %get3A_582 {offsets = [0, 64], sizes = [512, 64], strides = [1, 1]} : vector<512x128xf32> to vector<512x64xf32>
    %slice3A_584 = vector.extract_strided_slice %get3A_582 {offsets = [0, 0], sizes = [512, 64], strides = [1, 1]} : vector<512x128xf32> to vector<512x64xf32>
    %broadcast_in_dim3A_585 = vector.shape_cast %eq3A_568 : vector<512x1xi1> to vector<512x1xi1>
    %broadcast_in_dim3A_586 = vector.broadcast %broadcast_in_dim3A_585 : vector<512x1xi1> to vector<512x64xi1>
    %select_n3A_587 = arith.select %broadcast_in_dim3A_586, %slice3A_583, %slice3A_584 : vector<512x64xi1>, vector<512x64xf32>
    %bitcast_convert_type3A_588 = tpu.bitcast %select_n3A_587 : vector<512x64xf32> -> vector<512x64xi32>
    %shift_left3A_589 = arith.constant 16 : i32
    %shift_left3A_590 = vector.broadcast %shift_left3A_589 : i32 to vector<512x64xi32>
    %shift_left3A_591 = arith.shli %bitcast_convert_type3A_588, %shift_left3A_590 : vector<512x64xi32>
    %and3A_592 = arith.constant -65536 : i32
    %and3A_593 = vector.broadcast %and3A_592 : i32 to vector<512x64xi32>
    %and3A_594 = arith.andi %bitcast_convert_type3A_588, %and3A_593 : vector<512x64xi32>
    %broadcast_in_dim3A_595 = vector.shape_cast %eq3A_577 : vector<512x1xi1> to vector<512x1xi1>
    %broadcast_in_dim3A_596 = vector.broadcast %broadcast_in_dim3A_595 : vector<512x1xi1> to vector<512x64xi1>
    %select_n3A_597 = arith.select %broadcast_in_dim3A_596, %shift_left3A_591, %and3A_594 : vector<512x64xi1>, vector<512x64xi32>
    %bitcast_convert_type3A_598 = tpu.bitcast %select_n3A_597 : vector<512x64xi32> -> vector<512x64xf32>
    %add3A_599 = arith.addf %add3A_548, %bitcast_convert_type3A_598 : vector<512x64xf32>
    %mul3A_600 = arith.mulf %bitcast_convert_type3A_598, %bitcast_convert_type3A_598 : vector<512x64xf32>
    %add3A_601 = arith.addf %add3A_550, %mul3A_600 : vector<512x64xf32>
    %slice3A_602 = vector.extract_strided_slice %get3A_1 {offsets = [0, 13], sizes = [512, 1], strides = [1, 1]} : vector<512x32xi32> to vector<512x1xi32>
    %shift_right_logical3A_603 = arith.constant 8 : i32
    %shift_right_logical3A_604 = vector.broadcast %shift_right_logical3A_603 : i32 to vector<512x1xi32>
    %shift_right_logical3A_605 = arith.shrui %slice3A_602, %shift_right_logical3A_604 : vector<512x1xi32>
    %and3A_606 = arith.constant 1 : i32
    %and3A_607 = vector.broadcast %and3A_606 : i32 to vector<512x1xi32>
    %and3A_608 = arith.andi %shift_right_logical3A_605, %and3A_607 : vector<512x1xi32>
    %eq3A_609 = arith.constant 1 : i32
    %eq3A_610 = vector.broadcast %eq3A_609 : i32 to vector<512x1xi32>
    %eq3A_611 = arith.cmpi eq, %and3A_608, %eq3A_610 : vector<512x1xi32>
    %shift_right_logical3A_612 = arith.constant 7 : i32
    %shift_right_logical3A_613 = vector.broadcast %shift_right_logical3A_612 : i32 to vector<512x1xi32>
    %shift_right_logical3A_614 = arith.shrui %slice3A_602, %shift_right_logical3A_613 : vector<512x1xi32>
    %and3A_615 = arith.constant 1 : i32
    %and3A_616 = vector.broadcast %and3A_615 : i32 to vector<512x1xi32>
    %and3A_617 = arith.andi %shift_right_logical3A_614, %and3A_616 : vector<512x1xi32>
    %eq3A_618 = arith.constant 1 : i32
    %eq3A_619 = vector.broadcast %eq3A_618 : i32 to vector<512x1xi32>
    %eq3A_620 = arith.cmpi eq, %and3A_617, %eq3A_619 : vector<512x1xi32>
    %get3A_621 = arith.constant 13 : index
    %get3A_622 = arith.constant 0 : index
    %get3A_623 = arith.constant 0 : index
    %get3A_624 = vector.load %arg1[%get3A_621, %get3A_622, %get3A_623] : memref<26x512x128xf32, #tpu.memory_space<vmem>>, vector<1x512x128xf32>
    %get3A_625 = vector.shape_cast %get3A_624 : vector<1x512x128xf32> to vector<512x128xf32>
    %slice3A_626 = vector.extract_strided_slice %get3A_625 {offsets = [0, 64], sizes = [512, 64], strides = [1, 1]} : vector<512x128xf32> to vector<512x64xf32>
    %slice3A_627 = vector.extract_strided_slice %get3A_625 {offsets = [0, 0], sizes = [512, 64], strides = [1, 1]} : vector<512x128xf32> to vector<512x64xf32>
    %broadcast_in_dim3A_628 = vector.shape_cast %eq3A_611 : vector<512x1xi1> to vector<512x1xi1>
    %broadcast_in_dim3A_629 = vector.broadcast %broadcast_in_dim3A_628 : vector<512x1xi1> to vector<512x64xi1>
    %select_n3A_630 = arith.select %broadcast_in_dim3A_629, %slice3A_626, %slice3A_627 : vector<512x64xi1>, vector<512x64xf32>
    %bitcast_convert_type3A_631 = tpu.bitcast %select_n3A_630 : vector<512x64xf32> -> vector<512x64xi32>
    %shift_left3A_632 = arith.constant 16 : i32
    %shift_left3A_633 = vector.broadcast %shift_left3A_632 : i32 to vector<512x64xi32>
    %shift_left3A_634 = arith.shli %bitcast_convert_type3A_631, %shift_left3A_633 : vector<512x64xi32>
    %and3A_635 = arith.constant -65536 : i32
    %and3A_636 = vector.broadcast %and3A_635 : i32 to vector<512x64xi32>
    %and3A_637 = arith.andi %bitcast_convert_type3A_631, %and3A_636 : vector<512x64xi32>
    %broadcast_in_dim3A_638 = vector.shape_cast %eq3A_620 : vector<512x1xi1> to vector<512x1xi1>
    %broadcast_in_dim3A_639 = vector.broadcast %broadcast_in_dim3A_638 : vector<512x1xi1> to vector<512x64xi1>
    %select_n3A_640 = arith.select %broadcast_in_dim3A_639, %shift_left3A_634, %and3A_637 : vector<512x64xi1>, vector<512x64xi32>
    %bitcast_convert_type3A_641 = tpu.bitcast %select_n3A_640 : vector<512x64xi32> -> vector<512x64xf32>
    %add3A_642 = arith.addf %add3A_599, %bitcast_convert_type3A_641 : vector<512x64xf32>
    %mul3A_643 = arith.mulf %bitcast_convert_type3A_641, %bitcast_convert_type3A_641 : vector<512x64xf32>
    %add3A_644 = arith.addf %add3A_601, %mul3A_643 : vector<512x64xf32>
    %concatenate3A_645 = tpu.concatenate %bitcast_convert_type3A_598, %bitcast_convert_type3A_641 in 1 : vector<512x64xf32>, vector<512x64xf32> -> vector<512x128xf32>
    %convert_element_type3A_646 = arith.truncf %concatenate3A_645 : vector<512x128xf32> to vector<512x128xbf16>
    %get3A_647 = arith.constant 0 : index
    %get3A_648 = arith.constant 768 : index
    %get3A_649 = vector.load %arg6[%get3A_647, %get3A_648] : memref<1024x1664xbf16, #tpu.memory_space<vmem>>, vector<1024x128xbf16>
    %dot_general3A_650 = arith.constant dense<0.000000e+00> : vector<512x1024xf32>
    %dot_general3A_651 = tpu.matmul %convert_element_type3A_646, %get3A_649, %dot_general3A_650 {dimension_numbers = #tpu.dot_dimension_numbers<[1], [1], [0], [0], [0, 0, 1, 0], [], []>, transpose_lhs_hint = false} : vector<512x128xbf16>, vector<1024x128xbf16>, vector<512x1024xf32> -> vector<512x1024xf32>
    %add3A_652 = arith.addf %add3A_558, %dot_general3A_651 : vector<512x1024xf32>
    %slice3A_653 = vector.extract_strided_slice %get3A_1 {offsets = [0, 14], sizes = [512, 1], strides = [1, 1]} : vector<512x32xi32> to vector<512x1xi32>
    %shift_right_logical3A_654 = arith.constant 8 : i32
    %shift_right_logical3A_655 = vector.broadcast %shift_right_logical3A_654 : i32 to vector<512x1xi32>
    %shift_right_logical3A_656 = arith.shrui %slice3A_653, %shift_right_logical3A_655 : vector<512x1xi32>
    %and3A_657 = arith.constant 1 : i32
    %and3A_658 = vector.broadcast %and3A_657 : i32 to vector<512x1xi32>
    %and3A_659 = arith.andi %shift_right_logical3A_656, %and3A_658 : vector<512x1xi32>
    %eq3A_660 = arith.constant 1 : i32
    %eq3A_661 = vector.broadcast %eq3A_660 : i32 to vector<512x1xi32>
    %eq3A_662 = arith.cmpi eq, %and3A_659, %eq3A_661 : vector<512x1xi32>
    %shift_right_logical3A_663 = arith.constant 7 : i32
    %shift_right_logical3A_664 = vector.broadcast %shift_right_logical3A_663 : i32 to vector<512x1xi32>
    %shift_right_logical3A_665 = arith.shrui %slice3A_653, %shift_right_logical3A_664 : vector<512x1xi32>
    %and3A_666 = arith.constant 1 : i32
    %and3A_667 = vector.broadcast %and3A_666 : i32 to vector<512x1xi32>
    %and3A_668 = arith.andi %shift_right_logical3A_665, %and3A_667 : vector<512x1xi32>
    %eq3A_669 = arith.constant 1 : i32
    %eq3A_670 = vector.broadcast %eq3A_669 : i32 to vector<512x1xi32>
    %eq3A_671 = arith.cmpi eq, %and3A_668, %eq3A_670 : vector<512x1xi32>
    %get3A_672 = arith.constant 14 : index
    %get3A_673 = arith.constant 0 : index
    %get3A_674 = arith.constant 0 : index
    %get3A_675 = vector.load %arg1[%get3A_672, %get3A_673, %get3A_674] : memref<26x512x128xf32, #tpu.memory_space<vmem>>, vector<1x512x128xf32>
    %get3A_676 = vector.shape_cast %get3A_675 : vector<1x512x128xf32> to vector<512x128xf32>
    %slice3A_677 = vector.extract_strided_slice %get3A_676 {offsets = [0, 64], sizes = [512, 64], strides = [1, 1]} : vector<512x128xf32> to vector<512x64xf32>
    %slice3A_678 = vector.extract_strided_slice %get3A_676 {offsets = [0, 0], sizes = [512, 64], strides = [1, 1]} : vector<512x128xf32> to vector<512x64xf32>
    %broadcast_in_dim3A_679 = vector.shape_cast %eq3A_662 : vector<512x1xi1> to vector<512x1xi1>
    %broadcast_in_dim3A_680 = vector.broadcast %broadcast_in_dim3A_679 : vector<512x1xi1> to vector<512x64xi1>
    %select_n3A_681 = arith.select %broadcast_in_dim3A_680, %slice3A_677, %slice3A_678 : vector<512x64xi1>, vector<512x64xf32>
    %bitcast_convert_type3A_682 = tpu.bitcast %select_n3A_681 : vector<512x64xf32> -> vector<512x64xi32>
    %shift_left3A_683 = arith.constant 16 : i32
    %shift_left3A_684 = vector.broadcast %shift_left3A_683 : i32 to vector<512x64xi32>
    %shift_left3A_685 = arith.shli %bitcast_convert_type3A_682, %shift_left3A_684 : vector<512x64xi32>
    %and3A_686 = arith.constant -65536 : i32
    %and3A_687 = vector.broadcast %and3A_686 : i32 to vector<512x64xi32>
    %and3A_688 = arith.andi %bitcast_convert_type3A_682, %and3A_687 : vector<512x64xi32>
    %broadcast_in_dim3A_689 = vector.shape_cast %eq3A_671 : vector<512x1xi1> to vector<512x1xi1>
    %broadcast_in_dim3A_690 = vector.broadcast %broadcast_in_dim3A_689 : vector<512x1xi1> to vector<512x64xi1>
    %select_n3A_691 = arith.select %broadcast_in_dim3A_690, %shift_left3A_685, %and3A_688 : vector<512x64xi1>, vector<512x64xi32>
    %bitcast_convert_type3A_692 = tpu.bitcast %select_n3A_691 : vector<512x64xi32> -> vector<512x64xf32>
    %add3A_693 = arith.addf %add3A_642, %bitcast_convert_type3A_692 : vector<512x64xf32>
    %mul3A_694 = arith.mulf %bitcast_convert_type3A_692, %bitcast_convert_type3A_692 : vector<512x64xf32>
    %add3A_695 = arith.addf %add3A_644, %mul3A_694 : vector<512x64xf32>
    %slice3A_696 = vector.extract_strided_slice %get3A_1 {offsets = [0, 15], sizes = [512, 1], strides = [1, 1]} : vector<512x32xi32> to vector<512x1xi32>
    %shift_right_logical3A_697 = arith.constant 8 : i32
    %shift_right_logical3A_698 = vector.broadcast %shift_right_logical3A_697 : i32 to vector<512x1xi32>
    %shift_right_logical3A_699 = arith.shrui %slice3A_696, %shift_right_logical3A_698 : vector<512x1xi32>
    %and3A_700 = arith.constant 1 : i32
    %and3A_701 = vector.broadcast %and3A_700 : i32 to vector<512x1xi32>
    %and3A_702 = arith.andi %shift_right_logical3A_699, %and3A_701 : vector<512x1xi32>
    %eq3A_703 = arith.constant 1 : i32
    %eq3A_704 = vector.broadcast %eq3A_703 : i32 to vector<512x1xi32>
    %eq3A_705 = arith.cmpi eq, %and3A_702, %eq3A_704 : vector<512x1xi32>
    %shift_right_logical3A_706 = arith.constant 7 : i32
    %shift_right_logical3A_707 = vector.broadcast %shift_right_logical3A_706 : i32 to vector<512x1xi32>
    %shift_right_logical3A_708 = arith.shrui %slice3A_696, %shift_right_logical3A_707 : vector<512x1xi32>
    %and3A_709 = arith.constant 1 : i32
    %and3A_710 = vector.broadcast %and3A_709 : i32 to vector<512x1xi32>
    %and3A_711 = arith.andi %shift_right_logical3A_708, %and3A_710 : vector<512x1xi32>
    %eq3A_712 = arith.constant 1 : i32
    %eq3A_713 = vector.broadcast %eq3A_712 : i32 to vector<512x1xi32>
    %eq3A_714 = arith.cmpi eq, %and3A_711, %eq3A_713 : vector<512x1xi32>
    %get3A_715 = arith.constant 15 : index
    %get3A_716 = arith.constant 0 : index
    %get3A_717 = arith.constant 0 : index
    %get3A_718 = vector.load %arg1[%get3A_715, %get3A_716, %get3A_717] : memref<26x512x128xf32, #tpu.memory_space<vmem>>, vector<1x512x128xf32>
    %get3A_719 = vector.shape_cast %get3A_718 : vector<1x512x128xf32> to vector<512x128xf32>
    %slice3A_720 = vector.extract_strided_slice %get3A_719 {offsets = [0, 64], sizes = [512, 64], strides = [1, 1]} : vector<512x128xf32> to vector<512x64xf32>
    %slice3A_721 = vector.extract_strided_slice %get3A_719 {offsets = [0, 0], sizes = [512, 64], strides = [1, 1]} : vector<512x128xf32> to vector<512x64xf32>
    %broadcast_in_dim3A_722 = vector.shape_cast %eq3A_705 : vector<512x1xi1> to vector<512x1xi1>
    %broadcast_in_dim3A_723 = vector.broadcast %broadcast_in_dim3A_722 : vector<512x1xi1> to vector<512x64xi1>
    %select_n3A_724 = arith.select %broadcast_in_dim3A_723, %slice3A_720, %slice3A_721 : vector<512x64xi1>, vector<512x64xf32>
    %bitcast_convert_type3A_725 = tpu.bitcast %select_n3A_724 : vector<512x64xf32> -> vector<512x64xi32>
    %shift_left3A_726 = arith.constant 16 : i32
    %shift_left3A_727 = vector.broadcast %shift_left3A_726 : i32 to vector<512x64xi32>
    %shift_left3A_728 = arith.shli %bitcast_convert_type3A_725, %shift_left3A_727 : vector<512x64xi32>
    %and3A_729 = arith.constant -65536 : i32
    %and3A_730 = vector.broadcast %and3A_729 : i32 to vector<512x64xi32>
    %and3A_731 = arith.andi %bitcast_convert_type3A_725, %and3A_730 : vector<512x64xi32>
    %broadcast_in_dim3A_732 = vector.shape_cast %eq3A_714 : vector<512x1xi1> to vector<512x1xi1>
    %broadcast_in_dim3A_733 = vector.broadcast %broadcast_in_dim3A_732 : vector<512x1xi1> to vector<512x64xi1>
    %select_n3A_734 = arith.select %broadcast_in_dim3A_733, %shift_left3A_728, %and3A_731 : vector<512x64xi1>, vector<512x64xi32>
    %bitcast_convert_type3A_735 = tpu.bitcast %select_n3A_734 : vector<512x64xi32> -> vector<512x64xf32>
    %add3A_736 = arith.addf %add3A_693, %bitcast_convert_type3A_735 : vector<512x64xf32>
    %mul3A_737 = arith.mulf %bitcast_convert_type3A_735, %bitcast_convert_type3A_735 : vector<512x64xf32>
    %add3A_738 = arith.addf %add3A_695, %mul3A_737 : vector<512x64xf32>
    %concatenate3A_739 = tpu.concatenate %bitcast_convert_type3A_692, %bitcast_convert_type3A_735 in 1 : vector<512x64xf32>, vector<512x64xf32> -> vector<512x128xf32>
    %convert_element_type3A_740 = arith.truncf %concatenate3A_739 : vector<512x128xf32> to vector<512x128xbf16>
    %get3A_741 = arith.constant 0 : index
    %get3A_742 = arith.constant 896 : index
    %get3A_743 = vector.load %arg6[%get3A_741, %get3A_742] : memref<1024x1664xbf16, #tpu.memory_space<vmem>>, vector<1024x128xbf16>
    %dot_general3A_744 = arith.constant dense<0.000000e+00> : vector<512x1024xf32>
    %dot_general3A_745 = tpu.matmul %convert_element_type3A_740, %get3A_743, %dot_general3A_744 {dimension_numbers = #tpu.dot_dimension_numbers<[1], [1], [0], [0], [0, 0, 1, 0], [], []>, transpose_lhs_hint = false} : vector<512x128xbf16>, vector<1024x128xbf16>, vector<512x1024xf32> -> vector<512x1024xf32>
    %add3A_746 = arith.addf %add3A_652, %dot_general3A_745 : vector<512x1024xf32>
    %slice3A_747 = vector.extract_strided_slice %get3A_1 {offsets = [0, 16], sizes = [512, 1], strides = [1, 1]} : vector<512x32xi32> to vector<512x1xi32>
    %shift_right_logical3A_748 = arith.constant 8 : i32
    %shift_right_logical3A_749 = vector.broadcast %shift_right_logical3A_748 : i32 to vector<512x1xi32>
    %shift_right_logical3A_750 = arith.shrui %slice3A_747, %shift_right_logical3A_749 : vector<512x1xi32>
    %and3A_751 = arith.constant 1 : i32
    %and3A_752 = vector.broadcast %and3A_751 : i32 to vector<512x1xi32>
    %and3A_753 = arith.andi %shift_right_logical3A_750, %and3A_752 : vector<512x1xi32>
    %eq3A_754 = arith.constant 1 : i32
    %eq3A_755 = vector.broadcast %eq3A_754 : i32 to vector<512x1xi32>
    %eq3A_756 = arith.cmpi eq, %and3A_753, %eq3A_755 : vector<512x1xi32>
    %shift_right_logical3A_757 = arith.constant 7 : i32
    %shift_right_logical3A_758 = vector.broadcast %shift_right_logical3A_757 : i32 to vector<512x1xi32>
    %shift_right_logical3A_759 = arith.shrui %slice3A_747, %shift_right_logical3A_758 : vector<512x1xi32>
    %and3A_760 = arith.constant 1 : i32
    %and3A_761 = vector.broadcast %and3A_760 : i32 to vector<512x1xi32>
    %and3A_762 = arith.andi %shift_right_logical3A_759, %and3A_761 : vector<512x1xi32>
    %eq3A_763 = arith.constant 1 : i32
    %eq3A_764 = vector.broadcast %eq3A_763 : i32 to vector<512x1xi32>
    %eq3A_765 = arith.cmpi eq, %and3A_762, %eq3A_764 : vector<512x1xi32>
    %get3A_766 = arith.constant 16 : index
    %get3A_767 = arith.constant 0 : index
    %get3A_768 = arith.constant 0 : index
    %get3A_769 = vector.load %arg1[%get3A_766, %get3A_767, %get3A_768] : memref<26x512x128xf32, #tpu.memory_space<vmem>>, vector<1x512x128xf32>
    %get3A_770 = vector.shape_cast %get3A_769 : vector<1x512x128xf32> to vector<512x128xf32>
    %slice3A_771 = vector.extract_strided_slice %get3A_770 {offsets = [0, 64], sizes = [512, 64], strides = [1, 1]} : vector<512x128xf32> to vector<512x64xf32>
    %slice3A_772 = vector.extract_strided_slice %get3A_770 {offsets = [0, 0], sizes = [512, 64], strides = [1, 1]} : vector<512x128xf32> to vector<512x64xf32>
    %broadcast_in_dim3A_773 = vector.shape_cast %eq3A_756 : vector<512x1xi1> to vector<512x1xi1>
    %broadcast_in_dim3A_774 = vector.broadcast %broadcast_in_dim3A_773 : vector<512x1xi1> to vector<512x64xi1>
    %select_n3A_775 = arith.select %broadcast_in_dim3A_774, %slice3A_771, %slice3A_772 : vector<512x64xi1>, vector<512x64xf32>
    %bitcast_convert_type3A_776 = tpu.bitcast %select_n3A_775 : vector<512x64xf32> -> vector<512x64xi32>
    %shift_left3A_777 = arith.constant 16 : i32
    %shift_left3A_778 = vector.broadcast %shift_left3A_777 : i32 to vector<512x64xi32>
    %shift_left3A_779 = arith.shli %bitcast_convert_type3A_776, %shift_left3A_778 : vector<512x64xi32>
    %and3A_780 = arith.constant -65536 : i32
    %and3A_781 = vector.broadcast %and3A_780 : i32 to vector<512x64xi32>
    %and3A_782 = arith.andi %bitcast_convert_type3A_776, %and3A_781 : vector<512x64xi32>
    %broadcast_in_dim3A_783 = vector.shape_cast %eq3A_765 : vector<512x1xi1> to vector<512x1xi1>
    %broadcast_in_dim3A_784 = vector.broadcast %broadcast_in_dim3A_783 : vector<512x1xi1> to vector<512x64xi1>
    %select_n3A_785 = arith.select %broadcast_in_dim3A_784, %shift_left3A_779, %and3A_782 : vector<512x64xi1>, vector<512x64xi32>
    %bitcast_convert_type3A_786 = tpu.bitcast %select_n3A_785 : vector<512x64xi32> -> vector<512x64xf32>
    %add3A_787 = arith.addf %add3A_736, %bitcast_convert_type3A_786 : vector<512x64xf32>
    %mul3A_788 = arith.mulf %bitcast_convert_type3A_786, %bitcast_convert_type3A_786 : vector<512x64xf32>
    %add3A_789 = arith.addf %add3A_738, %mul3A_788 : vector<512x64xf32>
    %slice3A_790 = vector.extract_strided_slice %get3A_1 {offsets = [0, 17], sizes = [512, 1], strides = [1, 1]} : vector<512x32xi32> to vector<512x1xi32>
    %shift_right_logical3A_791 = arith.constant 8 : i32
    %shift_right_logical3A_792 = vector.broadcast %shift_right_logical3A_791 : i32 to vector<512x1xi32>
    %shift_right_logical3A_793 = arith.shrui %slice3A_790, %shift_right_logical3A_792 : vector<512x1xi32>
    %and3A_794 = arith.constant 1 : i32
    %and3A_795 = vector.broadcast %and3A_794 : i32 to vector<512x1xi32>
    %and3A_796 = arith.andi %shift_right_logical3A_793, %and3A_795 : vector<512x1xi32>
    %eq3A_797 = arith.constant 1 : i32
    %eq3A_798 = vector.broadcast %eq3A_797 : i32 to vector<512x1xi32>
    %eq3A_799 = arith.cmpi eq, %and3A_796, %eq3A_798 : vector<512x1xi32>
    %shift_right_logical3A_800 = arith.constant 7 : i32
    %shift_right_logical3A_801 = vector.broadcast %shift_right_logical3A_800 : i32 to vector<512x1xi32>
    %shift_right_logical3A_802 = arith.shrui %slice3A_790, %shift_right_logical3A_801 : vector<512x1xi32>
    %and3A_803 = arith.constant 1 : i32
    %and3A_804 = vector.broadcast %and3A_803 : i32 to vector<512x1xi32>
    %and3A_805 = arith.andi %shift_right_logical3A_802, %and3A_804 : vector<512x1xi32>
    %eq3A_806 = arith.constant 1 : i32
    %eq3A_807 = vector.broadcast %eq3A_806 : i32 to vector<512x1xi32>
    %eq3A_808 = arith.cmpi eq, %and3A_805, %eq3A_807 : vector<512x1xi32>
    %get3A_809 = arith.constant 17 : index
    %get3A_810 = arith.constant 0 : index
    %get3A_811 = arith.constant 0 : index
    %get3A_812 = vector.load %arg1[%get3A_809, %get3A_810, %get3A_811] : memref<26x512x128xf32, #tpu.memory_space<vmem>>, vector<1x512x128xf32>
    %get3A_813 = vector.shape_cast %get3A_812 : vector<1x512x128xf32> to vector<512x128xf32>
    %slice3A_814 = vector.extract_strided_slice %get3A_813 {offsets = [0, 64], sizes = [512, 64], strides = [1, 1]} : vector<512x128xf32> to vector<512x64xf32>
    %slice3A_815 = vector.extract_strided_slice %get3A_813 {offsets = [0, 0], sizes = [512, 64], strides = [1, 1]} : vector<512x128xf32> to vector<512x64xf32>
    %broadcast_in_dim3A_816 = vector.shape_cast %eq3A_799 : vector<512x1xi1> to vector<512x1xi1>
    %broadcast_in_dim3A_817 = vector.broadcast %broadcast_in_dim3A_816 : vector<512x1xi1> to vector<512x64xi1>
    %select_n3A_818 = arith.select %broadcast_in_dim3A_817, %slice3A_814, %slice3A_815 : vector<512x64xi1>, vector<512x64xf32>
    %bitcast_convert_type3A_819 = tpu.bitcast %select_n3A_818 : vector<512x64xf32> -> vector<512x64xi32>
    %shift_left3A_820 = arith.constant 16 : i32
    %shift_left3A_821 = vector.broadcast %shift_left3A_820 : i32 to vector<512x64xi32>
    %shift_left3A_822 = arith.shli %bitcast_convert_type3A_819, %shift_left3A_821 : vector<512x64xi32>
    %and3A_823 = arith.constant -65536 : i32
    %and3A_824 = vector.broadcast %and3A_823 : i32 to vector<512x64xi32>
    %and3A_825 = arith.andi %bitcast_convert_type3A_819, %and3A_824 : vector<512x64xi32>
    %broadcast_in_dim3A_826 = vector.shape_cast %eq3A_808 : vector<512x1xi1> to vector<512x1xi1>
    %broadcast_in_dim3A_827 = vector.broadcast %broadcast_in_dim3A_826 : vector<512x1xi1> to vector<512x64xi1>
    %select_n3A_828 = arith.select %broadcast_in_dim3A_827, %shift_left3A_822, %and3A_825 : vector<512x64xi1>, vector<512x64xi32>
    %bitcast_convert_type3A_829 = tpu.bitcast %select_n3A_828 : vector<512x64xi32> -> vector<512x64xf32>
    %add3A_830 = arith.addf %add3A_787, %bitcast_convert_type3A_829 : vector<512x64xf32>
    %mul3A_831 = arith.mulf %bitcast_convert_type3A_829, %bitcast_convert_type3A_829 : vector<512x64xf32>
    %add3A_832 = arith.addf %add3A_789, %mul3A_831 : vector<512x64xf32>
    %concatenate3A_833 = tpu.concatenate %bitcast_convert_type3A_786, %bitcast_convert_type3A_829 in 1 : vector<512x64xf32>, vector<512x64xf32> -> vector<512x128xf32>
    %convert_element_type3A_834 = arith.truncf %concatenate3A_833 : vector<512x128xf32> to vector<512x128xbf16>
    %get3A_835 = arith.constant 0 : index
    %get3A_836 = arith.constant 1024 : index
    %get3A_837 = vector.load %arg6[%get3A_835, %get3A_836] : memref<1024x1664xbf16, #tpu.memory_space<vmem>>, vector<1024x128xbf16>
    %dot_general3A_838 = arith.constant dense<0.000000e+00> : vector<512x1024xf32>
    %dot_general3A_839 = tpu.matmul %convert_element_type3A_834, %get3A_837, %dot_general3A_838 {dimension_numbers = #tpu.dot_dimension_numbers<[1], [1], [0], [0], [0, 0, 1, 0], [], []>, transpose_lhs_hint = false} : vector<512x128xbf16>, vector<1024x128xbf16>, vector<512x1024xf32> -> vector<512x1024xf32>
    %add3A_840 = arith.addf %add3A_746, %dot_general3A_839 : vector<512x1024xf32>
    %slice3A_841 = vector.extract_strided_slice %get3A_1 {offsets = [0, 18], sizes = [512, 1], strides = [1, 1]} : vector<512x32xi32> to vector<512x1xi32>
    %shift_right_logical3A_842 = arith.constant 8 : i32
    %shift_right_logical3A_843 = vector.broadcast %shift_right_logical3A_842 : i32 to vector<512x1xi32>
    %shift_right_logical3A_844 = arith.shrui %slice3A_841, %shift_right_logical3A_843 : vector<512x1xi32>
    %and3A_845 = arith.constant 1 : i32
    %and3A_846 = vector.broadcast %and3A_845 : i32 to vector<512x1xi32>
    %and3A_847 = arith.andi %shift_right_logical3A_844, %and3A_846 : vector<512x1xi32>
    %eq3A_848 = arith.constant 1 : i32
    %eq3A_849 = vector.broadcast %eq3A_848 : i32 to vector<512x1xi32>
    %eq3A_850 = arith.cmpi eq, %and3A_847, %eq3A_849 : vector<512x1xi32>
    %shift_right_logical3A_851 = arith.constant 7 : i32
    %shift_right_logical3A_852 = vector.broadcast %shift_right_logical3A_851 : i32 to vector<512x1xi32>
    %shift_right_logical3A_853 = arith.shrui %slice3A_841, %shift_right_logical3A_852 : vector<512x1xi32>
    %and3A_854 = arith.constant 1 : i32
    %and3A_855 = vector.broadcast %and3A_854 : i32 to vector<512x1xi32>
    %and3A_856 = arith.andi %shift_right_logical3A_853, %and3A_855 : vector<512x1xi32>
    %eq3A_857 = arith.constant 1 : i32
    %eq3A_858 = vector.broadcast %eq3A_857 : i32 to vector<512x1xi32>
    %eq3A_859 = arith.cmpi eq, %and3A_856, %eq3A_858 : vector<512x1xi32>
    %get3A_860 = arith.constant 18 : index
    %get3A_861 = arith.constant 0 : index
    %get3A_862 = arith.constant 0 : index
    %get3A_863 = vector.load %arg1[%get3A_860, %get3A_861, %get3A_862] : memref<26x512x128xf32, #tpu.memory_space<vmem>>, vector<1x512x128xf32>
    %get3A_864 = vector.shape_cast %get3A_863 : vector<1x512x128xf32> to vector<512x128xf32>
    %slice3A_865 = vector.extract_strided_slice %get3A_864 {offsets = [0, 64], sizes = [512, 64], strides = [1, 1]} : vector<512x128xf32> to vector<512x64xf32>
    %slice3A_866 = vector.extract_strided_slice %get3A_864 {offsets = [0, 0], sizes = [512, 64], strides = [1, 1]} : vector<512x128xf32> to vector<512x64xf32>
    %broadcast_in_dim3A_867 = vector.shape_cast %eq3A_850 : vector<512x1xi1> to vector<512x1xi1>
    %broadcast_in_dim3A_868 = vector.broadcast %broadcast_in_dim3A_867 : vector<512x1xi1> to vector<512x64xi1>
    %select_n3A_869 = arith.select %broadcast_in_dim3A_868, %slice3A_865, %slice3A_866 : vector<512x64xi1>, vector<512x64xf32>
    %bitcast_convert_type3A_870 = tpu.bitcast %select_n3A_869 : vector<512x64xf32> -> vector<512x64xi32>
    %shift_left3A_871 = arith.constant 16 : i32
    %shift_left3A_872 = vector.broadcast %shift_left3A_871 : i32 to vector<512x64xi32>
    %shift_left3A_873 = arith.shli %bitcast_convert_type3A_870, %shift_left3A_872 : vector<512x64xi32>
    %and3A_874 = arith.constant -65536 : i32
    %and3A_875 = vector.broadcast %and3A_874 : i32 to vector<512x64xi32>
    %and3A_876 = arith.andi %bitcast_convert_type3A_870, %and3A_875 : vector<512x64xi32>
    %broadcast_in_dim3A_877 = vector.shape_cast %eq3A_859 : vector<512x1xi1> to vector<512x1xi1>
    %broadcast_in_dim3A_878 = vector.broadcast %broadcast_in_dim3A_877 : vector<512x1xi1> to vector<512x64xi1>
    %select_n3A_879 = arith.select %broadcast_in_dim3A_878, %shift_left3A_873, %and3A_876 : vector<512x64xi1>, vector<512x64xi32>
    %bitcast_convert_type3A_880 = tpu.bitcast %select_n3A_879 : vector<512x64xi32> -> vector<512x64xf32>
    %add3A_881 = arith.addf %add3A_830, %bitcast_convert_type3A_880 : vector<512x64xf32>
    %mul3A_882 = arith.mulf %bitcast_convert_type3A_880, %bitcast_convert_type3A_880 : vector<512x64xf32>
    %add3A_883 = arith.addf %add3A_832, %mul3A_882 : vector<512x64xf32>
    %slice3A_884 = vector.extract_strided_slice %get3A_1 {offsets = [0, 19], sizes = [512, 1], strides = [1, 1]} : vector<512x32xi32> to vector<512x1xi32>
    %shift_right_logical3A_885 = arith.constant 8 : i32
    %shift_right_logical3A_886 = vector.broadcast %shift_right_logical3A_885 : i32 to vector<512x1xi32>
    %shift_right_logical3A_887 = arith.shrui %slice3A_884, %shift_right_logical3A_886 : vector<512x1xi32>
    %and3A_888 = arith.constant 1 : i32
    %and3A_889 = vector.broadcast %and3A_888 : i32 to vector<512x1xi32>
    %and3A_890 = arith.andi %shift_right_logical3A_887, %and3A_889 : vector<512x1xi32>
    %eq3A_891 = arith.constant 1 : i32
    %eq3A_892 = vector.broadcast %eq3A_891 : i32 to vector<512x1xi32>
    %eq3A_893 = arith.cmpi eq, %and3A_890, %eq3A_892 : vector<512x1xi32>
    %shift_right_logical3A_894 = arith.constant 7 : i32
    %shift_right_logical3A_895 = vector.broadcast %shift_right_logical3A_894 : i32 to vector<512x1xi32>
    %shift_right_logical3A_896 = arith.shrui %slice3A_884, %shift_right_logical3A_895 : vector<512x1xi32>
    %and3A_897 = arith.constant 1 : i32
    %and3A_898 = vector.broadcast %and3A_897 : i32 to vector<512x1xi32>
    %and3A_899 = arith.andi %shift_right_logical3A_896, %and3A_898 : vector<512x1xi32>
    %eq3A_900 = arith.constant 1 : i32
    %eq3A_901 = vector.broadcast %eq3A_900 : i32 to vector<512x1xi32>
    %eq3A_902 = arith.cmpi eq, %and3A_899, %eq3A_901 : vector<512x1xi32>
    %get3A_903 = arith.constant 19 : index
    %get3A_904 = arith.constant 0 : index
    %get3A_905 = arith.constant 0 : index
    %get3A_906 = vector.load %arg1[%get3A_903, %get3A_904, %get3A_905] : memref<26x512x128xf32, #tpu.memory_space<vmem>>, vector<1x512x128xf32>
    %get3A_907 = vector.shape_cast %get3A_906 : vector<1x512x128xf32> to vector<512x128xf32>
    %slice3A_908 = vector.extract_strided_slice %get3A_907 {offsets = [0, 64], sizes = [512, 64], strides = [1, 1]} : vector<512x128xf32> to vector<512x64xf32>
    %slice3A_909 = vector.extract_strided_slice %get3A_907 {offsets = [0, 0], sizes = [512, 64], strides = [1, 1]} : vector<512x128xf32> to vector<512x64xf32>
    %broadcast_in_dim3A_910 = vector.shape_cast %eq3A_893 : vector<512x1xi1> to vector<512x1xi1>
    %broadcast_in_dim3A_911 = vector.broadcast %broadcast_in_dim3A_910 : vector<512x1xi1> to vector<512x64xi1>
    %select_n3A_912 = arith.select %broadcast_in_dim3A_911, %slice3A_908, %slice3A_909 : vector<512x64xi1>, vector<512x64xf32>
    %bitcast_convert_type3A_913 = tpu.bitcast %select_n3A_912 : vector<512x64xf32> -> vector<512x64xi32>
    %shift_left3A_914 = arith.constant 16 : i32
    %shift_left3A_915 = vector.broadcast %shift_left3A_914 : i32 to vector<512x64xi32>
    %shift_left3A_916 = arith.shli %bitcast_convert_type3A_913, %shift_left3A_915 : vector<512x64xi32>
    %and3A_917 = arith.constant -65536 : i32
    %and3A_918 = vector.broadcast %and3A_917 : i32 to vector<512x64xi32>
    %and3A_919 = arith.andi %bitcast_convert_type3A_913, %and3A_918 : vector<512x64xi32>
    %broadcast_in_dim3A_920 = vector.shape_cast %eq3A_902 : vector<512x1xi1> to vector<512x1xi1>
    %broadcast_in_dim3A_921 = vector.broadcast %broadcast_in_dim3A_920 : vector<512x1xi1> to vector<512x64xi1>
    %select_n3A_922 = arith.select %broadcast_in_dim3A_921, %shift_left3A_916, %and3A_919 : vector<512x64xi1>, vector<512x64xi32>
    %bitcast_convert_type3A_923 = tpu.bitcast %select_n3A_922 : vector<512x64xi32> -> vector<512x64xf32>
    %add3A_924 = arith.addf %add3A_881, %bitcast_convert_type3A_923 : vector<512x64xf32>
    %mul3A_925 = arith.mulf %bitcast_convert_type3A_923, %bitcast_convert_type3A_923 : vector<512x64xf32>
    %add3A_926 = arith.addf %add3A_883, %mul3A_925 : vector<512x64xf32>
    %concatenate3A_927 = tpu.concatenate %bitcast_convert_type3A_880, %bitcast_convert_type3A_923 in 1 : vector<512x64xf32>, vector<512x64xf32> -> vector<512x128xf32>
    %convert_element_type3A_928 = arith.truncf %concatenate3A_927 : vector<512x128xf32> to vector<512x128xbf16>
    %get3A_929 = arith.constant 0 : index
    %get3A_930 = arith.constant 1152 : index
    %get3A_931 = vector.load %arg6[%get3A_929, %get3A_930] : memref<1024x1664xbf16, #tpu.memory_space<vmem>>, vector<1024x128xbf16>
    %dot_general3A_932 = arith.constant dense<0.000000e+00> : vector<512x1024xf32>
    %dot_general3A_933 = tpu.matmul %convert_element_type3A_928, %get3A_931, %dot_general3A_932 {dimension_numbers = #tpu.dot_dimension_numbers<[1], [1], [0], [0], [0, 0, 1, 0], [], []>, transpose_lhs_hint = false} : vector<512x128xbf16>, vector<1024x128xbf16>, vector<512x1024xf32> -> vector<512x1024xf32>
    %add3A_934 = arith.addf %add3A_840, %dot_general3A_933 : vector<512x1024xf32>
    %slice3A_935 = vector.extract_strided_slice %get3A_1 {offsets = [0, 20], sizes = [512, 1], strides = [1, 1]} : vector<512x32xi32> to vector<512x1xi32>
    %shift_right_logical3A_936 = arith.constant 8 : i32
    %shift_right_logical3A_937 = vector.broadcast %shift_right_logical3A_936 : i32 to vector<512x1xi32>
    %shift_right_logical3A_938 = arith.shrui %slice3A_935, %shift_right_logical3A_937 : vector<512x1xi32>
    %and3A_939 = arith.constant 1 : i32
    %and3A_940 = vector.broadcast %and3A_939 : i32 to vector<512x1xi32>
    %and3A_941 = arith.andi %shift_right_logical3A_938, %and3A_940 : vector<512x1xi32>
    %eq3A_942 = arith.constant 1 : i32
    %eq3A_943 = vector.broadcast %eq3A_942 : i32 to vector<512x1xi32>
    %eq3A_944 = arith.cmpi eq, %and3A_941, %eq3A_943 : vector<512x1xi32>
    %shift_right_logical3A_945 = arith.constant 7 : i32
    %shift_right_logical3A_946 = vector.broadcast %shift_right_logical3A_945 : i32 to vector<512x1xi32>
    %shift_right_logical3A_947 = arith.shrui %slice3A_935, %shift_right_logical3A_946 : vector<512x1xi32>
    %and3A_948 = arith.constant 1 : i32
    %and3A_949 = vector.broadcast %and3A_948 : i32 to vector<512x1xi32>
    %and3A_950 = arith.andi %shift_right_logical3A_947, %and3A_949 : vector<512x1xi32>
    %eq3A_951 = arith.constant 1 : i32
    %eq3A_952 = vector.broadcast %eq3A_951 : i32 to vector<512x1xi32>
    %eq3A_953 = arith.cmpi eq, %and3A_950, %eq3A_952 : vector<512x1xi32>
    %get3A_954 = arith.constant 20 : index
    %get3A_955 = arith.constant 0 : index
    %get3A_956 = arith.constant 0 : index
    %get3A_957 = vector.load %arg1[%get3A_954, %get3A_955, %get3A_956] : memref<26x512x128xf32, #tpu.memory_space<vmem>>, vector<1x512x128xf32>
    %get3A_958 = vector.shape_cast %get3A_957 : vector<1x512x128xf32> to vector<512x128xf32>
    %slice3A_959 = vector.extract_strided_slice %get3A_958 {offsets = [0, 64], sizes = [512, 64], strides = [1, 1]} : vector<512x128xf32> to vector<512x64xf32>
    %slice3A_960 = vector.extract_strided_slice %get3A_958 {offsets = [0, 0], sizes = [512, 64], strides = [1, 1]} : vector<512x128xf32> to vector<512x64xf32>
    %broadcast_in_dim3A_961 = vector.shape_cast %eq3A_944 : vector<512x1xi1> to vector<512x1xi1>
    %broadcast_in_dim3A_962 = vector.broadcast %broadcast_in_dim3A_961 : vector<512x1xi1> to vector<512x64xi1>
    %select_n3A_963 = arith.select %broadcast_in_dim3A_962, %slice3A_959, %slice3A_960 : vector<512x64xi1>, vector<512x64xf32>
    %bitcast_convert_type3A_964 = tpu.bitcast %select_n3A_963 : vector<512x64xf32> -> vector<512x64xi32>
    %shift_left3A_965 = arith.constant 16 : i32
    %shift_left3A_966 = vector.broadcast %shift_left3A_965 : i32 to vector<512x64xi32>
    %shift_left3A_967 = arith.shli %bitcast_convert_type3A_964, %shift_left3A_966 : vector<512x64xi32>
    %and3A_968 = arith.constant -65536 : i32
    %and3A_969 = vector.broadcast %and3A_968 : i32 to vector<512x64xi32>
    %and3A_970 = arith.andi %bitcast_convert_type3A_964, %and3A_969 : vector<512x64xi32>
    %broadcast_in_dim3A_971 = vector.shape_cast %eq3A_953 : vector<512x1xi1> to vector<512x1xi1>
    %broadcast_in_dim3A_972 = vector.broadcast %broadcast_in_dim3A_971 : vector<512x1xi1> to vector<512x64xi1>
    %select_n3A_973 = arith.select %broadcast_in_dim3A_972, %shift_left3A_967, %and3A_970 : vector<512x64xi1>, vector<512x64xi32>
    %bitcast_convert_type3A_974 = tpu.bitcast %select_n3A_973 : vector<512x64xi32> -> vector<512x64xf32>
    %add3A_975 = arith.addf %add3A_924, %bitcast_convert_type3A_974 : vector<512x64xf32>
    %mul3A_976 = arith.mulf %bitcast_convert_type3A_974, %bitcast_convert_type3A_974 : vector<512x64xf32>
    %add3A_977 = arith.addf %add3A_926, %mul3A_976 : vector<512x64xf32>
    %slice3A_978 = vector.extract_strided_slice %get3A_1 {offsets = [0, 21], sizes = [512, 1], strides = [1, 1]} : vector<512x32xi32> to vector<512x1xi32>
    %shift_right_logical3A_979 = arith.constant 8 : i32
    %shift_right_logical3A_980 = vector.broadcast %shift_right_logical3A_979 : i32 to vector<512x1xi32>
    %shift_right_logical3A_981 = arith.shrui %slice3A_978, %shift_right_logical3A_980 : vector<512x1xi32>
    %and3A_982 = arith.constant 1 : i32
    %and3A_983 = vector.broadcast %and3A_982 : i32 to vector<512x1xi32>
    %and3A_984 = arith.andi %shift_right_logical3A_981, %and3A_983 : vector<512x1xi32>
    %eq3A_985 = arith.constant 1 : i32
    %eq3A_986 = vector.broadcast %eq3A_985 : i32 to vector<512x1xi32>
    %eq3A_987 = arith.cmpi eq, %and3A_984, %eq3A_986 : vector<512x1xi32>
    %shift_right_logical3A_988 = arith.constant 7 : i32
    %shift_right_logical3A_989 = vector.broadcast %shift_right_logical3A_988 : i32 to vector<512x1xi32>
    %shift_right_logical3A_990 = arith.shrui %slice3A_978, %shift_right_logical3A_989 : vector<512x1xi32>
    %and3A_991 = arith.constant 1 : i32
    %and3A_992 = vector.broadcast %and3A_991 : i32 to vector<512x1xi32>
    %and3A_993 = arith.andi %shift_right_logical3A_990, %and3A_992 : vector<512x1xi32>
    %eq3A_994 = arith.constant 1 : i32
    %eq3A_995 = vector.broadcast %eq3A_994 : i32 to vector<512x1xi32>
    %eq3A_996 = arith.cmpi eq, %and3A_993, %eq3A_995 : vector<512x1xi32>
    %get3A_997 = arith.constant 21 : index
    %get3A_998 = arith.constant 0 : index
    %get3A_999 = arith.constant 0 : index
    %get3A_1000 = vector.load %arg1[%get3A_997, %get3A_998, %get3A_999] : memref<26x512x128xf32, #tpu.memory_space<vmem>>, vector<1x512x128xf32>
    %get3A_1001 = vector.shape_cast %get3A_1000 : vector<1x512x128xf32> to vector<512x128xf32>
    %slice3A_1002 = vector.extract_strided_slice %get3A_1001 {offsets = [0, 64], sizes = [512, 64], strides = [1, 1]} : vector<512x128xf32> to vector<512x64xf32>
    %slice3A_1003 = vector.extract_strided_slice %get3A_1001 {offsets = [0, 0], sizes = [512, 64], strides = [1, 1]} : vector<512x128xf32> to vector<512x64xf32>
    %broadcast_in_dim3A_1004 = vector.shape_cast %eq3A_987 : vector<512x1xi1> to vector<512x1xi1>
    %broadcast_in_dim3A_1005 = vector.broadcast %broadcast_in_dim3A_1004 : vector<512x1xi1> to vector<512x64xi1>
    %select_n3A_1006 = arith.select %broadcast_in_dim3A_1005, %slice3A_1002, %slice3A_1003 : vector<512x64xi1>, vector<512x64xf32>
    %bitcast_convert_type3A_1007 = tpu.bitcast %select_n3A_1006 : vector<512x64xf32> -> vector<512x64xi32>
    %shift_left3A_1008 = arith.constant 16 : i32
    %shift_left3A_1009 = vector.broadcast %shift_left3A_1008 : i32 to vector<512x64xi32>
    %shift_left3A_1010 = arith.shli %bitcast_convert_type3A_1007, %shift_left3A_1009 : vector<512x64xi32>
    %and3A_1011 = arith.constant -65536 : i32
    %and3A_1012 = vector.broadcast %and3A_1011 : i32 to vector<512x64xi32>
    %and3A_1013 = arith.andi %bitcast_convert_type3A_1007, %and3A_1012 : vector<512x64xi32>
    %broadcast_in_dim3A_1014 = vector.shape_cast %eq3A_996 : vector<512x1xi1> to vector<512x1xi1>
    %broadcast_in_dim3A_1015 = vector.broadcast %broadcast_in_dim3A_1014 : vector<512x1xi1> to vector<512x64xi1>
    %select_n3A_1016 = arith.select %broadcast_in_dim3A_1015, %shift_left3A_1010, %and3A_1013 : vector<512x64xi1>, vector<512x64xi32>
    %bitcast_convert_type3A_1017 = tpu.bitcast %select_n3A_1016 : vector<512x64xi32> -> vector<512x64xf32>
    %add3A_1018 = arith.addf %add3A_975, %bitcast_convert_type3A_1017 : vector<512x64xf32>
    %mul3A_1019 = arith.mulf %bitcast_convert_type3A_1017, %bitcast_convert_type3A_1017 : vector<512x64xf32>
    %add3A_1020 = arith.addf %add3A_977, %mul3A_1019 : vector<512x64xf32>
    %concatenate3A_1021 = tpu.concatenate %bitcast_convert_type3A_974, %bitcast_convert_type3A_1017 in 1 : vector<512x64xf32>, vector<512x64xf32> -> vector<512x128xf32>
    %convert_element_type3A_1022 = arith.truncf %concatenate3A_1021 : vector<512x128xf32> to vector<512x128xbf16>
    %get3A_1023 = arith.constant 0 : index
    %get3A_1024 = arith.constant 1280 : index
    %get3A_1025 = vector.load %arg6[%get3A_1023, %get3A_1024] : memref<1024x1664xbf16, #tpu.memory_space<vmem>>, vector<1024x128xbf16>
    %dot_general3A_1026 = arith.constant dense<0.000000e+00> : vector<512x1024xf32>
    %dot_general3A_1027 = tpu.matmul %convert_element_type3A_1022, %get3A_1025, %dot_general3A_1026 {dimension_numbers = #tpu.dot_dimension_numbers<[1], [1], [0], [0], [0, 0, 1, 0], [], []>, transpose_lhs_hint = false} : vector<512x128xbf16>, vector<1024x128xbf16>, vector<512x1024xf32> -> vector<512x1024xf32>
    %add3A_1028 = arith.addf %add3A_934, %dot_general3A_1027 : vector<512x1024xf32>
    %slice3A_1029 = vector.extract_strided_slice %get3A_1 {offsets = [0, 22], sizes = [512, 1], strides = [1, 1]} : vector<512x32xi32> to vector<512x1xi32>
    %shift_right_logical3A_1030 = arith.constant 8 : i32
    %shift_right_logical3A_1031 = vector.broadcast %shift_right_logical3A_1030 : i32 to vector<512x1xi32>
    %shift_right_logical3A_1032 = arith.shrui %slice3A_1029, %shift_right_logical3A_1031 : vector<512x1xi32>
    %and3A_1033 = arith.constant 1 : i32
    %and3A_1034 = vector.broadcast %and3A_1033 : i32 to vector<512x1xi32>
    %and3A_1035 = arith.andi %shift_right_logical3A_1032, %and3A_1034 : vector<512x1xi32>
    %eq3A_1036 = arith.constant 1 : i32
    %eq3A_1037 = vector.broadcast %eq3A_1036 : i32 to vector<512x1xi32>
    %eq3A_1038 = arith.cmpi eq, %and3A_1035, %eq3A_1037 : vector<512x1xi32>
    %shift_right_logical3A_1039 = arith.constant 7 : i32
    %shift_right_logical3A_1040 = vector.broadcast %shift_right_logical3A_1039 : i32 to vector<512x1xi32>
    %shift_right_logical3A_1041 = arith.shrui %slice3A_1029, %shift_right_logical3A_1040 : vector<512x1xi32>
    %and3A_1042 = arith.constant 1 : i32
    %and3A_1043 = vector.broadcast %and3A_1042 : i32 to vector<512x1xi32>
    %and3A_1044 = arith.andi %shift_right_logical3A_1041, %and3A_1043 : vector<512x1xi32>
    %eq3A_1045 = arith.constant 1 : i32
    %eq3A_1046 = vector.broadcast %eq3A_1045 : i32 to vector<512x1xi32>
    %eq3A_1047 = arith.cmpi eq, %and3A_1044, %eq3A_1046 : vector<512x1xi32>
    %get3A_1048 = arith.constant 22 : index
    %get3A_1049 = arith.constant 0 : index
    %get3A_1050 = arith.constant 0 : index
    %get3A_1051 = vector.load %arg1[%get3A_1048, %get3A_1049, %get3A_1050] : memref<26x512x128xf32, #tpu.memory_space<vmem>>, vector<1x512x128xf32>
    %get3A_1052 = vector.shape_cast %get3A_1051 : vector<1x512x128xf32> to vector<512x128xf32>
    %slice3A_1053 = vector.extract_strided_slice %get3A_1052 {offsets = [0, 64], sizes = [512, 64], strides = [1, 1]} : vector<512x128xf32> to vector<512x64xf32>
    %slice3A_1054 = vector.extract_strided_slice %get3A_1052 {offsets = [0, 0], sizes = [512, 64], strides = [1, 1]} : vector<512x128xf32> to vector<512x64xf32>
    %broadcast_in_dim3A_1055 = vector.shape_cast %eq3A_1038 : vector<512x1xi1> to vector<512x1xi1>
    %broadcast_in_dim3A_1056 = vector.broadcast %broadcast_in_dim3A_1055 : vector<512x1xi1> to vector<512x64xi1>
    %select_n3A_1057 = arith.select %broadcast_in_dim3A_1056, %slice3A_1053, %slice3A_1054 : vector<512x64xi1>, vector<512x64xf32>
    %bitcast_convert_type3A_1058 = tpu.bitcast %select_n3A_1057 : vector<512x64xf32> -> vector<512x64xi32>
    %shift_left3A_1059 = arith.constant 16 : i32
    %shift_left3A_1060 = vector.broadcast %shift_left3A_1059 : i32 to vector<512x64xi32>
    %shift_left3A_1061 = arith.shli %bitcast_convert_type3A_1058, %shift_left3A_1060 : vector<512x64xi32>
    %and3A_1062 = arith.constant -65536 : i32
    %and3A_1063 = vector.broadcast %and3A_1062 : i32 to vector<512x64xi32>
    %and3A_1064 = arith.andi %bitcast_convert_type3A_1058, %and3A_1063 : vector<512x64xi32>
    %broadcast_in_dim3A_1065 = vector.shape_cast %eq3A_1047 : vector<512x1xi1> to vector<512x1xi1>
    %broadcast_in_dim3A_1066 = vector.broadcast %broadcast_in_dim3A_1065 : vector<512x1xi1> to vector<512x64xi1>
    %select_n3A_1067 = arith.select %broadcast_in_dim3A_1066, %shift_left3A_1061, %and3A_1064 : vector<512x64xi1>, vector<512x64xi32>
    %bitcast_convert_type3A_1068 = tpu.bitcast %select_n3A_1067 : vector<512x64xi32> -> vector<512x64xf32>
    %add3A_1069 = arith.addf %add3A_1018, %bitcast_convert_type3A_1068 : vector<512x64xf32>
    %mul3A_1070 = arith.mulf %bitcast_convert_type3A_1068, %bitcast_convert_type3A_1068 : vector<512x64xf32>
    %add3A_1071 = arith.addf %add3A_1020, %mul3A_1070 : vector<512x64xf32>
    %slice3A_1072 = vector.extract_strided_slice %get3A_1 {offsets = [0, 23], sizes = [512, 1], strides = [1, 1]} : vector<512x32xi32> to vector<512x1xi32>
    %shift_right_logical3A_1073 = arith.constant 8 : i32
    %shift_right_logical3A_1074 = vector.broadcast %shift_right_logical3A_1073 : i32 to vector<512x1xi32>
    %shift_right_logical3A_1075 = arith.shrui %slice3A_1072, %shift_right_logical3A_1074 : vector<512x1xi32>
    %and3A_1076 = arith.constant 1 : i32
    %and3A_1077 = vector.broadcast %and3A_1076 : i32 to vector<512x1xi32>
    %and3A_1078 = arith.andi %shift_right_logical3A_1075, %and3A_1077 : vector<512x1xi32>
    %eq3A_1079 = arith.constant 1 : i32
    %eq3A_1080 = vector.broadcast %eq3A_1079 : i32 to vector<512x1xi32>
    %eq3A_1081 = arith.cmpi eq, %and3A_1078, %eq3A_1080 : vector<512x1xi32>
    %shift_right_logical3A_1082 = arith.constant 7 : i32
    %shift_right_logical3A_1083 = vector.broadcast %shift_right_logical3A_1082 : i32 to vector<512x1xi32>
    %shift_right_logical3A_1084 = arith.shrui %slice3A_1072, %shift_right_logical3A_1083 : vector<512x1xi32>
    %and3A_1085 = arith.constant 1 : i32
    %and3A_1086 = vector.broadcast %and3A_1085 : i32 to vector<512x1xi32>
    %and3A_1087 = arith.andi %shift_right_logical3A_1084, %and3A_1086 : vector<512x1xi32>
    %eq3A_1088 = arith.constant 1 : i32
    %eq3A_1089 = vector.broadcast %eq3A_1088 : i32 to vector<512x1xi32>
    %eq3A_1090 = arith.cmpi eq, %and3A_1087, %eq3A_1089 : vector<512x1xi32>
    %get3A_1091 = arith.constant 23 : index
    %get3A_1092 = arith.constant 0 : index
    %get3A_1093 = arith.constant 0 : index
    %get3A_1094 = vector.load %arg1[%get3A_1091, %get3A_1092, %get3A_1093] : memref<26x512x128xf32, #tpu.memory_space<vmem>>, vector<1x512x128xf32>
    %get3A_1095 = vector.shape_cast %get3A_1094 : vector<1x512x128xf32> to vector<512x128xf32>
    %slice3A_1096 = vector.extract_strided_slice %get3A_1095 {offsets = [0, 64], sizes = [512, 64], strides = [1, 1]} : vector<512x128xf32> to vector<512x64xf32>
    %slice3A_1097 = vector.extract_strided_slice %get3A_1095 {offsets = [0, 0], sizes = [512, 64], strides = [1, 1]} : vector<512x128xf32> to vector<512x64xf32>
    %broadcast_in_dim3A_1098 = vector.shape_cast %eq3A_1081 : vector<512x1xi1> to vector<512x1xi1>
    %broadcast_in_dim3A_1099 = vector.broadcast %broadcast_in_dim3A_1098 : vector<512x1xi1> to vector<512x64xi1>
    %select_n3A_1100 = arith.select %broadcast_in_dim3A_1099, %slice3A_1096, %slice3A_1097 : vector<512x64xi1>, vector<512x64xf32>
    %bitcast_convert_type3A_1101 = tpu.bitcast %select_n3A_1100 : vector<512x64xf32> -> vector<512x64xi32>
    %shift_left3A_1102 = arith.constant 16 : i32
    %shift_left3A_1103 = vector.broadcast %shift_left3A_1102 : i32 to vector<512x64xi32>
    %shift_left3A_1104 = arith.shli %bitcast_convert_type3A_1101, %shift_left3A_1103 : vector<512x64xi32>
    %and3A_1105 = arith.constant -65536 : i32
    %and3A_1106 = vector.broadcast %and3A_1105 : i32 to vector<512x64xi32>
    %and3A_1107 = arith.andi %bitcast_convert_type3A_1101, %and3A_1106 : vector<512x64xi32>
    %broadcast_in_dim3A_1108 = vector.shape_cast %eq3A_1090 : vector<512x1xi1> to vector<512x1xi1>
    %broadcast_in_dim3A_1109 = vector.broadcast %broadcast_in_dim3A_1108 : vector<512x1xi1> to vector<512x64xi1>
    %select_n3A_1110 = arith.select %broadcast_in_dim3A_1109, %shift_left3A_1104, %and3A_1107 : vector<512x64xi1>, vector<512x64xi32>
    %bitcast_convert_type3A_1111 = tpu.bitcast %select_n3A_1110 : vector<512x64xi32> -> vector<512x64xf32>
    %add3A_1112 = arith.addf %add3A_1069, %bitcast_convert_type3A_1111 : vector<512x64xf32>
    %mul3A_1113 = arith.mulf %bitcast_convert_type3A_1111, %bitcast_convert_type3A_1111 : vector<512x64xf32>
    %add3A_1114 = arith.addf %add3A_1071, %mul3A_1113 : vector<512x64xf32>
    %concatenate3A_1115 = tpu.concatenate %bitcast_convert_type3A_1068, %bitcast_convert_type3A_1111 in 1 : vector<512x64xf32>, vector<512x64xf32> -> vector<512x128xf32>
    %convert_element_type3A_1116 = arith.truncf %concatenate3A_1115 : vector<512x128xf32> to vector<512x128xbf16>
    %get3A_1117 = arith.constant 0 : index
    %get3A_1118 = arith.constant 1408 : index
    %get3A_1119 = vector.load %arg6[%get3A_1117, %get3A_1118] : memref<1024x1664xbf16, #tpu.memory_space<vmem>>, vector<1024x128xbf16>
    %dot_general3A_1120 = arith.constant dense<0.000000e+00> : vector<512x1024xf32>
    %dot_general3A_1121 = tpu.matmul %convert_element_type3A_1116, %get3A_1119, %dot_general3A_1120 {dimension_numbers = #tpu.dot_dimension_numbers<[1], [1], [0], [0], [0, 0, 1, 0], [], []>, transpose_lhs_hint = false} : vector<512x128xbf16>, vector<1024x128xbf16>, vector<512x1024xf32> -> vector<512x1024xf32>
    %add3A_1122 = arith.addf %add3A_1028, %dot_general3A_1121 : vector<512x1024xf32>
    %slice3A_1123 = vector.extract_strided_slice %get3A_1 {offsets = [0, 24], sizes = [512, 1], strides = [1, 1]} : vector<512x32xi32> to vector<512x1xi32>
    %shift_right_logical3A_1124 = arith.constant 8 : i32
    %shift_right_logical3A_1125 = vector.broadcast %shift_right_logical3A_1124 : i32 to vector<512x1xi32>
    %shift_right_logical3A_1126 = arith.shrui %slice3A_1123, %shift_right_logical3A_1125 : vector<512x1xi32>
    %and3A_1127 = arith.constant 1 : i32
    %and3A_1128 = vector.broadcast %and3A_1127 : i32 to vector<512x1xi32>
    %and3A_1129 = arith.andi %shift_right_logical3A_1126, %and3A_1128 : vector<512x1xi32>
    %eq3A_1130 = arith.constant 1 : i32
    %eq3A_1131 = vector.broadcast %eq3A_1130 : i32 to vector<512x1xi32>
    %eq3A_1132 = arith.cmpi eq, %and3A_1129, %eq3A_1131 : vector<512x1xi32>
    %shift_right_logical3A_1133 = arith.constant 7 : i32
    %shift_right_logical3A_1134 = vector.broadcast %shift_right_logical3A_1133 : i32 to vector<512x1xi32>
    %shift_right_logical3A_1135 = arith.shrui %slice3A_1123, %shift_right_logical3A_1134 : vector<512x1xi32>
    %and3A_1136 = arith.constant 1 : i32
    %and3A_1137 = vector.broadcast %and3A_1136 : i32 to vector<512x1xi32>
    %and3A_1138 = arith.andi %shift_right_logical3A_1135, %and3A_1137 : vector<512x1xi32>
    %eq3A_1139 = arith.constant 1 : i32
    %eq3A_1140 = vector.broadcast %eq3A_1139 : i32 to vector<512x1xi32>
    %eq3A_1141 = arith.cmpi eq, %and3A_1138, %eq3A_1140 : vector<512x1xi32>
    %get3A_1142 = arith.constant 24 : index
    %get3A_1143 = arith.constant 0 : index
    %get3A_1144 = arith.constant 0 : index
    %get3A_1145 = vector.load %arg1[%get3A_1142, %get3A_1143, %get3A_1144] : memref<26x512x128xf32, #tpu.memory_space<vmem>>, vector<1x512x128xf32>
    %get3A_1146 = vector.shape_cast %get3A_1145 : vector<1x512x128xf32> to vector<512x128xf32>
    %slice3A_1147 = vector.extract_strided_slice %get3A_1146 {offsets = [0, 64], sizes = [512, 64], strides = [1, 1]} : vector<512x128xf32> to vector<512x64xf32>
    %slice3A_1148 = vector.extract_strided_slice %get3A_1146 {offsets = [0, 0], sizes = [512, 64], strides = [1, 1]} : vector<512x128xf32> to vector<512x64xf32>
    %broadcast_in_dim3A_1149 = vector.shape_cast %eq3A_1132 : vector<512x1xi1> to vector<512x1xi1>
    %broadcast_in_dim3A_1150 = vector.broadcast %broadcast_in_dim3A_1149 : vector<512x1xi1> to vector<512x64xi1>
    %select_n3A_1151 = arith.select %broadcast_in_dim3A_1150, %slice3A_1147, %slice3A_1148 : vector<512x64xi1>, vector<512x64xf32>
    %bitcast_convert_type3A_1152 = tpu.bitcast %select_n3A_1151 : vector<512x64xf32> -> vector<512x64xi32>
    %shift_left3A_1153 = arith.constant 16 : i32
    %shift_left3A_1154 = vector.broadcast %shift_left3A_1153 : i32 to vector<512x64xi32>
    %shift_left3A_1155 = arith.shli %bitcast_convert_type3A_1152, %shift_left3A_1154 : vector<512x64xi32>
    %and3A_1156 = arith.constant -65536 : i32
    %and3A_1157 = vector.broadcast %and3A_1156 : i32 to vector<512x64xi32>
    %and3A_1158 = arith.andi %bitcast_convert_type3A_1152, %and3A_1157 : vector<512x64xi32>
    %broadcast_in_dim3A_1159 = vector.shape_cast %eq3A_1141 : vector<512x1xi1> to vector<512x1xi1>
    %broadcast_in_dim3A_1160 = vector.broadcast %broadcast_in_dim3A_1159 : vector<512x1xi1> to vector<512x64xi1>
    %select_n3A_1161 = arith.select %broadcast_in_dim3A_1160, %shift_left3A_1155, %and3A_1158 : vector<512x64xi1>, vector<512x64xi32>
    %bitcast_convert_type3A_1162 = tpu.bitcast %select_n3A_1161 : vector<512x64xi32> -> vector<512x64xf32>
    %add3A_1163 = arith.addf %add3A_1112, %bitcast_convert_type3A_1162 : vector<512x64xf32>
    %mul3A_1164 = arith.mulf %bitcast_convert_type3A_1162, %bitcast_convert_type3A_1162 : vector<512x64xf32>
    %add3A_1165 = arith.addf %add3A_1114, %mul3A_1164 : vector<512x64xf32>
    %slice3A_1166 = vector.extract_strided_slice %get3A_1 {offsets = [0, 25], sizes = [512, 1], strides = [1, 1]} : vector<512x32xi32> to vector<512x1xi32>
    %shift_right_logical3A_1167 = arith.constant 8 : i32
    %shift_right_logical3A_1168 = vector.broadcast %shift_right_logical3A_1167 : i32 to vector<512x1xi32>
    %shift_right_logical3A_1169 = arith.shrui %slice3A_1166, %shift_right_logical3A_1168 : vector<512x1xi32>
    %and3A_1170 = arith.constant 1 : i32
    %and3A_1171 = vector.broadcast %and3A_1170 : i32 to vector<512x1xi32>
    %and3A_1172 = arith.andi %shift_right_logical3A_1169, %and3A_1171 : vector<512x1xi32>
    %eq3A_1173 = arith.constant 1 : i32
    %eq3A_1174 = vector.broadcast %eq3A_1173 : i32 to vector<512x1xi32>
    %eq3A_1175 = arith.cmpi eq, %and3A_1172, %eq3A_1174 : vector<512x1xi32>
    %shift_right_logical3A_1176 = arith.constant 7 : i32
    %shift_right_logical3A_1177 = vector.broadcast %shift_right_logical3A_1176 : i32 to vector<512x1xi32>
    %shift_right_logical3A_1178 = arith.shrui %slice3A_1166, %shift_right_logical3A_1177 : vector<512x1xi32>
    %and3A_1179 = arith.constant 1 : i32
    %and3A_1180 = vector.broadcast %and3A_1179 : i32 to vector<512x1xi32>
    %and3A_1181 = arith.andi %shift_right_logical3A_1178, %and3A_1180 : vector<512x1xi32>
    %eq3A_1182 = arith.constant 1 : i32
    %eq3A_1183 = vector.broadcast %eq3A_1182 : i32 to vector<512x1xi32>
    %eq3A_1184 = arith.cmpi eq, %and3A_1181, %eq3A_1183 : vector<512x1xi32>
    %get3A_1185 = arith.constant 25 : index
    %get3A_1186 = arith.constant 0 : index
    %get3A_1187 = arith.constant 0 : index
    %get3A_1188 = vector.load %arg1[%get3A_1185, %get3A_1186, %get3A_1187] : memref<26x512x128xf32, #tpu.memory_space<vmem>>, vector<1x512x128xf32>
    %get3A_1189 = vector.shape_cast %get3A_1188 : vector<1x512x128xf32> to vector<512x128xf32>
    %slice3A_1190 = vector.extract_strided_slice %get3A_1189 {offsets = [0, 64], sizes = [512, 64], strides = [1, 1]} : vector<512x128xf32> to vector<512x64xf32>
    %slice3A_1191 = vector.extract_strided_slice %get3A_1189 {offsets = [0, 0], sizes = [512, 64], strides = [1, 1]} : vector<512x128xf32> to vector<512x64xf32>
    %broadcast_in_dim3A_1192 = vector.shape_cast %eq3A_1175 : vector<512x1xi1> to vector<512x1xi1>
    %broadcast_in_dim3A_1193 = vector.broadcast %broadcast_in_dim3A_1192 : vector<512x1xi1> to vector<512x64xi1>
    %select_n3A_1194 = arith.select %broadcast_in_dim3A_1193, %slice3A_1190, %slice3A_1191 : vector<512x64xi1>, vector<512x64xf32>
    %bitcast_convert_type3A_1195 = tpu.bitcast %select_n3A_1194 : vector<512x64xf32> -> vector<512x64xi32>
    %shift_left3A_1196 = arith.constant 16 : i32
    %shift_left3A_1197 = vector.broadcast %shift_left3A_1196 : i32 to vector<512x64xi32>
    %shift_left3A_1198 = arith.shli %bitcast_convert_type3A_1195, %shift_left3A_1197 : vector<512x64xi32>
    %and3A_1199 = arith.constant -65536 : i32
    %and3A_1200 = vector.broadcast %and3A_1199 : i32 to vector<512x64xi32>
    %and3A_1201 = arith.andi %bitcast_convert_type3A_1195, %and3A_1200 : vector<512x64xi32>
    %broadcast_in_dim3A_1202 = vector.shape_cast %eq3A_1184 : vector<512x1xi1> to vector<512x1xi1>
    %broadcast_in_dim3A_1203 = vector.broadcast %broadcast_in_dim3A_1202 : vector<512x1xi1> to vector<512x64xi1>
    %select_n3A_1204 = arith.select %broadcast_in_dim3A_1203, %shift_left3A_1198, %and3A_1201 : vector<512x64xi1>, vector<512x64xi32>
    %bitcast_convert_type3A_1205 = tpu.bitcast %select_n3A_1204 : vector<512x64xi32> -> vector<512x64xf32>
    %add3A_1206 = arith.addf %add3A_1163, %bitcast_convert_type3A_1205 : vector<512x64xf32>
    %mul3A_1207 = arith.mulf %bitcast_convert_type3A_1205, %bitcast_convert_type3A_1205 : vector<512x64xf32>
    %add3A_1208 = arith.addf %add3A_1165, %mul3A_1207 : vector<512x64xf32>
    %concatenate3A_1209 = tpu.concatenate %bitcast_convert_type3A_1162, %bitcast_convert_type3A_1205 in 1 : vector<512x64xf32>, vector<512x64xf32> -> vector<512x128xf32>
    %convert_element_type3A_1210 = arith.truncf %concatenate3A_1209 : vector<512x128xf32> to vector<512x128xbf16>
    %get3A_1211 = arith.constant 0 : index
    %get3A_1212 = arith.constant 1536 : index
    %get3A_1213 = vector.load %arg6[%get3A_1211, %get3A_1212] : memref<1024x1664xbf16, #tpu.memory_space<vmem>>, vector<1024x128xbf16>
    %dot_general3A_1214 = arith.constant dense<0.000000e+00> : vector<512x1024xf32>
    %dot_general3A_1215 = tpu.matmul %convert_element_type3A_1210, %get3A_1213, %dot_general3A_1214 {dimension_numbers = #tpu.dot_dimension_numbers<[1], [1], [0], [0], [0, 0, 1, 0], [], []>, transpose_lhs_hint = false} : vector<512x128xbf16>, vector<1024x128xbf16>, vector<512x1024xf32> -> vector<512x1024xf32>
    %add3A_1216 = arith.addf %add3A_1122, %dot_general3A_1215 : vector<512x1024xf32>
    %mul3A_1217 = arith.mulf %add3A_1206, %add3A_1206 : vector<512x64xf32>
    %reduce_sum3A = arith.constant dense<0.000000e+00> : vector<512xf32>
    %reduce_sum3A_1218 = vector.multi_reduction <add>, %mul3A_1217, %reduce_sum3A [1] : vector<512x64xf32> to vector<512xf32>
    %reduce_sum3A_1219 = arith.constant dense<0.000000e+00> : vector<512xf32>
    %reduce_sum3A_1220 = vector.multi_reduction <add>, %add3A_1208, %reduce_sum3A_1219 [1] : vector<512x64xf32> to vector<512xf32>
    %sub3A = arith.subf %reduce_sum3A_1218, %reduce_sum3A_1220 : vector<512xf32>
    %mul3A_1221 = arith.constant 5.000000e-01 : f32
    %mul3A_1222 = vector.broadcast %mul3A_1221 : f32 to vector<512xf32>
    %mul3A_1223 = arith.mulf %mul3A_1222, %sub3A : vector<512xf32>
    %get3A_1224 = arith.constant 0 : index
    %get3A_1225 = vector.load %arg7[%get3A_1224] : memref<1024xf32, #tpu.memory_space<vmem>>, vector<1024xf32>
    %broadcast_in_dim3A_1226 = vector.shape_cast %get3A_1225 : vector<1024xf32> to vector<1x1024xf32>
    %add3A_1227 = vector.broadcast %broadcast_in_dim3A_1226 : vector<1x1024xf32> to vector<512x1024xf32>
    %add3A_1228 = arith.addf %add3A_1216, %add3A_1227 : vector<512x1024xf32>
    %max3A = arith.constant 0.000000e+00 : f32
    %max3A_1229 = vector.broadcast %max3A : f32 to vector<512x1024xf32>
    %max3A_1230 = arith.maximumf %add3A_1228, %max3A_1229 : vector<512x1024xf32>
    %convert_element_type3A_1231 = arith.truncf %max3A_1230 : vector<512x1024xf32> to vector<512x1024xbf16>
    %get3A_1232 = arith.constant 0 : index
    %get3A_1233 = arith.constant 0 : index
    %get3A_1234 = vector.load %arg8[%get3A_1232, %get3A_1233] : memref<512x1024xbf16, #tpu.memory_space<vmem>>, vector<512x1024xbf16>
    %dot_general3A_1235 = arith.constant dense<0.000000e+00> : vector<512x512xf32>
    %dot_general3A_1236 = tpu.matmul %convert_element_type3A_1231, %get3A_1234, %dot_general3A_1235 {dimension_numbers = #tpu.dot_dimension_numbers<[1], [1], [0], [0], [0, 0, 1, 0], [], []>, transpose_lhs_hint = false} : vector<512x1024xbf16>, vector<512x1024xbf16>, vector<512x512xf32> -> vector<512x512xf32>
    %get3A_1237 = arith.constant 0 : index
    %get3A_1238 = vector.load %arg9[%get3A_1237] : memref<512xf32, #tpu.memory_space<vmem>>, vector<512xf32>
    %broadcast_in_dim3A_1239 = vector.shape_cast %get3A_1238 : vector<512xf32> to vector<1x512xf32>
    %add3A_1240 = vector.broadcast %broadcast_in_dim3A_1239 : vector<1x512xf32> to vector<512x512xf32>
    %add3A_1241 = arith.addf %dot_general3A_1236, %add3A_1240 : vector<512x512xf32>
    %max3A_1242 = arith.constant 0.000000e+00 : f32
    %max3A_1243 = vector.broadcast %max3A_1242 : f32 to vector<512x512xf32>
    %max3A_1244 = arith.maximumf %add3A_1241, %max3A_1243 : vector<512x512xf32>
    %convert_element_type3A_1245 = arith.truncf %max3A_1244 : vector<512x512xf32> to vector<512x512xbf16>
    %get3A_1246 = arith.constant 0 : index
    %get3A_1247 = arith.constant 0 : index
    %get3A_1248 = vector.load %arg10[%get3A_1246, %get3A_1247] : memref<256x512xbf16, #tpu.memory_space<vmem>>, vector<256x512xbf16>
    %dot_general3A_1249 = arith.constant dense<0.000000e+00> : vector<512x256xf32>
    %dot_general3A_1250 = tpu.matmul %convert_element_type3A_1245, %get3A_1248, %dot_general3A_1249 {dimension_numbers = #tpu.dot_dimension_numbers<[1], [1], [0], [0], [0, 0, 1, 0], [], []>, transpose_lhs_hint = false} : vector<512x512xbf16>, vector<256x512xbf16>, vector<512x256xf32> -> vector<512x256xf32>
    %get3A_1251 = arith.constant 0 : index
    %get3A_1252 = vector.load %arg11[%get3A_1251] : memref<256xf32, #tpu.memory_space<vmem>>, vector<256xf32>
    %broadcast_in_dim3A_1253 = vector.shape_cast %get3A_1252 : vector<256xf32> to vector<1x256xf32>
    %add3A_1254 = vector.broadcast %broadcast_in_dim3A_1253 : vector<1x256xf32> to vector<512x256xf32>
    %add3A_1255 = arith.addf %dot_general3A_1250, %add3A_1254 : vector<512x256xf32>
    %max3A_1256 = arith.constant 0.000000e+00 : f32
    %max3A_1257 = vector.broadcast %max3A_1256 : f32 to vector<512x256xf32>
    %max3A_1258 = arith.maximumf %add3A_1255, %max3A_1257 : vector<512x256xf32>
    %convert_element_type3A_1259 = arith.truncf %max3A_1258 : vector<512x256xf32> to vector<512x256xbf16>
    %convert_element_type3A_1260 = arith.extf %convert_element_type3A_1259 : vector<512x256xbf16> to vector<512x256xf32>
    %get3A_1261 = arith.constant 0 : index
    %get3A_1262 = arith.constant 0 : index
    %get3A_1263 = vector.load %arg12[%get3A_1261, %get3A_1262] : memref<1x256xf32, #tpu.memory_space<vmem>>, vector<1x256xf32>
    %mul3A_1264 = vector.broadcast %get3A_1263 : vector<1x256xf32> to vector<512x256xf32>
    %mul3A_1265 = arith.mulf %convert_element_type3A_1260, %mul3A_1264 : vector<512x256xf32>
    %reduce_sum3A_1266 = arith.constant dense<0.000000e+00> : vector<512xf32>
    %reduce_sum3A_1267 = vector.multi_reduction <add>, %mul3A_1265, %reduce_sum3A_1266 [1] : vector<512x256xf32> to vector<512xf32>
    %get3A_1268 = arith.constant 0 : index
    %get3A_1269 = vector.load %arg3[%get3A_1268] : memref<512xf32, #tpu.memory_space<vmem>>, vector<512xf32>
    %get3A_1270 = arith.constant 0 : index
    %get3A_1271 = memref.load %arg4[%get3A_1270] : memref<1xf32, #tpu.memory_space<smem>>
    %add3A_1272 = vector.broadcast %get3A_1271 : f32 to vector<512xf32>
    %add3A_1273 = arith.addf %get3A_1269, %add3A_1272 : vector<512xf32>
    %get3A_1274 = arith.constant 0 : index
    %get3A_1275 = memref.load %arg5[%get3A_1274] : memref<1xf32, #tpu.memory_space<smem>>
    %add3A_1276 = vector.broadcast %get3A_1275 : f32 to vector<512xf32>
    %add3A_1277 = arith.addf %add3A_1273, %add3A_1276 : vector<512xf32>
    %add3A_1278 = arith.addf %add3A_1277, %mul3A_1223 : vector<512xf32>
    %add3A_1279 = arith.addf %add3A_1278, %reduce_sum3A_1267 : vector<512xf32>
    %neg3A = arith.constant 0.000000e+00 : f32
    %neg3A_1280 = vector.broadcast %neg3A : f32 to vector<512xf32>
    %neg3A_1281 = arith.subf %neg3A_1280, %add3A_1279 : vector<512xf32>
    %exp3A = math.exp %neg3A_1281 : vector<512xf32>
    %add3A_1282 = arith.constant 1.000000e+00 : f32
    %add3A_1283 = vector.broadcast %add3A_1282 : f32 to vector<512xf32>
    %add3A_1284 = arith.addf %add3A_1283, %exp3A : vector<512xf32>
    %div3A = arith.constant 1.000000e+00 : f32
    %div3A_1285 = vector.broadcast %div3A : f32 to vector<512xf32>
    %div3A_1286 = arith.divf %div3A_1285, %add3A_1284 : vector<512xf32>
    %swap3A = arith.constant 0 : index
    %swap3A_1287 = vector.load %arg13[%swap3A] : memref<512xf32, #tpu.memory_space<vmem>>, vector<512xf32>
    tpu.vector_store %arg13[%swap3A], %div3A_1286 {strides = array<i32>} : memref<512xf32, #tpu.memory_space<vmem>>, vector<512xf32>,
    return
  }
  func.func @transform_0(%arg0: i32) -> (i32, i32, i32) {
    %c0_i32 = arith.constant 0 : i32
    %c0_i32_0 = arith.constant 0 : i32
    %c0_i32_1 = arith.constant 0 : i32
    return %c0_i32, %arg0, %c0_i32_0 : i32, i32, i32
  }
  func.func @transform_1(%arg0: i32) -> (i32, i32) {
    %c0_i32 = arith.constant 0 : i32
    %c0_i32_0 = arith.constant 0 : i32
    return %arg0, %c0_i32 : i32, i32
  }
  func.func @transform_2(%arg0: i32) -> i32 {
    %c0_i32 = arith.constant 0 : i32
    return %arg0 : i32
  }
  func.func @transform_3(%arg0: i32) -> i32 {
    %c0_i32 = arith.constant 0 : i32
    %c0_i32_0 = arith.constant 0 : i32
    return %c0_i32 : i32
  }
  func.func @transform_4(%arg0: i32) -> i32 {
    %c0_i32 = arith.constant 0 : i32
    %c0_i32_0 = arith.constant 0 : i32
    return %c0_i32 : i32
  }
  func.func @transform_5(%arg0: i32) -> (i32, i32) {
    %c0_i32 = arith.constant 0 : i32
    %c0_i32_0 = arith.constant 0 : i32
    %c0_i32_1 = arith.constant 0 : i32
    return %c0_i32, %c0_i32_0 : i32, i32
  }
  func.func @transform_6(%arg0: i32) -> i32 {
    %c0_i32 = arith.constant 0 : i32
    %c0_i32_0 = arith.constant 0 : i32
    return %c0_i32 : i32
  }
  func.func @transform_7(%arg0: i32) -> (i32, i32) {
    %c0_i32 = arith.constant 0 : i32
    %c0_i32_0 = arith.constant 0 : i32
    %c0_i32_1 = arith.constant 0 : i32
    return %c0_i32, %c0_i32_0 : i32, i32
  }
  func.func @transform_8(%arg0: i32) -> i32 {
    %c0_i32 = arith.constant 0 : i32
    %c0_i32_0 = arith.constant 0 : i32
    return %c0_i32 : i32
  }
  func.func @transform_9(%arg0: i32) -> (i32, i32) {
    %c0_i32 = arith.constant 0 : i32
    %c0_i32_0 = arith.constant 0 : i32
    %c0_i32_1 = arith.constant 0 : i32
    return %c0_i32, %c0_i32_0 : i32, i32
  }
  func.func @transform_10(%arg0: i32) -> i32 {
    %c0_i32 = arith.constant 0 : i32
    %c0_i32_0 = arith.constant 0 : i32
    return %c0_i32 : i32
  }
  func.func @transform_11(%arg0: i32) -> (i32, i32) {
    %c0_i32 = arith.constant 0 : i32
    %c0_i32_0 = arith.constant 0 : i32
    %c0_i32_1 = arith.constant 0 : i32
    return %c0_i32, %c0_i32_0 : i32, i32
  }
  func.func @transform_12(%arg0: i32) -> i32 {
    %c0_i32 = arith.constant 0 : i32
    return %arg0 : i32
  }
}

</mosaic_0001>

<sc_bundles>
// kernel: kernel.10.cloned.1.call-start
scs
__scs_entry_jumppad:
0x0: {  	(pc) =	sbr.rel $0x88, $3  }
0x1: {  	(tag) =	ssettag $0x0;
	lr =	simm.s32 $0x1  }
0x2: {  	[smem:$0x3F95] =	sst lr;
	_ =	strace $0xD0000000  }
0x3: {  	_ = 	snop  }
0x4: {  	_ = 	snop  }
0x5: {  	_ = 	snop  }
0x6: {  	_ = 	snop  }
0x7: {  	_ = 	snop  }
__scs_overlays_trampoline_lowered:
0x8: {  	[smem:$0x3FA4] =	sst s0  }
0x9: {  	[smem:$0x3FA5] =	sst s1  }
0xa: {  	[smem:$0x3FA6] =	sst s2  }
0xb: {  	[smem:$0x3FA7] =	sst s3  }
0xc: {  	[smem:$0x3FA8] =	sst s4  }
0xd: {  	[smem:$0x3FA9] =	sst s5  }
0xe: {  	[smem:$0x3FAA] =	sst s6  }
0xf: {  	[smem:$0x3FAB] =	sst s7  }
0x10: {  	[smem:$0x3FAC] =	sst s8  }
0x11: {  	[smem:$0x3FAD] =	sst s9;
	s0 =	simm.s32 @!p0 $0x0  }
0x12: {  	s1 =	sld [smem:$0x3F93];
	s0 =	simm.s32 @p0 $0x1  }
0x13: {  	[smem:$0x3FAE] =	sst s0;
	s0 =	simm.s32 @!p1 $0x0  }
0x14: {  	s2 =	sld [smem:$0x3F92];
	s0 =	simm.s32 @p1 $0x1  }
0x15: {  	[smem:$0x3FAF] =	sst s0;
	s0 =	simm.s32 @!p2 $0x0  }
0x16: {  	s3 =	sld [smem:$0x3FDB];
	s0 =	simm.s32 @p2 $0x1  }
0x17: {  	s4 =	simm.s32 $0x1BF5;
	[smem:$0x3FB1] =	sst s0  }
0x18: {  	s0 =	sld [smem:$0x3F94];
	_ =	swait.ge [sflag:s4], $0x0  }
0x19: {  	s7 =	sld [smem:$0x3F95]  }
0x1a: {  	s8 =	sadd.s32 $0xFFFFE003, lr  }
0x1b: {  	s9 =	sadd.s32 $0xFFFFFEF7, lr;
	s5 =	simm.s32 $0xFFFFFFFF;
	p2 =	slt.u32 s8, $0xFFFFF086  }
0x1c: {  	p1 =	slt.u32 s9, $0xF7A;
	s5 =	simm.s32 @!p2 $0x0  }
0x1d: {  	s5 =	simm.s32 @p1 $0x1;
	p0 =	seq.s32 s7, s2  }
0x1e: {  	s7 =	smul.u32 @!p0 $0xF7A, s2;
	p2 =	seq.s32 @!p0 s5, $0x0  }
0x1f: {  	s9 =	smul.u32 $0xF7A, s1;
	s8 =	simm.s32 @!p0 $0x1BF5;
	p2 =	por !p2, p0  }
0x20: {  	[sflag:s8] =	ssyncset.s32 @!p0 $0xFFFFF086;
	s6 =	sadd.s32 @!p0 s3, s7;
	s7 =	simm.s32 @!p0 $0x108  }
0x21: {  	s3 =	sadd.s32 s3, s9;
	s6 =	sadd.s32 @!p0 $0x88, s6;
	s7 =	simm.s32 @p2 $0x1082  }
0x22: {  	[simem:s7], [sflag:s8] =	dma.local @!p0 [hbm:s6], $0xF7A  }
0x23: {  	s9 =	sor.u32 $0xD0000000, s2;
	s6 =	simm.s32 $0x108;
	_ =	swait.ge @!p0 [sflag:s8], $0x0  }
0x24: {  	s3 =	sadd.s32 $0x88, s3;
	s6 =	simm.s32 @!p1 $0x1082;
	[sflag:s4] =	ssyncset.s32 $0xFFFFF086  }
0x25: {  	[simem:s6], [sflag:s4] =	dma.local [hbm:s3], $0xF7A  }
0x26: {  	[smem:$0x3F95] =	sst s1;
	(tag) =	ssettag s2;
	_ =	strace s9  }
0x27: {  	s1 =	sld [smem:$0x3FA5]  }
0x28: {  	s2 =	sld [smem:$0x3FA6]  }
0x29: {  	s4 =	sld [smem:$0x3FA8]  }
0x2a: {  	p0 =	seq.s32 s5, $0x0;
	s5 =	sld [smem:$0x3FA9]  }
0x2b: {  	s6 =	sld [smem:$0x3FAA]  }
0x2c: {  	s7 =	sld [smem:$0x3FAB]  }
0x2d: {  	s3 =	simm.s32 $0x108;
	s8 =	sld [smem:$0x3FAC]  }
0x2e: {  	s3 =	simm.s32 @!p0 $0x1082;
	s9 =	sld [smem:$0x3FAD]  }
0x2f: {  	lr =	sadd.s32 s0, s3;
	s0 =	sld [smem:$0x3FA4]  }
0x30: {  	s3 =	sld [smem:$0x3FA7]  }
0x31: {  	[smem:$0x3FB0] =	sst s10  }
0x32: {  	s10 =	sld [smem:$0x3FAE];
	_ =	sdelay $0x3  }
0x33: {  	p0 =	seq.s32 s10, $0x1;
	s10 =	sld [smem:$0x3FB0];
	_ =	sdelay $0x3  }
0x34: {  	[smem:$0x3FB0] =	sst s10  }
0x35: {  	s10 =	sld [smem:$0x3FAF];
	_ =	sdelay $0x3  }
0x36: {  	p1 =	seq.s32 s10, $0x1;
	s10 =	sld [smem:$0x3FB0];
	_ =	sdelay $0x3  }
0x37: {  	[smem:$0x3FB0] =	sst s10  }
0x38: {  	s10 =	sld [smem:$0x3FB1]  }
0x39: {  	_ = 	snop;
	(pc) =	sbr.ind lr, $3  }
0x3a: {  	_ = 	snop  }
0x3b: {  	_ = 	snop  }
0x3c: {  	p2 =	seq.s32 s10, $0x1;
	s10 =	sld [smem:$0x3FB0]  }
0x3d: {  	_ =	shalt  }
0x3e: {  	_ =	shalt  }
0x3f: {  	_ =	shalt  }
0x40: {  	_ =	shalt  }
0x41: {  	_ =	shalt  }
0x42: {  	_ =	shalt  }
0x43: {  	_ =	shalt  }
0x44: {  	_ =	shalt  }
0x45: {  	_ =	shalt  }
0x46: {  	_ =	shalt  }
0x47: {  	_ =	shalt  }
0x48: {  	_ =	shalt  }
0x49: {  	_ =	shalt  }
0x4a: {  	_ =	shalt  }
0x4b: {  	_ =	shalt  }
0x4c: {  	_ =	shalt  }
0x4d: {  	_ =	shalt  }
0x4e: {  	_ =	shalt  }
0x4f: {  	_ =	shalt  }
0x50: {  	_ =	shalt  }
0x51: {  	_ =	shalt  }
0x52: {  	_ =	shalt  }
0x53: {  	_ =	shalt  }
0x54: {  	_ =	shalt  }
0x55: {  	_ =	shalt  }
0x56: {  	_ =	shalt  }
0x57: {  	_ =	shalt  }
0x58: {  	_ =	shalt  }
0x59: {  	_ =	shalt  }
0x5a: {  	_ =	shalt  }
0x5b: {  	_ =	shalt  }
0x5c: {  	_ =	shalt  }
0x5d: {  	_ =	shalt  }
0x5e: {  	_ =	shalt  }
0x5f: {  	_ =	shalt  }
0x60: {  	_ =	shalt  }
0x61: {  	_ =	shalt  }
0x62: {  	_ =	shalt  }
0x63: {  	_ =	shalt  }
0x64: {  	_ =	shalt  }
0x65: {  	_ =	shalt  }
0x66: {  	_ =	shalt  }
0x67: {  	_ =	shalt  }
0x68: {  	_ =	shalt  }
0x69: {  	_ =	shalt  }
0x6a: {  	_ =	shalt  }
0x6b: {  	_ =	shalt  }
0x6c: {  	_ =	shalt  }
0x6d: {  	_ =	shalt  }
0x6e: {  	_ =	shalt  }
0x6f: {  	_ =	shalt  }
0x70: {  	_ =	shalt  }
0x71: {  	_ =	shalt  }
0x72: {  	_ =	shalt  }
0x73: {  	_ =	shalt  }
0x74: {  	_ =	shalt  }
0x75: {  	_ =	shalt  }
0x76: {  	_ =	shalt  }
0x77: {  	_ =	shalt  }
0x78: {  	_ =	shalt  }
0x79: {  	_ =	shalt  }
0x7a: {  	_ =	shalt  }
0x7b: {  	_ =	shalt  }
0x7c: {  	_ =	shalt  }
0x7d: {  	_ =	shalt  }
0x7e: {  	_ =	shalt  }
0x7f: {  	_ =	shalt  }
0x80: {  	_ =	shalt  }
0x81: {  	_ =	shalt  }
0x82: {  	_ =	shalt  }
0x83: {  	_ =	shalt  }
0x84: {  	_ =	shalt  }
0x85: {  	_ =	shalt  }
0x86: {  	_ =	shalt  }
0x87: {  	_ =	shalt  }
.Lfunc_end0:
.L_simem_size_0:
called_computation.1_lowered:
.L_overlay_start_0:
0x88: {  	s2 =	sld [smem:$0x3FD9]  }
0x89: {  	s3 =	sld [smem:$0x3FFE];
	_ =	sdelay $0x1  }
0x8a: {  	s1 =	srdreg.scid  }
0x8b: {  	s0 =	sand.u32 $0x1, s1  }
0x8c: {  	s17 =	sshll.u32 s0, $0xA;
	s2 =	sadd.s32 s3, s2  }
0x8d: {  	s2 =	sadd.s32 s2, s17  }
0x8e: {  	[smem:$0x3FBC] =	sst s2  }
0x8f: {  	_ = 	snop  }
0x90: {  	s18 =	sld [smem:$0x3FD0];
	(tm) =	ssettm $0x1  }
0x91: {  	s19 =	sld [smem:$0x3FFB];
	_ =	sdelay $0x3  }
0x92: {  	_ =	strace s19  }
0x93: {  	s2 =	sld [smem:$0x3FFC];
	_ =	sdelay $0x3  }
0x94: {  	_ =	strace s2  }
0x95: {  	s2 =	sld [smem:$0x3FFD];
	_ =	sdelay $0x3  }
0x96: {  	_ =	strace s2  }
0x97: {  	_ =	strace $0x8FFFFFFF  }
0x98: {  	s20 =	sld [smem:$0x3FDB];
	_ =	sdelay $0x1  }
0x99: {  	s4 =	simm.s32 $_scs_section_size  }
0x9a: {  	s5 =	simm.s32 $_size__tile_overlayer_lowered;
	s6 =	simm.s32 $_tile_overlayer_lowered  }
0x9b: {  	s7 =	simm.s32 $0x1BFF;
	s21 =	sshll.u32 s6, $0x1;
	s4 =	sadd.s32 s4, s20  }
0x9c: {  	s22 =	simm.s32 $0x0;
	s5 =	sshll.u32 s5, $0x1;
	s6 =	sadd.s32 s21, s4  }
0x9d: {  	[timem:s22], [sflag:s7] =	dma.local [hbm:s6], s5  }
0x9e: {  	_ =	swait.ge [sflag:s7], s5  }
0x9f: {  	s5 =	ssub.s32 $0x0, s5;
	[sflag:s7] =	ssyncset.done $0x0  }
0xa0: {  	[sflag:s7] =	ssyncadd.s32 s5;
	_ =	sdelay $0x1  }
0xa1: {  	s23 =	simm.s32 $0x1B8B  }
0xa2: {  	_ =	swait.ge [sflag:s23], $0x1  }
0xa3: {  	[sflag:s23] =	ssyncset.done $0x0  }
0xa4: {  	[sflag:s23] =	ssyncadd.s32 $0xFFFFFFFF  }
0xa5: {  	s5 =	sld [smem:$0x0]  }
0xa6: {  	s6 =	sand.u32 $0xFFFFFFFE, s1  }
0xa7: {  	p0 =	sne.s32 s1, s6  }
0xa8: {  	s6 =	sshll.u32 @p0 s6, $0xE  }
0xa9: {  	s6 =	sadd.s32 @p0 $0x11B8D, s6;
	s7 =	sshll.u32 @p0 s5, $0x11  }
0xaa: {  	s6 =	sor.u32 @p0 s7, s6  }
0xab: {  	[sflag:s6] =	ssyncadd.remote.s32 @p0 $0x1;
	_ =	sdelay $0x1  }
0xac: {  	s6 =	simm.s32 @p0 $0x1B8D  }
0xad: {  	_ =	swait.eq @p0 [sflag:s6], $0x1  }
0xae: {  	[sflag:s6] =	ssyncadd.s32 @p0 $0xFFFFFFFF  }
0xaf: {  	s7 =	sshll.u32 @!p0 s1, $0xE  }
0xb0: {  	s7 =	sor.u32 @!p0 $0x4000, s7;
	s6 =	simm.s32 @!p0 $0x1B8D  }
0xb1: {  	s5 =	sshll.u32 @!p0 s5, $0x11;
	s7 =	sadd.s32 @!p0 $0x11B8D, s7;
	_ =	swait.eq @!p0 [sflag:s6], $0x1  }
0xb2: {  	s5 =	sor.u32 @!p0 s5, s7;
	[sflag:s6] =	ssyncadd.s32 @!p0 $0xFFFFFFFF  }
0xb3: {  	s25 =	simm.s32 $0x1B8E;
	s24 =	sld [smem:$0x3FFE];
	[sflag:s5] =	ssyncadd.remote.s32 @!p0 $0x1  }
0xb4: {  	s26 =	simm.s32 $execute0_lowered;
	[smem:$0x3FD2] =	sst s25  }
0xb5: {  	s6 =	sshll.u32 s26, $0x1;
	_ =	strace $0x80000049;
	[dreg:$0x1] =	wrdreg $0xFFFFFFFF  }
0xb6: {  	s28 =	simm.s32 $_size_execute0_lowered;
	s4 =	sadd.s32 s4, s6;
	[dreg:$0x0] =	wrdreg $0x0  }
0xb7: {  	s6 =	sshll.u32 s28, $0x1;
	[dreg:$0x2] =	wrdreg s4  }
0xb8: {  	[dreg:$0x3] =	wrdreg s6  }
0xb9: {  	[dreg:$0x4] =	wrdreg $0xC0  }
0xba: {  	_ =	task [dreg:s22], $0x5FFFF  }
0xbb: {  	[dreg:$0x1] =	wrdreg $0xFFFFFFFF  }
0xbc: {  	[dreg:$0x0] =	wrdreg $0x60  }
0xbd: {  	[dreg:$0x2] =	wrdreg s24  }
0xbe: {  	[dreg:$0x3] =	wrdreg s18  }
0xbf: {  	[dreg:$0x4] =	wrdreg $0xA  }
0xc0: {  	_ =	task.clear_ibuf [dreg:s22], $0x5FFFF;
	_ =	strace $0x90000049  }
0xc1: {  	s29 =	simm.s32 $0xA;
	_ =	strace $0x8000004B  }
0xc2: {  	_ =	swait.ge [sflag:s29], $0x1  }
0xc3: {  	[sflag:s29] =	ssyncadd.s32 $0xFFFFFFFF  }
0xc4: {  	_ =	strace $0x9000004B  }
0xc5: {  	_ =	sfence  }
0xc6: {  	s30 =	sld [smem:$0x0];
	_ =	sdelay $0x2  }
0xc7: {  	s31 =	sshll.u32 s1, $0xD;
	s1 =	sshrl.u32 s1, $0x2  }
0xc8: {  	s4 =	sand.u32 $0x4000, s31;
	s1 =	sadd.s32 s1, s30  }
0xc9: {  	s0 =	sor.u32 s4, s0;
	s1 =	sshll.u32 s1, $0x11  }
0xca: {  	s0 =	sor.u32 s1, s0  }
0xcb: {  	s0 =	sadd.s32 $0x8F2B, s0  }
0xcc: {  	[sflag:s0] =	ssyncadd.remote.s32 $0x1  }
0xcd: {  	_ =	sfence.sel $0xFFFF  }
0xce: {  	[dreg:$0x0] =	wrdreg $0xFFFFFFFF;
	(pc) =	sbr.abs _section_cstart, $3  }
0xcf: {  	[dreg:$0x1] =	wrdreg $0xFFFFFFFF  }
0xd0: {  	_ =	task.clear_ibuf [dreg:s22], $0x2FFFF;
	_ =	strace $0x9FFFFFFF  }
0xd1: {  	(tm) =	ssettm $0x7FFFFFFF  }
tec
execute0_lowered:
.L_overlay_start_1:
0x0: {  	(tag) =	ssettag $0x1  }
0x1: {  	s5 =	rddreg [dreg:$0x0]  }
0x2: {  	s6 =	rddreg [dreg:$0x1]  }
0x3: {  	s0 =	rddreg [dreg:$0x2];
	s3 =	srdreg.scid  }
0x4: {  	s1 =	stileid.u32;
	s2 =	simm.s32 $0x0;
	s13 =	simm.s32 $0x40  }
0x5: {  	s14 =	simm.s32 $0x2000;
	s15 =	simm.s32 $0x1;
	s16 =	simm.s32 $0x4000  }
0x6: {  	s17 =	simm.s32 $0x2;
	s18 =	simm.s32 $0x7000;
	s19 =	simm.s32 $0x0  }
0x7: {  	s8 =	sand.u32 $0x1, s3;
	s26 =	sshll.u32 s1, $0x1;
	[smem:$0x7FF] =	sst s2  }
0x8: {  	s4 =	sadd.s32 $0x409200, s5;
	s12 =	sadd.s32 $0x4F9000, s5;
	s29 =	sshll.u32 s1, $0xB  }
0x9: {  	s7 =	sor.u32 s8, s26;
	_ =	strace $0x8000004A;
	s9 =	ssub.s32 $0x2, s8  }
0xa: {  	s30 =	sadd.s32 s29, s12;
	s31 =	sshll.u32 s8, $0xA;
	s3 =	sshll.u32 s7, $0x4  }
0xb: {  	s11 =	sshrl.u32 s9, $0x1;
	s28 =	sshll.u32 s7, $0xA;
	s7 =	sshll.u32 s7, $0x3  }
0xc: {  	s10 =	sadd.s32 s3, s5;
	s3 =	sadd.s32 $0x9200, s5;
	s9 =	ssub.s32 s9, s11  }
0xd: {  	s6 =	sadd.s32 s6, s7;
	s11 =	simm.s32 $0x1000;
	s5 =	sadd.s32 $0x5E00, s10  }
0xe: {  	s10 =	sadd.s32 s12, s28;
	s7 =	smax.u32 s9, $0x1;
	s9 =	sadd.s32 s31, s30  }
0xf: {  	s12 =	simm.s32 $0x3;
	s8 =	sadd.s32 $0xC8000, s10;
	s10 =	simm.s32 $0x80  }
.LBB2_1:
0x10: {  	[tilespmem:s2], [sflag:$0x3] =	stream.strided.gather [hbm4b:s5+s10], $0xD00, s11, s10, $0x38;
	[tilespmem:$0x7080] =	vst v63  }
0x11: {  	_ =	swait.ge [sflag:s12], $0xD00  }
0x12: {  	[sflag:s12] =	ssyncset.done $0x0  }
0x13: {  	s20 =	simm.s32 $0x0;
	s21 =	simm.s32 $0x6000;
	[sflag:s12] =	ssyncadd.s32 $0xFFFFF300  }
0x14: {  	[tilespmem:s21], [sflag:$0x2] =	stream.indirect.gather [hbm4b:s4+s13], $0x1, s20, s13, $0xb8;
	[tilespmem:$0x7080] =	vst v63  }
0x15: {  	v0 =	vld [tilespmem:s20+$0x0]  }
0x16: {  	v1 =	vld [tilespmem:s20+$0x10]  }
0x17: {  	v2 =	vld [tilespmem:s20+$0x20]  }
0x18: {  	v3 =	vld [tilespmem:s20+$0x30];
	_ =	sdelay $0x2  }
0x19: {  	v4 =	vshrl.u32 v0, $0x2;
	v5 =	vshrl.u32 v1, $0x2;
	v0 =	vand.u32 $0x7F, v0  }
0x1a: {  	v1 =	vand.u32 $0x7F, v1;
	v62 =	vshrl.u32 v2, $0x2;
	v4 =	vand.u32 $0x3FFFFF80, v4  }
0x1b: {  	v63 =	vshrl.u32 v3, $0x2;
	v5 =	vand.u32 $0x3FFFFF80, v5;
	v0 =	vor.u32 v0, v4  }
0x1c: {  	v1 =	vor.u32 v1, v5;
	[tilespmem:s20+$0x1000] =	vst v0;
	v0 =	vand.u32 $0x7F, v2;
	v2 =	vand.u32 $0x3FFFFF80, v62  }
0x1d: {  	[tilespmem:s20+$0x1010] =	vst v1;
	v1 =	vand.u32 $0x7F, v3;
	v0 =	vor.u32 v0, v2;
	v2 =	vand.u32 $0x3FFFFF80, v63  }
0x1e: {  	s22 =	simm.s32 $0x80;
	s21 =	simm.s32 $0x400;
	[tilespmem:s20+$0x1020] =	vst v0;
	v0 =	vor.u32 v1, v2  }
.LBB2_2:
0x1f: {  	p0 =	sne.s32 s21, $0x3200;
	s23 =	sadd.s32 $0x6000, s22;
	[tilespmem:s20+$0x1030] =	vst v0;
	s20 =	smov.u32 s22  }
0x20: {  	[tilespmem:s23], [sflag:$0x2] =	stream.indirect.gather [hbm4b:s4+s13], $0x1, s20, s13, $0xb8;
	[tilespmem:$0x7080] =	vst v63  }
0x21: {  	v0 =	vld [tilespmem:s20+$0x0]  }
0x22: {  	v1 =	vld [tilespmem:s20+$0x10]  }
0x23: {  	v2 =	vld [tilespmem:s20+$0x20]  }
0x24: {  	v3 =	vld [tilespmem:s20+$0x30];
	_ =	sdelay $0x1  }
0x25: {  	v4 =	vshrl.u32 v0, $0x2  }
0x26: {  	v0 =	vand.u32 $0x7F, v0;
	v4 =	vand.u32 $0x3FFFFF80, v4;
	v5 =	vshrl.u32 v1, $0x2  }
.Ltmp0:
0x27: {  	v1 =	vand.u32 $0x7F, v1;
	v0 =	vor.u32 v0, v4;
	v4 =	vand.u32 $0x3FFFFF80, v5;
	(pc) =	sbr.rel @p0 .LBB2_2-.Ltmp0, $4  }
0x28: {  	[tilespmem:s20+$0x1000] =	vst v0;
	v0 =	vor.u32 v1, v4;
	v1 =	vshrl.u32 v2, $0x2;
	v2 =	vand.u32 $0x7F, v2  }
0x29: {  	[tilespmem:s20+$0x1010] =	vst v0;
	v0 =	vand.u32 $0x3FFFFF80, v1;
	v1 =	vshrl.u32 v3, $0x2;
	v3 =	vand.u32 $0x7F, v3  }
0x2a: {  	v0 =	vor.u32 v2, v0;
	v1 =	vand.u32 $0x3FFFFF80, v1  }
0x2b: {  	s22 =	sshra.s32 s21, $0x2;
	s21 =	sadd.s32 $0x200, s21;
	[tilespmem:s20+$0x1020] =	vst v0;
	v0 =	vor.u32 v3, v1  }
0x2c: {  	s21 =	sadd.s32 $0x6000, s22;
	[tilespmem:s20+$0x1030] =	vst v0  }
0x2d: {  	[tilespmem:s21], [sflag:$0x2] =	stream.indirect.gather [hbm4b:s4+s13], $0x1, s22, s13, $0xb8;
	[tilespmem:$0x7080] =	vst v63  }
0x2e: {  	v0 =	vld [tilespmem:s22+$0x0]  }
0x2f: {  	v1 =	vld [tilespmem:s22+$0x10]  }
0x30: {  	v2 =	vld [tilespmem:s22+$0x20]  }
0x31: {  	v3 =	vld [tilespmem:s22+$0x30];
	_ =	sdelay $0x2  }
0x32: {  	v4 =	vshrl.u32 v0, $0x2;
	v5 =	vshrl.u32 v1, $0x2;
	v0 =	vand.u32 $0x7F, v0  }
0x33: {  	v1 =	vand.u32 $0x7F, v1;
	v57 =	vshrl.u32 v2, $0x2;
	v4 =	vand.u32 $0x3FFFFF80, v4  }
0x34: {  	v60 =	vshrl.u32 v3, $0x2;
	v5 =	vand.u32 $0x3FFFFF80, v5;
	v0 =	vor.u32 v0, v4  }
0x35: {  	v61 =	vand.u32 $0x7F, v3;
	v62 =	vand.u32 $0x3FFFFF80, v60;
	v1 =	vor.u32 v1, v5;
	[tilespmem:s22+$0x1000] =	vst v0  }
0x36: {  	s21 =	simm.s32 $0x8000;
	v58 =	vand.u32 $0x7F, v2;
	v59 =	vand.u32 $0x3FFFFF80, v57;
	v63 =	vor.u32 v61, v62;
	[tilespmem:s22+$0x1010] =	vst v1  }
0x37: {  	s30 =	sand.u32 $0x8000, s21;
	v0 =	vor.u32 v58, v59;
	[tilespmem:s22+$0x1030] =	vst v63  }
0x38: {  	s20 =	sshrl.u32 s30, $0x2;
	[tilespmem:s22+$0x1020] =	vst v0  }
0x39: {  	[tilespmem:s14], [sflag:$0x1] =	stream.indirect.gather [hbm4b:s3+s13], $0x80, s11, s13, $0xb8;
	[tilespmem:$0x7080] =	vst v63  }
0x3a: {  	s31 =	simm.s32 $0x0;
	s23 =	simm.s32 $0x1080;
	s20 =	sadd.s32 $0x2000, s20  }
0x3b: {  	[tilespmem:s20], [sflag:$0x1] =	stream.indirect.gather [hbm4b:s3+s13], $0x80, s23, s13, $0xb8;
	[tilespmem:$0x7080] =	vst v63  }
0x3c: {  	s22 =	sand.u32 $0x8000, s31;
	s20 =	sadd.s32 $0x0, s9;
	_ =	swait.ge [sflag:s15], $0x2000  }
0x3d: {  	s23 =	sshrl.u32 s22, $0x2;
	s22 =	simm.s32 $0x1100;
	[sflag:s15] =	ssyncset.done $0x0  }
.LBB2_4:
0x3e: {  	[sflag:s15] =	ssyncadd.s32 $0xFFFFE000;
	s23 =	sadd.s32 $0x2000, s23  }
0x3f: {  	s24 =	smov.u32 s21;
	s25 =	sadd.s32 $0x8000, s21;
	p0 =	sne.s32 s21, $0xC0000  }
0x40: {  	[hbm4b:s20+s2] =	stream.linear.scatter [tilespmem:s23], [sflag:$0x3], $0x2000, $0x38;
	[tilespmem:$0x7080] =	vst v63  }
0x41: {  	s23 =	sand.u32 $0x8000, s25;
	s20 =	sadd.s32 s24, s9;
	_ =	swait.ge [sflag:s12], $0x2000  }
.Ltmp1:
0x42: {  	s23 =	sshrl.u32 s23, $0x2;
	[sflag:s12] =	ssyncset.done $0x0;
	(pc) =	sbr.rel @p0 .LBB2_4-.Ltmp1, $4  }
0x43: {  	s21 =	sand.u32 $0x8000, s24;
	s23 =	sadd.s32 $0x2000, s23;
	[sflag:s12] =	ssyncadd.s32 $0xFFFFE000  }
0x44: {  	[tilespmem:s23], [sflag:$0x1] =	stream.indirect.gather [hbm4b:s3+s13], $0x80, s22, s13, $0xb8;
	[tilespmem:$0x7080] =	vst v63  }
0x45: {  	s23 =	sshrl.u32 s21, $0x2;
	_ =	swait.ge [sflag:s15], $0x2000  }
0x46: {  	s22 =	sadd.s32 $0x80, s22;
	s21 =	smov.u32 s25;
	[sflag:s15] =	ssyncset.done $0x0  }
0x47: {  	[sflag:s15] =	ssyncadd.s32 $0xFFFFE000;
	s21 =	sadd.s32 $0x2000, s23  }
0x48: {  	[hbm4b:s20+s2] =	stream.linear.scatter [tilespmem:s21], [sflag:$0x3], $0x2000, $0x38;
	[tilespmem:$0x7080] =	vst v63  }
0x49: {  	_ =	swait.ge [sflag:s12], $0x2000  }
0x4a: {  	[sflag:s12] =	ssyncset.done $0x0  }
0x4b: {  	[sflag:s12] =	ssyncadd.s32 $0xFFFFE000  }
0x4c: {  	_ =	swait.ge [sflag:s15], $0x2000  }
0x4d: {  	[sflag:s15] =	ssyncset.done $0x0  }
0x4e: {  	[sflag:s15] =	ssyncadd.s32 $0xFFFFE000  }
0x4f: {  	[hbm4b:s8+s2] =	stream.linear.scatter [tilespmem:s16], [sflag:$0x3], $0x2000, $0x38;
	[tilespmem:$0x7080] =	vst v63  }
0x50: {  	_ =	swait.ge [sflag:s12], $0x2000  }
0x51: {  	[sflag:s12] =	ssyncset.done $0x0  }
0x52: {  	[sflag:s12] =	ssyncadd.s32 $0xFFFFE000  }
0x53: {  	_ =	swait.ge [sflag:s17], $0x40  }
0x54: {  	[sflag:s17] =	ssyncset.done $0x0  }
0x55: {  	[sflag:s17] =	ssyncadd.s32 $0xFFFFFFC0  }
0x56: {  	_ =	swait.ge [sflag:s17], $0x40  }
0x57: {  	[sflag:s17] =	ssyncset.done $0x0  }
0x58: {  	[sflag:s17] =	ssyncadd.s32 $0xFFFFFFC0  }
0x59: {  	_ =	swait.ge [sflag:s17], $0x40  }
0x5a: {  	[sflag:s17] =	ssyncset.done $0x0  }
0x5b: {  	[sflag:s17] =	ssyncadd.s32 $0xFFFFFFC0  }
0x5c: {  	_ =	swait.ge [sflag:s17], $0x40  }
0x5d: {  	[sflag:s17] =	ssyncset.done $0x0  }
0x5e: {  	[sflag:s17] =	ssyncadd.s32 $0xFFFFFFC0  }
0x5f: {  	_ =	swait.ge [sflag:s17], $0x40  }
0x60: {  	[sflag:s17] =	ssyncset.done $0x0  }
0x61: {  	[sflag:s17] =	ssyncadd.s32 $0xFFFFFFC0  }
0x62: {  	_ =	swait.ge [sflag:s17], $0x40  }
0x63: {  	[sflag:s17] =	ssyncset.done $0x0  }
0x64: {  	[sflag:s17] =	ssyncadd.s32 $0xFFFFFFC0  }
0x65: {  	_ =	swait.ge [sflag:s17], $0x40  }
0x66: {  	[sflag:s17] =	ssyncset.done $0x0  }
0x67: {  	[sflag:s17] =	ssyncadd.s32 $0xFFFFFFC0  }
0x68: {  	_ =	swait.ge [sflag:s17], $0x40  }
0x69: {  	[sflag:s17] =	ssyncset.done $0x0  }
0x6a: {  	[sflag:s17] =	ssyncadd.s32 $0xFFFFFFC0  }
0x6b: {  	_ =	swait.ge [sflag:s17], $0x40  }
0x6c: {  	[sflag:s17] =	ssyncset.done $0x0  }
0x6d: {  	[sflag:s17] =	ssyncadd.s32 $0xFFFFFFC0  }
0x6e: {  	_ =	swait.ge [sflag:s17], $0x40  }
0x6f: {  	[sflag:s17] =	ssyncset.done $0x0  }
0x70: {  	[sflag:s17] =	ssyncadd.s32 $0xFFFFFFC0  }
0x71: {  	_ =	swait.ge [sflag:s17], $0x40  }
0x72: {  	[sflag:s17] =	ssyncset.done $0x0  }
0x73: {  	[sflag:s17] =	ssyncadd.s32 $0xFFFFFFC0  }
0x74: {  	_ =	swait.ge [sflag:s17], $0x40  }
0x75: {  	[sflag:s17] =	ssyncset.done $0x0  }
0x76: {  	[sflag:s17] =	ssyncadd.s32 $0xFFFFFFC0  }
0x77: {  	_ =	swait.ge [sflag:s17], $0x40  }
0x78: {  	[sflag:s17] =	ssyncset.done $0x0  }
0x79: {  	[sflag:s17] =	ssyncadd.s32 $0xFFFFFFC0  }
0x7a: {  	_ =	swait.ge [sflag:s17], $0x40  }
0x7b: {  	[sflag:s17] =	ssyncset.done $0x0  }
0x7c: {  	[sflag:s17] =	ssyncadd.s32 $0xFFFFFFC0  }
0x7d: {  	_ =	swait.ge [sflag:s17], $0x40  }
0x7e: {  	[sflag:s17] =	ssyncset.done $0x0  }
0x7f: {  	[sflag:s17] =	ssyncadd.s32 $0xFFFFFFC0  }
0x80: {  	_ =	swait.ge [sflag:s17], $0x40  }
0x81: {  	[sflag:s17] =	ssyncset.done $0x0  }
0x82: {  	[sflag:s17] =	ssyncadd.s32 $0xFFFFFFC0  }
0x83: {  	_ =	swait.ge [sflag:s17], $0x40  }
0x84: {  	[sflag:s17] =	ssyncset.done $0x0  }
0x85: {  	[sflag:s17] =	ssyncadd.s32 $0xFFFFFFC0  }
0x86: {  	_ =	swait.ge [sflag:s17], $0x40  }
0x87: {  	[sflag:s17] =	ssyncset.done $0x0  }
0x88: {  	[sflag:s17] =	ssyncadd.s32 $0xFFFFFFC0  }
0x89: {  	_ =	swait.ge [sflag:s17], $0x40  }
0x8a: {  	[sflag:s17] =	ssyncset.done $0x0  }
0x8b: {  	[sflag:s17] =	ssyncadd.s32 $0xFFFFFFC0  }
0x8c: {  	_ =	swait.ge [sflag:s17], $0x40  }
0x8d: {  	[sflag:s17] =	ssyncset.done $0x0  }
0x8e: {  	[sflag:s17] =	ssyncadd.s32 $0xFFFFFFC0  }
0x8f: {  	_ =	swait.ge [sflag:s17], $0x40  }
0x90: {  	[sflag:s17] =	ssyncset.done $0x0  }
0x91: {  	[sflag:s17] =	ssyncadd.s32 $0xFFFFFFC0  }
0x92: {  	_ =	swait.ge [sflag:s17], $0x40  }
0x93: {  	[sflag:s17] =	ssyncset.done $0x0  }
0x94: {  	[sflag:s17] =	ssyncadd.s32 $0xFFFFFFC0  }
0x95: {  	_ =	swait.ge [sflag:s17], $0x40  }
0x96: {  	[sflag:s17] =	ssyncset.done $0x0  }
0x97: {  	[sflag:s17] =	ssyncadd.s32 $0xFFFFFFC0  }
0x98: {  	_ =	swait.ge [sflag:s17], $0x40  }
0x99: {  	[sflag:s17] =	ssyncset.done $0x0  }
0x9a: {  	[sflag:s17] =	ssyncadd.s32 $0xFFFFFFC0  }
0x9b: {  	_ =	swait.ge [sflag:s17], $0x40  }
0x9c: {  	[sflag:s17] =	ssyncset.done $0x0  }
0x9d: {  	[sflag:s17] =	ssyncadd.s32 $0xFFFFFFC0  }
0x9e: {  	_ =	swait.ge [sflag:s17], $0x40  }
0x9f: {  	[sflag:s17] =	ssyncset.done $0x0  }
0xa0: {  	[sflag:s17] =	ssyncadd.s32 $0xFFFFFFC0  }
0xa1: {  	v16 =	vld [tilespmem:$0x6000]  }
0xa2: {  	v17 =	vld [tilespmem:$0x6080]  }
0xa3: {  	v18 =	vld [tilespmem:$0x6100]  }
0xa4: {  	v19 =	vld [tilespmem:$0x6180]  }
0xa5: {  	v20 =	vld [tilespmem:$0x6200]  }
0xa6: {  	v21 =	vld [tilespmem:$0x6280]  }
0xa7: {  	v22 =	vld [tilespmem:$0x6300]  }
0xa8: {  	v23 =	vld [tilespmem:$0x6380]  }
0xa9: {  	v24 =	vld [tilespmem:$0x6400]  }
0xaa: {  	v25 =	vld [tilespmem:$0x6480]  }
0xab: {  	v26 =	vld [tilespmem:$0x6500]  }
0xac: {  	v27 =	vld [tilespmem:$0x6580]  }
0xad: {  	v28 =	vld [tilespmem:$0x6600]  }
0xae: {  	v29 =	vld [tilespmem:$0x6680]  }
0xaf: {  	v30 =	vld [tilespmem:$0x6700]  }
0xb0: {  	v31 =	vld [tilespmem:$0x6780]  }
0xb1: {  	v14 =	vld [tilespmem:$0x6800]  }
0xb2: {  	v12 =	vld [tilespmem:$0x6880]  }
0xb3: {  	v10 =	vld [tilespmem:$0x6900]  }
0xb4: {  	v8 =	vld [tilespmem:$0x6980]  }
0xb5: {  	v5 =	vld [tilespmem:$0x6A00]  }
0xb6: {  	v4 =	vld [tilespmem:$0x6A80]  }
0xb7: {  	v3 =	vld [tilespmem:$0x6B00]  }
0xb8: {  	v2 =	vld [tilespmem:$0x6B80]  }
0xb9: {  	v1 =	vld [tilespmem:$0x6C00]  }
0xba: {  	v0 =	vld [tilespmem:$0x6C80]  }
0xbb: {  	v32 =	vld [tilespmem:$0x6010]  }
0xbc: {  	v33 =	vld [tilespmem:$0x6090]  }
0xbd: {  	v34 =	vld [tilespmem:$0x6110]  }
0xbe: {  	v35 =	vld [tilespmem:$0x6190]  }
0xbf: {  	v36 =	vld [tilespmem:$0x6210]  }
0xc0: {  	v37 =	vld [tilespmem:$0x6290]  }
0xc1: {  	v38 =	vld [tilespmem:$0x6310]  }
0xc2: {  	v39 =	vld [tilespmem:$0x6390]  }
0xc3: {  	v40 =	vld [tilespmem:$0x6410]  }
0xc4: {  	v41 =	vld [tilespmem:$0x6490]  }
0xc5: {  	v42 =	vld [tilespmem:$0x6510]  }
0xc6: {  	v43 =	vld [tilespmem:$0x6590]  }
0xc7: {  	v44 =	vld [tilespmem:$0x6610]  }
0xc8: {  	v45 =	vld [tilespmem:$0x6690]  }
0xc9: {  	v46 =	vld [tilespmem:$0x6710]  }
0xca: {  	v47 =	vld [tilespmem:$0x6790]  }
0xcb: {  	v48 =	vld [tilespmem:$0x6810]  }
0xcc: {  	v49 =	vld [tilespmem:$0x6890]  }
0xcd: {  	v50 =	vld [tilespmem:$0x6910]  }
0xce: {  	v51 =	vld [tilespmem:$0x6990]  }
0xcf: {  	v15 =	vld [tilespmem:$0x6A10]  }
0xd0: {  	v13 =	vld [tilespmem:$0x6A90]  }
0xd1: {  	v11 =	vld [tilespmem:$0x6B10]  }
0xd2: {  	v9 =	vld [tilespmem:$0x6B90]  }
0xd3: {  	v7 =	vld [tilespmem:$0x6C10]  }
0xd4: {  	v6 =	vld [tilespmem:$0x6C90]  }
0xd5: {  	v52 =	vld [tilespmem:$0x6020]  }
0xd6: {  	v53 =	vld [tilespmem:$0x6030]  }
0xd7: {  	v54 =	vld [tilespmem:$0x60A0]  }
0xd8: {  	v55 =	vld [tilespmem:$0x60B0];
	v16 =	vadd.f32 $0.0e+00, v16  }
0xd9: {  	v56 =	vld [tilespmem:$0x6120];
	v32 =	vadd.f32 $0.0e+00, v32  }
0xda: {  	v59 =	vld [tilespmem:$0x6130];
	v58 =	vadd.f32 $0.0e+00, v52;
	v16 =	vadd.f32 v17, v16  }
0xdb: {  	v60 =	vld [tilespmem:$0x61A0];
	v53 =	vadd.f32 $0.0e+00, v53;
	v32 =	vadd.f32 v33, v32  }
0xdc: {  	v61 =	vld [tilespmem:$0x61B0];
	v17 =	vadd.f32 v54, v58;
	v16 =	vadd.f32 v18, v16  }
0xdd: {  	v63 =	vld [tilespmem:$0x6220];
	v62 =	vadd.f32 v55, v53;
	v32 =	vadd.f32 v34, v32  }
0xde: {  	v57 =	vld [tilespmem:$0x6230];
	v17 =	vadd.f32 v56, v17;
	v16 =	vadd.f32 v19, v16  }
0xdf: {  	v58 =	vld [tilespmem:$0x62A0];
	v34 =	vadd.f32 v59, v62;
	v32 =	vadd.f32 v35, v32  }
0xe0: {  	v59 =	vld [tilespmem:$0x62B0];
	v17 =	vadd.f32 v60, v17;
	v16 =	vadd.f32 v20, v16  }
0xe1: {  	v18 =	vadd.f32 v61, v34;
	v60 =	vld [tilespmem:$0x6320];
	v32 =	vadd.f32 v36, v32  }
0xe2: {  	v61 =	vld [tilespmem:$0x6330];
	v17 =	vadd.f32 v63, v17;
	v16 =	vadd.f32 v21, v16  }
0xe3: {  	v62 =	vld [tilespmem:$0x63A0];
	v18 =	vadd.f32 v57, v18;
	v32 =	vadd.f32 v37, v32  }
0xe4: {  	v63 =	vld [tilespmem:$0x63B0];
	v17 =	vadd.f32 v58, v17;
	v16 =	vadd.f32 v22, v16  }
0xe5: {  	v36 =	vld [tilespmem:$0x6420];
	v18 =	vadd.f32 v59, v18;
	v32 =	vadd.f32 v38, v32  }
0xe6: {  	v37 =	vld [tilespmem:$0x6430];
	v17 =	vadd.f32 v60, v17;
	v16 =	vadd.f32 v23, v16  }
0xe7: {  	v18 =	vadd.f32 v61, v18;
	v38 =	vld [tilespmem:$0x64A0];
	v32 =	vadd.f32 v39, v32  }
0xe8: {  	v17 =	vadd.f32 v62, v17;
	v39 =	vld [tilespmem:$0x64B0];
	v16 =	vadd.f32 v24, v16  }
0xe9: {  	v53 =	vld [tilespmem:$0x6520];
	v18 =	vadd.f32 v63, v18;
	v52 =	vadd.f32 v40, v32  }
0xea: {  	v54 =	vld [tilespmem:$0x6530];
	v17 =	vadd.f32 v36, v17;
	v16 =	vadd.f32 v25, v16  }
0xeb: {  	v55 =	vld [tilespmem:$0x65A0];
	v18 =	vadd.f32 v37, v18;
	v24 =	vadd.f32 v41, v52  }
0xec: {  	v56 =	vld [tilespmem:$0x65B0];
	v17 =	vadd.f32 v38, v17;
	v16 =	vadd.f32 v26, v16  }
0xed: {  	v57 =	vld [tilespmem:$0x6620];
	v18 =	vadd.f32 v39, v18;
	v24 =	vadd.f32 v42, v24  }
0xee: {  	v58 =	vld [tilespmem:$0x6630];
	v17 =	vadd.f32 v53, v17;
	v16 =	vadd.f32 v27, v16  }
0xef: {  	v59 =	vld [tilespmem:$0x66A0];
	v18 =	vadd.f32 v54, v18;
	v24 =	vadd.f32 v43, v24  }
0xf0: {  	v60 =	vld [tilespmem:$0x66B0];
	v17 =	vadd.f32 v55, v17;
	v16 =	vadd.f32 v28, v16  }
0xf1: {  	v61 =	vld [tilespmem:$0x6720];
	v18 =	vadd.f32 v56, v18;
	v24 =	vadd.f32 v44, v24  }
0xf2: {  	v62 =	vld [tilespmem:$0x6730];
	v17 =	vadd.f32 v57, v17;
	v16 =	vadd.f32 v29, v16  }
0xf3: {  	v63 =	vld [tilespmem:$0x67A0];
	v18 =	vadd.f32 v58, v18;
	v24 =	vadd.f32 v45, v24  }
0xf4: {  	v28 =	vld [tilespmem:$0x67B0];
	v17 =	vadd.f32 v59, v17;
	v16 =	vadd.f32 v30, v16  }
0xf5: {  	v29 =	vld [tilespmem:$0x6820];
	v18 =	vadd.f32 v60, v18;
	v24 =	vadd.f32 v46, v24  }
0xf6: {  	v17 =	vadd.f32 v61, v17;
	v30 =	vld [tilespmem:$0x6830];
	v16 =	vadd.f32 v31, v16  }
0xf7: {  	v18 =	vadd.f32 v62, v18;
	v24 =	vadd.f32 v47, v24;
	v31 =	vld [tilespmem:$0x68A0]  }
0xf8: {  	v33 =	vld [tilespmem:$0x68B0];
	v32 =	vadd.f32 v63, v17;
	v14 =	vadd.f32 v14, v16  }
0xf9: {  	v35 =	vld [tilespmem:$0x6920];
	v18 =	vadd.f32 v28, v18;
	v34 =	vadd.f32 v48, v24  }
0xfa: {  	v37 =	vld [tilespmem:$0x6930];
	v36 =	vadd.f32 v29, v32;
	v12 =	vadd.f32 v12, v14  }
0xfb: {  	v38 =	vld [tilespmem:$0x69A0];
	v18 =	vadd.f32 v30, v18;
	v22 =	vadd.f32 v49, v34  }
0xfc: {  	v40 =	vld [tilespmem:$0x69B0];
	v39 =	vadd.f32 v31, v36;
	v10 =	vadd.f32 v10, v12  }
0xfd: {  	v42 =	vld [tilespmem:$0x6A20];
	v17 =	vadd.f32 v33, v18;
	v41 =	vadd.f32 v50, v22  }
0xfe: {  	v44 =	vld [tilespmem:$0x6A30];
	v43 =	vadd.f32 v35, v39;
	v8 =	vadd.f32 v8, v10  }
0xff: {  	v45 =	vld [tilespmem:$0x6AA0];
	v16 =	vadd.f32 v37, v17;
	v19 =	vadd.f32 v51, v41  }
0x100: {  	v47 =	vld [tilespmem:$0x6AB0];
	v46 =	vadd.f32 v38, v43;
	v5 =	vadd.f32 v5, v8  }
0x101: {  	v48 =	vld [tilespmem:$0x6B20];
	v14 =	vadd.f32 v40, v16;
	v15 =	vadd.f32 v15, v19  }
0x102: {  	v50 =	vld [tilespmem:$0x6B30];
	v49 =	vadd.f32 v42, v46;
	v4 =	vadd.f32 v4, v5  }
0x103: {  	v51 =	vld [tilespmem:$0x6BA0];
	v12 =	vadd.f32 v44, v14;
	v13 =	vadd.f32 v13, v15  }
0x104: {  	v53 =	vld [tilespmem:$0x6BB0];
	v52 =	vadd.f32 v45, v49;
	v3 =	vadd.f32 v3, v4  }
0x105: {  	v54 =	vld [tilespmem:$0x6C20];
	v10 =	vadd.f32 v47, v12;
	v11 =	vadd.f32 v11, v13  }
0x106: {  	v56 =	vld [tilespmem:$0x6C30];
	v55 =	vadd.f32 v48, v52;
	v2 =	vadd.f32 v2, v3  }
0x107: {  	v57 =	vld [tilespmem:$0x6CA0];
	v8 =	vadd.f32 v50, v10;
	v9 =	vadd.f32 v9, v11  }
0x108: {  	v59 =	vld [tilespmem:$0x6CB0];
	v58 =	vadd.f32 v51, v55;
	v1 =	vadd.f32 v1, v2  }
0x109: {  	v5 =	vadd.f32 v53, v8;
	v7 =	vadd.f32 v7, v9  }
0x10a: {  	v60 =	vadd.f32 v54, v58;
	v0 =	vadd.f32 v0, v1  }
0x10b: {  	v4 =	vadd.f32 v56, v5;
	v61 =	vadd.f32 v6, v7  }
0x10c: {  	v62 =	vadd.f32 v57, v60;
	[tilespmem:$0x7000] =	vst v0  }
0x10d: {  	s19 =	sadd.s32 $0x1, s19;
	v63 =	vadd.f32 v59, v4;
	[tilespmem:$0x7010] =	vst v61  }
0x10e: {  	p0 =	sne.s32 s19, s7;
	[tilespmem:$0x7020] =	vst v62  }
.Ltmp2:
0x10f: {  	[tilespmem:$0x7030] =	vst v63;
	(pc) =	sbr.rel @p0 .LBB2_1-.Ltmp2, $4  }
0x110: {  	[hbm4b:s6+s2] =	stream.linear.scatter [tilespmem:s18], [sflag:$0x3], $0x40, $0x38;
	[tilespmem:$0x7080] =	vst v63  }
0x111: {  	_ =	swait.ge [sflag:s12], $0x40  }
0x112: {  	[sflag:s12] =	ssyncset.done $0x0  }
0x113: {  	[sflag:s12] =	ssyncadd.s32 $0xFFFFFFC0  }
0x114: {  	_ =	sfence.sel $0x180000  }
0x115: {  	[bflag:$0x0] =	sbarrier.arrive $0xFFFF  }
0x116: {  	p0 =	sne.s32 s1, $0x0;
	_ =	strace $0x9000004A  }
0x117: {  	s0 =	sadd.s32 @!p0 $0x100000, s0;
	[bflag:$0x2] =	sbarrier.arrive $0xFFFF  }
0x118: {  	[sflag:s0] =	ssyncadd.tile.s32 @!p0 $0x1;
	_ =	shalt  }
.Lfunc_end2:
_tile_overlayer_lowered:
.L_overlay_start_2:
0x119: {  	(tag) =	ssettag $0x2  }
0x11a: {  	s0 =	rddreg [dreg:$0x0];
	s2 =	stileid.u32  }
0x11b: {  	s1 =	rddreg [dreg:$0x1];
	p0 =	sne.s32 s2, $0x0  }
0x11c: {  	s3 =	rddreg [dreg:$0x2];
	[bflag:$0x3] =	sbarrier.arrive $0xFFFF;
	s2 =	simm.s32 @!p0 $0x1C03  }
0x11d: {  	[timem:s3], [sflag:s2] =	dma.local @!p0 [hbm:s0], s1  }
0x11e: {  	s0 =	simm.s32 @!p0 $0x3  }
0x11f: {  	_ =	swait.ge @!p0 [sflag:s0], s1  }
0x120: {  	s1 =	ssub.s32 @!p0 $0x0, s1;
	[sflag:s0] =	ssyncset.done @!p0 $0x0  }
0x121: {  	[sflag:s0] =	ssyncadd.s32 @!p0 s1  }
0x122: {  	[bflag:$0x3] =	sbarrier.arrive $0xFFFF  }
0x123: {  	_ =	shalt  }

// kernel: kernel.7.cloned.1.call-start
scs
__scs_entry_jumppad:
0x0: {  	(pc) =	sbr.rel $0x88, $3  }
0x1: {  	(tag) =	ssettag $0x0;
	lr =	simm.s32 $0x1  }
0x2: {  	[smem:$0x3F95] =	sst lr;
	_ =	strace $0xD0000000  }
0x3: {  	_ = 	snop  }
0x4: {  	_ = 	snop  }
0x5: {  	_ = 	snop  }
0x6: {  	_ = 	snop  }
0x7: {  	_ = 	snop  }
__scs_overlays_trampoline_lowered:
0x8: {  	[smem:$0x3FA4] =	sst s0  }
0x9: {  	[smem:$0x3FA5] =	sst s1  }
0xa: {  	[smem:$0x3FA6] =	sst s2  }
0xb: {  	[smem:$0x3FA7] =	sst s3  }
0xc: {  	[smem:$0x3FA8] =	sst s4  }
0xd: {  	[smem:$0x3FA9] =	sst s5  }
0xe: {  	[smem:$0x3FAA] =	sst s6  }
0xf: {  	[smem:$0x3FAB] =	sst s7  }
0x10: {  	[smem:$0x3FAC] =	sst s8  }
0x11: {  	[smem:$0x3FAD] =	sst s9;
	s0 =	simm.s32 @!p0 $0x0  }
0x12: {  	s1 =	sld [smem:$0x3F93];
	s0 =	simm.s32 @p0 $0x1  }
0x13: {  	[smem:$0x3FAE] =	sst s0;
	s0 =	simm.s32 @!p1 $0x0  }
0x14: {  	s2 =	sld [smem:$0x3F92];
	s0 =	simm.s32 @p1 $0x1  }
0x15: {  	[smem:$0x3FAF] =	sst s0;
	s0 =	simm.s32 @!p2 $0x0  }
0x16: {  	s3 =	sld [smem:$0x3FDB];
	s0 =	simm.s32 @p2 $0x1  }
0x17: {  	s4 =	simm.s32 $0x1BF5;
	[smem:$0x3FB1] =	sst s0  }
0x18: {  	s0 =	sld [smem:$0x3F94];
	_ =	swait.ge [sflag:s4], $0x0  }
0x19: {  	s7 =	sld [smem:$0x3F95]  }
0x1a: {  	s8 =	sadd.s32 $0xFFFFE003, lr  }
0x1b: {  	s9 =	sadd.s32 $0xFFFFFEF7, lr;
	s5 =	simm.s32 $0xFFFFFFFF;
	p2 =	slt.u32 s8, $0xFFFFF086  }
0x1c: {  	p1 =	slt.u32 s9, $0xF7A;
	s5 =	simm.s32 @!p2 $0x0  }
0x1d: {  	s5 =	simm.s32 @p1 $0x1;
	p0 =	seq.s32 s7, s2  }
0x1e: {  	s7 =	smul.u32 @!p0 $0xF7A, s2;
	p2 =	seq.s32 @!p0 s5, $0x0  }
0x1f: {  	s9 =	smul.u32 $0xF7A, s1;
	s8 =	simm.s32 @!p0 $0x1BF5;
	p2 =	por !p2, p0  }
0x20: {  	[sflag:s8] =	ssyncset.s32 @!p0 $0xFFFFF086;
	s6 =	sadd.s32 @!p0 s3, s7;
	s7 =	simm.s32 @!p0 $0x108  }
0x21: {  	s3 =	sadd.s32 s3, s9;
	s6 =	sadd.s32 @!p0 $0x88, s6;
	s7 =	simm.s32 @p2 $0x1082  }
0x22: {  	[simem:s7], [sflag:s8] =	dma.local @!p0 [hbm:s6], $0xF7A  }
0x23: {  	s9 =	sor.u32 $0xD0000000, s2;
	s6 =	simm.s32 $0x108;
	_ =	swait.ge @!p0 [sflag:s8], $0x0  }
0x24: {  	s3 =	sadd.s32 $0x88, s3;
	s6 =	simm.s32 @!p1 $0x1082;
	[sflag:s4] =	ssyncset.s32 $0xFFFFF086  }
0x25: {  	[simem:s6], [sflag:s4] =	dma.local [hbm:s3], $0xF7A  }
0x26: {  	[smem:$0x3F95] =	sst s1;
	(tag) =	ssettag s2;
	_ =	strace s9  }
0x27: {  	s1 =	sld [smem:$0x3FA5]  }
0x28: {  	s2 =	sld [smem:$0x3FA6]  }
0x29: {  	s4 =	sld [smem:$0x3FA8]  }
0x2a: {  	p0 =	seq.s32 s5, $0x0;
	s5 =	sld [smem:$0x3FA9]  }
0x2b: {  	s6 =	sld [smem:$0x3FAA]  }
0x2c: {  	s7 =	sld [smem:$0x3FAB]  }
0x2d: {  	s3 =	simm.s32 $0x108;
	s8 =	sld [smem:$0x3FAC]  }
0x2e: {  	s3 =	simm.s32 @!p0 $0x1082;
	s9 =	sld [smem:$0x3FAD]  }
0x2f: {  	lr =	sadd.s32 s0, s3;
	s0 =	sld [smem:$0x3FA4]  }
0x30: {  	s3 =	sld [smem:$0x3FA7]  }
0x31: {  	[smem:$0x3FB0] =	sst s10  }
0x32: {  	s10 =	sld [smem:$0x3FAE];
	_ =	sdelay $0x3  }
0x33: {  	p0 =	seq.s32 s10, $0x1;
	s10 =	sld [smem:$0x3FB0];
	_ =	sdelay $0x3  }
0x34: {  	[smem:$0x3FB0] =	sst s10  }
0x35: {  	s10 =	sld [smem:$0x3FAF];
	_ =	sdelay $0x3  }
0x36: {  	p1 =	seq.s32 s10, $0x1;
	s10 =	sld [smem:$0x3FB0];
	_ =	sdelay $0x3  }
0x37: {  	[smem:$0x3FB0] =	sst s10  }
0x38: {  	s10 =	sld [smem:$0x3FB1]  }
0x39: {  	_ = 	snop;
	(pc) =	sbr.ind lr, $3  }
0x3a: {  	_ = 	snop  }
0x3b: {  	_ = 	snop  }
0x3c: {  	p2 =	seq.s32 s10, $0x1;
	s10 =	sld [smem:$0x3FB0]  }
0x3d: {  	_ =	shalt  }
0x3e: {  	_ =	shalt  }
0x3f: {  	_ =	shalt  }
0x40: {  	_ =	shalt  }
0x41: {  	_ =	shalt  }
0x42: {  	_ =	shalt  }
0x43: {  	_ =	shalt  }
0x44: {  	_ =	shalt  }
0x45: {  	_ =	shalt  }
0x46: {  	_ =	shalt  }
0x47: {  	_ =	shalt  }
0x48: {  	_ =	shalt  }
0x49: {  	_ =	shalt  }
0x4a: {  	_ =	shalt  }
0x4b: {  	_ =	shalt  }
0x4c: {  	_ =	shalt  }
0x4d: {  	_ =	shalt  }
0x4e: {  	_ =	shalt  }
0x4f: {  	_ =	shalt  }
0x50: {  	_ =	shalt  }
0x51: {  	_ =	shalt  }
0x52: {  	_ =	shalt  }
0x53: {  	_ =	shalt  }
0x54: {  	_ =	shalt  }
0x55: {  	_ =	shalt  }
0x56: {  	_ =	shalt  }
0x57: {  	_ =	shalt  }
0x58: {  	_ =	shalt  }
0x59: {  	_ =	shalt  }
0x5a: {  	_ =	shalt  }
0x5b: {  	_ =	shalt  }
0x5c: {  	_ =	shalt  }
0x5d: {  	_ =	shalt  }
0x5e: {  	_ =	shalt  }
0x5f: {  	_ =	shalt  }
0x60: {  	_ =	shalt  }
0x61: {  	_ =	shalt  }
0x62: {  	_ =	shalt  }
0x63: {  	_ =	shalt  }
0x64: {  	_ =	shalt  }
0x65: {  	_ =	shalt  }
0x66: {  	_ =	shalt  }
0x67: {  	_ =	shalt  }
0x68: {  	_ =	shalt  }
0x69: {  	_ =	shalt  }
0x6a: {  	_ =	shalt  }
0x6b: {  	_ =	shalt  }
0x6c: {  	_ =	shalt  }
0x6d: {  	_ =	shalt  }
0x6e: {  	_ =	shalt  }
0x6f: {  	_ =	shalt  }
0x70: {  	_ =	shalt  }
0x71: {  	_ =	shalt  }
0x72: {  	_ =	shalt  }
0x73: {  	_ =	shalt  }
0x74: {  	_ =	shalt  }
0x75: {  	_ =	shalt  }
0x76: {  	_ =	shalt  }
0x77: {  	_ =	shalt  }
0x78: {  	_ =	shalt  }
0x79: {  	_ =	shalt  }
0x7a: {  	_ =	shalt  }
0x7b: {  	_ =	shalt  }
0x7c: {  	_ =	shalt  }
0x7d: {  	_ =	shalt  }
0x7e: {  	_ =	shalt  }
0x7f: {  	_ =	shalt  }
0x80: {  	_ =	shalt  }
0x81: {  	_ =	shalt  }
0x82: {  	_ =	shalt  }
0x83: {  	_ =	shalt  }
0x84: {  	_ =	shalt  }
0x85: {  	_ =	shalt  }
0x86: {  	_ =	shalt  }
0x87: {  	_ =	shalt  }
.Lfunc_end0:
.L_simem_size_0:
called_computation_lowered:
.L_overlay_start_0:
0x88: {  	s2 =	sld [smem:$0x3FD9]  }
0x89: {  	s3 =	sld [smem:$0x3FFE];
	_ =	sdelay $0x1  }
0x8a: {  	s1 =	srdreg.scid  }
0x8b: {  	s0 =	sand.u32 $0x1, s1  }
0x8c: {  	s16 =	sshll.u32 s0, $0xA;
	s2 =	sadd.s32 s3, s2  }
0x8d: {  	s2 =	sadd.s32 s2, s16  }
0x8e: {  	[smem:$0x3FBC] =	sst s2  }
0x8f: {  	_ = 	snop  }
0x90: {  	(tm) =	ssettm $0x1  }
0x91: {  	s17 =	sld [smem:$0x3FFB];
	_ =	sdelay $0x3  }
0x92: {  	_ =	strace s17  }
0x93: {  	s2 =	sld [smem:$0x3FFC];
	_ =	sdelay $0x3  }
0x94: {  	_ =	strace s2  }
0x95: {  	s2 =	sld [smem:$0x3FFD];
	_ =	sdelay $0x3  }
0x96: {  	_ =	strace s2  }
0x97: {  	_ =	strace $0x8FFFFFFF  }
0x98: {  	s18 =	sld [smem:$0x3FDB];
	_ =	sdelay $0x1  }
0x99: {  	s19 =	simm.s32 $_scs_section_size  }
0x9a: {  	s4 =	simm.s32 $_size__tile_overlayer_lowered;
	s5 =	simm.s32 $_tile_overlayer_lowered  }
0x9b: {  	s22 =	simm.s32 $0x1BFF;
	s21 =	sshll.u32 s5, $0x1;
	s2 =	sadd.s32 s19, s18  }
0x9c: {  	s6 =	simm.s32 $0x0;
	s20 =	sshll.u32 s4, $0x1;
	s4 =	sadd.s32 s21, s2  }
0x9d: {  	[timem:s6], [sflag:s22] =	dma.local [hbm:s4], s20  }
0x9e: {  	_ =	swait.ge [sflag:s22], s20  }
0x9f: {  	s3 =	ssub.s32 $0x0, s20;
	[sflag:s22] =	ssyncset.done $0x0  }
0xa0: {  	[sflag:s22] =	ssyncadd.s32 s3;
	_ =	sdelay $0x1  }
0xa1: {  	s23 =	simm.s32 $0x1B8B  }
0xa2: {  	_ =	swait.ge [sflag:s23], $0x1  }
0xa3: {  	[sflag:s23] =	ssyncset.done $0x0  }
0xa4: {  	s25 =	simm.s32 $0x1B8E;
	s24 =	sld [smem:$0x3FFE];
	[sflag:s23] =	ssyncadd.s32 $0xFFFFFFFF  }
0xa5: {  	s26 =	simm.s32 $execute0_lowered;
	[smem:$0x3FD2] =	sst s25  }
0xa6: {  	s4 =	sshll.u32 s26, $0x1;
	_ =	strace $0x80000046;
	[dreg:$0x1] =	wrdreg $0xFFFFFFFF  }
0xa7: {  	s28 =	simm.s32 $_size_execute0_lowered;
	s2 =	sadd.s32 s2, s4;
	[dreg:$0x0] =	wrdreg $0x0  }
0xa8: {  	s4 =	sshll.u32 s28, $0x1;
	[dreg:$0x2] =	wrdreg s2  }
0xa9: {  	[dreg:$0x3] =	wrdreg s4  }
0xaa: {  	[dreg:$0x4] =	wrdreg $0xC0  }
0xab: {  	_ =	task [dreg:s6], $0x5FFFF  }
0xac: {  	[dreg:$0x1] =	wrdreg $0xFFFFFFFF  }
0xad: {  	[dreg:$0x0] =	wrdreg $0x60  }
0xae: {  	[dreg:$0x2] =	wrdreg s24  }
0xaf: {  	[dreg:$0x3] =	wrdreg $0x9  }
0xb0: {  	_ =	task.clear_ibuf [dreg:s6], $0x4FFFF;
	_ =	strace $0x90000046  }
0xb1: {  	s29 =	simm.s32 $0x9;
	_ =	strace $0x80000048  }
0xb2: {  	_ =	swait.ge [sflag:s29], $0x1  }
0xb3: {  	[sflag:s29] =	ssyncadd.s32 $0xFFFFFFFF  }
0xb4: {  	_ =	strace $0x90000048  }
0xb5: {  	_ =	sfence  }
0xb6: {  	s30 =	sld [smem:$0x0];
	_ =	sdelay $0x2  }
0xb7: {  	s31 =	sshll.u32 s1, $0xD;
	s1 =	sshrl.u32 s1, $0x2  }
0xb8: {  	s3 =	sand.u32 $0x4000, s31;
	s1 =	sadd.s32 s1, s30  }
0xb9: {  	s0 =	sor.u32 s3, s0;
	s1 =	sshll.u32 s1, $0x11  }
0xba: {  	s0 =	sor.u32 s1, s0  }
0xbb: {  	s0 =	sadd.s32 $0x8F2B, s0  }
0xbc: {  	[sflag:s0] =	ssyncadd.remote.s32 $0x1  }
0xbd: {  	_ =	sfence.sel $0xFFFF  }
0xbe: {  	[dreg:$0x0] =	wrdreg $0xFFFFFFFF;
	(pc) =	sbr.abs _section_cstart, $3  }
0xbf: {  	[dreg:$0x1] =	wrdreg $0xFFFFFFFF  }
0xc0: {  	_ =	task.clear_ibuf [dreg:s6], $0x2FFFF;
	_ =	strace $0x9FFFFFFF  }
0xc1: {  	(tm) =	ssettm $0x7FFFFFFF  }
tec
execute0_lowered:
.L_overlay_start_1:
0x0: {  	(tag) =	ssettag $0x1  }
0x1: {  	s1 =	srdreg.scid  }
0x2: {  	s0 =	stileid.u32;
	s5 =	rddreg [dreg:$0x0];
	s2 =	simm.s32 $0x0  }
0x3: {  	s13 =	simm.s32 $0x40;
	s14 =	simm.s32 $0x2000;
	s15 =	simm.s32 $0x1  }
0x4: {  	s16 =	simm.s32 $0x4000;
	s17 =	simm.s32 $0x2;
	s18 =	simm.s32 $0x7000  }
0x5: {  	s19 =	simm.s32 $0x0;
	s8 =	sand.u32 $0x1, s1;
	s1 =	rddreg [dreg:$0x1]  }
0x6: {  	s3 =	sshll.u32 s0, $0x1;
	[smem:$0x7FF] =	sst s2;
	s4 =	sadd.s32 $0x409200, s5  }
0x7: {  	s11 =	sadd.s32 $0x429000, s5;
	s30 =	sshll.u32 s0, $0xB;
	s6 =	sor.u32 s8, s3  }
0x8: {  	_ =	strace $0x80000047;
	s10 =	ssub.s32 $0x2, s8;
	s31 =	sshll.u32 s8, $0xA  }
0x9: {  	s3 =	sshll.u32 s6, $0x4;
	s9 =	sshll.u32 s6, $0x3;
	s29 =	sshrl.u32 s10, $0x1  }
0xa: {  	s6 =	sshll.u32 s6, $0xA;
	s7 =	sadd.s32 s3, s5;
	s3 =	sadd.s32 $0x9200, s5  }
0xb: {  	s9 =	sadd.s32 s9, s5;
	s10 =	ssub.s32 s10, s29;
	s12 =	sadd.s32 s11, s6  }
0xc: {  	s5 =	sadd.s32 $0x2A00, s7;
	s6 =	sadd.s32 $0x428E00, s9;
	s7 =	smax.u32 s10, $0x1  }
0xd: {  	s9 =	sadd.s32 s30, s11;
	s8 =	sadd.s32 $0xC8000, s12;
	s10 =	simm.s32 $0x80  }
0xe: {  	s11 =	simm.s32 $0x1000;
	s12 =	simm.s32 $0x3;
	s9 =	sadd.s32 s31, s9  }
.LBB2_1:
0xf: {  	[tilespmem:s2], [sflag:$0x3] =	stream.strided.gather [hbm4b:s5+s10], $0xD00, s11, s10, $0x38;
	[tilespmem:$0x7080] =	vst v63  }
0x10: {  	_ =	swait.ge [sflag:s12], $0xD00  }
0x11: {  	[sflag:s12] =	ssyncset.done $0x0  }
0x12: {  	s20 =	simm.s32 $0x0;
	s21 =	simm.s32 $0x6000;
	[sflag:s12] =	ssyncadd.s32 $0xFFFFF300  }
0x13: {  	[tilespmem:s21], [sflag:$0x2] =	stream.indirect.gather [hbm4b:s4+s13], $0x1, s20, s13, $0xb8;
	[tilespmem:$0x7080] =	vst v63  }
0x14: {  	v0 =	vld [tilespmem:s20+$0x0]  }
0x15: {  	v1 =	vld [tilespmem:s20+$0x10]  }
0x16: {  	v2 =	vld [tilespmem:s20+$0x20]  }
0x17: {  	v3 =	vld [tilespmem:s20+$0x30];
	_ =	sdelay $0x2  }
0x18: {  	v4 =	vshrl.u32 v0, $0x2;
	v5 =	vshrl.u32 v1, $0x2;
	v0 =	vand.u32 $0x7F, v0  }
0x19: {  	v1 =	vand.u32 $0x7F, v1;
	v62 =	vshrl.u32 v2, $0x2;
	v4 =	vand.u32 $0x3FFFFF80, v4  }
0x1a: {  	v63 =	vshrl.u32 v3, $0x2;
	v5 =	vand.u32 $0x3FFFFF80, v5;
	v0 =	vor.u32 v0, v4  }
0x1b: {  	v1 =	vor.u32 v1, v5;
	[tilespmem:s20+$0x1000] =	vst v0;
	v0 =	vand.u32 $0x7F, v2;
	v2 =	vand.u32 $0x3FFFFF80, v62  }
0x1c: {  	[tilespmem:s20+$0x1010] =	vst v1;
	v1 =	vand.u32 $0x7F, v3;
	v0 =	vor.u32 v0, v2;
	v2 =	vand.u32 $0x3FFFFF80, v63  }
0x1d: {  	s22 =	simm.s32 $0x80;
	s21 =	simm.s32 $0x400;
	[tilespmem:s20+$0x1020] =	vst v0;
	v0 =	vor.u32 v1, v2  }
.LBB2_2:
0x1e: {  	p0 =	sne.s32 s21, $0x3200;
	s23 =	sadd.s32 $0x6000, s22;
	[tilespmem:s20+$0x1030] =	vst v0;
	s20 =	smov.u32 s22  }
0x1f: {  	[tilespmem:s23], [sflag:$0x2] =	stream.indirect.gather [hbm4b:s4+s13], $0x1, s20, s13, $0xb8;
	[tilespmem:$0x7080] =	vst v63  }
0x20: {  	v0 =	vld [tilespmem:s20+$0x0]  }
0x21: {  	v1 =	vld [tilespmem:s20+$0x10]  }
0x22: {  	v2 =	vld [tilespmem:s20+$0x20]  }
0x23: {  	v3 =	vld [tilespmem:s20+$0x30];
	_ =	sdelay $0x1  }
0x24: {  	v4 =	vshrl.u32 v0, $0x2  }
0x25: {  	v0 =	vand.u32 $0x7F, v0;
	v4 =	vand.u32 $0x3FFFFF80, v4;
	v5 =	vshrl.u32 v1, $0x2  }
.Ltmp0:
0x26: {  	v1 =	vand.u32 $0x7F, v1;
	v0 =	vor.u32 v0, v4;
	v4 =	vand.u32 $0x3FFFFF80, v5;
	(pc) =	sbr.rel @p0 .LBB2_2-.Ltmp0, $4  }
0x27: {  	[tilespmem:s20+$0x1000] =	vst v0;
	v0 =	vor.u32 v1, v4;
	v1 =	vshrl.u32 v2, $0x2;
	v2 =	vand.u32 $0x7F, v2  }
0x28: {  	[tilespmem:s20+$0x1010] =	vst v0;
	v0 =	vand.u32 $0x3FFFFF80, v1;
	v1 =	vshrl.u32 v3, $0x2;
	v3 =	vand.u32 $0x7F, v3  }
0x29: {  	v0 =	vor.u32 v2, v0;
	v1 =	vand.u32 $0x3FFFFF80, v1  }
0x2a: {  	s22 =	sshra.s32 s21, $0x2;
	s21 =	sadd.s32 $0x200, s21;
	[tilespmem:s20+$0x1020] =	vst v0;
	v0 =	vor.u32 v3, v1  }
0x2b: {  	s21 =	sadd.s32 $0x6000, s22;
	[tilespmem:s20+$0x1030] =	vst v0  }
0x2c: {  	[tilespmem:s21], [sflag:$0x2] =	stream.indirect.gather [hbm4b:s4+s13], $0x1, s22, s13, $0xb8;
	[tilespmem:$0x7080] =	vst v63  }
0x2d: {  	v0 =	vld [tilespmem:s22+$0x0]  }
0x2e: {  	v1 =	vld [tilespmem:s22+$0x10]  }
0x2f: {  	v2 =	vld [tilespmem:s22+$0x20]  }
0x30: {  	v3 =	vld [tilespmem:s22+$0x30];
	_ =	sdelay $0x2  }
0x31: {  	v4 =	vshrl.u32 v0, $0x2;
	v5 =	vshrl.u32 v1, $0x2;
	v0 =	vand.u32 $0x7F, v0  }
0x32: {  	v1 =	vand.u32 $0x7F, v1;
	v57 =	vshrl.u32 v2, $0x2;
	v4 =	vand.u32 $0x3FFFFF80, v4  }
0x33: {  	v60 =	vshrl.u32 v3, $0x2;
	v5 =	vand.u32 $0x3FFFFF80, v5;
	v0 =	vor.u32 v0, v4  }
0x34: {  	v61 =	vand.u32 $0x7F, v3;
	v62 =	vand.u32 $0x3FFFFF80, v60;
	v1 =	vor.u32 v1, v5;
	[tilespmem:s22+$0x1000] =	vst v0  }
0x35: {  	s21 =	simm.s32 $0x8000;
	v58 =	vand.u32 $0x7F, v2;
	v59 =	vand.u32 $0x3FFFFF80, v57;
	v63 =	vor.u32 v61, v62;
	[tilespmem:s22+$0x1010] =	vst v1  }
0x36: {  	s30 =	sand.u32 $0x8000, s21;
	v0 =	vor.u32 v58, v59;
	[tilespmem:s22+$0x1030] =	vst v63  }
0x37: {  	s20 =	sshrl.u32 s30, $0x2;
	[tilespmem:s22+$0x1020] =	vst v0  }
0x38: {  	[tilespmem:s14], [sflag:$0x1] =	stream.indirect.gather [hbm4b:s3+s13], $0x80, s11, s13, $0xb8;
	[tilespmem:$0x7080] =	vst v63  }
0x39: {  	s31 =	simm.s32 $0x0;
	s23 =	simm.s32 $0x1080;
	s20 =	sadd.s32 $0x2000, s20  }
0x3a: {  	[tilespmem:s20], [sflag:$0x1] =	stream.indirect.gather [hbm4b:s3+s13], $0x80, s23, s13, $0xb8;
	[tilespmem:$0x7080] =	vst v63  }
0x3b: {  	s22 =	sand.u32 $0x8000, s31;
	s20 =	sadd.s32 $0x0, s9;
	_ =	swait.ge [sflag:s15], $0x2000  }
0x3c: {  	s23 =	sshrl.u32 s22, $0x2;
	s22 =	simm.s32 $0x1100;
	[sflag:s15] =	ssyncset.done $0x0  }
.LBB2_4:
0x3d: {  	[sflag:s15] =	ssyncadd.s32 $0xFFFFE000;
	s23 =	sadd.s32 $0x2000, s23  }
0x3e: {  	s24 =	smov.u32 s21;
	s25 =	sadd.s32 $0x8000, s21;
	p0 =	sne.s32 s21, $0xC0000  }
0x3f: {  	[hbm4b:s20+s2] =	stream.linear.scatter [tilespmem:s23], [sflag:$0x3], $0x2000, $0x38;
	[tilespmem:$0x7080] =	vst v63  }
0x40: {  	s23 =	sand.u32 $0x8000, s25;
	s20 =	sadd.s32 s24, s9;
	_ =	swait.ge [sflag:s12], $0x2000  }
.Ltmp1:
0x41: {  	s23 =	sshrl.u32 s23, $0x2;
	[sflag:s12] =	ssyncset.done $0x0;
	(pc) =	sbr.rel @p0 .LBB2_4-.Ltmp1, $4  }
0x42: {  	s21 =	sand.u32 $0x8000, s24;
	s23 =	sadd.s32 $0x2000, s23;
	[sflag:s12] =	ssyncadd.s32 $0xFFFFE000  }
0x43: {  	[tilespmem:s23], [sflag:$0x1] =	stream.indirect.gather [hbm4b:s3+s13], $0x80, s22, s13, $0xb8;
	[tilespmem:$0x7080] =	vst v63  }
0x44: {  	s23 =	sshrl.u32 s21, $0x2;
	_ =	swait.ge [sflag:s15], $0x2000  }
0x45: {  	s22 =	sadd.s32 $0x80, s22;
	s21 =	smov.u32 s25;
	[sflag:s15] =	ssyncset.done $0x0  }
0x46: {  	[sflag:s15] =	ssyncadd.s32 $0xFFFFE000;
	s21 =	sadd.s32 $0x2000, s23  }
0x47: {  	[hbm4b:s20+s2] =	stream.linear.scatter [tilespmem:s21], [sflag:$0x3], $0x2000, $0x38;
	[tilespmem:$0x7080] =	vst v63  }
0x48: {  	_ =	swait.ge [sflag:s12], $0x2000  }
0x49: {  	[sflag:s12] =	ssyncset.done $0x0  }
0x4a: {  	[sflag:s12] =	ssyncadd.s32 $0xFFFFE000  }
0x4b: {  	_ =	swait.ge [sflag:s15], $0x2000  }
0x4c: {  	[sflag:s15] =	ssyncset.done $0x0  }
0x4d: {  	[sflag:s15] =	ssyncadd.s32 $0xFFFFE000  }
0x4e: {  	[hbm4b:s8+s2] =	stream.linear.scatter [tilespmem:s16], [sflag:$0x3], $0x2000, $0x38;
	[tilespmem:$0x7080] =	vst v63  }
0x4f: {  	_ =	swait.ge [sflag:s12], $0x2000  }
0x50: {  	[sflag:s12] =	ssyncset.done $0x0  }
0x51: {  	[sflag:s12] =	ssyncadd.s32 $0xFFFFE000  }
0x52: {  	_ =	swait.ge [sflag:s17], $0x40  }
0x53: {  	[sflag:s17] =	ssyncset.done $0x0  }
0x54: {  	[sflag:s17] =	ssyncadd.s32 $0xFFFFFFC0  }
0x55: {  	_ =	swait.ge [sflag:s17], $0x40  }
0x56: {  	[sflag:s17] =	ssyncset.done $0x0  }
0x57: {  	[sflag:s17] =	ssyncadd.s32 $0xFFFFFFC0  }
0x58: {  	_ =	swait.ge [sflag:s17], $0x40  }
0x59: {  	[sflag:s17] =	ssyncset.done $0x0  }
0x5a: {  	[sflag:s17] =	ssyncadd.s32 $0xFFFFFFC0  }
0x5b: {  	_ =	swait.ge [sflag:s17], $0x40  }
0x5c: {  	[sflag:s17] =	ssyncset.done $0x0  }
0x5d: {  	[sflag:s17] =	ssyncadd.s32 $0xFFFFFFC0  }
0x5e: {  	_ =	swait.ge [sflag:s17], $0x40  }
0x5f: {  	[sflag:s17] =	ssyncset.done $0x0  }
0x60: {  	[sflag:s17] =	ssyncadd.s32 $0xFFFFFFC0  }
0x61: {  	_ =	swait.ge [sflag:s17], $0x40  }
0x62: {  	[sflag:s17] =	ssyncset.done $0x0  }
0x63: {  	[sflag:s17] =	ssyncadd.s32 $0xFFFFFFC0  }
0x64: {  	_ =	swait.ge [sflag:s17], $0x40  }
0x65: {  	[sflag:s17] =	ssyncset.done $0x0  }
0x66: {  	[sflag:s17] =	ssyncadd.s32 $0xFFFFFFC0  }
0x67: {  	_ =	swait.ge [sflag:s17], $0x40  }
0x68: {  	[sflag:s17] =	ssyncset.done $0x0  }
0x69: {  	[sflag:s17] =	ssyncadd.s32 $0xFFFFFFC0  }
0x6a: {  	_ =	swait.ge [sflag:s17], $0x40  }
0x6b: {  	[sflag:s17] =	ssyncset.done $0x0  }
0x6c: {  	[sflag:s17] =	ssyncadd.s32 $0xFFFFFFC0  }
0x6d: {  	_ =	swait.ge [sflag:s17], $0x40  }
0x6e: {  	[sflag:s17] =	ssyncset.done $0x0  }
0x6f: {  	[sflag:s17] =	ssyncadd.s32 $0xFFFFFFC0  }
0x70: {  	_ =	swait.ge [sflag:s17], $0x40  }
0x71: {  	[sflag:s17] =	ssyncset.done $0x0  }
0x72: {  	[sflag:s17] =	ssyncadd.s32 $0xFFFFFFC0  }
0x73: {  	_ =	swait.ge [sflag:s17], $0x40  }
0x74: {  	[sflag:s17] =	ssyncset.done $0x0  }
0x75: {  	[sflag:s17] =	ssyncadd.s32 $0xFFFFFFC0  }
0x76: {  	_ =	swait.ge [sflag:s17], $0x40  }
0x77: {  	[sflag:s17] =	ssyncset.done $0x0  }
0x78: {  	[sflag:s17] =	ssyncadd.s32 $0xFFFFFFC0  }
0x79: {  	_ =	swait.ge [sflag:s17], $0x40  }
0x7a: {  	[sflag:s17] =	ssyncset.done $0x0  }
0x7b: {  	[sflag:s17] =	ssyncadd.s32 $0xFFFFFFC0  }
0x7c: {  	_ =	swait.ge [sflag:s17], $0x40  }
0x7d: {  	[sflag:s17] =	ssyncset.done $0x0  }
0x7e: {  	[sflag:s17] =	ssyncadd.s32 $0xFFFFFFC0  }
0x7f: {  	_ =	swait.ge [sflag:s17], $0x40  }
0x80: {  	[sflag:s17] =	ssyncset.done $0x0  }
0x81: {  	[sflag:s17] =	ssyncadd.s32 $0xFFFFFFC0  }
0x82: {  	_ =	swait.ge [sflag:s17], $0x40  }
0x83: {  	[sflag:s17] =	ssyncset.done $0x0  }
0x84: {  	[sflag:s17] =	ssyncadd.s32 $0xFFFFFFC0  }
0x85: {  	_ =	swait.ge [sflag:s17], $0x40  }
0x86: {  	[sflag:s17] =	ssyncset.done $0x0  }
0x87: {  	[sflag:s17] =	ssyncadd.s32 $0xFFFFFFC0  }
0x88: {  	_ =	swait.ge [sflag:s17], $0x40  }
0x89: {  	[sflag:s17] =	ssyncset.done $0x0  }
0x8a: {  	[sflag:s17] =	ssyncadd.s32 $0xFFFFFFC0  }
0x8b: {  	_ =	swait.ge [sflag:s17], $0x40  }
0x8c: {  	[sflag:s17] =	ssyncset.done $0x0  }
0x8d: {  	[sflag:s17] =	ssyncadd.s32 $0xFFFFFFC0  }
0x8e: {  	_ =	swait.ge [sflag:s17], $0x40  }
0x8f: {  	[sflag:s17] =	ssyncset.done $0x0  }
0x90: {  	[sflag:s17] =	ssyncadd.s32 $0xFFFFFFC0  }
0x91: {  	_ =	swait.ge [sflag:s17], $0x40  }
0x92: {  	[sflag:s17] =	ssyncset.done $0x0  }
0x93: {  	[sflag:s17] =	ssyncadd.s32 $0xFFFFFFC0  }
0x94: {  	_ =	swait.ge [sflag:s17], $0x40  }
0x95: {  	[sflag:s17] =	ssyncset.done $0x0  }
0x96: {  	[sflag:s17] =	ssyncadd.s32 $0xFFFFFFC0  }
0x97: {  	_ =	swait.ge [sflag:s17], $0x40  }
0x98: {  	[sflag:s17] =	ssyncset.done $0x0  }
0x99: {  	[sflag:s17] =	ssyncadd.s32 $0xFFFFFFC0  }
0x9a: {  	_ =	swait.ge [sflag:s17], $0x40  }
0x9b: {  	[sflag:s17] =	ssyncset.done $0x0  }
0x9c: {  	[sflag:s17] =	ssyncadd.s32 $0xFFFFFFC0  }
0x9d: {  	_ =	swait.ge [sflag:s17], $0x40  }
0x9e: {  	[sflag:s17] =	ssyncset.done $0x0  }
0x9f: {  	[sflag:s17] =	ssyncadd.s32 $0xFFFFFFC0  }
0xa0: {  	v16 =	vld [tilespmem:$0x6000]  }
0xa1: {  	v17 =	vld [tilespmem:$0x6080]  }
0xa2: {  	v18 =	vld [tilespmem:$0x6100]  }
0xa3: {  	v19 =	vld [tilespmem:$0x6180]  }
0xa4: {  	v20 =	vld [tilespmem:$0x6200]  }
0xa5: {  	v21 =	vld [tilespmem:$0x6280]  }
0xa6: {  	v22 =	vld [tilespmem:$0x6300]  }
0xa7: {  	v23 =	vld [tilespmem:$0x6380]  }
0xa8: {  	v24 =	vld [tilespmem:$0x6400]  }
0xa9: {  	v25 =	vld [tilespmem:$0x6480]  }
0xaa: {  	v26 =	vld [tilespmem:$0x6500]  }
0xab: {  	v27 =	vld [tilespmem:$0x6580]  }
0xac: {  	v28 =	vld [tilespmem:$0x6600]  }
0xad: {  	v29 =	vld [tilespmem:$0x6680]  }
0xae: {  	v30 =	vld [tilespmem:$0x6700]  }
0xaf: {  	v31 =	vld [tilespmem:$0x6780]  }
0xb0: {  	v14 =	vld [tilespmem:$0x6800]  }
0xb1: {  	v12 =	vld [tilespmem:$0x6880]  }
0xb2: {  	v10 =	vld [tilespmem:$0x6900]  }
0xb3: {  	v8 =	vld [tilespmem:$0x6980]  }
0xb4: {  	v5 =	vld [tilespmem:$0x6A00]  }
0xb5: {  	v4 =	vld [tilespmem:$0x6A80]  }
0xb6: {  	v3 =	vld [tilespmem:$0x6B00]  }
0xb7: {  	v2 =	vld [tilespmem:$0x6B80]  }
0xb8: {  	v1 =	vld [tilespmem:$0x6C00]  }
0xb9: {  	v0 =	vld [tilespmem:$0x6C80]  }
0xba: {  	v32 =	vld [tilespmem:$0x6010]  }
0xbb: {  	v33 =	vld [tilespmem:$0x6090]  }
0xbc: {  	v34 =	vld [tilespmem:$0x6110]  }
0xbd: {  	v35 =	vld [tilespmem:$0x6190]  }
0xbe: {  	v36 =	vld [tilespmem:$0x6210]  }
0xbf: {  	v37 =	vld [tilespmem:$0x6290]  }
0xc0: {  	v38 =	vld [tilespmem:$0x6310]  }
0xc1: {  	v39 =	vld [tilespmem:$0x6390]  }
0xc2: {  	v40 =	vld [tilespmem:$0x6410]  }
0xc3: {  	v41 =	vld [tilespmem:$0x6490]  }
0xc4: {  	v42 =	vld [tilespmem:$0x6510]  }
0xc5: {  	v43 =	vld [tilespmem:$0x6590]  }
0xc6: {  	v44 =	vld [tilespmem:$0x6610]  }
0xc7: {  	v45 =	vld [tilespmem:$0x6690]  }
0xc8: {  	v46 =	vld [tilespmem:$0x6710]  }
0xc9: {  	v47 =	vld [tilespmem:$0x6790]  }
0xca: {  	v48 =	vld [tilespmem:$0x6810]  }
0xcb: {  	v49 =	vld [tilespmem:$0x6890]  }
0xcc: {  	v50 =	vld [tilespmem:$0x6910]  }
0xcd: {  	v51 =	vld [tilespmem:$0x6990]  }
0xce: {  	v15 =	vld [tilespmem:$0x6A10]  }
0xcf: {  	v13 =	vld [tilespmem:$0x6A90]  }
0xd0: {  	v11 =	vld [tilespmem:$0x6B10]  }
0xd1: {  	v9 =	vld [tilespmem:$0x6B90]  }
0xd2: {  	v7 =	vld [tilespmem:$0x6C10]  }
0xd3: {  	v6 =	vld [tilespmem:$0x6C90]  }
0xd4: {  	v52 =	vld [tilespmem:$0x6020]  }
0xd5: {  	v53 =	vld [tilespmem:$0x6030]  }
0xd6: {  	v54 =	vld [tilespmem:$0x60A0]  }
0xd7: {  	v55 =	vld [tilespmem:$0x60B0];
	v16 =	vadd.f32 $0.0e+00, v16  }
0xd8: {  	v56 =	vld [tilespmem:$0x6120];
	v32 =	vadd.f32 $0.0e+00, v32  }
0xd9: {  	v59 =	vld [tilespmem:$0x6130];
	v58 =	vadd.f32 $0.0e+00, v52;
	v16 =	vadd.f32 v17, v16  }
0xda: {  	v60 =	vld [tilespmem:$0x61A0];
	v53 =	vadd.f32 $0.0e+00, v53;
	v32 =	vadd.f32 v33, v32  }
0xdb: {  	v61 =	vld [tilespmem:$0x61B0];
	v17 =	vadd.f32 v54, v58;
	v16 =	vadd.f32 v18, v16  }
0xdc: {  	v63 =	vld [tilespmem:$0x6220];
	v62 =	vadd.f32 v55, v53;
	v32 =	vadd.f32 v34, v32  }
0xdd: {  	v57 =	vld [tilespmem:$0x6230];
	v17 =	vadd.f32 v56, v17;
	v16 =	vadd.f32 v19, v16  }
0xde: {  	v58 =	vld [tilespmem:$0x62A0];
	v34 =	vadd.f32 v59, v62;
	v32 =	vadd.f32 v35, v32  }
0xdf: {  	v59 =	vld [tilespmem:$0x62B0];
	v17 =	vadd.f32 v60, v17;
	v16 =	vadd.f32 v20, v16  }
0xe0: {  	v18 =	vadd.f32 v61, v34;
	v60 =	vld [tilespmem:$0x6320];
	v32 =	vadd.f32 v36, v32  }
0xe1: {  	v61 =	vld [tilespmem:$0x6330];
	v17 =	vadd.f32 v63, v17;
	v16 =	vadd.f32 v21, v16  }
0xe2: {  	v62 =	vld [tilespmem:$0x63A0];
	v18 =	vadd.f32 v57, v18;
	v32 =	vadd.f32 v37, v32  }
0xe3: {  	v63 =	vld [tilespmem:$0x63B0];
	v17 =	vadd.f32 v58, v17;
	v16 =	vadd.f32 v22, v16  }
0xe4: {  	v36 =	vld [tilespmem:$0x6420];
	v18 =	vadd.f32 v59, v18;
	v32 =	vadd.f32 v38, v32  }
0xe5: {  	v37 =	vld [tilespmem:$0x6430];
	v17 =	vadd.f32 v60, v17;
	v16 =	vadd.f32 v23, v16  }
0xe6: {  	v18 =	vadd.f32 v61, v18;
	v38 =	vld [tilespmem:$0x64A0];
	v32 =	vadd.f32 v39, v32  }
0xe7: {  	v17 =	vadd.f32 v62, v17;
	v39 =	vld [tilespmem:$0x64B0];
	v16 =	vadd.f32 v24, v16  }
0xe8: {  	v53 =	vld [tilespmem:$0x6520];
	v18 =	vadd.f32 v63, v18;
	v52 =	vadd.f32 v40, v32  }
0xe9: {  	v54 =	vld [tilespmem:$0x6530];
	v17 =	vadd.f32 v36, v17;
	v16 =	vadd.f32 v25, v16  }
0xea: {  	v55 =	vld [tilespmem:$0x65A0];
	v18 =	vadd.f32 v37, v18;
	v24 =	vadd.f32 v41, v52  }
0xeb: {  	v56 =	vld [tilespmem:$0x65B0];
	v17 =	vadd.f32 v38, v17;
	v16 =	vadd.f32 v26, v16  }
0xec: {  	v57 =	vld [tilespmem:$0x6620];
	v18 =	vadd.f32 v39, v18;
	v24 =	vadd.f32 v42, v24  }
0xed: {  	v58 =	vld [tilespmem:$0x6630];
	v17 =	vadd.f32 v53, v17;
	v16 =	vadd.f32 v27, v16  }
0xee: {  	v59 =	vld [tilespmem:$0x66A0];
	v18 =	vadd.f32 v54, v18;
	v24 =	vadd.f32 v43, v24  }
0xef: {  	v60 =	vld [tilespmem:$0x66B0];
	v17 =	vadd.f32 v55, v17;
	v16 =	vadd.f32 v28, v16  }
0xf0: {  	v61 =	vld [tilespmem:$0x6720];
	v18 =	vadd.f32 v56, v18;
	v24 =	vadd.f32 v44, v24  }
0xf1: {  	v62 =	vld [tilespmem:$0x6730];
	v17 =	vadd.f32 v57, v17;
	v16 =	vadd.f32 v29, v16  }
0xf2: {  	v63 =	vld [tilespmem:$0x67A0];
	v18 =	vadd.f32 v58, v18;
	v24 =	vadd.f32 v45, v24  }
0xf3: {  	v28 =	vld [tilespmem:$0x67B0];
	v17 =	vadd.f32 v59, v17;
	v16 =	vadd.f32 v30, v16  }
0xf4: {  	v29 =	vld [tilespmem:$0x6820];
	v18 =	vadd.f32 v60, v18;
	v24 =	vadd.f32 v46, v24  }
0xf5: {  	v17 =	vadd.f32 v61, v17;
	v30 =	vld [tilespmem:$0x6830];
	v16 =	vadd.f32 v31, v16  }
0xf6: {  	v18 =	vadd.f32 v62, v18;
	v24 =	vadd.f32 v47, v24;
	v31 =	vld [tilespmem:$0x68A0]  }
0xf7: {  	v33 =	vld [tilespmem:$0x68B0];
	v32 =	vadd.f32 v63, v17;
	v14 =	vadd.f32 v14, v16  }
0xf8: {  	v35 =	vld [tilespmem:$0x6920];
	v18 =	vadd.f32 v28, v18;
	v34 =	vadd.f32 v48, v24  }
0xf9: {  	v37 =	vld [tilespmem:$0x6930];
	v36 =	vadd.f32 v29, v32;
	v12 =	vadd.f32 v12, v14  }
0xfa: {  	v38 =	vld [tilespmem:$0x69A0];
	v18 =	vadd.f32 v30, v18;
	v22 =	vadd.f32 v49, v34  }
0xfb: {  	v40 =	vld [tilespmem:$0x69B0];
	v39 =	vadd.f32 v31, v36;
	v10 =	vadd.f32 v10, v12  }
0xfc: {  	v42 =	vld [tilespmem:$0x6A20];
	v17 =	vadd.f32 v33, v18;
	v41 =	vadd.f32 v50, v22  }
0xfd: {  	v44 =	vld [tilespmem:$0x6A30];
	v43 =	vadd.f32 v35, v39;
	v8 =	vadd.f32 v8, v10  }
0xfe: {  	v45 =	vld [tilespmem:$0x6AA0];
	v16 =	vadd.f32 v37, v17;
	v19 =	vadd.f32 v51, v41  }
0xff: {  	v47 =	vld [tilespmem:$0x6AB0];
	v46 =	vadd.f32 v38, v43;
	v5 =	vadd.f32 v5, v8  }
0x100: {  	v48 =	vld [tilespmem:$0x6B20];
	v14 =	vadd.f32 v40, v16;
	v15 =	vadd.f32 v15, v19  }
0x101: {  	v50 =	vld [tilespmem:$0x6B30];
	v49 =	vadd.f32 v42, v46;
	v4 =	vadd.f32 v4, v5  }
0x102: {  	v51 =	vld [tilespmem:$0x6BA0];
	v12 =	vadd.f32 v44, v14;
	v13 =	vadd.f32 v13, v15  }
0x103: {  	v53 =	vld [tilespmem:$0x6BB0];
	v52 =	vadd.f32 v45, v49;
	v3 =	vadd.f32 v3, v4  }
0x104: {  	v54 =	vld [tilespmem:$0x6C20];
	v10 =	vadd.f32 v47, v12;
	v11 =	vadd.f32 v11, v13  }
0x105: {  	v56 =	vld [tilespmem:$0x6C30];
	v55 =	vadd.f32 v48, v52;
	v2 =	vadd.f32 v2, v3  }
0x106: {  	v57 =	vld [tilespmem:$0x6CA0];
	v8 =	vadd.f32 v50, v10;
	v9 =	vadd.f32 v9, v11  }
0x107: {  	v59 =	vld [tilespmem:$0x6CB0];
	v58 =	vadd.f32 v51, v55;
	v1 =	vadd.f32 v1, v2  }
0x108: {  	v5 =	vadd.f32 v53, v8;
	v7 =	vadd.f32 v7, v9  }
0x109: {  	v60 =	vadd.f32 v54, v58;
	v0 =	vadd.f32 v0, v1  }
0x10a: {  	v4 =	vadd.f32 v56, v5;
	v61 =	vadd.f32 v6, v7  }
0x10b: {  	v62 =	vadd.f32 v57, v60;
	[tilespmem:$0x7000] =	vst v0  }
0x10c: {  	s19 =	sadd.s32 $0x1, s19;
	v63 =	vadd.f32 v59, v4;
	[tilespmem:$0x7010] =	vst v61  }
0x10d: {  	p0 =	sne.s32 s19, s7;
	[tilespmem:$0x7020] =	vst v62  }
.Ltmp2:
0x10e: {  	[tilespmem:$0x7030] =	vst v63;
	(pc) =	sbr.rel @p0 .LBB2_1-.Ltmp2, $4  }
0x10f: {  	[hbm4b:s6+s2] =	stream.linear.scatter [tilespmem:s18], [sflag:$0x3], $0x40, $0x38;
	[tilespmem:$0x7080] =	vst v63  }
0x110: {  	_ =	swait.ge [sflag:s12], $0x40  }
0x111: {  	[sflag:s12] =	ssyncset.done $0x0  }
0x112: {  	[sflag:s12] =	ssyncadd.s32 $0xFFFFFFC0  }
0x113: {  	_ =	sfence.sel $0x180000  }
0x114: {  	[bflag:$0x0] =	sbarrier.arrive $0xFFFF  }
0x115: {  	p0 =	sne.s32 s0, $0x0;
	_ =	strace $0x90000047  }
0x116: {  	s0 =	sadd.s32 @!p0 $0x100000, s1;
	[bflag:$0x2] =	sbarrier.arrive $0xFFFF  }
0x117: {  	[sflag:s0] =	ssyncadd.tile.s32 @!p0 $0x1;
	_ =	shalt  }
.Lfunc_end2:
_tile_overlayer_lowered:
.L_overlay_start_2:
0x118: {  	(tag) =	ssettag $0x2  }
0x119: {  	s0 =	rddreg [dreg:$0x0];
	s2 =	stileid.u32  }
0x11a: {  	s1 =	rddreg [dreg:$0x1];
	p0 =	sne.s32 s2, $0x0  }
0x11b: {  	s3 =	rddreg [dreg:$0x2];
	[bflag:$0x3] =	sbarrier.arrive $0xFFFF;
	s2 =	simm.s32 @!p0 $0x1C03  }
0x11c: {  	[timem:s3], [sflag:s2] =	dma.local @!p0 [hbm:s0], s1  }
0x11d: {  	s0 =	simm.s32 @!p0 $0x3  }
0x11e: {  	_ =	swait.ge @!p0 [sflag:s0], s1  }
0x11f: {  	s1 =	ssub.s32 @!p0 $0x0, s1;
	[sflag:s0] =	ssyncset.done @!p0 $0x0  }
0x120: {  	[sflag:s0] =	ssyncadd.s32 @!p0 s1  }
0x121: {  	[bflag:$0x3] =	sbarrier.arrive $0xFFFF  }
0x122: {  	_ =	shalt  }

</sc_bundles>
